<compile_context>
chip_gen: v7x
topology: tpu7x:2x2x1
jax: 0.10.2.dev20260603
libtpu: 0.0.44.dev20260713+nightly
codegen_flags: <defaults>
</compile_context>

<pallas_src>
import functools
import jax
import jax.numpy as jnp
from jax import lax
from jax.experimental import pallas as pl
from jax.experimental.pallas import tpu as pltpu
from jax.experimental.pallas import tpu_sc as plsc

BS = 128
VOCAB = 100000
LANES = 16
NGRP = BS // LANES

VTC = 96000
VB = 4000
NTCBLK = VTC // VB

SCBASE = VTC
SCLEN = VOCAB - VTC
STRIPE = 400
CROWS = 200
NCHUNK = STRIPE // CROWS
QUART = CROWS // 4

NEG_BIG = -3.0e38
IDX_BIG = 2 ** 30

_info = plsc.get_sparse_core_info()
NC = _info.num_cores
NS = _info.num_subcores
NW = NC * NS
MAX_OFF8 = (SCLEN - STRIPE) // 8

_mesh = plsc.VectorSubcoreMesh(core_axis_name="c", subcore_axis_name="s")


@functools.partial(
    pl.kernel,
    mesh=_mesh,
    out_type=(
        jax.ShapeDtypeStruct((NW * BS,), jnp.float32),
        jax.ShapeDtypeStruct((NW * BS,), jnp.int32),
    ),
    scratch_types=[
        pltpu.VMEM((2, CROWS, BS), jnp.float32),
        pltpu.VMEM((2, CROWS, BS), jnp.int32),
        pltpu.VMEM((BS,), jnp.float32),
        pltpu.VMEM((BS,), jnp.float32),
        pltpu.VMEM((BS,), jnp.int32),
        pltpu.SemaphoreType.DMA,
        pltpu.SemaphoreType.DMA,
        pltpu.SemaphoreType.DMA,
        pltpu.SemaphoreType.DMA,
    ],
)
def _sc_scan(l_hbm, t_hbm, pen_hbm, val_hbm, idx_hbm,
             lbuf, tbuf, penv, pv, pi,
             lsem0, lsem1, tsem0, tsem1):
    scid = lax.axis_index("c")
    sidx = lax.axis_index("s")
    wid = sidx * NC + scid
    off = pl.multiple_of(SCBASE + (wid * MAX_OFF8) // (NW - 1) * 8, 8)
    lsems = (lsem0, lsem1)
    tsems = (tsem0, tsem1)

    pltpu.sync_copy(pen_hbm, penv)

    def lsrc(c):
        return l_hbm.at[pl.ds(off + c * CROWS, CROWS), pl.ds(0, BS)]

    def tsrc(c):
        return t_hbm.at[pl.ds(off + c * CROWS, CROWS), pl.ds(0, BS)]

    def start(c, b):
        pltpu.async_copy(lsrc(c), lbuf.at[b], lsems[b])
        pltpu.async_copy(tsrc(c), tbuf.at[b], tsems[b])

    def wait(c, b):
        pltpu.make_async_copy(lsrc(c), lbuf.at[b], lsems[b]).wait()
        pltpu.make_async_copy(tsrc(c), tbuf.at[b], tsems[b]).wait()

    pens = [penv[pl.ds(g * LANES, LANES)] for g in range(NGRP)]
    rps = [1.0 / p for p in pens]

    start(0, 0)

    def chunk_body(gc, carry):
        accs = list(carry)
        for b in range(2):
            c = gc * 2 + b
            wait(c, b)

            @pl.when(c + 1 < NCHUNK)
            def _():
                start(c + 1, 1 - b)

            base = off + c * CROWS
            for g in range(NGRP):
                pen_s = pens[g]
                rp_s = rps[g]

                def vbody(j, a, b=b, g=g, pen_s=pen_s, rp_s=rp_s, base=base):
                    col = g * LANES
                    out = []
                    for q in range(4):
                        v, i = a[2 * q], a[2 * q + 1]
                        r = j + q * QUART
                        l = lbuf[b, r, pl.ds(col, LANES)]
                        t = tbuf[b, r, pl.ds(col, LANES)]
                        p = jnp.where(t > 0,
                                      jnp.minimum(l * rp_s, l * pen_s), l)
                        ix = jnp.full((LANES,), base + r, jnp.int32)
                        up = p > v
                        out.append(jnp.where(up, p, v))
                        out.append(jnp.where(up, ix, i))
                    return tuple(out)

                accs[g] = lax.fori_loop(0, QUART, vbody, accs[g])
        return tuple(accs)

    acc0 = []
    for _g in range(NGRP):
        one = []
        for _q in range(4):
            one.append(jnp.full((LANES,), NEG_BIG, jnp.float32))
            one.append(jnp.full((LANES,), 0, jnp.int32))
        acc0.append(tuple(one))
    accs = lax.fori_loop(0, NCHUNK // 2, chunk_body, tuple(acc0))

    for g in range(NGRP):
        a = accs[g]
        bv, bi = a[0], a[1]
        for q in range(1, 4):
            v2, i2 = a[2 * q], a[2 * q + 1]
            up = jnp.logical_or(v2 > bv, jnp.logical_and(v2 == bv, i2 < bi))
            bv = jnp.where(up, v2, bv)
            bi = jnp.where(up, i2, bi)
        pv[pl.ds(g * LANES, LANES)] = bv
        pi[pl.ds(g * LANES, LANES)] = bi

    pltpu.sync_copy(pv, val_hbm.at[pl.ds(wid * BS, BS)])
    pltpu.sync_copy(pi, idx_hbm.at[pl.ds(wid * BS, BS)])


def _tc_body(l_ref, t_ref, p_ref, ov_ref, oi_ref, accv, acci):
    k = pl.program_id(0)
    pen = p_ref[...]
    rp = 1.0 / pen
    l = l_ref[...]
    t = t_ref[...]
    p = jnp.where(t > 0, jnp.minimum(l * rp, l * pen), l)
    p3 = p.reshape(VB // 8, 8, BS)
    idx3 = (k * VB
            + jax.lax.broadcasted_iota(jnp.int32, (VB // 8, 8, BS), 0) * 8
            + jax.lax.broadcasted_iota(jnp.int32, (VB // 8, 8, BS), 1))
    bm = jnp.max(p3, axis=0)
    cand = jnp.where(p3 == bm[None], idx3, IDX_BIG)
    bi = jnp.min(cand, axis=0)

    @pl.when(k == 0)
    def _():
        accv[...] = bm
        acci[...] = bi

    @pl.when(k > 0)
    def _():
        av = accv[...]
        up = bm > av
        accv[...] = jnp.where(up, bm, av)
        acci[...] = jnp.where(up, bi, acci[...])

    @pl.when(k == NTCBLK - 1)
    def _():
        av = accv[...]
        ai = acci[...]
        m = jnp.max(av, axis=0, keepdims=True)
        c2 = jnp.where(av == m, ai, IDX_BIG)
        ov_ref[...] = m
        oi_ref[...] = jnp.min(c2, axis=0, keepdims=True)


def _merge_body(v_ref, i_ref, tv_ref, ti_ref, o_ref):
    v = v_ref[...]
    i = i_ref[...]
    tv = tv_ref[...]
    ti = ti_ref[...]
    m1 = jnp.max(v, axis=0, keepdims=True)
    m = jnp.maximum(m1, tv)
    c_sc = jnp.min(jnp.where(v == m, i, IDX_BIG), axis=0, keepdims=True)
    c_tc = jnp.where(tv == m, ti, IDX_BIG)
    o_ref[...] = jnp.minimum(c_sc, c_tc)


def kernel(logits, repetition_penalty, token_count):
    lt = logits.reshape(BS, VOCAB).T
    tt = token_count.T
    pen = repetition_penalty.reshape(BS)
    pen2 = repetition_penalty.reshape(1, BS)
    vals, idxs = _sc_scan(lt, tt, pen)
    tcv, tci = pl.pallas_call(
        _tc_body,
        grid=(NTCBLK,),
        in_specs=[
            pl.BlockSpec((VB, BS), lambda k: (k, 0)),
            pl.BlockSpec((VB, BS), lambda k: (k, 0)),
            pl.BlockSpec((1, BS), lambda k: (0, 0)),
        ],
        out_specs=[
            pl.BlockSpec((1, BS), lambda k: (0, 0)),
            pl.BlockSpec((1, BS), lambda k: (0, 0)),
        ],
        out_shape=[
            jax.ShapeDtypeStruct((1, BS), jnp.float32),
            jax.ShapeDtypeStruct((1, BS), jnp.int32),
        ],
        scratch_shapes=[
            pltpu.VMEM((8, BS), jnp.float32),
            pltpu.VMEM((8, BS), jnp.int32),
        ],
    )(lt, tt, pen2)
    out = pl.pallas_call(
        _merge_body,
        out_shape=jax.ShapeDtypeStruct((1, BS), jnp.int32),
    )(vals.reshape(NW, BS), idxs.reshape(NW, BS), tcv, tci)
    return out.reshape(BS, 1)

# --- scband reference (transcript-rebuilt; emitter-appended) ---
"""Pipeline reference for scband-greedy-sampling-6897717477517 (READ-ONLY COPY).

The authoritative reference and input builder live on the scoring server;
editing this copy changes nothing except your own understanding.
"""

import jax, jax.numpy as jnp
import numpy as np


def setup_inputs(seed: int = 0) -> dict:
    key = jax.random.key(seed)
    k1, k2, k3 = jax.random.split(key, 3)
    logits = jax.random.normal(k1, (128, 1, 100000), dtype=jnp.float32)
    # repetition penalty typically ~1.2; sample in [1.0, 2.0)
    repetition_penalty = jax.random.uniform(k2, (128, 1), dtype=jnp.float32, minval=1.0, maxval=2.0)
    token_count = jax.random.randint(k3, (128, 100000), 0, 3, dtype=jnp.int32)
    return {"logits": logits, "repetition_penalty": repetition_penalty, "token_count": token_count}


def reference(logits, repetition_penalty, token_count):
    # logits: (bs, 1, vocab); squeeze dim 1
    l = logits[:, 0, :].astype(jnp.float32)
    penalty = repetition_penalty.astype(jnp.float32)  # (bs, 1), broadcasts over vocab
    r_penalty = jnp.reciprocal(penalty)
    # sn_zipmapreduce with nested sn_select:
    # if token_count > 0: (logits > 0 ? logits * r_penalty : logits * penalty) else logits
    penalized = jnp.where(token_count > 0,
                          jnp.where(l > 0.0, l * r_penalty, l * penalty),
                          l)
    penalized = penalized[:, None, :]  # unsqueeze(1)
    next_token = jnp.argmax(penalized, axis=-1).astype(jnp.int32)  # (bs, 1)
    return next_token

if __name__ == "__main__":
    import jax
    _d = setup_inputs()
    print(jax.jit(kernel)(*tuple(_d.values())))

</pallas_src>

<mosaic_0001>
#map = affine_map<(d0, d1) -> (0, 0)>
#map1 = affine_map<(d0, d1) -> (0)>
module attributes {stable_mosaic.version = 14 : i64} {
  func.func @_sc_scan(%arg0: i32, %arg1: i32, %arg2: memref<100000x128xf32, #tpu.memory_space<hbm>>, %arg3: memref<100000x128xi32, #tpu.memory_space<hbm>>, %arg4: memref<128xf32, #tpu.memory_space<hbm>>, %arg5: memref<4096xf32, #tpu.memory_space<hbm>>, %arg6: memref<4096xi32, #tpu.memory_space<hbm>>, %arg7: memref<2x200x128xf32, #tpu.memory_space<vmem>>, %arg8: memref<2x200x128xi32, #tpu.memory_space<vmem>>, %arg9: memref<128xf32, #tpu.memory_space<vmem>>, %arg10: memref<128xf32, #tpu.memory_space<vmem>>, %arg11: memref<128xi32, #tpu.memory_space<vmem>>, %arg12: memref<!tpu.dma_semaphore, #tpu.memory_space<semaphore_mem>>, %arg13: memref<!tpu.dma_semaphore, #tpu.memory_space<semaphore_mem>>, %arg14: memref<!tpu.dma_semaphore, #tpu.memory_space<semaphore_mem>>, %arg15: memref<!tpu.dma_semaphore, #tpu.memory_space<semaphore_mem>>) attributes {dimension_semantics = [#tpu.dimension_semantics<core_parallel>, #tpu.dimension_semantics<subcore_parallel>], iteration_bounds = array<i64: 2, 16>, scalar_prefetch = 0 : i64, scratch_operands = 9 : i64, tpu.core_type = #tpu.core_type<sc_vector_subcore>, window_params = [{transform_indices = #map}, {transform_indices = #map}, {transform_indices = #map1}, {transform_indices = #map1}, {transform_indices = #map1}]} {
    %mul3A = arith.constant 2 : i32
    %mul3A_0 = arith.muli %arg1, %mul3A : i32
    %add3A = arith.addi %mul3A_0, %arg0 : i32
    %mul3A_1 = arith.constant 450 : i32
    %mul3A_2 = arith.muli %add3A, %mul3A_1 : i32
    %jit3A = arith.constant 31 : i32
    %div3A = arith.divsi %mul3A_2, %jit3A : i32
    %sign3A = arith.constant 0 : i32
    %sign3A_3 = arith.cmpi sgt, %mul3A_2, %sign3A : i32
    %sign3A_4 = arith.extui %sign3A_3 : i1 to i32
    %sign3A_5 = arith.constant 0 : i32
    %sign3A_6 = arith.cmpi slt, %mul3A_2, %sign3A_5 : i32
    %sign3A_7 = arith.extui %sign3A_6 : i1 to i32
    %sign3A_8 = arith.subi %sign3A_4, %sign3A_7 : i32
    %sign3A_9 = arith.constant 0 : i32
    %sign3A_10 = arith.cmpi sgt, %jit3A, %sign3A_9 : i32
    %sign3A_11 = arith.extui %sign3A_10 : i1 to i32
    %sign3A_12 = arith.constant 0 : i32
    %sign3A_13 = arith.cmpi slt, %jit3A, %sign3A_12 : i32
    %sign3A_14 = arith.extui %sign3A_13 : i1 to i32
    %sign3A_15 = arith.subi %sign3A_11, %sign3A_14 : i32
    %ne3A = arith.cmpi ne, %sign3A_8, %sign3A_15 : i32
    %rem3A = arith.remsi %mul3A_2, %jit3A : i32
    %ne3A_16 = arith.constant 0 : i32
    %ne3A_17 = arith.cmpi ne, %rem3A, %ne3A_16 : i32
    %and3A = arith.andi %ne3A, %ne3A_17 : i1
    %sub3A = arith.constant 1 : i32
    %sub3A_18 = arith.subi %div3A, %sub3A : i32
    %select_n3A = arith.select %and3A, %sub3A_18, %div3A : i32
    %mul3A_19 = arith.constant 8 : i32
    %mul3A_20 = arith.muli %select_n3A, %mul3A_19 : i32
    %add3A_21 = arith.constant 96000 : i32
    %add3A_22 = arith.addi %add3A_21, %mul3A_20 : i32
    %multiple_of3A = tpu.assume_multiple %add3A_22, 8 : i32
    "tpu.region"() ({
      %run_scoped3A = tpu.sem_alloc : memref<!tpu.dma_semaphore, #tpu.memory_space<semaphore_mem>>
      tpu.enqueue_dma source(%arg4 : memref<128xf32, #tpu.memory_space<hbm>>) target(%arg9 : memref<128xf32, #tpu.memory_space<vmem>>) target_semaphore(%run_scoped3A : memref<!tpu.dma_semaphore, #tpu.memory_space<semaphore_mem>>)
      tpu.wait_dma2 semaphore(%run_scoped3A : memref<!tpu.dma_semaphore, #tpu.memory_space<semaphore_mem>>) src(%arg4 : memref<128xf32, #tpu.memory_space<hbm>>) dst(%arg9 : memref<128xf32, #tpu.memory_space<vmem>>)
      tpu.yield
    }) : () -> ()
    %get3A = arith.constant 0 : index
    %get3A_23 = tpu.vector_load %arg9[%get3A] {strides = array<i32>} : memref<128xf32, #tpu.memory_space<vmem>>, vector<16xf32>,
    %get3A_24 = vector.shape_cast %get3A_23 : vector<16xf32> to vector<16xf32>
    %get3A_25 = arith.constant 16 : index
    %get3A_26 = tpu.vector_load %arg9[%get3A_25] {strides = array<i32>} : memref<128xf32, #tpu.memory_space<vmem>>, vector<16xf32>,
    %get3A_27 = vector.shape_cast %get3A_26 : vector<16xf32> to vector<16xf32>
    %get3A_28 = arith.constant 32 : index
    %get3A_29 = tpu.vector_load %arg9[%get3A_28] {strides = array<i32>} : memref<128xf32, #tpu.memory_space<vmem>>, vector<16xf32>,
    %get3A_30 = vector.shape_cast %get3A_29 : vector<16xf32> to vector<16xf32>
    %get3A_31 = arith.constant 48 : index
    %get3A_32 = tpu.vector_load %arg9[%get3A_31] {strides = array<i32>} : memref<128xf32, #tpu.memory_space<vmem>>, vector<16xf32>,
    %get3A_33 = vector.shape_cast %get3A_32 : vector<16xf32> to vector<16xf32>
    %get3A_34 = arith.constant 64 : index
    %get3A_35 = tpu.vector_load %arg9[%get3A_34] {strides = array<i32>} : memref<128xf32, #tpu.memory_space<vmem>>, vector<16xf32>,
    %get3A_36 = vector.shape_cast %get3A_35 : vector<16xf32> to vector<16xf32>
    %get3A_37 = arith.constant 80 : index
    %get3A_38 = tpu.vector_load %arg9[%get3A_37] {strides = array<i32>} : memref<128xf32, #tpu.memory_space<vmem>>, vector<16xf32>,
    %get3A_39 = vector.shape_cast %get3A_38 : vector<16xf32> to vector<16xf32>
    %get3A_40 = arith.constant 96 : index
    %get3A_41 = tpu.vector_load %arg9[%get3A_40] {strides = array<i32>} : memref<128xf32, #tpu.memory_space<vmem>>, vector<16xf32>,
    %get3A_42 = vector.shape_cast %get3A_41 : vector<16xf32> to vector<16xf32>
    %get3A_43 = arith.constant 112 : index
    %get3A_44 = tpu.vector_load %arg9[%get3A_43] {strides = array<i32>} : memref<128xf32, #tpu.memory_space<vmem>>, vector<16xf32>,
    %get3A_45 = vector.shape_cast %get3A_44 : vector<16xf32> to vector<16xf32>
    %div3A_46 = arith.constant 1.000000e+00 : f32
    %div3A_47 = vector.broadcast %div3A_46 : f32 to vector<16xf32>
    %div3A_48 = arith.divf %div3A_47, %get3A_24 : vector<16xf32>
    %div3A_49 = arith.constant 1.000000e+00 : f32
    %div3A_50 = vector.broadcast %div3A_49 : f32 to vector<16xf32>
    %div3A_51 = arith.divf %div3A_50, %get3A_27 : vector<16xf32>
    %div3A_52 = arith.constant 1.000000e+00 : f32
    %div3A_53 = vector.broadcast %div3A_52 : f32 to vector<16xf32>
    %div3A_54 = arith.divf %div3A_53, %get3A_30 : vector<16xf32>
    %div3A_55 = arith.constant 1.000000e+00 : f32
    %div3A_56 = vector.broadcast %div3A_55 : f32 to vector<16xf32>
    %div3A_57 = arith.divf %div3A_56, %get3A_33 : vector<16xf32>
    %div3A_58 = arith.constant 1.000000e+00 : f32
    %div3A_59 = vector.broadcast %div3A_58 : f32 to vector<16xf32>
    %div3A_60 = arith.divf %div3A_59, %get3A_36 : vector<16xf32>
    %div3A_61 = arith.constant 1.000000e+00 : f32
    %div3A_62 = vector.broadcast %div3A_61 : f32 to vector<16xf32>
    %div3A_63 = arith.divf %div3A_62, %get3A_39 : vector<16xf32>
    %div3A_64 = arith.constant 1.000000e+00 : f32
    %div3A_65 = vector.broadcast %div3A_64 : f32 to vector<16xf32>
    %div3A_66 = arith.divf %div3A_65, %get3A_42 : vector<16xf32>
    %div3A_67 = arith.constant 1.000000e+00 : f32
    %div3A_68 = vector.broadcast %div3A_67 : f32 to vector<16xf32>
    %div3A_69 = arith.divf %div3A_68, %get3A_45 : vector<16xf32>
    %add3A_70 = arith.constant 0 : i32
    %add3A_71 = arith.addi %multiple_of3A, %add3A_70 : i32
    %dma_start3A = arith.constant 0 : i32
    %dma_start3A_72 = arith.constant 0 : i32
    %dma_start3A_73 = arith.constant 0 : i32
    %dma_start3A_74 = tpu.memref_slice %arg7[%dma_start3A, %dma_start3A_72, %dma_start3A_73] : memref<2x200x128xf32, #tpu.memory_space<vmem>> -> memref<1x200x128xf32, #tpu.memory_space<vmem>>
    %dma_start3A_75 = tpu.memref_squeeze %dma_start3A_74 : memref<1x200x128xf32, #tpu.memory_space<vmem>> -> memref<200x128xf32, #tpu.memory_space<vmem>>
    %dma_start3A_76 = arith.constant 0 : i32
    %dma_start3A_77 = tpu.memref_slice %arg2[%add3A_71, %dma_start3A_76] : memref<100000x128xf32, #tpu.memory_space<hbm>> -> memref<200x128xf32, #tpu.memory_space<hbm>>
    %dma_start3A_78 = arith.constant 0 : i32
    %dma_start3A_79 = arith.constant 0 : i32
    %dma_start3A_80 = tpu.memref_slice %arg7[%dma_start3A, %dma_start3A_78, %dma_start3A_79] : memref<2x200x128xf32, #tpu.memory_space<vmem>> -> memref<1x200x128xf32, #tpu.memory_space<vmem>>
    %dma_start3A_81 = tpu.memref_squeeze %dma_start3A_80 : memref<1x200x128xf32, #tpu.memory_space<vmem>> -> memref<200x128xf32, #tpu.memory_space<vmem>>
    %dma_start3A_82 = arith.constant 0 : i32
    %dma_start3A_83 = tpu.memref_slice %arg2[%add3A_71, %dma_start3A_82] : memref<100000x128xf32, #tpu.memory_space<hbm>> -> memref<200x128xf32, #tpu.memory_space<hbm>>
    tpu.enqueue_dma source(%dma_start3A_83 : memref<200x128xf32, #tpu.memory_space<hbm>>) target(%dma_start3A_81 : memref<200x128xf32, #tpu.memory_space<vmem>>) target_semaphore(%arg12 : memref<!tpu.dma_semaphore, #tpu.memory_space<semaphore_mem>>)
    %add3A_84 = arith.constant 0 : i32
    %add3A_85 = arith.addi %multiple_of3A, %add3A_84 : i32
    %dma_start3A_86 = arith.constant 0 : i32
    %dma_start3A_87 = arith.constant 0 : i32
    %dma_start3A_88 = arith.constant 0 : i32
    %dma_start3A_89 = tpu.memref_slice %arg8[%dma_start3A_86, %dma_start3A_87, %dma_start3A_88] : memref<2x200x128xi32, #tpu.memory_space<vmem>> -> memref<1x200x128xi32, #tpu.memory_space<vmem>>
    %dma_start3A_90 = tpu.memref_squeeze %dma_start3A_89 : memref<1x200x128xi32, #tpu.memory_space<vmem>> -> memref<200x128xi32, #tpu.memory_space<vmem>>
    %dma_start3A_91 = arith.constant 0 : i32
    %dma_start3A_92 = tpu.memref_slice %arg3[%add3A_85, %dma_start3A_91] : memref<100000x128xi32, #tpu.memory_space<hbm>> -> memref<200x128xi32, #tpu.memory_space<hbm>>
    %dma_start3A_93 = arith.constant 0 : i32
    %dma_start3A_94 = arith.constant 0 : i32
    %dma_start3A_95 = tpu.memref_slice %arg8[%dma_start3A_86, %dma_start3A_93, %dma_start3A_94] : memref<2x200x128xi32, #tpu.memory_space<vmem>> -> memref<1x200x128xi32, #tpu.memory_space<vmem>>
    %dma_start3A_96 = tpu.memref_squeeze %dma_start3A_95 : memref<1x200x128xi32, #tpu.memory_space<vmem>> -> memref<200x128xi32, #tpu.memory_space<vmem>>
    %dma_start3A_97 = arith.constant 0 : i32
    %dma_start3A_98 = tpu.memref_slice %arg3[%add3A_85, %dma_start3A_97] : memref<100000x128xi32, #tpu.memory_space<hbm>> -> memref<200x128xi32, #tpu.memory_space<hbm>>
    tpu.enqueue_dma source(%dma_start3A_98 : memref<200x128xi32, #tpu.memory_space<hbm>>) target(%dma_start3A_96 : memref<200x128xi32, #tpu.memory_space<vmem>>) target_semaphore(%arg14 : memref<!tpu.dma_semaphore, #tpu.memory_space<semaphore_mem>>)
    %broadcast_in_dim3A = arith.constant -3.000000e+38 : f32
    %broadcast_in_dim3A_99 = vector.broadcast %broadcast_in_dim3A : f32 to vector<16xf32>
    %broadcast_in_dim3A_100 = arith.constant 0 : i32
    %broadcast_in_dim3A_101 = vector.broadcast %broadcast_in_dim3A_100 : i32 to vector<16xi32>
    %broadcast_in_dim3A_102 = arith.constant -3.000000e+38 : f32
    %broadcast_in_dim3A_103 = vector.broadcast %broadcast_in_dim3A_102 : f32 to vector<16xf32>
    %broadcast_in_dim3A_104 = arith.constant 0 : i32
    %broadcast_in_dim3A_105 = vector.broadcast %broadcast_in_dim3A_104 : i32 to vector<16xi32>
    %broadcast_in_dim3A_106 = arith.constant -3.000000e+38 : f32
    %broadcast_in_dim3A_107 = vector.broadcast %broadcast_in_dim3A_106 : f32 to vector<16xf32>
    %broadcast_in_dim3A_108 = arith.constant 0 : i32
    %broadcast_in_dim3A_109 = vector.broadcast %broadcast_in_dim3A_108 : i32 to vector<16xi32>
    %broadcast_in_dim3A_110 = arith.constant -3.000000e+38 : f32
    %broadcast_in_dim3A_111 = vector.broadcast %broadcast_in_dim3A_110 : f32 to vector<16xf32>
    %broadcast_in_dim3A_112 = arith.constant 0 : i32
    %broadcast_in_dim3A_113 = vector.broadcast %broadcast_in_dim3A_112 : i32 to vector<16xi32>
    %broadcast_in_dim3A_114 = arith.constant -3.000000e+38 : f32
    %broadcast_in_dim3A_115 = vector.broadcast %broadcast_in_dim3A_114 : f32 to vector<16xf32>
    %broadcast_in_dim3A_116 = arith.constant 0 : i32
    %broadcast_in_dim3A_117 = vector.broadcast %broadcast_in_dim3A_116 : i32 to vector<16xi32>
    %broadcast_in_dim3A_118 = arith.constant -3.000000e+38 : f32
    %broadcast_in_dim3A_119 = vector.broadcast %broadcast_in_dim3A_118 : f32 to vector<16xf32>
    %broadcast_in_dim3A_120 = arith.constant 0 : i32
    %broadcast_in_dim3A_121 = vector.broadcast %broadcast_in_dim3A_120 : i32 to vector<16xi32>
    %broadcast_in_dim3A_122 = arith.constant -3.000000e+38 : f32
    %broadcast_in_dim3A_123 = vector.broadcast %broadcast_in_dim3A_122 : f32 to vector<16xf32>
    %broadcast_in_dim3A_124 = arith.constant 0 : i32
    %broadcast_in_dim3A_125 = vector.broadcast %broadcast_in_dim3A_124 : i32 to vector<16xi32>
    %broadcast_in_dim3A_126 = arith.constant -3.000000e+38 : f32
    %broadcast_in_dim3A_127 = vector.broadcast %broadcast_in_dim3A_126 : f32 to vector<16xf32>
    %broadcast_in_dim3A_128 = arith.constant 0 : i32
    %broadcast_in_dim3A_129 = vector.broadcast %broadcast_in_dim3A_128 : i32 to vector<16xi32>
    %broadcast_in_dim3A_130 = arith.constant -3.000000e+38 : f32
    %broadcast_in_dim3A_131 = vector.broadcast %broadcast_in_dim3A_130 : f32 to vector<16xf32>
    %broadcast_in_dim3A_132 = arith.constant 0 : i32
    %broadcast_in_dim3A_133 = vector.broadcast %broadcast_in_dim3A_132 : i32 to vector<16xi32>
    %broadcast_in_dim3A_134 = arith.constant -3.000000e+38 : f32
    %broadcast_in_dim3A_135 = vector.broadcast %broadcast_in_dim3A_134 : f32 to vector<16xf32>
    %broadcast_in_dim3A_136 = arith.constant 0 : i32
    %broadcast_in_dim3A_137 = vector.broadcast %broadcast_in_dim3A_136 : i32 to vector<16xi32>
    %broadcast_in_dim3A_138 = arith.constant -3.000000e+38 : f32
    %broadcast_in_dim3A_139 = vector.broadcast %broadcast_in_dim3A_138 : f32 to vector<16xf32>
    %broadcast_in_dim3A_140 = arith.constant 0 : i32
    %broadcast_in_dim3A_141 = vector.broadcast %broadcast_in_dim3A_140 : i32 to vector<16xi32>
    %broadcast_in_dim3A_142 = arith.constant -3.000000e+38 : f32
    %broadcast_in_dim3A_143 = vector.broadcast %broadcast_in_dim3A_142 : f32 to vector<16xf32>
    %broadcast_in_dim3A_144 = arith.constant 0 : i32
    %broadcast_in_dim3A_145 = vector.broadcast %broadcast_in_dim3A_144 : i32 to vector<16xi32>
    %broadcast_in_dim3A_146 = arith.constant -3.000000e+38 : f32
    %broadcast_in_dim3A_147 = vector.broadcast %broadcast_in_dim3A_146 : f32 to vector<16xf32>
    %broadcast_in_dim3A_148 = arith.constant 0 : i32
    %broadcast_in_dim3A_149 = vector.broadcast %broadcast_in_dim3A_148 : i32 to vector<16xi32>
    %broadcast_in_dim3A_150 = arith.constant -3.000000e+38 : f32
    %broadcast_in_dim3A_151 = vector.broadcast %broadcast_in_dim3A_150 : f32 to vector<16xf32>
    %broadcast_in_dim3A_152 = arith.constant 0 : i32
    %broadcast_in_dim3A_153 = vector.broadcast %broadcast_in_dim3A_152 : i32 to vector<16xi32>
    %broadcast_in_dim3A_154 = arith.constant -3.000000e+38 : f32
    %broadcast_in_dim3A_155 = vector.broadcast %broadcast_in_dim3A_154 : f32 to vector<16xf32>
    %broadcast_in_dim3A_156 = arith.constant 0 : i32
    %broadcast_in_dim3A_157 = vector.broadcast %broadcast_in_dim3A_156 : i32 to vector<16xi32>
    %broadcast_in_dim3A_158 = arith.constant -3.000000e+38 : f32
    %broadcast_in_dim3A_159 = vector.broadcast %broadcast_in_dim3A_158 : f32 to vector<16xf32>
    %broadcast_in_dim3A_160 = arith.constant 0 : i32
    %broadcast_in_dim3A_161 = vector.broadcast %broadcast_in_dim3A_160 : i32 to vector<16xi32>
    %broadcast_in_dim3A_162 = arith.constant -3.000000e+38 : f32
    %broadcast_in_dim3A_163 = vector.broadcast %broadcast_in_dim3A_162 : f32 to vector<16xf32>
    %broadcast_in_dim3A_164 = arith.constant 0 : i32
    %broadcast_in_dim3A_165 = vector.broadcast %broadcast_in_dim3A_164 : i32 to vector<16xi32>
    %broadcast_in_dim3A_166 = arith.constant -3.000000e+38 : f32
    %broadcast_in_dim3A_167 = vector.broadcast %broadcast_in_dim3A_166 : f32 to vector<16xf32>
    %broadcast_in_dim3A_168 = arith.constant 0 : i32
    %broadcast_in_dim3A_169 = vector.broadcast %broadcast_in_dim3A_168 : i32 to vector<16xi32>
    %broadcast_in_dim3A_170 = arith.constant -3.000000e+38 : f32
    %broadcast_in_dim3A_171 = vector.broadcast %broadcast_in_dim3A_170 : f32 to vector<16xf32>
    %broadcast_in_dim3A_172 = arith.constant 0 : i32
    %broadcast_in_dim3A_173 = vector.broadcast %broadcast_in_dim3A_172 : i32 to vector<16xi32>
    %broadcast_in_dim3A_174 = arith.constant -3.000000e+38 : f32
    %broadcast_in_dim3A_175 = vector.broadcast %broadcast_in_dim3A_174 : f32 to vector<16xf32>
    %broadcast_in_dim3A_176 = arith.constant 0 : i32
    %broadcast_in_dim3A_177 = vector.broadcast %broadcast_in_dim3A_176 : i32 to vector<16xi32>
    %broadcast_in_dim3A_178 = arith.constant -3.000000e+38 : f32
    %broadcast_in_dim3A_179 = vector.broadcast %broadcast_in_dim3A_178 : f32 to vector<16xf32>
    %broadcast_in_dim3A_180 = arith.constant 0 : i32
    %broadcast_in_dim3A_181 = vector.broadcast %broadcast_in_dim3A_180 : i32 to vector<16xi32>
    %broadcast_in_dim3A_182 = arith.constant -3.000000e+38 : f32
    %broadcast_in_dim3A_183 = vector.broadcast %broadcast_in_dim3A_182 : f32 to vector<16xf32>
    %broadcast_in_dim3A_184 = arith.constant 0 : i32
    %broadcast_in_dim3A_185 = vector.broadcast %broadcast_in_dim3A_184 : i32 to vector<16xi32>
    %broadcast_in_dim3A_186 = arith.constant -3.000000e+38 : f32
    %broadcast_in_dim3A_187 = vector.broadcast %broadcast_in_dim3A_186 : f32 to vector<16xf32>
    %broadcast_in_dim3A_188 = arith.constant 0 : i32
    %broadcast_in_dim3A_189 = vector.broadcast %broadcast_in_dim3A_188 : i32 to vector<16xi32>
    %broadcast_in_dim3A_190 = arith.constant -3.000000e+38 : f32
    %broadcast_in_dim3A_191 = vector.broadcast %broadcast_in_dim3A_190 : f32 to vector<16xf32>
    %broadcast_in_dim3A_192 = arith.constant 0 : i32
    %broadcast_in_dim3A_193 = vector.broadcast %broadcast_in_dim3A_192 : i32 to vector<16xi32>
    %broadcast_in_dim3A_194 = arith.constant -3.000000e+38 : f32
    %broadcast_in_dim3A_195 = vector.broadcast %broadcast_in_dim3A_194 : f32 to vector<16xf32>
    %broadcast_in_dim3A_196 = arith.constant 0 : i32
    %broadcast_in_dim3A_197 = vector.broadcast %broadcast_in_dim3A_196 : i32 to vector<16xi32>
    %broadcast_in_dim3A_198 = arith.constant -3.000000e+38 : f32
    %broadcast_in_dim3A_199 = vector.broadcast %broadcast_in_dim3A_198 : f32 to vector<16xf32>
    %broadcast_in_dim3A_200 = arith.constant 0 : i32
    %broadcast_in_dim3A_201 = vector.broadcast %broadcast_in_dim3A_200 : i32 to vector<16xi32>
    %broadcast_in_dim3A_202 = arith.constant -3.000000e+38 : f32
    %broadcast_in_dim3A_203 = vector.broadcast %broadcast_in_dim3A_202 : f32 to vector<16xf32>
    %broadcast_in_dim3A_204 = arith.constant 0 : i32
    %broadcast_in_dim3A_205 = vector.broadcast %broadcast_in_dim3A_204 : i32 to vector<16xi32>
    %broadcast_in_dim3A_206 = arith.constant -3.000000e+38 : f32
    %broadcast_in_dim3A_207 = vector.broadcast %broadcast_in_dim3A_206 : f32 to vector<16xf32>
    %broadcast_in_dim3A_208 = arith.constant 0 : i32
    %broadcast_in_dim3A_209 = vector.broadcast %broadcast_in_dim3A_208 : i32 to vector<16xi32>
    %broadcast_in_dim3A_210 = arith.constant -3.000000e+38 : f32
    %broadcast_in_dim3A_211 = vector.broadcast %broadcast_in_dim3A_210 : f32 to vector<16xf32>
    %broadcast_in_dim3A_212 = arith.constant 0 : i32
    %broadcast_in_dim3A_213 = vector.broadcast %broadcast_in_dim3A_212 : i32 to vector<16xi32>
    %broadcast_in_dim3A_214 = arith.constant -3.000000e+38 : f32
    %broadcast_in_dim3A_215 = vector.broadcast %broadcast_in_dim3A_214 : f32 to vector<16xf32>
    %broadcast_in_dim3A_216 = arith.constant 0 : i32
    %broadcast_in_dim3A_217 = vector.broadcast %broadcast_in_dim3A_216 : i32 to vector<16xi32>
    %broadcast_in_dim3A_218 = arith.constant -3.000000e+38 : f32
    %broadcast_in_dim3A_219 = vector.broadcast %broadcast_in_dim3A_218 : f32 to vector<16xf32>
    %broadcast_in_dim3A_220 = arith.constant 0 : i32
    %broadcast_in_dim3A_221 = vector.broadcast %broadcast_in_dim3A_220 : i32 to vector<16xi32>
    %broadcast_in_dim3A_222 = arith.constant -3.000000e+38 : f32
    %broadcast_in_dim3A_223 = vector.broadcast %broadcast_in_dim3A_222 : f32 to vector<16xf32>
    %broadcast_in_dim3A_224 = arith.constant 0 : i32
    %broadcast_in_dim3A_225 = vector.broadcast %broadcast_in_dim3A_224 : i32 to vector<16xi32>
    %scan3A = arith.constant 0 : i32
    %mul3A_226 = arith.constant 2 : i32
    %mul3A_227 = arith.muli %scan3A, %mul3A_226 : i32
    %add3A_228 = arith.constant 0 : i32
    %add3A_229 = arith.addi %mul3A_227, %add3A_228 : i32
    %mul3A_230 = arith.constant 200 : i32
    %mul3A_231 = arith.muli %add3A_229, %mul3A_230 : i32
    %add3A_232 = arith.addi %multiple_of3A, %mul3A_231 : i32
    %dma_wait3A = arith.constant 0 : i32
    %dma_wait3A_233 = arith.constant 0 : i32
    %dma_wait3A_234 = arith.constant 0 : i32
    %dma_wait3A_235 = tpu.memref_slice %arg7[%dma_wait3A, %dma_wait3A_233, %dma_wait3A_234] : memref<2x200x128xf32, #tpu.memory_space<vmem>> -> memref<1x200x128xf32, #tpu.memory_space<vmem>>
    %dma_wait3A_236 = tpu.memref_squeeze %dma_wait3A_235 : memref<1x200x128xf32, #tpu.memory_space<vmem>> -> memref<200x128xf32, #tpu.memory_space<vmem>>
    %dma_wait3A_237 = arith.constant 0 : i32
    %dma_wait3A_238 = tpu.memref_slice %arg2[%add3A_232, %dma_wait3A_237] : memref<100000x128xf32, #tpu.memory_space<hbm>> -> memref<200x128xf32, #tpu.memory_space<hbm>>
    %dma_wait3A_239 = arith.constant 0 : i32
    %dma_wait3A_240 = arith.constant 0 : i32
    %dma_wait3A_241 = tpu.memref_slice %arg7[%dma_wait3A, %dma_wait3A_239, %dma_wait3A_240] : memref<2x200x128xf32, #tpu.memory_space<vmem>> -> memref<1x200x128xf32, #tpu.memory_space<vmem>>
    %dma_wait3A_242 = tpu.memref_squeeze %dma_wait3A_241 : memref<1x200x128xf32, #tpu.memory_space<vmem>> -> memref<200x128xf32, #tpu.memory_space<vmem>>
    %dma_wait3A_243 = arith.constant 0 : i32
    %dma_wait3A_244 = tpu.memref_slice %arg2[%add3A_232, %dma_wait3A_243] : memref<100000x128xf32, #tpu.memory_space<hbm>> -> memref<200x128xf32, #tpu.memory_space<hbm>>
    tpu.wait_dma2 semaphore(%arg12 : memref<!tpu.dma_semaphore, #tpu.memory_space<semaphore_mem>>) src(%dma_wait3A_244 : memref<200x128xf32, #tpu.memory_space<hbm>>) dst(%dma_wait3A_242 : memref<200x128xf32, #tpu.memory_space<vmem>>)
    %mul3A_245 = arith.constant 200 : i32
    %mul3A_246 = arith.muli %add3A_229, %mul3A_245 : i32
    %add3A_247 = arith.addi %multiple_of3A, %mul3A_246 : i32
    %dma_wait3A_248 = arith.constant 0 : i32
    %dma_wait3A_249 = arith.constant 0 : i32
    %dma_wait3A_250 = arith.constant 0 : i32
    %dma_wait3A_251 = tpu.memref_slice %arg8[%dma_wait3A_248, %dma_wait3A_249, %dma_wait3A_250] : memref<2x200x128xi32, #tpu.memory_space<vmem>> -> memref<1x200x128xi32, #tpu.memory_space<vmem>>
    %dma_wait3A_252 = tpu.memref_squeeze %dma_wait3A_251 : memref<1x200x128xi32, #tpu.memory_space<vmem>> -> memref<200x128xi32, #tpu.memory_space<vmem>>
    %dma_wait3A_253 = arith.constant 0 : i32
    %dma_wait3A_254 = tpu.memref_slice %arg3[%add3A_247, %dma_wait3A_253] : memref<100000x128xi32, #tpu.memory_space<hbm>> -> memref<200x128xi32, #tpu.memory_space<hbm>>
    %dma_wait3A_255 = arith.constant 0 : i32
    %dma_wait3A_256 = arith.constant 0 : i32
    %dma_wait3A_257 = tpu.memref_slice %arg8[%dma_wait3A_248, %dma_wait3A_255, %dma_wait3A_256] : memref<2x200x128xi32, #tpu.memory_space<vmem>> -> memref<1x200x128xi32, #tpu.memory_space<vmem>>
    %dma_wait3A_258 = tpu.memref_squeeze %dma_wait3A_257 : memref<1x200x128xi32, #tpu.memory_space<vmem>> -> memref<200x128xi32, #tpu.memory_space<vmem>>
    %dma_wait3A_259 = arith.constant 0 : i32
    %dma_wait3A_260 = tpu.memref_slice %arg3[%add3A_247, %dma_wait3A_259] : memref<100000x128xi32, #tpu.memory_space<hbm>> -> memref<200x128xi32, #tpu.memory_space<hbm>>
    tpu.wait_dma2 semaphore(%arg14 : memref<!tpu.dma_semaphore, #tpu.memory_space<semaphore_mem>>) src(%dma_wait3A_260 : memref<200x128xi32, #tpu.memory_space<hbm>>) dst(%dma_wait3A_258 : memref<200x128xi32, #tpu.memory_space<vmem>>)
    %add3A_261 = arith.constant 1 : i32
    %add3A_262 = arith.addi %add3A_229, %add3A_261 : i32
    %lt3A = arith.constant 2 : i32
    %lt3A_263 = arith.cmpi slt, %add3A_262, %lt3A : i32
    %convert_element_type3A = arith.extui %lt3A_263 : i1 to i32
    %cond3A = arith.constant 0 : i32
    %cond3A_264 = arith.cmpi ne, %convert_element_type3A, %cond3A : i32
    scf.if %cond3A_264 {
      %add3A_643 = arith.constant 1 : i32
      %add3A_644 = arith.addi %add3A_229, %add3A_643 : i32
      %mul3A_645 = arith.constant 200 : i32
      %mul3A_646 = arith.muli %add3A_644, %mul3A_645 : i32
      %add3A_647 = arith.addi %multiple_of3A, %mul3A_646 : i32
      %dma_start3A_648 = arith.constant 1 : i32
      %dma_start3A_649 = arith.constant 0 : i32
      %dma_start3A_650 = arith.constant 0 : i32
      %dma_start3A_651 = tpu.memref_slice %arg7[%dma_start3A_648, %dma_start3A_649, %dma_start3A_650] : memref<2x200x128xf32, #tpu.memory_space<vmem>> -> memref<1x200x128xf32, #tpu.memory_space<vmem>>
      %dma_start3A_652 = tpu.memref_squeeze %dma_start3A_651 : memref<1x200x128xf32, #tpu.memory_space<vmem>> -> memref<200x128xf32, #tpu.memory_space<vmem>>
      %dma_start3A_653 = arith.constant 0 : i32
      %dma_start3A_654 = tpu.memref_slice %arg2[%add3A_647, %dma_start3A_653] : memref<100000x128xf32, #tpu.memory_space<hbm>> -> memref<200x128xf32, #tpu.memory_space<hbm>>
      %dma_start3A_655 = arith.constant 0 : i32
      %dma_start3A_656 = arith.constant 0 : i32
      %dma_start3A_657 = tpu.memref_slice %arg7[%dma_start3A_648, %dma_start3A_655, %dma_start3A_656] : memref<2x200x128xf32, #tpu.memory_space<vmem>> -> memref<1x200x128xf32, #tpu.memory_space<vmem>>
      %dma_start3A_658 = tpu.memref_squeeze %dma_start3A_657 : memref<1x200x128xf32, #tpu.memory_space<vmem>> -> memref<200x128xf32, #tpu.memory_space<vmem>>
      %dma_start3A_659 = arith.constant 0 : i32
      %dma_start3A_660 = tpu.memref_slice %arg2[%add3A_647, %dma_start3A_659] : memref<100000x128xf32, #tpu.memory_space<hbm>> -> memref<200x128xf32, #tpu.memory_space<hbm>>
      tpu.enqueue_dma source(%dma_start3A_660 : memref<200x128xf32, #tpu.memory_space<hbm>>) target(%dma_start3A_658 : memref<200x128xf32, #tpu.memory_space<vmem>>) target_semaphore(%arg13 : memref<!tpu.dma_semaphore, #tpu.memory_space<semaphore_mem>>)
      %mul3A_661 = arith.constant 200 : i32
      %mul3A_662 = arith.muli %add3A_644, %mul3A_661 : i32
      %add3A_663 = arith.addi %multiple_of3A, %mul3A_662 : i32
      %dma_start3A_664 = arith.constant 1 : i32
      %dma_start3A_665 = arith.constant 0 : i32
      %dma_start3A_666 = arith.constant 0 : i32
      %dma_start3A_667 = tpu.memref_slice %arg8[%dma_start3A_664, %dma_start3A_665, %dma_start3A_666] : memref<2x200x128xi32, #tpu.memory_space<vmem>> -> memref<1x200x128xi32, #tpu.memory_space<vmem>>
      %dma_start3A_668 = tpu.memref_squeeze %dma_start3A_667 : memref<1x200x128xi32, #tpu.memory_space<vmem>> -> memref<200x128xi32, #tpu.memory_space<vmem>>
      %dma_start3A_669 = arith.constant 0 : i32
      %dma_start3A_670 = tpu.memref_slice %arg3[%add3A_663, %dma_start3A_669] : memref<100000x128xi32, #tpu.memory_space<hbm>> -> memref<200x128xi32, #tpu.memory_space<hbm>>
      %dma_start3A_671 = arith.constant 0 : i32
      %dma_start3A_672 = arith.constant 0 : i32
      %dma_start3A_673 = tpu.memref_slice %arg8[%dma_start3A_664, %dma_start3A_671, %dma_start3A_672] : memref<2x200x128xi32, #tpu.memory_space<vmem>> -> memref<1x200x128xi32, #tpu.memory_space<vmem>>
      %dma_start3A_674 = tpu.memref_squeeze %dma_start3A_673 : memref<1x200x128xi32, #tpu.memory_space<vmem>> -> memref<200x128xi32, #tpu.memory_space<vmem>>
      %dma_start3A_675 = arith.constant 0 : i32
      %dma_start3A_676 = tpu.memref_slice %arg3[%add3A_663, %dma_start3A_675] : memref<100000x128xi32, #tpu.memory_space<hbm>> -> memref<200x128xi32, #tpu.memory_space<hbm>>
      tpu.enqueue_dma source(%dma_start3A_676 : memref<200x128xi32, #tpu.memory_space<hbm>>) target(%dma_start3A_674 : memref<200x128xi32, #tpu.memory_space<vmem>>) target_semaphore(%arg15 : memref<!tpu.dma_semaphore, #tpu.memory_space<semaphore_mem>>)
    } else {
    }
    %mul3A_265 = arith.constant 200 : i32
    %mul3A_266 = arith.muli %add3A_229, %mul3A_265 : i32
    %add3A_267 = arith.addi %multiple_of3A, %mul3A_266 : i32
    %scan3A_268 = arith.constant 0 : i32
    %scan3A_269 = arith.constant 50 : i32
    %scan3A_270 = arith.addi %scan3A_268, %scan3A_269 : i32
    %scan3A_271 = arith.constant 1 : i32
    %scan3A_272:8 = scf.for %scan3A_643 = %scan3A_268 to %scan3A_270 step %scan3A_271 iter_args(%scan3A_644 = %broadcast_in_dim3A_99, %scan3A_645 = %broadcast_in_dim3A_101, %scan3A_646 = %broadcast_in_dim3A_103, %scan3A_647 = %broadcast_in_dim3A_105, %scan3A_648 = %broadcast_in_dim3A_107, %scan3A_649 = %broadcast_in_dim3A_109, %scan3A_650 = %broadcast_in_dim3A_111, %scan3A_651 = %broadcast_in_dim3A_113) -> (vector<16xf32>, vector<16xi32>, vector<16xf32>, vector<16xi32>, vector<16xf32>, vector<16xi32>, vector<16xf32>, vector<16xi32>)  : i32 {
      %add3A_652 = arith.constant 0 : i32
      %add3A_653 = arith.addi %scan3A_643, %add3A_652 : i32
      %get3A_654 = arith.constant 0 : i32
      %get3A_655 = arith.index_cast %get3A_654 : i32 to index
      %get3A_656 = arith.index_cast %add3A_653 : i32 to index
      %get3A_657 = arith.constant 0 : index
      %get3A_658 = tpu.vector_load %arg7[%get3A_655, %get3A_656, %get3A_657] {strides = array<i32>} : memref<2x200x128xf32, #tpu.memory_space<vmem>>, vector<1x1x16xf32>,
      %get3A_659 = vector.shape_cast %get3A_658 : vector<1x1x16xf32> to vector<16xf32>
      %get3A_660 = arith.constant 0 : i32
      %get3A_661 = arith.index_cast %get3A_660 : i32 to index
      %get3A_662 = arith.index_cast %add3A_653 : i32 to index
      %get3A_663 = arith.constant 0 : index
      %get3A_664 = tpu.vector_load %arg8[%get3A_661, %get3A_662, %get3A_663] {strides = array<i32>} : memref<2x200x128xi32, #tpu.memory_space<vmem>>, vector<1x1x16xi32>,
      %get3A_665 = vector.shape_cast %get3A_664 : vector<1x1x16xi32> to vector<16xi32>
      %gt3A_666 = arith.constant 0 : i32
      %gt3A_667 = vector.broadcast %gt3A_666 : i32 to vector<16xi32>
      %gt3A_668 = arith.cmpi sgt, %get3A_665, %gt3A_667 : vector<16xi32>
      %mul3A_669 = arith.mulf %get3A_659, %div3A_48 : vector<16xf32>
      %mul3A_670 = arith.mulf %get3A_659, %get3A_24 : vector<16xf32>
      %min3A = arith.minimumf %mul3A_669, %mul3A_670 : vector<16xf32>
      %select_n3A_671 = arith.select %gt3A_668, %min3A, %get3A_659 : vector<16xi1>, vector<16xf32>
      %add3A_672 = arith.addi %add3A_267, %add3A_653 : i32
      %broadcast_in_dim3A_673 = vector.broadcast %add3A_672 : i32 to vector<16xi32>
      %gt3A_674 = arith.cmpf ogt, %select_n3A_671, %scan3A_644 : vector<16xf32>
      %select_n3A_675 = arith.select %gt3A_674, %select_n3A_671, %scan3A_644 : vector<16xi1>, vector<16xf32>
      %select_n3A_676 = arith.select %gt3A_674, %broadcast_in_dim3A_673, %scan3A_645 : vector<16xi1>, vector<16xi32>
      %add3A_677 = arith.constant 50 : i32
      %add3A_678 = arith.addi %scan3A_643, %add3A_677 : i32
      %get3A_679 = arith.constant 0 : i32
      %get3A_680 = arith.index_cast %get3A_679 : i32 to index
      %get3A_681 = arith.index_cast %add3A_678 : i32 to index
      %get3A_682 = arith.constant 0 : index
      %get3A_683 = tpu.vector_load %arg7[%get3A_680, %get3A_681, %get3A_682] {strides = array<i32>} : memref<2x200x128xf32, #tpu.memory_space<vmem>>, vector<1x1x16xf32>,
      %get3A_684 = vector.shape_cast %get3A_683 : vector<1x1x16xf32> to vector<16xf32>
      %get3A_685 = arith.constant 0 : i32
      %get3A_686 = arith.index_cast %get3A_685 : i32 to index
      %get3A_687 = arith.index_cast %add3A_678 : i32 to index
      %get3A_688 = arith.constant 0 : index
      %get3A_689 = tpu.vector_load %arg8[%get3A_686, %get3A_687, %get3A_688] {strides = array<i32>} : memref<2x200x128xi32, #tpu.memory_space<vmem>>, vector<1x1x16xi32>,
      %get3A_690 = vector.shape_cast %get3A_689 : vector<1x1x16xi32> to vector<16xi32>
      %gt3A_691 = arith.constant 0 : i32
      %gt3A_692 = vector.broadcast %gt3A_691 : i32 to vector<16xi32>
      %gt3A_693 = arith.cmpi sgt, %get3A_690, %gt3A_692 : vector<16xi32>
      %mul3A_694 = arith.mulf %get3A_684, %div3A_48 : vector<16xf32>
      %mul3A_695 = arith.mulf %get3A_684, %get3A_24 : vector<16xf32>
      %min3A_696 = arith.minimumf %mul3A_694, %mul3A_695 : vector<16xf32>
      %select_n3A_697 = arith.select %gt3A_693, %min3A_696, %get3A_684 : vector<16xi1>, vector<16xf32>
      %add3A_698 = arith.addi %add3A_267, %add3A_678 : i32
      %broadcast_in_dim3A_699 = vector.broadcast %add3A_698 : i32 to vector<16xi32>
      %gt3A_700 = arith.cmpf ogt, %select_n3A_697, %scan3A_646 : vector<16xf32>
      %select_n3A_701 = arith.select %gt3A_700, %select_n3A_697, %scan3A_646 : vector<16xi1>, vector<16xf32>
      %select_n3A_702 = arith.select %gt3A_700, %broadcast_in_dim3A_699, %scan3A_647 : vector<16xi1>, vector<16xi32>
      %add3A_703 = arith.constant 100 : i32
      %add3A_704 = arith.addi %scan3A_643, %add3A_703 : i32
      %get3A_705 = arith.constant 0 : i32
      %get3A_706 = arith.index_cast %get3A_705 : i32 to index
      %get3A_707 = arith.index_cast %add3A_704 : i32 to index
      %get3A_708 = arith.constant 0 : index
      %get3A_709 = tpu.vector_load %arg7[%get3A_706, %get3A_707, %get3A_708] {strides = array<i32>} : memref<2x200x128xf32, #tpu.memory_space<vmem>>, vector<1x1x16xf32>,
      %get3A_710 = vector.shape_cast %get3A_709 : vector<1x1x16xf32> to vector<16xf32>
      %get3A_711 = arith.constant 0 : i32
      %get3A_712 = arith.index_cast %get3A_711 : i32 to index
      %get3A_713 = arith.index_cast %add3A_704 : i32 to index
      %get3A_714 = arith.constant 0 : index
      %get3A_715 = tpu.vector_load %arg8[%get3A_712, %get3A_713, %get3A_714] {strides = array<i32>} : memref<2x200x128xi32, #tpu.memory_space<vmem>>, vector<1x1x16xi32>,
      %get3A_716 = vector.shape_cast %get3A_715 : vector<1x1x16xi32> to vector<16xi32>
      %gt3A_717 = arith.constant 0 : i32
      %gt3A_718 = vector.broadcast %gt3A_717 : i32 to vector<16xi32>
      %gt3A_719 = arith.cmpi sgt, %get3A_716, %gt3A_718 : vector<16xi32>
      %mul3A_720 = arith.mulf %get3A_710, %div3A_48 : vector<16xf32>
      %mul3A_721 = arith.mulf %get3A_710, %get3A_24 : vector<16xf32>
      %min3A_722 = arith.minimumf %mul3A_720, %mul3A_721 : vector<16xf32>
      %select_n3A_723 = arith.select %gt3A_719, %min3A_722, %get3A_710 : vector<16xi1>, vector<16xf32>
      %add3A_724 = arith.addi %add3A_267, %add3A_704 : i32
      %broadcast_in_dim3A_725 = vector.broadcast %add3A_724 : i32 to vector<16xi32>
      %gt3A_726 = arith.cmpf ogt, %select_n3A_723, %scan3A_648 : vector<16xf32>
      %select_n3A_727 = arith.select %gt3A_726, %select_n3A_723, %scan3A_648 : vector<16xi1>, vector<16xf32>
      %select_n3A_728 = arith.select %gt3A_726, %broadcast_in_dim3A_725, %scan3A_649 : vector<16xi1>, vector<16xi32>
      %add3A_729 = arith.constant 150 : i32
      %add3A_730 = arith.addi %scan3A_643, %add3A_729 : i32
      %get3A_731 = arith.constant 0 : i32
      %get3A_732 = arith.index_cast %get3A_731 : i32 to index
      %get3A_733 = arith.index_cast %add3A_730 : i32 to index
      %get3A_734 = arith.constant 0 : index
      %get3A_735 = tpu.vector_load %arg7[%get3A_732, %get3A_733, %get3A_734] {strides = array<i32>} : memref<2x200x128xf32, #tpu.memory_space<vmem>>, vector<1x1x16xf32>,
      %get3A_736 = vector.shape_cast %get3A_735 : vector<1x1x16xf32> to vector<16xf32>
      %get3A_737 = arith.constant 0 : i32
      %get3A_738 = arith.index_cast %get3A_737 : i32 to index
      %get3A_739 = arith.index_cast %add3A_730 : i32 to index
      %get3A_740 = arith.constant 0 : index
      %get3A_741 = tpu.vector_load %arg8[%get3A_738, %get3A_739, %get3A_740] {strides = array<i32>} : memref<2x200x128xi32, #tpu.memory_space<vmem>>, vector<1x1x16xi32>,
      %get3A_742 = vector.shape_cast %get3A_741 : vector<1x1x16xi32> to vector<16xi32>
      %gt3A_743 = arith.constant 0 : i32
      %gt3A_744 = vector.broadcast %gt3A_743 : i32 to vector<16xi32>
      %gt3A_745 = arith.cmpi sgt, %get3A_742, %gt3A_744 : vector<16xi32>
      %mul3A_746 = arith.mulf %get3A_736, %div3A_48 : vector<16xf32>
      %mul3A_747 = arith.mulf %get3A_736, %get3A_24 : vector<16xf32>
      %min3A_748 = arith.minimumf %mul3A_746, %mul3A_747 : vector<16xf32>
      %select_n3A_749 = arith.select %gt3A_745, %min3A_748, %get3A_736 : vector<16xi1>, vector<16xf32>
      %add3A_750 = arith.addi %add3A_267, %add3A_730 : i32
      %broadcast_in_dim3A_751 = vector.broadcast %add3A_750 : i32 to vector<16xi32>
      %gt3A_752 = arith.cmpf ogt, %select_n3A_749, %scan3A_650 : vector<16xf32>
      %select_n3A_753 = arith.select %gt3A_752, %select_n3A_749, %scan3A_650 : vector<16xi1>, vector<16xf32>
      %select_n3A_754 = arith.select %gt3A_752, %broadcast_in_dim3A_751, %scan3A_651 : vector<16xi1>, vector<16xi32>
      scf.yield %select_n3A_675, %select_n3A_676, %select_n3A_701, %select_n3A_702, %select_n3A_727, %select_n3A_728, %select_n3A_753, %select_n3A_754 : vector<16xf32>, vector<16xi32>, vector<16xf32>, vector<16xi32>, vector<16xf32>, vector<16xi32>, vector<16xf32>, vector<16xi32>
    }
    %scan3A_273 = arith.constant 50 : i32
    %scan3A_274 = arith.constant 0 : i32
    %scan3A_275 = arith.constant 50 : i32
    %scan3A_276 = arith.addi %scan3A_274, %scan3A_275 : i32
    %scan3A_277 = arith.constant 1 : i32
    %scan3A_278:8 = scf.for %scan3A_643 = %scan3A_274 to %scan3A_276 step %scan3A_277 iter_args(%scan3A_644 = %broadcast_in_dim3A_115, %scan3A_645 = %broadcast_in_dim3A_117, %scan3A_646 = %broadcast_in_dim3A_119, %scan3A_647 = %broadcast_in_dim3A_121, %scan3A_648 = %broadcast_in_dim3A_123, %scan3A_649 = %broadcast_in_dim3A_125, %scan3A_650 = %broadcast_in_dim3A_127, %scan3A_651 = %broadcast_in_dim3A_129) -> (vector<16xf32>, vector<16xi32>, vector<16xf32>, vector<16xi32>, vector<16xf32>, vector<16xi32>, vector<16xf32>, vector<16xi32>)  : i32 {
      %add3A_652 = arith.constant 0 : i32
      %add3A_653 = arith.addi %scan3A_643, %add3A_652 : i32
      %get3A_654 = arith.constant 0 : i32
      %get3A_655 = arith.index_cast %get3A_654 : i32 to index
      %get3A_656 = arith.index_cast %add3A_653 : i32 to index
      %get3A_657 = arith.constant 16 : index
      %get3A_658 = tpu.vector_load %arg7[%get3A_655, %get3A_656, %get3A_657] {strides = array<i32>} : memref<2x200x128xf32, #tpu.memory_space<vmem>>, vector<1x1x16xf32>,
      %get3A_659 = vector.shape_cast %get3A_658 : vector<1x1x16xf32> to vector<16xf32>
      %get3A_660 = arith.constant 0 : i32
      %get3A_661 = arith.index_cast %get3A_660 : i32 to index
      %get3A_662 = arith.index_cast %add3A_653 : i32 to index
      %get3A_663 = arith.constant 16 : index
      %get3A_664 = tpu.vector_load %arg8[%get3A_661, %get3A_662, %get3A_663] {strides = array<i32>} : memref<2x200x128xi32, #tpu.memory_space<vmem>>, vector<1x1x16xi32>,
      %get3A_665 = vector.shape_cast %get3A_664 : vector<1x1x16xi32> to vector<16xi32>
      %gt3A_666 = arith.constant 0 : i32
      %gt3A_667 = vector.broadcast %gt3A_666 : i32 to vector<16xi32>
      %gt3A_668 = arith.cmpi sgt, %get3A_665, %gt3A_667 : vector<16xi32>
      %mul3A_669 = arith.mulf %get3A_659, %div3A_51 : vector<16xf32>
      %mul3A_670 = arith.mulf %get3A_659, %get3A_27 : vector<16xf32>
      %min3A = arith.minimumf %mul3A_669, %mul3A_670 : vector<16xf32>
      %select_n3A_671 = arith.select %gt3A_668, %min3A, %get3A_659 : vector<16xi1>, vector<16xf32>
      %add3A_672 = arith.addi %add3A_267, %add3A_653 : i32
      %broadcast_in_dim3A_673 = vector.broadcast %add3A_672 : i32 to vector<16xi32>
      %gt3A_674 = arith.cmpf ogt, %select_n3A_671, %scan3A_644 : vector<16xf32>
      %select_n3A_675 = arith.select %gt3A_674, %select_n3A_671, %scan3A_644 : vector<16xi1>, vector<16xf32>
      %select_n3A_676 = arith.select %gt3A_674, %broadcast_in_dim3A_673, %scan3A_645 : vector<16xi1>, vector<16xi32>
      %add3A_677 = arith.constant 50 : i32
      %add3A_678 = arith.addi %scan3A_643, %add3A_677 : i32
      %get3A_679 = arith.constant 0 : i32
      %get3A_680 = arith.index_cast %get3A_679 : i32 to index
      %get3A_681 = arith.index_cast %add3A_678 : i32 to index
      %get3A_682 = arith.constant 16 : index
      %get3A_683 = tpu.vector_load %arg7[%get3A_680, %get3A_681, %get3A_682] {strides = array<i32>} : memref<2x200x128xf32, #tpu.memory_space<vmem>>, vector<1x1x16xf32>,
      %get3A_684 = vector.shape_cast %get3A_683 : vector<1x1x16xf32> to vector<16xf32>
      %get3A_685 = arith.constant 0 : i32
      %get3A_686 = arith.index_cast %get3A_685 : i32 to index
      %get3A_687 = arith.index_cast %add3A_678 : i32 to index
      %get3A_688 = arith.constant 16 : index
      %get3A_689 = tpu.vector_load %arg8[%get3A_686, %get3A_687, %get3A_688] {strides = array<i32>} : memref<2x200x128xi32, #tpu.memory_space<vmem>>, vector<1x1x16xi32>,
      %get3A_690 = vector.shape_cast %get3A_689 : vector<1x1x16xi32> to vector<16xi32>
      %gt3A_691 = arith.constant 0 : i32
      %gt3A_692 = vector.broadcast %gt3A_691 : i32 to vector<16xi32>
      %gt3A_693 = arith.cmpi sgt, %get3A_690, %gt3A_692 : vector<16xi32>
      %mul3A_694 = arith.mulf %get3A_684, %div3A_51 : vector<16xf32>
      %mul3A_695 = arith.mulf %get3A_684, %get3A_27 : vector<16xf32>
      %min3A_696 = arith.minimumf %mul3A_694, %mul3A_695 : vector<16xf32>
      %select_n3A_697 = arith.select %gt3A_693, %min3A_696, %get3A_684 : vector<16xi1>, vector<16xf32>
      %add3A_698 = arith.addi %add3A_267, %add3A_678 : i32
      %broadcast_in_dim3A_699 = vector.broadcast %add3A_698 : i32 to vector<16xi32>
      %gt3A_700 = arith.cmpf ogt, %select_n3A_697, %scan3A_646 : vector<16xf32>
      %select_n3A_701 = arith.select %gt3A_700, %select_n3A_697, %scan3A_646 : vector<16xi1>, vector<16xf32>
      %select_n3A_702 = arith.select %gt3A_700, %broadcast_in_dim3A_699, %scan3A_647 : vector<16xi1>, vector<16xi32>
      %add3A_703 = arith.constant 100 : i32
      %add3A_704 = arith.addi %scan3A_643, %add3A_703 : i32
      %get3A_705 = arith.constant 0 : i32
      %get3A_706 = arith.index_cast %get3A_705 : i32 to index
      %get3A_707 = arith.index_cast %add3A_704 : i32 to index
      %get3A_708 = arith.constant 16 : index
      %get3A_709 = tpu.vector_load %arg7[%get3A_706, %get3A_707, %get3A_708] {strides = array<i32>} : memref<2x200x128xf32, #tpu.memory_space<vmem>>, vector<1x1x16xf32>,
      %get3A_710 = vector.shape_cast %get3A_709 : vector<1x1x16xf32> to vector<16xf32>
      %get3A_711 = arith.constant 0 : i32
      %get3A_712 = arith.index_cast %get3A_711 : i32 to index
      %get3A_713 = arith.index_cast %add3A_704 : i32 to index
      %get3A_714 = arith.constant 16 : index
      %get3A_715 = tpu.vector_load %arg8[%get3A_712, %get3A_713, %get3A_714] {strides = array<i32>} : memref<2x200x128xi32, #tpu.memory_space<vmem>>, vector<1x1x16xi32>,
      %get3A_716 = vector.shape_cast %get3A_715 : vector<1x1x16xi32> to vector<16xi32>
      %gt3A_717 = arith.constant 0 : i32
      %gt3A_718 = vector.broadcast %gt3A_717 : i32 to vector<16xi32>
      %gt3A_719 = arith.cmpi sgt, %get3A_716, %gt3A_718 : vector<16xi32>
      %mul3A_720 = arith.mulf %get3A_710, %div3A_51 : vector<16xf32>
      %mul3A_721 = arith.mulf %get3A_710, %get3A_27 : vector<16xf32>
      %min3A_722 = arith.minimumf %mul3A_720, %mul3A_721 : vector<16xf32>
      %select_n3A_723 = arith.select %gt3A_719, %min3A_722, %get3A_710 : vector<16xi1>, vector<16xf32>
      %add3A_724 = arith.addi %add3A_267, %add3A_704 : i32
      %broadcast_in_dim3A_725 = vector.broadcast %add3A_724 : i32 to vector<16xi32>
      %gt3A_726 = arith.cmpf ogt, %select_n3A_723, %scan3A_648 : vector<16xf32>
      %select_n3A_727 = arith.select %gt3A_726, %select_n3A_723, %scan3A_648 : vector<16xi1>, vector<16xf32>
      %select_n3A_728 = arith.select %gt3A_726, %broadcast_in_dim3A_725, %scan3A_649 : vector<16xi1>, vector<16xi32>
      %add3A_729 = arith.constant 150 : i32
      %add3A_730 = arith.addi %scan3A_643, %add3A_729 : i32
      %get3A_731 = arith.constant 0 : i32
      %get3A_732 = arith.index_cast %get3A_731 : i32 to index
      %get3A_733 = arith.index_cast %add3A_730 : i32 to index
      %get3A_734 = arith.constant 16 : index
      %get3A_735 = tpu.vector_load %arg7[%get3A_732, %get3A_733, %get3A_734] {strides = array<i32>} : memref<2x200x128xf32, #tpu.memory_space<vmem>>, vector<1x1x16xf32>,
      %get3A_736 = vector.shape_cast %get3A_735 : vector<1x1x16xf32> to vector<16xf32>
      %get3A_737 = arith.constant 0 : i32
      %get3A_738 = arith.index_cast %get3A_737 : i32 to index
      %get3A_739 = arith.index_cast %add3A_730 : i32 to index
      %get3A_740 = arith.constant 16 : index
      %get3A_741 = tpu.vector_load %arg8[%get3A_738, %get3A_739, %get3A_740] {strides = array<i32>} : memref<2x200x128xi32, #tpu.memory_space<vmem>>, vector<1x1x16xi32>,
      %get3A_742 = vector.shape_cast %get3A_741 : vector<1x1x16xi32> to vector<16xi32>
      %gt3A_743 = arith.constant 0 : i32
      %gt3A_744 = vector.broadcast %gt3A_743 : i32 to vector<16xi32>
      %gt3A_745 = arith.cmpi sgt, %get3A_742, %gt3A_744 : vector<16xi32>
      %mul3A_746 = arith.mulf %get3A_736, %div3A_51 : vector<16xf32>
      %mul3A_747 = arith.mulf %get3A_736, %get3A_27 : vector<16xf32>
      %min3A_748 = arith.minimumf %mul3A_746, %mul3A_747 : vector<16xf32>
      %select_n3A_749 = arith.select %gt3A_745, %min3A_748, %get3A_736 : vector<16xi1>, vector<16xf32>
      %add3A_750 = arith.addi %add3A_267, %add3A_730 : i32
      %broadcast_in_dim3A_751 = vector.broadcast %add3A_750 : i32 to vector<16xi32>
      %gt3A_752 = arith.cmpf ogt, %select_n3A_749, %scan3A_650 : vector<16xf32>
      %select_n3A_753 = arith.select %gt3A_752, %select_n3A_749, %scan3A_650 : vector<16xi1>, vector<16xf32>
      %select_n3A_754 = arith.select %gt3A_752, %broadcast_in_dim3A_751, %scan3A_651 : vector<16xi1>, vector<16xi32>
      scf.yield %select_n3A_675, %select_n3A_676, %select_n3A_701, %select_n3A_702, %select_n3A_727, %select_n3A_728, %select_n3A_753, %select_n3A_754 : vector<16xf32>, vector<16xi32>, vector<16xf32>, vector<16xi32>, vector<16xf32>, vector<16xi32>, vector<16xf32>, vector<16xi32>
    }
    %scan3A_279 = arith.constant 50 : i32
    %scan3A_280 = arith.constant 0 : i32
    %scan3A_281 = arith.constant 50 : i32
    %scan3A_282 = arith.addi %scan3A_280, %scan3A_281 : i32
    %scan3A_283 = arith.constant 1 : i32
    %scan3A_284:8 = scf.for %scan3A_643 = %scan3A_280 to %scan3A_282 step %scan3A_283 iter_args(%scan3A_644 = %broadcast_in_dim3A_131, %scan3A_645 = %broadcast_in_dim3A_133, %scan3A_646 = %broadcast_in_dim3A_135, %scan3A_647 = %broadcast_in_dim3A_137, %scan3A_648 = %broadcast_in_dim3A_139, %scan3A_649 = %broadcast_in_dim3A_141, %scan3A_650 = %broadcast_in_dim3A_143, %scan3A_651 = %broadcast_in_dim3A_145) -> (vector<16xf32>, vector<16xi32>, vector<16xf32>, vector<16xi32>, vector<16xf32>, vector<16xi32>, vector<16xf32>, vector<16xi32>)  : i32 {
      %add3A_652 = arith.constant 0 : i32
      %add3A_653 = arith.addi %scan3A_643, %add3A_652 : i32
      %get3A_654 = arith.constant 0 : i32
      %get3A_655 = arith.index_cast %get3A_654 : i32 to index
      %get3A_656 = arith.index_cast %add3A_653 : i32 to index
      %get3A_657 = arith.constant 32 : index
      %get3A_658 = tpu.vector_load %arg7[%get3A_655, %get3A_656, %get3A_657] {strides = array<i32>} : memref<2x200x128xf32, #tpu.memory_space<vmem>>, vector<1x1x16xf32>,
      %get3A_659 = vector.shape_cast %get3A_658 : vector<1x1x16xf32> to vector<16xf32>
      %get3A_660 = arith.constant 0 : i32
      %get3A_661 = arith.index_cast %get3A_660 : i32 to index
      %get3A_662 = arith.index_cast %add3A_653 : i32 to index
      %get3A_663 = arith.constant 32 : index
      %get3A_664 = tpu.vector_load %arg8[%get3A_661, %get3A_662, %get3A_663] {strides = array<i32>} : memref<2x200x128xi32, #tpu.memory_space<vmem>>, vector<1x1x16xi32>,
      %get3A_665 = vector.shape_cast %get3A_664 : vector<1x1x16xi32> to vector<16xi32>
      %gt3A_666 = arith.constant 0 : i32
      %gt3A_667 = vector.broadcast %gt3A_666 : i32 to vector<16xi32>
      %gt3A_668 = arith.cmpi sgt, %get3A_665, %gt3A_667 : vector<16xi32>
      %mul3A_669 = arith.mulf %get3A_659, %div3A_54 : vector<16xf32>
      %mul3A_670 = arith.mulf %get3A_659, %get3A_30 : vector<16xf32>
      %min3A = arith.minimumf %mul3A_669, %mul3A_670 : vector<16xf32>
      %select_n3A_671 = arith.select %gt3A_668, %min3A, %get3A_659 : vector<16xi1>, vector<16xf32>
      %add3A_672 = arith.addi %add3A_267, %add3A_653 : i32
      %broadcast_in_dim3A_673 = vector.broadcast %add3A_672 : i32 to vector<16xi32>
      %gt3A_674 = arith.cmpf ogt, %select_n3A_671, %scan3A_644 : vector<16xf32>
      %select_n3A_675 = arith.select %gt3A_674, %select_n3A_671, %scan3A_644 : vector<16xi1>, vector<16xf32>
      %select_n3A_676 = arith.select %gt3A_674, %broadcast_in_dim3A_673, %scan3A_645 : vector<16xi1>, vector<16xi32>
      %add3A_677 = arith.constant 50 : i32
      %add3A_678 = arith.addi %scan3A_643, %add3A_677 : i32
      %get3A_679 = arith.constant 0 : i32
      %get3A_680 = arith.index_cast %get3A_679 : i32 to index
      %get3A_681 = arith.index_cast %add3A_678 : i32 to index
      %get3A_682 = arith.constant 32 : index
      %get3A_683 = tpu.vector_load %arg7[%get3A_680, %get3A_681, %get3A_682] {strides = array<i32>} : memref<2x200x128xf32, #tpu.memory_space<vmem>>, vector<1x1x16xf32>,
      %get3A_684 = vector.shape_cast %get3A_683 : vector<1x1x16xf32> to vector<16xf32>
      %get3A_685 = arith.constant 0 : i32
      %get3A_686 = arith.index_cast %get3A_685 : i32 to index
      %get3A_687 = arith.index_cast %add3A_678 : i32 to index
      %get3A_688 = arith.constant 32 : index
      %get3A_689 = tpu.vector_load %arg8[%get3A_686, %get3A_687, %get3A_688] {strides = array<i32>} : memref<2x200x128xi32, #tpu.memory_space<vmem>>, vector<1x1x16xi32>,
      %get3A_690 = vector.shape_cast %get3A_689 : vector<1x1x16xi32> to vector<16xi32>
      %gt3A_691 = arith.constant 0 : i32
      %gt3A_692 = vector.broadcast %gt3A_691 : i32 to vector<16xi32>
      %gt3A_693 = arith.cmpi sgt, %get3A_690, %gt3A_692 : vector<16xi32>
      %mul3A_694 = arith.mulf %get3A_684, %div3A_54 : vector<16xf32>
      %mul3A_695 = arith.mulf %get3A_684, %get3A_30 : vector<16xf32>
      %min3A_696 = arith.minimumf %mul3A_694, %mul3A_695 : vector<16xf32>
      %select_n3A_697 = arith.select %gt3A_693, %min3A_696, %get3A_684 : vector<16xi1>, vector<16xf32>
      %add3A_698 = arith.addi %add3A_267, %add3A_678 : i32
      %broadcast_in_dim3A_699 = vector.broadcast %add3A_698 : i32 to vector<16xi32>
      %gt3A_700 = arith.cmpf ogt, %select_n3A_697, %scan3A_646 : vector<16xf32>
      %select_n3A_701 = arith.select %gt3A_700, %select_n3A_697, %scan3A_646 : vector<16xi1>, vector<16xf32>
      %select_n3A_702 = arith.select %gt3A_700, %broadcast_in_dim3A_699, %scan3A_647 : vector<16xi1>, vector<16xi32>
      %add3A_703 = arith.constant 100 : i32
      %add3A_704 = arith.addi %scan3A_643, %add3A_703 : i32
      %get3A_705 = arith.constant 0 : i32
      %get3A_706 = arith.index_cast %get3A_705 : i32 to index
      %get3A_707 = arith.index_cast %add3A_704 : i32 to index
      %get3A_708 = arith.constant 32 : index
      %get3A_709 = tpu.vector_load %arg7[%get3A_706, %get3A_707, %get3A_708] {strides = array<i32>} : memref<2x200x128xf32, #tpu.memory_space<vmem>>, vector<1x1x16xf32>,
      %get3A_710 = vector.shape_cast %get3A_709 : vector<1x1x16xf32> to vector<16xf32>
      %get3A_711 = arith.constant 0 : i32
      %get3A_712 = arith.index_cast %get3A_711 : i32 to index
      %get3A_713 = arith.index_cast %add3A_704 : i32 to index
      %get3A_714 = arith.constant 32 : index
      %get3A_715 = tpu.vector_load %arg8[%get3A_712, %get3A_713, %get3A_714] {strides = array<i32>} : memref<2x200x128xi32, #tpu.memory_space<vmem>>, vector<1x1x16xi32>,
      %get3A_716 = vector.shape_cast %get3A_715 : vector<1x1x16xi32> to vector<16xi32>
      %gt3A_717 = arith.constant 0 : i32
      %gt3A_718 = vector.broadcast %gt3A_717 : i32 to vector<16xi32>
      %gt3A_719 = arith.cmpi sgt, %get3A_716, %gt3A_718 : vector<16xi32>
      %mul3A_720 = arith.mulf %get3A_710, %div3A_54 : vector<16xf32>
      %mul3A_721 = arith.mulf %get3A_710, %get3A_30 : vector<16xf32>
      %min3A_722 = arith.minimumf %mul3A_720, %mul3A_721 : vector<16xf32>
      %select_n3A_723 = arith.select %gt3A_719, %min3A_722, %get3A_710 : vector<16xi1>, vector<16xf32>
      %add3A_724 = arith.addi %add3A_267, %add3A_704 : i32
      %broadcast_in_dim3A_725 = vector.broadcast %add3A_724 : i32 to vector<16xi32>
      %gt3A_726 = arith.cmpf ogt, %select_n3A_723, %scan3A_648 : vector<16xf32>
      %select_n3A_727 = arith.select %gt3A_726, %select_n3A_723, %scan3A_648 : vector<16xi1>, vector<16xf32>
      %select_n3A_728 = arith.select %gt3A_726, %broadcast_in_dim3A_725, %scan3A_649 : vector<16xi1>, vector<16xi32>
      %add3A_729 = arith.constant 150 : i32
      %add3A_730 = arith.addi %scan3A_643, %add3A_729 : i32
      %get3A_731 = arith.constant 0 : i32
      %get3A_732 = arith.index_cast %get3A_731 : i32 to index
      %get3A_733 = arith.index_cast %add3A_730 : i32 to index
      %get3A_734 = arith.constant 32 : index
      %get3A_735 = tpu.vector_load %arg7[%get3A_732, %get3A_733, %get3A_734] {strides = array<i32>} : memref<2x200x128xf32, #tpu.memory_space<vmem>>, vector<1x1x16xf32>,
      %get3A_736 = vector.shape_cast %get3A_735 : vector<1x1x16xf32> to vector<16xf32>
      %get3A_737 = arith.constant 0 : i32
      %get3A_738 = arith.index_cast %get3A_737 : i32 to index
      %get3A_739 = arith.index_cast %add3A_730 : i32 to index
      %get3A_740 = arith.constant 32 : index
      %get3A_741 = tpu.vector_load %arg8[%get3A_738, %get3A_739, %get3A_740] {strides = array<i32>} : memref<2x200x128xi32, #tpu.memory_space<vmem>>, vector<1x1x16xi32>,
      %get3A_742 = vector.shape_cast %get3A_741 : vector<1x1x16xi32> to vector<16xi32>
      %gt3A_743 = arith.constant 0 : i32
      %gt3A_744 = vector.broadcast %gt3A_743 : i32 to vector<16xi32>
      %gt3A_745 = arith.cmpi sgt, %get3A_742, %gt3A_744 : vector<16xi32>
      %mul3A_746 = arith.mulf %get3A_736, %div3A_54 : vector<16xf32>
      %mul3A_747 = arith.mulf %get3A_736, %get3A_30 : vector<16xf32>
      %min3A_748 = arith.minimumf %mul3A_746, %mul3A_747 : vector<16xf32>
      %select_n3A_749 = arith.select %gt3A_745, %min3A_748, %get3A_736 : vector<16xi1>, vector<16xf32>
      %add3A_750 = arith.addi %add3A_267, %add3A_730 : i32
      %broadcast_in_dim3A_751 = vector.broadcast %add3A_750 : i32 to vector<16xi32>
      %gt3A_752 = arith.cmpf ogt, %select_n3A_749, %scan3A_650 : vector<16xf32>
      %select_n3A_753 = arith.select %gt3A_752, %select_n3A_749, %scan3A_650 : vector<16xi1>, vector<16xf32>
      %select_n3A_754 = arith.select %gt3A_752, %broadcast_in_dim3A_751, %scan3A_651 : vector<16xi1>, vector<16xi32>
      scf.yield %select_n3A_675, %select_n3A_676, %select_n3A_701, %select_n3A_702, %select_n3A_727, %select_n3A_728, %select_n3A_753, %select_n3A_754 : vector<16xf32>, vector<16xi32>, vector<16xf32>, vector<16xi32>, vector<16xf32>, vector<16xi32>, vector<16xf32>, vector<16xi32>
    }
    %scan3A_285 = arith.constant 50 : i32
    %scan3A_286 = arith.constant 0 : i32
    %scan3A_287 = arith.constant 50 : i32
    %scan3A_288 = arith.addi %scan3A_286, %scan3A_287 : i32
    %scan3A_289 = arith.constant 1 : i32
    %scan3A_290:8 = scf.for %scan3A_643 = %scan3A_286 to %scan3A_288 step %scan3A_289 iter_args(%scan3A_644 = %broadcast_in_dim3A_147, %scan3A_645 = %broadcast_in_dim3A_149, %scan3A_646 = %broadcast_in_dim3A_151, %scan3A_647 = %broadcast_in_dim3A_153, %scan3A_648 = %broadcast_in_dim3A_155, %scan3A_649 = %broadcast_in_dim3A_157, %scan3A_650 = %broadcast_in_dim3A_159, %scan3A_651 = %broadcast_in_dim3A_161) -> (vector<16xf32>, vector<16xi32>, vector<16xf32>, vector<16xi32>, vector<16xf32>, vector<16xi32>, vector<16xf32>, vector<16xi32>)  : i32 {
      %add3A_652 = arith.constant 0 : i32
      %add3A_653 = arith.addi %scan3A_643, %add3A_652 : i32
      %get3A_654 = arith.constant 0 : i32
      %get3A_655 = arith.index_cast %get3A_654 : i32 to index
      %get3A_656 = arith.index_cast %add3A_653 : i32 to index
      %get3A_657 = arith.constant 48 : index
      %get3A_658 = tpu.vector_load %arg7[%get3A_655, %get3A_656, %get3A_657] {strides = array<i32>} : memref<2x200x128xf32, #tpu.memory_space<vmem>>, vector<1x1x16xf32>,
      %get3A_659 = vector.shape_cast %get3A_658 : vector<1x1x16xf32> to vector<16xf32>
      %get3A_660 = arith.constant 0 : i32
      %get3A_661 = arith.index_cast %get3A_660 : i32 to index
      %get3A_662 = arith.index_cast %add3A_653 : i32 to index
      %get3A_663 = arith.constant 48 : index
      %get3A_664 = tpu.vector_load %arg8[%get3A_661, %get3A_662, %get3A_663] {strides = array<i32>} : memref<2x200x128xi32, #tpu.memory_space<vmem>>, vector<1x1x16xi32>,
      %get3A_665 = vector.shape_cast %get3A_664 : vector<1x1x16xi32> to vector<16xi32>
      %gt3A_666 = arith.constant 0 : i32
      %gt3A_667 = vector.broadcast %gt3A_666 : i32 to vector<16xi32>
      %gt3A_668 = arith.cmpi sgt, %get3A_665, %gt3A_667 : vector<16xi32>
      %mul3A_669 = arith.mulf %get3A_659, %div3A_57 : vector<16xf32>
      %mul3A_670 = arith.mulf %get3A_659, %get3A_33 : vector<16xf32>
      %min3A = arith.minimumf %mul3A_669, %mul3A_670 : vector<16xf32>
      %select_n3A_671 = arith.select %gt3A_668, %min3A, %get3A_659 : vector<16xi1>, vector<16xf32>
      %add3A_672 = arith.addi %add3A_267, %add3A_653 : i32
      %broadcast_in_dim3A_673 = vector.broadcast %add3A_672 : i32 to vector<16xi32>
      %gt3A_674 = arith.cmpf ogt, %select_n3A_671, %scan3A_644 : vector<16xf32>
      %select_n3A_675 = arith.select %gt3A_674, %select_n3A_671, %scan3A_644 : vector<16xi1>, vector<16xf32>
      %select_n3A_676 = arith.select %gt3A_674, %broadcast_in_dim3A_673, %scan3A_645 : vector<16xi1>, vector<16xi32>
      %add3A_677 = arith.constant 50 : i32
      %add3A_678 = arith.addi %scan3A_643, %add3A_677 : i32
      %get3A_679 = arith.constant 0 : i32
      %get3A_680 = arith.index_cast %get3A_679 : i32 to index
      %get3A_681 = arith.index_cast %add3A_678 : i32 to index
      %get3A_682 = arith.constant 48 : index
      %get3A_683 = tpu.vector_load %arg7[%get3A_680, %get3A_681, %get3A_682] {strides = array<i32>} : memref<2x200x128xf32, #tpu.memory_space<vmem>>, vector<1x1x16xf32>,
      %get3A_684 = vector.shape_cast %get3A_683 : vector<1x1x16xf32> to vector<16xf32>
      %get3A_685 = arith.constant 0 : i32
      %get3A_686 = arith.index_cast %get3A_685 : i32 to index
      %get3A_687 = arith.index_cast %add3A_678 : i32 to index
      %get3A_688 = arith.constant 48 : index
      %get3A_689 = tpu.vector_load %arg8[%get3A_686, %get3A_687, %get3A_688] {strides = array<i32>} : memref<2x200x128xi32, #tpu.memory_space<vmem>>, vector<1x1x16xi32>,
      %get3A_690 = vector.shape_cast %get3A_689 : vector<1x1x16xi32> to vector<16xi32>
      %gt3A_691 = arith.constant 0 : i32
      %gt3A_692 = vector.broadcast %gt3A_691 : i32 to vector<16xi32>
      %gt3A_693 = arith.cmpi sgt, %get3A_690, %gt3A_692 : vector<16xi32>
      %mul3A_694 = arith.mulf %get3A_684, %div3A_57 : vector<16xf32>
      %mul3A_695 = arith.mulf %get3A_684, %get3A_33 : vector<16xf32>
      %min3A_696 = arith.minimumf %mul3A_694, %mul3A_695 : vector<16xf32>
      %select_n3A_697 = arith.select %gt3A_693, %min3A_696, %get3A_684 : vector<16xi1>, vector<16xf32>
      %add3A_698 = arith.addi %add3A_267, %add3A_678 : i32
      %broadcast_in_dim3A_699 = vector.broadcast %add3A_698 : i32 to vector<16xi32>
      %gt3A_700 = arith.cmpf ogt, %select_n3A_697, %scan3A_646 : vector<16xf32>
      %select_n3A_701 = arith.select %gt3A_700, %select_n3A_697, %scan3A_646 : vector<16xi1>, vector<16xf32>
      %select_n3A_702 = arith.select %gt3A_700, %broadcast_in_dim3A_699, %scan3A_647 : vector<16xi1>, vector<16xi32>
      %add3A_703 = arith.constant 100 : i32
      %add3A_704 = arith.addi %scan3A_643, %add3A_703 : i32
      %get3A_705 = arith.constant 0 : i32
      %get3A_706 = arith.index_cast %get3A_705 : i32 to index
      %get3A_707 = arith.index_cast %add3A_704 : i32 to index
      %get3A_708 = arith.constant 48 : index
      %get3A_709 = tpu.vector_load %arg7[%get3A_706, %get3A_707, %get3A_708] {strides = array<i32>} : memref<2x200x128xf32, #tpu.memory_space<vmem>>, vector<1x1x16xf32>,
      %get3A_710 = vector.shape_cast %get3A_709 : vector<1x1x16xf32> to vector<16xf32>
      %get3A_711 = arith.constant 0 : i32
      %get3A_712 = arith.index_cast %get3A_711 : i32 to index
      %get3A_713 = arith.index_cast %add3A_704 : i32 to index
      %get3A_714 = arith.constant 48 : index
      %get3A_715 = tpu.vector_load %arg8[%get3A_712, %get3A_713, %get3A_714] {strides = array<i32>} : memref<2x200x128xi32, #tpu.memory_space<vmem>>, vector<1x1x16xi32>,
      %get3A_716 = vector.shape_cast %get3A_715 : vector<1x1x16xi32> to vector<16xi32>
      %gt3A_717 = arith.constant 0 : i32
      %gt3A_718 = vector.broadcast %gt3A_717 : i32 to vector<16xi32>
      %gt3A_719 = arith.cmpi sgt, %get3A_716, %gt3A_718 : vector<16xi32>
      %mul3A_720 = arith.mulf %get3A_710, %div3A_57 : vector<16xf32>
      %mul3A_721 = arith.mulf %get3A_710, %get3A_33 : vector<16xf32>
      %min3A_722 = arith.minimumf %mul3A_720, %mul3A_721 : vector<16xf32>
      %select_n3A_723 = arith.select %gt3A_719, %min3A_722, %get3A_710 : vector<16xi1>, vector<16xf32>
      %add3A_724 = arith.addi %add3A_267, %add3A_704 : i32
      %broadcast_in_dim3A_725 = vector.broadcast %add3A_724 : i32 to vector<16xi32>
      %gt3A_726 = arith.cmpf ogt, %select_n3A_723, %scan3A_648 : vector<16xf32>
      %select_n3A_727 = arith.select %gt3A_726, %select_n3A_723, %scan3A_648 : vector<16xi1>, vector<16xf32>
      %select_n3A_728 = arith.select %gt3A_726, %broadcast_in_dim3A_725, %scan3A_649 : vector<16xi1>, vector<16xi32>
      %add3A_729 = arith.constant 150 : i32
      %add3A_730 = arith.addi %scan3A_643, %add3A_729 : i32
      %get3A_731 = arith.constant 0 : i32
      %get3A_732 = arith.index_cast %get3A_731 : i32 to index
      %get3A_733 = arith.index_cast %add3A_730 : i32 to index
      %get3A_734 = arith.constant 48 : index
      %get3A_735 = tpu.vector_load %arg7[%get3A_732, %get3A_733, %get3A_734] {strides = array<i32>} : memref<2x200x128xf32, #tpu.memory_space<vmem>>, vector<1x1x16xf32>,
      %get3A_736 = vector.shape_cast %get3A_735 : vector<1x1x16xf32> to vector<16xf32>
      %get3A_737 = arith.constant 0 : i32
      %get3A_738 = arith.index_cast %get3A_737 : i32 to index
      %get3A_739 = arith.index_cast %add3A_730 : i32 to index
      %get3A_740 = arith.constant 48 : index
      %get3A_741 = tpu.vector_load %arg8[%get3A_738, %get3A_739, %get3A_740] {strides = array<i32>} : memref<2x200x128xi32, #tpu.memory_space<vmem>>, vector<1x1x16xi32>,
      %get3A_742 = vector.shape_cast %get3A_741 : vector<1x1x16xi32> to vector<16xi32>
      %gt3A_743 = arith.constant 0 : i32
      %gt3A_744 = vector.broadcast %gt3A_743 : i32 to vector<16xi32>
      %gt3A_745 = arith.cmpi sgt, %get3A_742, %gt3A_744 : vector<16xi32>
      %mul3A_746 = arith.mulf %get3A_736, %div3A_57 : vector<16xf32>
      %mul3A_747 = arith.mulf %get3A_736, %get3A_33 : vector<16xf32>
      %min3A_748 = arith.minimumf %mul3A_746, %mul3A_747 : vector<16xf32>
      %select_n3A_749 = arith.select %gt3A_745, %min3A_748, %get3A_736 : vector<16xi1>, vector<16xf32>
      %add3A_750 = arith.addi %add3A_267, %add3A_730 : i32
      %broadcast_in_dim3A_751 = vector.broadcast %add3A_750 : i32 to vector<16xi32>
      %gt3A_752 = arith.cmpf ogt, %select_n3A_749, %scan3A_650 : vector<16xf32>
      %select_n3A_753 = arith.select %gt3A_752, %select_n3A_749, %scan3A_650 : vector<16xi1>, vector<16xf32>
      %select_n3A_754 = arith.select %gt3A_752, %broadcast_in_dim3A_751, %scan3A_651 : vector<16xi1>, vector<16xi32>
      scf.yield %select_n3A_675, %select_n3A_676, %select_n3A_701, %select_n3A_702, %select_n3A_727, %select_n3A_728, %select_n3A_753, %select_n3A_754 : vector<16xf32>, vector<16xi32>, vector<16xf32>, vector<16xi32>, vector<16xf32>, vector<16xi32>, vector<16xf32>, vector<16xi32>
    }
    %scan3A_291 = arith.constant 50 : i32
    %scan3A_292 = arith.constant 0 : i32
    %scan3A_293 = arith.constant 50 : i32
    %scan3A_294 = arith.addi %scan3A_292, %scan3A_293 : i32
    %scan3A_295 = arith.constant 1 : i32
    %scan3A_296:8 = scf.for %scan3A_643 = %scan3A_292 to %scan3A_294 step %scan3A_295 iter_args(%scan3A_644 = %broadcast_in_dim3A_163, %scan3A_645 = %broadcast_in_dim3A_165, %scan3A_646 = %broadcast_in_dim3A_167, %scan3A_647 = %broadcast_in_dim3A_169, %scan3A_648 = %broadcast_in_dim3A_171, %scan3A_649 = %broadcast_in_dim3A_173, %scan3A_650 = %broadcast_in_dim3A_175, %scan3A_651 = %broadcast_in_dim3A_177) -> (vector<16xf32>, vector<16xi32>, vector<16xf32>, vector<16xi32>, vector<16xf32>, vector<16xi32>, vector<16xf32>, vector<16xi32>)  : i32 {
      %add3A_652 = arith.constant 0 : i32
      %add3A_653 = arith.addi %scan3A_643, %add3A_652 : i32
      %get3A_654 = arith.constant 0 : i32
      %get3A_655 = arith.index_cast %get3A_654 : i32 to index
      %get3A_656 = arith.index_cast %add3A_653 : i32 to index
      %get3A_657 = arith.constant 64 : index
      %get3A_658 = tpu.vector_load %arg7[%get3A_655, %get3A_656, %get3A_657] {strides = array<i32>} : memref<2x200x128xf32, #tpu.memory_space<vmem>>, vector<1x1x16xf32>,
      %get3A_659 = vector.shape_cast %get3A_658 : vector<1x1x16xf32> to vector<16xf32>
      %get3A_660 = arith.constant 0 : i32
      %get3A_661 = arith.index_cast %get3A_660 : i32 to index
      %get3A_662 = arith.index_cast %add3A_653 : i32 to index
      %get3A_663 = arith.constant 64 : index
      %get3A_664 = tpu.vector_load %arg8[%get3A_661, %get3A_662, %get3A_663] {strides = array<i32>} : memref<2x200x128xi32, #tpu.memory_space<vmem>>, vector<1x1x16xi32>,
      %get3A_665 = vector.shape_cast %get3A_664 : vector<1x1x16xi32> to vector<16xi32>
      %gt3A_666 = arith.constant 0 : i32
      %gt3A_667 = vector.broadcast %gt3A_666 : i32 to vector<16xi32>
      %gt3A_668 = arith.cmpi sgt, %get3A_665, %gt3A_667 : vector<16xi32>
      %mul3A_669 = arith.mulf %get3A_659, %div3A_60 : vector<16xf32>
      %mul3A_670 = arith.mulf %get3A_659, %get3A_36 : vector<16xf32>
      %min3A = arith.minimumf %mul3A_669, %mul3A_670 : vector<16xf32>
      %select_n3A_671 = arith.select %gt3A_668, %min3A, %get3A_659 : vector<16xi1>, vector<16xf32>
      %add3A_672 = arith.addi %add3A_267, %add3A_653 : i32
      %broadcast_in_dim3A_673 = vector.broadcast %add3A_672 : i32 to vector<16xi32>
      %gt3A_674 = arith.cmpf ogt, %select_n3A_671, %scan3A_644 : vector<16xf32>
      %select_n3A_675 = arith.select %gt3A_674, %select_n3A_671, %scan3A_644 : vector<16xi1>, vector<16xf32>
      %select_n3A_676 = arith.select %gt3A_674, %broadcast_in_dim3A_673, %scan3A_645 : vector<16xi1>, vector<16xi32>
      %add3A_677 = arith.constant 50 : i32
      %add3A_678 = arith.addi %scan3A_643, %add3A_677 : i32
      %get3A_679 = arith.constant 0 : i32
      %get3A_680 = arith.index_cast %get3A_679 : i32 to index
      %get3A_681 = arith.index_cast %add3A_678 : i32 to index
      %get3A_682 = arith.constant 64 : index
      %get3A_683 = tpu.vector_load %arg7[%get3A_680, %get3A_681, %get3A_682] {strides = array<i32>} : memref<2x200x128xf32, #tpu.memory_space<vmem>>, vector<1x1x16xf32>,
      %get3A_684 = vector.shape_cast %get3A_683 : vector<1x1x16xf32> to vector<16xf32>
      %get3A_685 = arith.constant 0 : i32
      %get3A_686 = arith.index_cast %get3A_685 : i32 to index
      %get3A_687 = arith.index_cast %add3A_678 : i32 to index
      %get3A_688 = arith.constant 64 : index
      %get3A_689 = tpu.vector_load %arg8[%get3A_686, %get3A_687, %get3A_688] {strides = array<i32>} : memref<2x200x128xi32, #tpu.memory_space<vmem>>, vector<1x1x16xi32>,
      %get3A_690 = vector.shape_cast %get3A_689 : vector<1x1x16xi32> to vector<16xi32>
      %gt3A_691 = arith.constant 0 : i32
      %gt3A_692 = vector.broadcast %gt3A_691 : i32 to vector<16xi32>
      %gt3A_693 = arith.cmpi sgt, %get3A_690, %gt3A_692 : vector<16xi32>
      %mul3A_694 = arith.mulf %get3A_684, %div3A_60 : vector<16xf32>
      %mul3A_695 = arith.mulf %get3A_684, %get3A_36 : vector<16xf32>
      %min3A_696 = arith.minimumf %mul3A_694, %mul3A_695 : vector<16xf32>
      %select_n3A_697 = arith.select %gt3A_693, %min3A_696, %get3A_684 : vector<16xi1>, vector<16xf32>
      %add3A_698 = arith.addi %add3A_267, %add3A_678 : i32
      %broadcast_in_dim3A_699 = vector.broadcast %add3A_698 : i32 to vector<16xi32>
      %gt3A_700 = arith.cmpf ogt, %select_n3A_697, %scan3A_646 : vector<16xf32>
      %select_n3A_701 = arith.select %gt3A_700, %select_n3A_697, %scan3A_646 : vector<16xi1>, vector<16xf32>
      %select_n3A_702 = arith.select %gt3A_700, %broadcast_in_dim3A_699, %scan3A_647 : vector<16xi1>, vector<16xi32>
      %add3A_703 = arith.constant 100 : i32
      %add3A_704 = arith.addi %scan3A_643, %add3A_703 : i32
      %get3A_705 = arith.constant 0 : i32
      %get3A_706 = arith.index_cast %get3A_705 : i32 to index
      %get3A_707 = arith.index_cast %add3A_704 : i32 to index
      %get3A_708 = arith.constant 64 : index
      %get3A_709 = tpu.vector_load %arg7[%get3A_706, %get3A_707, %get3A_708] {strides = array<i32>} : memref<2x200x128xf32, #tpu.memory_space<vmem>>, vector<1x1x16xf32>,
      %get3A_710 = vector.shape_cast %get3A_709 : vector<1x1x16xf32> to vector<16xf32>
      %get3A_711 = arith.constant 0 : i32
      %get3A_712 = arith.index_cast %get3A_711 : i32 to index
      %get3A_713 = arith.index_cast %add3A_704 : i32 to index
      %get3A_714 = arith.constant 64 : index
      %get3A_715 = tpu.vector_load %arg8[%get3A_712, %get3A_713, %get3A_714] {strides = array<i32>} : memref<2x200x128xi32, #tpu.memory_space<vmem>>, vector<1x1x16xi32>,
      %get3A_716 = vector.shape_cast %get3A_715 : vector<1x1x16xi32> to vector<16xi32>
      %gt3A_717 = arith.constant 0 : i32
      %gt3A_718 = vector.broadcast %gt3A_717 : i32 to vector<16xi32>
      %gt3A_719 = arith.cmpi sgt, %get3A_716, %gt3A_718 : vector<16xi32>
      %mul3A_720 = arith.mulf %get3A_710, %div3A_60 : vector<16xf32>
      %mul3A_721 = arith.mulf %get3A_710, %get3A_36 : vector<16xf32>
      %min3A_722 = arith.minimumf %mul3A_720, %mul3A_721 : vector<16xf32>
      %select_n3A_723 = arith.select %gt3A_719, %min3A_722, %get3A_710 : vector<16xi1>, vector<16xf32>
      %add3A_724 = arith.addi %add3A_267, %add3A_704 : i32
      %broadcast_in_dim3A_725 = vector.broadcast %add3A_724 : i32 to vector<16xi32>
      %gt3A_726 = arith.cmpf ogt, %select_n3A_723, %scan3A_648 : vector<16xf32>
      %select_n3A_727 = arith.select %gt3A_726, %select_n3A_723, %scan3A_648 : vector<16xi1>, vector<16xf32>
      %select_n3A_728 = arith.select %gt3A_726, %broadcast_in_dim3A_725, %scan3A_649 : vector<16xi1>, vector<16xi32>
      %add3A_729 = arith.constant 150 : i32
      %add3A_730 = arith.addi %scan3A_643, %add3A_729 : i32
      %get3A_731 = arith.constant 0 : i32
      %get3A_732 = arith.index_cast %get3A_731 : i32 to index
      %get3A_733 = arith.index_cast %add3A_730 : i32 to index
      %get3A_734 = arith.constant 64 : index
      %get3A_735 = tpu.vector_load %arg7[%get3A_732, %get3A_733, %get3A_734] {strides = array<i32>} : memref<2x200x128xf32, #tpu.memory_space<vmem>>, vector<1x1x16xf32>,
      %get3A_736 = vector.shape_cast %get3A_735 : vector<1x1x16xf32> to vector<16xf32>
      %get3A_737 = arith.constant 0 : i32
      %get3A_738 = arith.index_cast %get3A_737 : i32 to index
      %get3A_739 = arith.index_cast %add3A_730 : i32 to index
      %get3A_740 = arith.constant 64 : index
      %get3A_741 = tpu.vector_load %arg8[%get3A_738, %get3A_739, %get3A_740] {strides = array<i32>} : memref<2x200x128xi32, #tpu.memory_space<vmem>>, vector<1x1x16xi32>,
      %get3A_742 = vector.shape_cast %get3A_741 : vector<1x1x16xi32> to vector<16xi32>
      %gt3A_743 = arith.constant 0 : i32
      %gt3A_744 = vector.broadcast %gt3A_743 : i32 to vector<16xi32>
      %gt3A_745 = arith.cmpi sgt, %get3A_742, %gt3A_744 : vector<16xi32>
      %mul3A_746 = arith.mulf %get3A_736, %div3A_60 : vector<16xf32>
      %mul3A_747 = arith.mulf %get3A_736, %get3A_36 : vector<16xf32>
      %min3A_748 = arith.minimumf %mul3A_746, %mul3A_747 : vector<16xf32>
      %select_n3A_749 = arith.select %gt3A_745, %min3A_748, %get3A_736 : vector<16xi1>, vector<16xf32>
      %add3A_750 = arith.addi %add3A_267, %add3A_730 : i32
      %broadcast_in_dim3A_751 = vector.broadcast %add3A_750 : i32 to vector<16xi32>
      %gt3A_752 = arith.cmpf ogt, %select_n3A_749, %scan3A_650 : vector<16xf32>
      %select_n3A_753 = arith.select %gt3A_752, %select_n3A_749, %scan3A_650 : vector<16xi1>, vector<16xf32>
      %select_n3A_754 = arith.select %gt3A_752, %broadcast_in_dim3A_751, %scan3A_651 : vector<16xi1>, vector<16xi32>
      scf.yield %select_n3A_675, %select_n3A_676, %select_n3A_701, %select_n3A_702, %select_n3A_727, %select_n3A_728, %select_n3A_753, %select_n3A_754 : vector<16xf32>, vector<16xi32>, vector<16xf32>, vector<16xi32>, vector<16xf32>, vector<16xi32>, vector<16xf32>, vector<16xi32>
    }
    %scan3A_297 = arith.constant 50 : i32
    %scan3A_298 = arith.constant 0 : i32
    %scan3A_299 = arith.constant 50 : i32
    %scan3A_300 = arith.addi %scan3A_298, %scan3A_299 : i32
    %scan3A_301 = arith.constant 1 : i32
    %scan3A_302:8 = scf.for %scan3A_643 = %scan3A_298 to %scan3A_300 step %scan3A_301 iter_args(%scan3A_644 = %broadcast_in_dim3A_179, %scan3A_645 = %broadcast_in_dim3A_181, %scan3A_646 = %broadcast_in_dim3A_183, %scan3A_647 = %broadcast_in_dim3A_185, %scan3A_648 = %broadcast_in_dim3A_187, %scan3A_649 = %broadcast_in_dim3A_189, %scan3A_650 = %broadcast_in_dim3A_191, %scan3A_651 = %broadcast_in_dim3A_193) -> (vector<16xf32>, vector<16xi32>, vector<16xf32>, vector<16xi32>, vector<16xf32>, vector<16xi32>, vector<16xf32>, vector<16xi32>)  : i32 {
      %add3A_652 = arith.constant 0 : i32
      %add3A_653 = arith.addi %scan3A_643, %add3A_652 : i32
      %get3A_654 = arith.constant 0 : i32
      %get3A_655 = arith.index_cast %get3A_654 : i32 to index
      %get3A_656 = arith.index_cast %add3A_653 : i32 to index
      %get3A_657 = arith.constant 80 : index
      %get3A_658 = tpu.vector_load %arg7[%get3A_655, %get3A_656, %get3A_657] {strides = array<i32>} : memref<2x200x128xf32, #tpu.memory_space<vmem>>, vector<1x1x16xf32>,
      %get3A_659 = vector.shape_cast %get3A_658 : vector<1x1x16xf32> to vector<16xf32>
      %get3A_660 = arith.constant 0 : i32
      %get3A_661 = arith.index_cast %get3A_660 : i32 to index
      %get3A_662 = arith.index_cast %add3A_653 : i32 to index
      %get3A_663 = arith.constant 80 : index
      %get3A_664 = tpu.vector_load %arg8[%get3A_661, %get3A_662, %get3A_663] {strides = array<i32>} : memref<2x200x128xi32, #tpu.memory_space<vmem>>, vector<1x1x16xi32>,
      %get3A_665 = vector.shape_cast %get3A_664 : vector<1x1x16xi32> to vector<16xi32>
      %gt3A_666 = arith.constant 0 : i32
      %gt3A_667 = vector.broadcast %gt3A_666 : i32 to vector<16xi32>
      %gt3A_668 = arith.cmpi sgt, %get3A_665, %gt3A_667 : vector<16xi32>
      %mul3A_669 = arith.mulf %get3A_659, %div3A_63 : vector<16xf32>
      %mul3A_670 = arith.mulf %get3A_659, %get3A_39 : vector<16xf32>
      %min3A = arith.minimumf %mul3A_669, %mul3A_670 : vector<16xf32>
      %select_n3A_671 = arith.select %gt3A_668, %min3A, %get3A_659 : vector<16xi1>, vector<16xf32>
      %add3A_672 = arith.addi %add3A_267, %add3A_653 : i32
      %broadcast_in_dim3A_673 = vector.broadcast %add3A_672 : i32 to vector<16xi32>
      %gt3A_674 = arith.cmpf ogt, %select_n3A_671, %scan3A_644 : vector<16xf32>
      %select_n3A_675 = arith.select %gt3A_674, %select_n3A_671, %scan3A_644 : vector<16xi1>, vector<16xf32>
      %select_n3A_676 = arith.select %gt3A_674, %broadcast_in_dim3A_673, %scan3A_645 : vector<16xi1>, vector<16xi32>
      %add3A_677 = arith.constant 50 : i32
      %add3A_678 = arith.addi %scan3A_643, %add3A_677 : i32
      %get3A_679 = arith.constant 0 : i32
      %get3A_680 = arith.index_cast %get3A_679 : i32 to index
      %get3A_681 = arith.index_cast %add3A_678 : i32 to index
      %get3A_682 = arith.constant 80 : index
      %get3A_683 = tpu.vector_load %arg7[%get3A_680, %get3A_681, %get3A_682] {strides = array<i32>} : memref<2x200x128xf32, #tpu.memory_space<vmem>>, vector<1x1x16xf32>,
      %get3A_684 = vector.shape_cast %get3A_683 : vector<1x1x16xf32> to vector<16xf32>
      %get3A_685 = arith.constant 0 : i32
      %get3A_686 = arith.index_cast %get3A_685 : i32 to index
      %get3A_687 = arith.index_cast %add3A_678 : i32 to index
      %get3A_688 = arith.constant 80 : index
      %get3A_689 = tpu.vector_load %arg8[%get3A_686, %get3A_687, %get3A_688] {strides = array<i32>} : memref<2x200x128xi32, #tpu.memory_space<vmem>>, vector<1x1x16xi32>,
      %get3A_690 = vector.shape_cast %get3A_689 : vector<1x1x16xi32> to vector<16xi32>
      %gt3A_691 = arith.constant 0 : i32
      %gt3A_692 = vector.broadcast %gt3A_691 : i32 to vector<16xi32>
      %gt3A_693 = arith.cmpi sgt, %get3A_690, %gt3A_692 : vector<16xi32>
      %mul3A_694 = arith.mulf %get3A_684, %div3A_63 : vector<16xf32>
      %mul3A_695 = arith.mulf %get3A_684, %get3A_39 : vector<16xf32>
      %min3A_696 = arith.minimumf %mul3A_694, %mul3A_695 : vector<16xf32>
      %select_n3A_697 = arith.select %gt3A_693, %min3A_696, %get3A_684 : vector<16xi1>, vector<16xf32>
      %add3A_698 = arith.addi %add3A_267, %add3A_678 : i32
      %broadcast_in_dim3A_699 = vector.broadcast %add3A_698 : i32 to vector<16xi32>
      %gt3A_700 = arith.cmpf ogt, %select_n3A_697, %scan3A_646 : vector<16xf32>
      %select_n3A_701 = arith.select %gt3A_700, %select_n3A_697, %scan3A_646 : vector<16xi1>, vector<16xf32>
      %select_n3A_702 = arith.select %gt3A_700, %broadcast_in_dim3A_699, %scan3A_647 : vector<16xi1>, vector<16xi32>
      %add3A_703 = arith.constant 100 : i32
      %add3A_704 = arith.addi %scan3A_643, %add3A_703 : i32
      %get3A_705 = arith.constant 0 : i32
      %get3A_706 = arith.index_cast %get3A_705 : i32 to index
      %get3A_707 = arith.index_cast %add3A_704 : i32 to index
      %get3A_708 = arith.constant 80 : index
      %get3A_709 = tpu.vector_load %arg7[%get3A_706, %get3A_707, %get3A_708] {strides = array<i32>} : memref<2x200x128xf32, #tpu.memory_space<vmem>>, vector<1x1x16xf32>,
      %get3A_710 = vector.shape_cast %get3A_709 : vector<1x1x16xf32> to vector<16xf32>
      %get3A_711 = arith.constant 0 : i32
      %get3A_712 = arith.index_cast %get3A_711 : i32 to index
      %get3A_713 = arith.index_cast %add3A_704 : i32 to index
      %get3A_714 = arith.constant 80 : index
      %get3A_715 = tpu.vector_load %arg8[%get3A_712, %get3A_713, %get3A_714] {strides = array<i32>} : memref<2x200x128xi32, #tpu.memory_space<vmem>>, vector<1x1x16xi32>,
      %get3A_716 = vector.shape_cast %get3A_715 : vector<1x1x16xi32> to vector<16xi32>
      %gt3A_717 = arith.constant 0 : i32
      %gt3A_718 = vector.broadcast %gt3A_717 : i32 to vector<16xi32>
      %gt3A_719 = arith.cmpi sgt, %get3A_716, %gt3A_718 : vector<16xi32>
      %mul3A_720 = arith.mulf %get3A_710, %div3A_63 : vector<16xf32>
      %mul3A_721 = arith.mulf %get3A_710, %get3A_39 : vector<16xf32>
      %min3A_722 = arith.minimumf %mul3A_720, %mul3A_721 : vector<16xf32>
      %select_n3A_723 = arith.select %gt3A_719, %min3A_722, %get3A_710 : vector<16xi1>, vector<16xf32>
      %add3A_724 = arith.addi %add3A_267, %add3A_704 : i32
      %broadcast_in_dim3A_725 = vector.broadcast %add3A_724 : i32 to vector<16xi32>
      %gt3A_726 = arith.cmpf ogt, %select_n3A_723, %scan3A_648 : vector<16xf32>
      %select_n3A_727 = arith.select %gt3A_726, %select_n3A_723, %scan3A_648 : vector<16xi1>, vector<16xf32>
      %select_n3A_728 = arith.select %gt3A_726, %broadcast_in_dim3A_725, %scan3A_649 : vector<16xi1>, vector<16xi32>
      %add3A_729 = arith.constant 150 : i32
      %add3A_730 = arith.addi %scan3A_643, %add3A_729 : i32
      %get3A_731 = arith.constant 0 : i32
      %get3A_732 = arith.index_cast %get3A_731 : i32 to index
      %get3A_733 = arith.index_cast %add3A_730 : i32 to index
      %get3A_734 = arith.constant 80 : index
      %get3A_735 = tpu.vector_load %arg7[%get3A_732, %get3A_733, %get3A_734] {strides = array<i32>} : memref<2x200x128xf32, #tpu.memory_space<vmem>>, vector<1x1x16xf32>,
      %get3A_736 = vector.shape_cast %get3A_735 : vector<1x1x16xf32> to vector<16xf32>
      %get3A_737 = arith.constant 0 : i32
      %get3A_738 = arith.index_cast %get3A_737 : i32 to index
      %get3A_739 = arith.index_cast %add3A_730 : i32 to index
      %get3A_740 = arith.constant 80 : index
      %get3A_741 = tpu.vector_load %arg8[%get3A_738, %get3A_739, %get3A_740] {strides = array<i32>} : memref<2x200x128xi32, #tpu.memory_space<vmem>>, vector<1x1x16xi32>,
      %get3A_742 = vector.shape_cast %get3A_741 : vector<1x1x16xi32> to vector<16xi32>
      %gt3A_743 = arith.constant 0 : i32
      %gt3A_744 = vector.broadcast %gt3A_743 : i32 to vector<16xi32>
      %gt3A_745 = arith.cmpi sgt, %get3A_742, %gt3A_744 : vector<16xi32>
      %mul3A_746 = arith.mulf %get3A_736, %div3A_63 : vector<16xf32>
      %mul3A_747 = arith.mulf %get3A_736, %get3A_39 : vector<16xf32>
      %min3A_748 = arith.minimumf %mul3A_746, %mul3A_747 : vector<16xf32>
      %select_n3A_749 = arith.select %gt3A_745, %min3A_748, %get3A_736 : vector<16xi1>, vector<16xf32>
      %add3A_750 = arith.addi %add3A_267, %add3A_730 : i32
      %broadcast_in_dim3A_751 = vector.broadcast %add3A_750 : i32 to vector<16xi32>
      %gt3A_752 = arith.cmpf ogt, %select_n3A_749, %scan3A_650 : vector<16xf32>
      %select_n3A_753 = arith.select %gt3A_752, %select_n3A_749, %scan3A_650 : vector<16xi1>, vector<16xf32>
      %select_n3A_754 = arith.select %gt3A_752, %broadcast_in_dim3A_751, %scan3A_651 : vector<16xi1>, vector<16xi32>
      scf.yield %select_n3A_675, %select_n3A_676, %select_n3A_701, %select_n3A_702, %select_n3A_727, %select_n3A_728, %select_n3A_753, %select_n3A_754 : vector<16xf32>, vector<16xi32>, vector<16xf32>, vector<16xi32>, vector<16xf32>, vector<16xi32>, vector<16xf32>, vector<16xi32>
    }
    %scan3A_303 = arith.constant 50 : i32
    %scan3A_304 = arith.constant 0 : i32
    %scan3A_305 = arith.constant 50 : i32
    %scan3A_306 = arith.addi %scan3A_304, %scan3A_305 : i32
    %scan3A_307 = arith.constant 1 : i32
    %scan3A_308:8 = scf.for %scan3A_643 = %scan3A_304 to %scan3A_306 step %scan3A_307 iter_args(%scan3A_644 = %broadcast_in_dim3A_195, %scan3A_645 = %broadcast_in_dim3A_197, %scan3A_646 = %broadcast_in_dim3A_199, %scan3A_647 = %broadcast_in_dim3A_201, %scan3A_648 = %broadcast_in_dim3A_203, %scan3A_649 = %broadcast_in_dim3A_205, %scan3A_650 = %broadcast_in_dim3A_207, %scan3A_651 = %broadcast_in_dim3A_209) -> (vector<16xf32>, vector<16xi32>, vector<16xf32>, vector<16xi32>, vector<16xf32>, vector<16xi32>, vector<16xf32>, vector<16xi32>)  : i32 {
      %add3A_652 = arith.constant 0 : i32
      %add3A_653 = arith.addi %scan3A_643, %add3A_652 : i32
      %get3A_654 = arith.constant 0 : i32
      %get3A_655 = arith.index_cast %get3A_654 : i32 to index
      %get3A_656 = arith.index_cast %add3A_653 : i32 to index
      %get3A_657 = arith.constant 96 : index
      %get3A_658 = tpu.vector_load %arg7[%get3A_655, %get3A_656, %get3A_657] {strides = array<i32>} : memref<2x200x128xf32, #tpu.memory_space<vmem>>, vector<1x1x16xf32>,
      %get3A_659 = vector.shape_cast %get3A_658 : vector<1x1x16xf32> to vector<16xf32>
      %get3A_660 = arith.constant 0 : i32
      %get3A_661 = arith.index_cast %get3A_660 : i32 to index
      %get3A_662 = arith.index_cast %add3A_653 : i32 to index
      %get3A_663 = arith.constant 96 : index
      %get3A_664 = tpu.vector_load %arg8[%get3A_661, %get3A_662, %get3A_663] {strides = array<i32>} : memref<2x200x128xi32, #tpu.memory_space<vmem>>, vector<1x1x16xi32>,
      %get3A_665 = vector.shape_cast %get3A_664 : vector<1x1x16xi32> to vector<16xi32>
      %gt3A_666 = arith.constant 0 : i32
      %gt3A_667 = vector.broadcast %gt3A_666 : i32 to vector<16xi32>
      %gt3A_668 = arith.cmpi sgt, %get3A_665, %gt3A_667 : vector<16xi32>
      %mul3A_669 = arith.mulf %get3A_659, %div3A_66 : vector<16xf32>
      %mul3A_670 = arith.mulf %get3A_659, %get3A_42 : vector<16xf32>
      %min3A = arith.minimumf %mul3A_669, %mul3A_670 : vector<16xf32>
      %select_n3A_671 = arith.select %gt3A_668, %min3A, %get3A_659 : vector<16xi1>, vector<16xf32>
      %add3A_672 = arith.addi %add3A_267, %add3A_653 : i32
      %broadcast_in_dim3A_673 = vector.broadcast %add3A_672 : i32 to vector<16xi32>
      %gt3A_674 = arith.cmpf ogt, %select_n3A_671, %scan3A_644 : vector<16xf32>
      %select_n3A_675 = arith.select %gt3A_674, %select_n3A_671, %scan3A_644 : vector<16xi1>, vector<16xf32>
      %select_n3A_676 = arith.select %gt3A_674, %broadcast_in_dim3A_673, %scan3A_645 : vector<16xi1>, vector<16xi32>
      %add3A_677 = arith.constant 50 : i32
      %add3A_678 = arith.addi %scan3A_643, %add3A_677 : i32
      %get3A_679 = arith.constant 0 : i32
      %get3A_680 = arith.index_cast %get3A_679 : i32 to index
      %get3A_681 = arith.index_cast %add3A_678 : i32 to index
      %get3A_682 = arith.constant 96 : index
      %get3A_683 = tpu.vector_load %arg7[%get3A_680, %get3A_681, %get3A_682] {strides = array<i32>} : memref<2x200x128xf32, #tpu.memory_space<vmem>>, vector<1x1x16xf32>,
      %get3A_684 = vector.shape_cast %get3A_683 : vector<1x1x16xf32> to vector<16xf32>
      %get3A_685 = arith.constant 0 : i32
      %get3A_686 = arith.index_cast %get3A_685 : i32 to index
      %get3A_687 = arith.index_cast %add3A_678 : i32 to index
      %get3A_688 = arith.constant 96 : index
      %get3A_689 = tpu.vector_load %arg8[%get3A_686, %get3A_687, %get3A_688] {strides = array<i32>} : memref<2x200x128xi32, #tpu.memory_space<vmem>>, vector<1x1x16xi32>,
      %get3A_690 = vector.shape_cast %get3A_689 : vector<1x1x16xi32> to vector<16xi32>
      %gt3A_691 = arith.constant 0 : i32
      %gt3A_692 = vector.broadcast %gt3A_691 : i32 to vector<16xi32>
      %gt3A_693 = arith.cmpi sgt, %get3A_690, %gt3A_692 : vector<16xi32>
      %mul3A_694 = arith.mulf %get3A_684, %div3A_66 : vector<16xf32>
      %mul3A_695 = arith.mulf %get3A_684, %get3A_42 : vector<16xf32>
      %min3A_696 = arith.minimumf %mul3A_694, %mul3A_695 : vector<16xf32>
      %select_n3A_697 = arith.select %gt3A_693, %min3A_696, %get3A_684 : vector<16xi1>, vector<16xf32>
      %add3A_698 = arith.addi %add3A_267, %add3A_678 : i32
      %broadcast_in_dim3A_699 = vector.broadcast %add3A_698 : i32 to vector<16xi32>
      %gt3A_700 = arith.cmpf ogt, %select_n3A_697, %scan3A_646 : vector<16xf32>
      %select_n3A_701 = arith.select %gt3A_700, %select_n3A_697, %scan3A_646 : vector<16xi1>, vector<16xf32>
      %select_n3A_702 = arith.select %gt3A_700, %broadcast_in_dim3A_699, %scan3A_647 : vector<16xi1>, vector<16xi32>
      %add3A_703 = arith.constant 100 : i32
      %add3A_704 = arith.addi %scan3A_643, %add3A_703 : i32
      %get3A_705 = arith.constant 0 : i32
      %get3A_706 = arith.index_cast %get3A_705 : i32 to index
      %get3A_707 = arith.index_cast %add3A_704 : i32 to index
      %get3A_708 = arith.constant 96 : index
      %get3A_709 = tpu.vector_load %arg7[%get3A_706, %get3A_707, %get3A_708] {strides = array<i32>} : memref<2x200x128xf32, #tpu.memory_space<vmem>>, vector<1x1x16xf32>,
      %get3A_710 = vector.shape_cast %get3A_709 : vector<1x1x16xf32> to vector<16xf32>
      %get3A_711 = arith.constant 0 : i32
      %get3A_712 = arith.index_cast %get3A_711 : i32 to index
      %get3A_713 = arith.index_cast %add3A_704 : i32 to index
      %get3A_714 = arith.constant 96 : index
      %get3A_715 = tpu.vector_load %arg8[%get3A_712, %get3A_713, %get3A_714] {strides = array<i32>} : memref<2x200x128xi32, #tpu.memory_space<vmem>>, vector<1x1x16xi32>,
      %get3A_716 = vector.shape_cast %get3A_715 : vector<1x1x16xi32> to vector<16xi32>
      %gt3A_717 = arith.constant 0 : i32
      %gt3A_718 = vector.broadcast %gt3A_717 : i32 to vector<16xi32>
      %gt3A_719 = arith.cmpi sgt, %get3A_716, %gt3A_718 : vector<16xi32>
      %mul3A_720 = arith.mulf %get3A_710, %div3A_66 : vector<16xf32>
      %mul3A_721 = arith.mulf %get3A_710, %get3A_42 : vector<16xf32>
      %min3A_722 = arith.minimumf %mul3A_720, %mul3A_721 : vector<16xf32>
      %select_n3A_723 = arith.select %gt3A_719, %min3A_722, %get3A_710 : vector<16xi1>, vector<16xf32>
      %add3A_724 = arith.addi %add3A_267, %add3A_704 : i32
      %broadcast_in_dim3A_725 = vector.broadcast %add3A_724 : i32 to vector<16xi32>
      %gt3A_726 = arith.cmpf ogt, %select_n3A_723, %scan3A_648 : vector<16xf32>
      %select_n3A_727 = arith.select %gt3A_726, %select_n3A_723, %scan3A_648 : vector<16xi1>, vector<16xf32>
      %select_n3A_728 = arith.select %gt3A_726, %broadcast_in_dim3A_725, %scan3A_649 : vector<16xi1>, vector<16xi32>
      %add3A_729 = arith.constant 150 : i32
      %add3A_730 = arith.addi %scan3A_643, %add3A_729 : i32
      %get3A_731 = arith.constant 0 : i32
      %get3A_732 = arith.index_cast %get3A_731 : i32 to index
      %get3A_733 = arith.index_cast %add3A_730 : i32 to index
      %get3A_734 = arith.constant 96 : index
      %get3A_735 = tpu.vector_load %arg7[%get3A_732, %get3A_733, %get3A_734] {strides = array<i32>} : memref<2x200x128xf32, #tpu.memory_space<vmem>>, vector<1x1x16xf32>,
      %get3A_736 = vector.shape_cast %get3A_735 : vector<1x1x16xf32> to vector<16xf32>
      %get3A_737 = arith.constant 0 : i32
      %get3A_738 = arith.index_cast %get3A_737 : i32 to index
      %get3A_739 = arith.index_cast %add3A_730 : i32 to index
      %get3A_740 = arith.constant 96 : index
      %get3A_741 = tpu.vector_load %arg8[%get3A_738, %get3A_739, %get3A_740] {strides = array<i32>} : memref<2x200x128xi32, #tpu.memory_space<vmem>>, vector<1x1x16xi32>,
      %get3A_742 = vector.shape_cast %get3A_741 : vector<1x1x16xi32> to vector<16xi32>
      %gt3A_743 = arith.constant 0 : i32
      %gt3A_744 = vector.broadcast %gt3A_743 : i32 to vector<16xi32>
      %gt3A_745 = arith.cmpi sgt, %get3A_742, %gt3A_744 : vector<16xi32>
      %mul3A_746 = arith.mulf %get3A_736, %div3A_66 : vector<16xf32>
      %mul3A_747 = arith.mulf %get3A_736, %get3A_42 : vector<16xf32>
      %min3A_748 = arith.minimumf %mul3A_746, %mul3A_747 : vector<16xf32>
      %select_n3A_749 = arith.select %gt3A_745, %min3A_748, %get3A_736 : vector<16xi1>, vector<16xf32>
      %add3A_750 = arith.addi %add3A_267, %add3A_730 : i32
      %broadcast_in_dim3A_751 = vector.broadcast %add3A_750 : i32 to vector<16xi32>
      %gt3A_752 = arith.cmpf ogt, %select_n3A_749, %scan3A_650 : vector<16xf32>
      %select_n3A_753 = arith.select %gt3A_752, %select_n3A_749, %scan3A_650 : vector<16xi1>, vector<16xf32>
      %select_n3A_754 = arith.select %gt3A_752, %broadcast_in_dim3A_751, %scan3A_651 : vector<16xi1>, vector<16xi32>
      scf.yield %select_n3A_675, %select_n3A_676, %select_n3A_701, %select_n3A_702, %select_n3A_727, %select_n3A_728, %select_n3A_753, %select_n3A_754 : vector<16xf32>, vector<16xi32>, vector<16xf32>, vector<16xi32>, vector<16xf32>, vector<16xi32>, vector<16xf32>, vector<16xi32>
    }
    %scan3A_309 = arith.constant 50 : i32
    %scan3A_310 = arith.constant 0 : i32
    %scan3A_311 = arith.constant 50 : i32
    %scan3A_312 = arith.addi %scan3A_310, %scan3A_311 : i32
    %scan3A_313 = arith.constant 1 : i32
    %scan3A_314:8 = scf.for %scan3A_643 = %scan3A_310 to %scan3A_312 step %scan3A_313 iter_args(%scan3A_644 = %broadcast_in_dim3A_211, %scan3A_645 = %broadcast_in_dim3A_213, %scan3A_646 = %broadcast_in_dim3A_215, %scan3A_647 = %broadcast_in_dim3A_217, %scan3A_648 = %broadcast_in_dim3A_219, %scan3A_649 = %broadcast_in_dim3A_221, %scan3A_650 = %broadcast_in_dim3A_223, %scan3A_651 = %broadcast_in_dim3A_225) -> (vector<16xf32>, vector<16xi32>, vector<16xf32>, vector<16xi32>, vector<16xf32>, vector<16xi32>, vector<16xf32>, vector<16xi32>)  : i32 {
      %add3A_652 = arith.constant 0 : i32
      %add3A_653 = arith.addi %scan3A_643, %add3A_652 : i32
      %get3A_654 = arith.constant 0 : i32
      %get3A_655 = arith.index_cast %get3A_654 : i32 to index
      %get3A_656 = arith.index_cast %add3A_653 : i32 to index
      %get3A_657 = arith.constant 112 : index
      %get3A_658 = tpu.vector_load %arg7[%get3A_655, %get3A_656, %get3A_657] {strides = array<i32>} : memref<2x200x128xf32, #tpu.memory_space<vmem>>, vector<1x1x16xf32>,
      %get3A_659 = vector.shape_cast %get3A_658 : vector<1x1x16xf32> to vector<16xf32>
      %get3A_660 = arith.constant 0 : i32
      %get3A_661 = arith.index_cast %get3A_660 : i32 to index
      %get3A_662 = arith.index_cast %add3A_653 : i32 to index
      %get3A_663 = arith.constant 112 : index
      %get3A_664 = tpu.vector_load %arg8[%get3A_661, %get3A_662, %get3A_663] {strides = array<i32>} : memref<2x200x128xi32, #tpu.memory_space<vmem>>, vector<1x1x16xi32>,
      %get3A_665 = vector.shape_cast %get3A_664 : vector<1x1x16xi32> to vector<16xi32>
      %gt3A_666 = arith.constant 0 : i32
      %gt3A_667 = vector.broadcast %gt3A_666 : i32 to vector<16xi32>
      %gt3A_668 = arith.cmpi sgt, %get3A_665, %gt3A_667 : vector<16xi32>
      %mul3A_669 = arith.mulf %get3A_659, %div3A_69 : vector<16xf32>
      %mul3A_670 = arith.mulf %get3A_659, %get3A_45 : vector<16xf32>
      %min3A = arith.minimumf %mul3A_669, %mul3A_670 : vector<16xf32>
      %select_n3A_671 = arith.select %gt3A_668, %min3A, %get3A_659 : vector<16xi1>, vector<16xf32>
      %add3A_672 = arith.addi %add3A_267, %add3A_653 : i32
      %broadcast_in_dim3A_673 = vector.broadcast %add3A_672 : i32 to vector<16xi32>
      %gt3A_674 = arith.cmpf ogt, %select_n3A_671, %scan3A_644 : vector<16xf32>
      %select_n3A_675 = arith.select %gt3A_674, %select_n3A_671, %scan3A_644 : vector<16xi1>, vector<16xf32>
      %select_n3A_676 = arith.select %gt3A_674, %broadcast_in_dim3A_673, %scan3A_645 : vector<16xi1>, vector<16xi32>
      %add3A_677 = arith.constant 50 : i32
      %add3A_678 = arith.addi %scan3A_643, %add3A_677 : i32
      %get3A_679 = arith.constant 0 : i32
      %get3A_680 = arith.index_cast %get3A_679 : i32 to index
      %get3A_681 = arith.index_cast %add3A_678 : i32 to index
      %get3A_682 = arith.constant 112 : index
      %get3A_683 = tpu.vector_load %arg7[%get3A_680, %get3A_681, %get3A_682] {strides = array<i32>} : memref<2x200x128xf32, #tpu.memory_space<vmem>>, vector<1x1x16xf32>,
      %get3A_684 = vector.shape_cast %get3A_683 : vector<1x1x16xf32> to vector<16xf32>
      %get3A_685 = arith.constant 0 : i32
      %get3A_686 = arith.index_cast %get3A_685 : i32 to index
      %get3A_687 = arith.index_cast %add3A_678 : i32 to index
      %get3A_688 = arith.constant 112 : index
      %get3A_689 = tpu.vector_load %arg8[%get3A_686, %get3A_687, %get3A_688] {strides = array<i32>} : memref<2x200x128xi32, #tpu.memory_space<vmem>>, vector<1x1x16xi32>,
      %get3A_690 = vector.shape_cast %get3A_689 : vector<1x1x16xi32> to vector<16xi32>
      %gt3A_691 = arith.constant 0 : i32
      %gt3A_692 = vector.broadcast %gt3A_691 : i32 to vector<16xi32>
      %gt3A_693 = arith.cmpi sgt, %get3A_690, %gt3A_692 : vector<16xi32>
      %mul3A_694 = arith.mulf %get3A_684, %div3A_69 : vector<16xf32>
      %mul3A_695 = arith.mulf %get3A_684, %get3A_45 : vector<16xf32>
      %min3A_696 = arith.minimumf %mul3A_694, %mul3A_695 : vector<16xf32>
      %select_n3A_697 = arith.select %gt3A_693, %min3A_696, %get3A_684 : vector<16xi1>, vector<16xf32>
      %add3A_698 = arith.addi %add3A_267, %add3A_678 : i32
      %broadcast_in_dim3A_699 = vector.broadcast %add3A_698 : i32 to vector<16xi32>
      %gt3A_700 = arith.cmpf ogt, %select_n3A_697, %scan3A_646 : vector<16xf32>
      %select_n3A_701 = arith.select %gt3A_700, %select_n3A_697, %scan3A_646 : vector<16xi1>, vector<16xf32>
      %select_n3A_702 = arith.select %gt3A_700, %broadcast_in_dim3A_699, %scan3A_647 : vector<16xi1>, vector<16xi32>
      %add3A_703 = arith.constant 100 : i32
      %add3A_704 = arith.addi %scan3A_643, %add3A_703 : i32
      %get3A_705 = arith.constant 0 : i32
      %get3A_706 = arith.index_cast %get3A_705 : i32 to index
      %get3A_707 = arith.index_cast %add3A_704 : i32 to index
      %get3A_708 = arith.constant 112 : index
      %get3A_709 = tpu.vector_load %arg7[%get3A_706, %get3A_707, %get3A_708] {strides = array<i32>} : memref<2x200x128xf32, #tpu.memory_space<vmem>>, vector<1x1x16xf32>,
      %get3A_710 = vector.shape_cast %get3A_709 : vector<1x1x16xf32> to vector<16xf32>
      %get3A_711 = arith.constant 0 : i32
      %get3A_712 = arith.index_cast %get3A_711 : i32 to index
      %get3A_713 = arith.index_cast %add3A_704 : i32 to index
      %get3A_714 = arith.constant 112 : index
      %get3A_715 = tpu.vector_load %arg8[%get3A_712, %get3A_713, %get3A_714] {strides = array<i32>} : memref<2x200x128xi32, #tpu.memory_space<vmem>>, vector<1x1x16xi32>,
      %get3A_716 = vector.shape_cast %get3A_715 : vector<1x1x16xi32> to vector<16xi32>
      %gt3A_717 = arith.constant 0 : i32
      %gt3A_718 = vector.broadcast %gt3A_717 : i32 to vector<16xi32>
      %gt3A_719 = arith.cmpi sgt, %get3A_716, %gt3A_718 : vector<16xi32>
      %mul3A_720 = arith.mulf %get3A_710, %div3A_69 : vector<16xf32>
      %mul3A_721 = arith.mulf %get3A_710, %get3A_45 : vector<16xf32>
      %min3A_722 = arith.minimumf %mul3A_720, %mul3A_721 : vector<16xf32>
      %select_n3A_723 = arith.select %gt3A_719, %min3A_722, %get3A_710 : vector<16xi1>, vector<16xf32>
      %add3A_724 = arith.addi %add3A_267, %add3A_704 : i32
      %broadcast_in_dim3A_725 = vector.broadcast %add3A_724 : i32 to vector<16xi32>
      %gt3A_726 = arith.cmpf ogt, %select_n3A_723, %scan3A_648 : vector<16xf32>
      %select_n3A_727 = arith.select %gt3A_726, %select_n3A_723, %scan3A_648 : vector<16xi1>, vector<16xf32>
      %select_n3A_728 = arith.select %gt3A_726, %broadcast_in_dim3A_725, %scan3A_649 : vector<16xi1>, vector<16xi32>
      %add3A_729 = arith.constant 150 : i32
      %add3A_730 = arith.addi %scan3A_643, %add3A_729 : i32
      %get3A_731 = arith.constant 0 : i32
      %get3A_732 = arith.index_cast %get3A_731 : i32 to index
      %get3A_733 = arith.index_cast %add3A_730 : i32 to index
      %get3A_734 = arith.constant 112 : index
      %get3A_735 = tpu.vector_load %arg7[%get3A_732, %get3A_733, %get3A_734] {strides = array<i32>} : memref<2x200x128xf32, #tpu.memory_space<vmem>>, vector<1x1x16xf32>,
      %get3A_736 = vector.shape_cast %get3A_735 : vector<1x1x16xf32> to vector<16xf32>
      %get3A_737 = arith.constant 0 : i32
      %get3A_738 = arith.index_cast %get3A_737 : i32 to index
      %get3A_739 = arith.index_cast %add3A_730 : i32 to index
      %get3A_740 = arith.constant 112 : index
      %get3A_741 = tpu.vector_load %arg8[%get3A_738, %get3A_739, %get3A_740] {strides = array<i32>} : memref<2x200x128xi32, #tpu.memory_space<vmem>>, vector<1x1x16xi32>,
      %get3A_742 = vector.shape_cast %get3A_741 : vector<1x1x16xi32> to vector<16xi32>
      %gt3A_743 = arith.constant 0 : i32
      %gt3A_744 = vector.broadcast %gt3A_743 : i32 to vector<16xi32>
      %gt3A_745 = arith.cmpi sgt, %get3A_742, %gt3A_744 : vector<16xi32>
      %mul3A_746 = arith.mulf %get3A_736, %div3A_69 : vector<16xf32>
      %mul3A_747 = arith.mulf %get3A_736, %get3A_45 : vector<16xf32>
      %min3A_748 = arith.minimumf %mul3A_746, %mul3A_747 : vector<16xf32>
      %select_n3A_749 = arith.select %gt3A_745, %min3A_748, %get3A_736 : vector<16xi1>, vector<16xf32>
      %add3A_750 = arith.addi %add3A_267, %add3A_730 : i32
      %broadcast_in_dim3A_751 = vector.broadcast %add3A_750 : i32 to vector<16xi32>
      %gt3A_752 = arith.cmpf ogt, %select_n3A_749, %scan3A_650 : vector<16xf32>
      %select_n3A_753 = arith.select %gt3A_752, %select_n3A_749, %scan3A_650 : vector<16xi1>, vector<16xf32>
      %select_n3A_754 = arith.select %gt3A_752, %broadcast_in_dim3A_751, %scan3A_651 : vector<16xi1>, vector<16xi32>
      scf.yield %select_n3A_675, %select_n3A_676, %select_n3A_701, %select_n3A_702, %select_n3A_727, %select_n3A_728, %select_n3A_753, %select_n3A_754 : vector<16xf32>, vector<16xi32>, vector<16xf32>, vector<16xi32>, vector<16xf32>, vector<16xi32>, vector<16xf32>, vector<16xi32>
    }
    %scan3A_315 = arith.constant 50 : i32
    %mul3A_316 = arith.constant 2 : i32
    %mul3A_317 = arith.muli %scan3A, %mul3A_316 : i32
    %add3A_318 = arith.constant 1 : i32
    %add3A_319 = arith.addi %mul3A_317, %add3A_318 : i32
    %mul3A_320 = arith.constant 200 : i32
    %mul3A_321 = arith.muli %add3A_319, %mul3A_320 : i32
    %add3A_322 = arith.addi %multiple_of3A, %mul3A_321 : i32
    %dma_wait3A_323 = arith.constant 1 : i32
    %dma_wait3A_324 = arith.constant 0 : i32
    %dma_wait3A_325 = arith.constant 0 : i32
    %dma_wait3A_326 = tpu.memref_slice %arg7[%dma_wait3A_323, %dma_wait3A_324, %dma_wait3A_325] : memref<2x200x128xf32, #tpu.memory_space<vmem>> -> memref<1x200x128xf32, #tpu.memory_space<vmem>>
    %dma_wait3A_327 = tpu.memref_squeeze %dma_wait3A_326 : memref<1x200x128xf32, #tpu.memory_space<vmem>> -> memref<200x128xf32, #tpu.memory_space<vmem>>
    %dma_wait3A_328 = arith.constant 0 : i32
    %dma_wait3A_329 = tpu.memref_slice %arg2[%add3A_322, %dma_wait3A_328] : memref<100000x128xf32, #tpu.memory_space<hbm>> -> memref<200x128xf32, #tpu.memory_space<hbm>>
    %dma_wait3A_330 = arith.constant 0 : i32
    %dma_wait3A_331 = arith.constant 0 : i32
    %dma_wait3A_332 = tpu.memref_slice %arg7[%dma_wait3A_323, %dma_wait3A_330, %dma_wait3A_331] : memref<2x200x128xf32, #tpu.memory_space<vmem>> -> memref<1x200x128xf32, #tpu.memory_space<vmem>>
    %dma_wait3A_333 = tpu.memref_squeeze %dma_wait3A_332 : memref<1x200x128xf32, #tpu.memory_space<vmem>> -> memref<200x128xf32, #tpu.memory_space<vmem>>
    %dma_wait3A_334 = arith.constant 0 : i32
    %dma_wait3A_335 = tpu.memref_slice %arg2[%add3A_322, %dma_wait3A_334] : memref<100000x128xf32, #tpu.memory_space<hbm>> -> memref<200x128xf32, #tpu.memory_space<hbm>>
    tpu.wait_dma2 semaphore(%arg13 : memref<!tpu.dma_semaphore, #tpu.memory_space<semaphore_mem>>) src(%dma_wait3A_335 : memref<200x128xf32, #tpu.memory_space<hbm>>) dst(%dma_wait3A_333 : memref<200x128xf32, #tpu.memory_space<vmem>>)
    %mul3A_336 = arith.constant 200 : i32
    %mul3A_337 = arith.muli %add3A_319, %mul3A_336 : i32
    %add3A_338 = arith.addi %multiple_of3A, %mul3A_337 : i32
    %dma_wait3A_339 = arith.constant 1 : i32
    %dma_wait3A_340 = arith.constant 0 : i32
    %dma_wait3A_341 = arith.constant 0 : i32
    %dma_wait3A_342 = tpu.memref_slice %arg8[%dma_wait3A_339, %dma_wait3A_340, %dma_wait3A_341] : memref<2x200x128xi32, #tpu.memory_space<vmem>> -> memref<1x200x128xi32, #tpu.memory_space<vmem>>
    %dma_wait3A_343 = tpu.memref_squeeze %dma_wait3A_342 : memref<1x200x128xi32, #tpu.memory_space<vmem>> -> memref<200x128xi32, #tpu.memory_space<vmem>>
    %dma_wait3A_344 = arith.constant 0 : i32
    %dma_wait3A_345 = tpu.memref_slice %arg3[%add3A_338, %dma_wait3A_344] : memref<100000x128xi32, #tpu.memory_space<hbm>> -> memref<200x128xi32, #tpu.memory_space<hbm>>
    %dma_wait3A_346 = arith.constant 0 : i32
    %dma_wait3A_347 = arith.constant 0 : i32
    %dma_wait3A_348 = tpu.memref_slice %arg8[%dma_wait3A_339, %dma_wait3A_346, %dma_wait3A_347] : memref<2x200x128xi32, #tpu.memory_space<vmem>> -> memref<1x200x128xi32, #tpu.memory_space<vmem>>
    %dma_wait3A_349 = tpu.memref_squeeze %dma_wait3A_348 : memref<1x200x128xi32, #tpu.memory_space<vmem>> -> memref<200x128xi32, #tpu.memory_space<vmem>>
    %dma_wait3A_350 = arith.constant 0 : i32
    %dma_wait3A_351 = tpu.memref_slice %arg3[%add3A_338, %dma_wait3A_350] : memref<100000x128xi32, #tpu.memory_space<hbm>> -> memref<200x128xi32, #tpu.memory_space<hbm>>
    tpu.wait_dma2 semaphore(%arg15 : memref<!tpu.dma_semaphore, #tpu.memory_space<semaphore_mem>>) src(%dma_wait3A_351 : memref<200x128xi32, #tpu.memory_space<hbm>>) dst(%dma_wait3A_349 : memref<200x128xi32, #tpu.memory_space<vmem>>)
    %add3A_352 = arith.constant 1 : i32
    %add3A_353 = arith.addi %add3A_319, %add3A_352 : i32
    %lt3A_354 = arith.constant 2 : i32
    %lt3A_355 = arith.cmpi slt, %add3A_353, %lt3A_354 : i32
    %convert_element_type3A_356 = arith.extui %lt3A_355 : i1 to i32
    %cond3A_357 = arith.constant 0 : i32
    %cond3A_358 = arith.cmpi ne, %convert_element_type3A_356, %cond3A_357 : i32
    scf.if %cond3A_358 {
      %add3A_643 = arith.constant 1 : i32
      %add3A_644 = arith.addi %add3A_319, %add3A_643 : i32
      %mul3A_645 = arith.constant 200 : i32
      %mul3A_646 = arith.muli %add3A_644, %mul3A_645 : i32
      %add3A_647 = arith.addi %multiple_of3A, %mul3A_646 : i32
      %dma_start3A_648 = arith.constant 0 : i32
      %dma_start3A_649 = arith.constant 0 : i32
      %dma_start3A_650 = arith.constant 0 : i32
      %dma_start3A_651 = tpu.memref_slice %arg7[%dma_start3A_648, %dma_start3A_649, %dma_start3A_650] : memref<2x200x128xf32, #tpu.memory_space<vmem>> -> memref<1x200x128xf32, #tpu.memory_space<vmem>>
      %dma_start3A_652 = tpu.memref_squeeze %dma_start3A_651 : memref<1x200x128xf32, #tpu.memory_space<vmem>> -> memref<200x128xf32, #tpu.memory_space<vmem>>
      %dma_start3A_653 = arith.constant 0 : i32
      %dma_start3A_654 = tpu.memref_slice %arg2[%add3A_647, %dma_start3A_653] : memref<100000x128xf32, #tpu.memory_space<hbm>> -> memref<200x128xf32, #tpu.memory_space<hbm>>
      %dma_start3A_655 = arith.constant 0 : i32
      %dma_start3A_656 = arith.constant 0 : i32
      %dma_start3A_657 = tpu.memref_slice %arg7[%dma_start3A_648, %dma_start3A_655, %dma_start3A_656] : memref<2x200x128xf32, #tpu.memory_space<vmem>> -> memref<1x200x128xf32, #tpu.memory_space<vmem>>
      %dma_start3A_658 = tpu.memref_squeeze %dma_start3A_657 : memref<1x200x128xf32, #tpu.memory_space<vmem>> -> memref<200x128xf32, #tpu.memory_space<vmem>>
      %dma_start3A_659 = arith.constant 0 : i32
      %dma_start3A_660 = tpu.memref_slice %arg2[%add3A_647, %dma_start3A_659] : memref<100000x128xf32, #tpu.memory_space<hbm>> -> memref<200x128xf32, #tpu.memory_space<hbm>>
      tpu.enqueue_dma source(%dma_start3A_660 : memref<200x128xf32, #tpu.memory_space<hbm>>) target(%dma_start3A_658 : memref<200x128xf32, #tpu.memory_space<vmem>>) target_semaphore(%arg12 : memref<!tpu.dma_semaphore, #tpu.memory_space<semaphore_mem>>)
      %mul3A_661 = arith.constant 200 : i32
      %mul3A_662 = arith.muli %add3A_644, %mul3A_661 : i32
      %add3A_663 = arith.addi %multiple_of3A, %mul3A_662 : i32
      %dma_start3A_664 = arith.constant 0 : i32
      %dma_start3A_665 = arith.constant 0 : i32
      %dma_start3A_666 = arith.constant 0 : i32
      %dma_start3A_667 = tpu.memref_slice %arg8[%dma_start3A_664, %dma_start3A_665, %dma_start3A_666] : memref<2x200x128xi32, #tpu.memory_space<vmem>> -> memref<1x200x128xi32, #tpu.memory_space<vmem>>
      %dma_start3A_668 = tpu.memref_squeeze %dma_start3A_667 : memref<1x200x128xi32, #tpu.memory_space<vmem>> -> memref<200x128xi32, #tpu.memory_space<vmem>>
      %dma_start3A_669 = arith.constant 0 : i32
      %dma_start3A_670 = tpu.memref_slice %arg3[%add3A_663, %dma_start3A_669] : memref<100000x128xi32, #tpu.memory_space<hbm>> -> memref<200x128xi32, #tpu.memory_space<hbm>>
      %dma_start3A_671 = arith.constant 0 : i32
      %dma_start3A_672 = arith.constant 0 : i32
      %dma_start3A_673 = tpu.memref_slice %arg8[%dma_start3A_664, %dma_start3A_671, %dma_start3A_672] : memref<2x200x128xi32, #tpu.memory_space<vmem>> -> memref<1x200x128xi32, #tpu.memory_space<vmem>>
      %dma_start3A_674 = tpu.memref_squeeze %dma_start3A_673 : memref<1x200x128xi32, #tpu.memory_space<vmem>> -> memref<200x128xi32, #tpu.memory_space<vmem>>
      %dma_start3A_675 = arith.constant 0 : i32
      %dma_start3A_676 = tpu.memref_slice %arg3[%add3A_663, %dma_start3A_675] : memref<100000x128xi32, #tpu.memory_space<hbm>> -> memref<200x128xi32, #tpu.memory_space<hbm>>
      tpu.enqueue_dma source(%dma_start3A_676 : memref<200x128xi32, #tpu.memory_space<hbm>>) target(%dma_start3A_674 : memref<200x128xi32, #tpu.memory_space<vmem>>) target_semaphore(%arg14 : memref<!tpu.dma_semaphore, #tpu.memory_space<semaphore_mem>>)
    } else {
    }
    %mul3A_359 = arith.constant 200 : i32
    %mul3A_360 = arith.muli %add3A_319, %mul3A_359 : i32
    %add3A_361 = arith.addi %multiple_of3A, %mul3A_360 : i32
    %scan3A_362 = arith.constant 0 : i32
    %scan3A_363 = arith.constant 50 : i32
    %scan3A_364 = arith.addi %scan3A_362, %scan3A_363 : i32
    %scan3A_365 = arith.constant 1 : i32
    %scan3A_366:8 = scf.for %scan3A_643 = %scan3A_362 to %scan3A_364 step %scan3A_365 iter_args(%scan3A_644 = %scan3A_272#0, %scan3A_645 = %scan3A_272#1, %scan3A_646 = %scan3A_272#2, %scan3A_647 = %scan3A_272#3, %scan3A_648 = %scan3A_272#4, %scan3A_649 = %scan3A_272#5, %scan3A_650 = %scan3A_272#6, %scan3A_651 = %scan3A_272#7) -> (vector<16xf32>, vector<16xi32>, vector<16xf32>, vector<16xi32>, vector<16xf32>, vector<16xi32>, vector<16xf32>, vector<16xi32>)  : i32 {
      %add3A_652 = arith.constant 0 : i32
      %add3A_653 = arith.addi %scan3A_643, %add3A_652 : i32
      %get3A_654 = arith.constant 1 : i32
      %get3A_655 = arith.index_cast %get3A_654 : i32 to index
      %get3A_656 = arith.index_cast %add3A_653 : i32 to index
      %get3A_657 = arith.constant 0 : index
      %get3A_658 = tpu.vector_load %arg7[%get3A_655, %get3A_656, %get3A_657] {strides = array<i32>} : memref<2x200x128xf32, #tpu.memory_space<vmem>>, vector<1x1x16xf32>,
      %get3A_659 = vector.shape_cast %get3A_658 : vector<1x1x16xf32> to vector<16xf32>
      %get3A_660 = arith.constant 1 : i32
      %get3A_661 = arith.index_cast %get3A_660 : i32 to index
      %get3A_662 = arith.index_cast %add3A_653 : i32 to index
      %get3A_663 = arith.constant 0 : index
      %get3A_664 = tpu.vector_load %arg8[%get3A_661, %get3A_662, %get3A_663] {strides = array<i32>} : memref<2x200x128xi32, #tpu.memory_space<vmem>>, vector<1x1x16xi32>,
      %get3A_665 = vector.shape_cast %get3A_664 : vector<1x1x16xi32> to vector<16xi32>
      %gt3A_666 = arith.constant 0 : i32
      %gt3A_667 = vector.broadcast %gt3A_666 : i32 to vector<16xi32>
      %gt3A_668 = arith.cmpi sgt, %get3A_665, %gt3A_667 : vector<16xi32>
      %mul3A_669 = arith.mulf %get3A_659, %div3A_48 : vector<16xf32>
      %mul3A_670 = arith.mulf %get3A_659, %get3A_24 : vector<16xf32>
      %min3A = arith.minimumf %mul3A_669, %mul3A_670 : vector<16xf32>
      %select_n3A_671 = arith.select %gt3A_668, %min3A, %get3A_659 : vector<16xi1>, vector<16xf32>
      %add3A_672 = arith.addi %add3A_361, %add3A_653 : i32
      %broadcast_in_dim3A_673 = vector.broadcast %add3A_672 : i32 to vector<16xi32>
      %gt3A_674 = arith.cmpf ogt, %select_n3A_671, %scan3A_644 : vector<16xf32>
      %select_n3A_675 = arith.select %gt3A_674, %select_n3A_671, %scan3A_644 : vector<16xi1>, vector<16xf32>
      %select_n3A_676 = arith.select %gt3A_674, %broadcast_in_dim3A_673, %scan3A_645 : vector<16xi1>, vector<16xi32>
      %add3A_677 = arith.constant 50 : i32
      %add3A_678 = arith.addi %scan3A_643, %add3A_677 : i32
      %get3A_679 = arith.constant 1 : i32
      %get3A_680 = arith.index_cast %get3A_679 : i32 to index
      %get3A_681 = arith.index_cast %add3A_678 : i32 to index
      %get3A_682 = arith.constant 0 : index
      %get3A_683 = tpu.vector_load %arg7[%get3A_680, %get3A_681, %get3A_682] {strides = array<i32>} : memref<2x200x128xf32, #tpu.memory_space<vmem>>, vector<1x1x16xf32>,
      %get3A_684 = vector.shape_cast %get3A_683 : vector<1x1x16xf32> to vector<16xf32>
      %get3A_685 = arith.constant 1 : i32
      %get3A_686 = arith.index_cast %get3A_685 : i32 to index
      %get3A_687 = arith.index_cast %add3A_678 : i32 to index
      %get3A_688 = arith.constant 0 : index
      %get3A_689 = tpu.vector_load %arg8[%get3A_686, %get3A_687, %get3A_688] {strides = array<i32>} : memref<2x200x128xi32, #tpu.memory_space<vmem>>, vector<1x1x16xi32>,
      %get3A_690 = vector.shape_cast %get3A_689 : vector<1x1x16xi32> to vector<16xi32>
      %gt3A_691 = arith.constant 0 : i32
      %gt3A_692 = vector.broadcast %gt3A_691 : i32 to vector<16xi32>
      %gt3A_693 = arith.cmpi sgt, %get3A_690, %gt3A_692 : vector<16xi32>
      %mul3A_694 = arith.mulf %get3A_684, %div3A_48 : vector<16xf32>
      %mul3A_695 = arith.mulf %get3A_684, %get3A_24 : vector<16xf32>
      %min3A_696 = arith.minimumf %mul3A_694, %mul3A_695 : vector<16xf32>
      %select_n3A_697 = arith.select %gt3A_693, %min3A_696, %get3A_684 : vector<16xi1>, vector<16xf32>
      %add3A_698 = arith.addi %add3A_361, %add3A_678 : i32
      %broadcast_in_dim3A_699 = vector.broadcast %add3A_698 : i32 to vector<16xi32>
      %gt3A_700 = arith.cmpf ogt, %select_n3A_697, %scan3A_646 : vector<16xf32>
      %select_n3A_701 = arith.select %gt3A_700, %select_n3A_697, %scan3A_646 : vector<16xi1>, vector<16xf32>
      %select_n3A_702 = arith.select %gt3A_700, %broadcast_in_dim3A_699, %scan3A_647 : vector<16xi1>, vector<16xi32>
      %add3A_703 = arith.constant 100 : i32
      %add3A_704 = arith.addi %scan3A_643, %add3A_703 : i32
      %get3A_705 = arith.constant 1 : i32
      %get3A_706 = arith.index_cast %get3A_705 : i32 to index
      %get3A_707 = arith.index_cast %add3A_704 : i32 to index
      %get3A_708 = arith.constant 0 : index
      %get3A_709 = tpu.vector_load %arg7[%get3A_706, %get3A_707, %get3A_708] {strides = array<i32>} : memref<2x200x128xf32, #tpu.memory_space<vmem>>, vector<1x1x16xf32>,
      %get3A_710 = vector.shape_cast %get3A_709 : vector<1x1x16xf32> to vector<16xf32>
      %get3A_711 = arith.constant 1 : i32
      %get3A_712 = arith.index_cast %get3A_711 : i32 to index
      %get3A_713 = arith.index_cast %add3A_704 : i32 to index
      %get3A_714 = arith.constant 0 : index
      %get3A_715 = tpu.vector_load %arg8[%get3A_712, %get3A_713, %get3A_714] {strides = array<i32>} : memref<2x200x128xi32, #tpu.memory_space<vmem>>, vector<1x1x16xi32>,
      %get3A_716 = vector.shape_cast %get3A_715 : vector<1x1x16xi32> to vector<16xi32>
      %gt3A_717 = arith.constant 0 : i32
      %gt3A_718 = vector.broadcast %gt3A_717 : i32 to vector<16xi32>
      %gt3A_719 = arith.cmpi sgt, %get3A_716, %gt3A_718 : vector<16xi32>
      %mul3A_720 = arith.mulf %get3A_710, %div3A_48 : vector<16xf32>
      %mul3A_721 = arith.mulf %get3A_710, %get3A_24 : vector<16xf32>
      %min3A_722 = arith.minimumf %mul3A_720, %mul3A_721 : vector<16xf32>
      %select_n3A_723 = arith.select %gt3A_719, %min3A_722, %get3A_710 : vector<16xi1>, vector<16xf32>
      %add3A_724 = arith.addi %add3A_361, %add3A_704 : i32
      %broadcast_in_dim3A_725 = vector.broadcast %add3A_724 : i32 to vector<16xi32>
      %gt3A_726 = arith.cmpf ogt, %select_n3A_723, %scan3A_648 : vector<16xf32>
      %select_n3A_727 = arith.select %gt3A_726, %select_n3A_723, %scan3A_648 : vector<16xi1>, vector<16xf32>
      %select_n3A_728 = arith.select %gt3A_726, %broadcast_in_dim3A_725, %scan3A_649 : vector<16xi1>, vector<16xi32>
      %add3A_729 = arith.constant 150 : i32
      %add3A_730 = arith.addi %scan3A_643, %add3A_729 : i32
      %get3A_731 = arith.constant 1 : i32
      %get3A_732 = arith.index_cast %get3A_731 : i32 to index
      %get3A_733 = arith.index_cast %add3A_730 : i32 to index
      %get3A_734 = arith.constant 0 : index
      %get3A_735 = tpu.vector_load %arg7[%get3A_732, %get3A_733, %get3A_734] {strides = array<i32>} : memref<2x200x128xf32, #tpu.memory_space<vmem>>, vector<1x1x16xf32>,
      %get3A_736 = vector.shape_cast %get3A_735 : vector<1x1x16xf32> to vector<16xf32>
      %get3A_737 = arith.constant 1 : i32
      %get3A_738 = arith.index_cast %get3A_737 : i32 to index
      %get3A_739 = arith.index_cast %add3A_730 : i32 to index
      %get3A_740 = arith.constant 0 : index
      %get3A_741 = tpu.vector_load %arg8[%get3A_738, %get3A_739, %get3A_740] {strides = array<i32>} : memref<2x200x128xi32, #tpu.memory_space<vmem>>, vector<1x1x16xi32>,
      %get3A_742 = vector.shape_cast %get3A_741 : vector<1x1x16xi32> to vector<16xi32>
      %gt3A_743 = arith.constant 0 : i32
      %gt3A_744 = vector.broadcast %gt3A_743 : i32 to vector<16xi32>
      %gt3A_745 = arith.cmpi sgt, %get3A_742, %gt3A_744 : vector<16xi32>
      %mul3A_746 = arith.mulf %get3A_736, %div3A_48 : vector<16xf32>
      %mul3A_747 = arith.mulf %get3A_736, %get3A_24 : vector<16xf32>
      %min3A_748 = arith.minimumf %mul3A_746, %mul3A_747 : vector<16xf32>
      %select_n3A_749 = arith.select %gt3A_745, %min3A_748, %get3A_736 : vector<16xi1>, vector<16xf32>
      %add3A_750 = arith.addi %add3A_361, %add3A_730 : i32
      %broadcast_in_dim3A_751 = vector.broadcast %add3A_750 : i32 to vector<16xi32>
      %gt3A_752 = arith.cmpf ogt, %select_n3A_749, %scan3A_650 : vector<16xf32>
      %select_n3A_753 = arith.select %gt3A_752, %select_n3A_749, %scan3A_650 : vector<16xi1>, vector<16xf32>
      %select_n3A_754 = arith.select %gt3A_752, %broadcast_in_dim3A_751, %scan3A_651 : vector<16xi1>, vector<16xi32>
      scf.yield %select_n3A_675, %select_n3A_676, %select_n3A_701, %select_n3A_702, %select_n3A_727, %select_n3A_728, %select_n3A_753, %select_n3A_754 : vector<16xf32>, vector<16xi32>, vector<16xf32>, vector<16xi32>, vector<16xf32>, vector<16xi32>, vector<16xf32>, vector<16xi32>
    }
    %scan3A_367 = arith.constant 50 : i32
    %scan3A_368 = arith.constant 0 : i32
    %scan3A_369 = arith.constant 50 : i32
    %scan3A_370 = arith.addi %scan3A_368, %scan3A_369 : i32
    %scan3A_371 = arith.constant 1 : i32
    %scan3A_372:8 = scf.for %scan3A_643 = %scan3A_368 to %scan3A_370 step %scan3A_371 iter_args(%scan3A_644 = %scan3A_278#0, %scan3A_645 = %scan3A_278#1, %scan3A_646 = %scan3A_278#2, %scan3A_647 = %scan3A_278#3, %scan3A_648 = %scan3A_278#4, %scan3A_649 = %scan3A_278#5, %scan3A_650 = %scan3A_278#6, %scan3A_651 = %scan3A_278#7) -> (vector<16xf32>, vector<16xi32>, vector<16xf32>, vector<16xi32>, vector<16xf32>, vector<16xi32>, vector<16xf32>, vector<16xi32>)  : i32 {
      %add3A_652 = arith.constant 0 : i32
      %add3A_653 = arith.addi %scan3A_643, %add3A_652 : i32
      %get3A_654 = arith.constant 1 : i32
      %get3A_655 = arith.index_cast %get3A_654 : i32 to index
      %get3A_656 = arith.index_cast %add3A_653 : i32 to index
      %get3A_657 = arith.constant 16 : index
      %get3A_658 = tpu.vector_load %arg7[%get3A_655, %get3A_656, %get3A_657] {strides = array<i32>} : memref<2x200x128xf32, #tpu.memory_space<vmem>>, vector<1x1x16xf32>,
      %get3A_659 = vector.shape_cast %get3A_658 : vector<1x1x16xf32> to vector<16xf32>
      %get3A_660 = arith.constant 1 : i32
      %get3A_661 = arith.index_cast %get3A_660 : i32 to index
      %get3A_662 = arith.index_cast %add3A_653 : i32 to index
      %get3A_663 = arith.constant 16 : index
      %get3A_664 = tpu.vector_load %arg8[%get3A_661, %get3A_662, %get3A_663] {strides = array<i32>} : memref<2x200x128xi32, #tpu.memory_space<vmem>>, vector<1x1x16xi32>,
      %get3A_665 = vector.shape_cast %get3A_664 : vector<1x1x16xi32> to vector<16xi32>
      %gt3A_666 = arith.constant 0 : i32
      %gt3A_667 = vector.broadcast %gt3A_666 : i32 to vector<16xi32>
      %gt3A_668 = arith.cmpi sgt, %get3A_665, %gt3A_667 : vector<16xi32>
      %mul3A_669 = arith.mulf %get3A_659, %div3A_51 : vector<16xf32>
      %mul3A_670 = arith.mulf %get3A_659, %get3A_27 : vector<16xf32>
      %min3A = arith.minimumf %mul3A_669, %mul3A_670 : vector<16xf32>
      %select_n3A_671 = arith.select %gt3A_668, %min3A, %get3A_659 : vector<16xi1>, vector<16xf32>
      %add3A_672 = arith.addi %add3A_361, %add3A_653 : i32
      %broadcast_in_dim3A_673 = vector.broadcast %add3A_672 : i32 to vector<16xi32>
      %gt3A_674 = arith.cmpf ogt, %select_n3A_671, %scan3A_644 : vector<16xf32>
      %select_n3A_675 = arith.select %gt3A_674, %select_n3A_671, %scan3A_644 : vector<16xi1>, vector<16xf32>
      %select_n3A_676 = arith.select %gt3A_674, %broadcast_in_dim3A_673, %scan3A_645 : vector<16xi1>, vector<16xi32>
      %add3A_677 = arith.constant 50 : i32
      %add3A_678 = arith.addi %scan3A_643, %add3A_677 : i32
      %get3A_679 = arith.constant 1 : i32
      %get3A_680 = arith.index_cast %get3A_679 : i32 to index
      %get3A_681 = arith.index_cast %add3A_678 : i32 to index
      %get3A_682 = arith.constant 16 : index
      %get3A_683 = tpu.vector_load %arg7[%get3A_680, %get3A_681, %get3A_682] {strides = array<i32>} : memref<2x200x128xf32, #tpu.memory_space<vmem>>, vector<1x1x16xf32>,
      %get3A_684 = vector.shape_cast %get3A_683 : vector<1x1x16xf32> to vector<16xf32>
      %get3A_685 = arith.constant 1 : i32
      %get3A_686 = arith.index_cast %get3A_685 : i32 to index
      %get3A_687 = arith.index_cast %add3A_678 : i32 to index
      %get3A_688 = arith.constant 16 : index
      %get3A_689 = tpu.vector_load %arg8[%get3A_686, %get3A_687, %get3A_688] {strides = array<i32>} : memref<2x200x128xi32, #tpu.memory_space<vmem>>, vector<1x1x16xi32>,
      %get3A_690 = vector.shape_cast %get3A_689 : vector<1x1x16xi32> to vector<16xi32>
      %gt3A_691 = arith.constant 0 : i32
      %gt3A_692 = vector.broadcast %gt3A_691 : i32 to vector<16xi32>
      %gt3A_693 = arith.cmpi sgt, %get3A_690, %gt3A_692 : vector<16xi32>
      %mul3A_694 = arith.mulf %get3A_684, %div3A_51 : vector<16xf32>
      %mul3A_695 = arith.mulf %get3A_684, %get3A_27 : vector<16xf32>
      %min3A_696 = arith.minimumf %mul3A_694, %mul3A_695 : vector<16xf32>
      %select_n3A_697 = arith.select %gt3A_693, %min3A_696, %get3A_684 : vector<16xi1>, vector<16xf32>
      %add3A_698 = arith.addi %add3A_361, %add3A_678 : i32
      %broadcast_in_dim3A_699 = vector.broadcast %add3A_698 : i32 to vector<16xi32>
      %gt3A_700 = arith.cmpf ogt, %select_n3A_697, %scan3A_646 : vector<16xf32>
      %select_n3A_701 = arith.select %gt3A_700, %select_n3A_697, %scan3A_646 : vector<16xi1>, vector<16xf32>
      %select_n3A_702 = arith.select %gt3A_700, %broadcast_in_dim3A_699, %scan3A_647 : vector<16xi1>, vector<16xi32>
      %add3A_703 = arith.constant 100 : i32
      %add3A_704 = arith.addi %scan3A_643, %add3A_703 : i32
      %get3A_705 = arith.constant 1 : i32
      %get3A_706 = arith.index_cast %get3A_705 : i32 to index
      %get3A_707 = arith.index_cast %add3A_704 : i32 to index
      %get3A_708 = arith.constant 16 : index
      %get3A_709 = tpu.vector_load %arg7[%get3A_706, %get3A_707, %get3A_708] {strides = array<i32>} : memref<2x200x128xf32, #tpu.memory_space<vmem>>, vector<1x1x16xf32>,
      %get3A_710 = vector.shape_cast %get3A_709 : vector<1x1x16xf32> to vector<16xf32>
      %get3A_711 = arith.constant 1 : i32
      %get3A_712 = arith.index_cast %get3A_711 : i32 to index
      %get3A_713 = arith.index_cast %add3A_704 : i32 to index
      %get3A_714 = arith.constant 16 : index
      %get3A_715 = tpu.vector_load %arg8[%get3A_712, %get3A_713, %get3A_714] {strides = array<i32>} : memref<2x200x128xi32, #tpu.memory_space<vmem>>, vector<1x1x16xi32>,
      %get3A_716 = vector.shape_cast %get3A_715 : vector<1x1x16xi32> to vector<16xi32>
      %gt3A_717 = arith.constant 0 : i32
      %gt3A_718 = vector.broadcast %gt3A_717 : i32 to vector<16xi32>
      %gt3A_719 = arith.cmpi sgt, %get3A_716, %gt3A_718 : vector<16xi32>
      %mul3A_720 = arith.mulf %get3A_710, %div3A_51 : vector<16xf32>
      %mul3A_721 = arith.mulf %get3A_710, %get3A_27 : vector<16xf32>
      %min3A_722 = arith.minimumf %mul3A_720, %mul3A_721 : vector<16xf32>
      %select_n3A_723 = arith.select %gt3A_719, %min3A_722, %get3A_710 : vector<16xi1>, vector<16xf32>
      %add3A_724 = arith.addi %add3A_361, %add3A_704 : i32
      %broadcast_in_dim3A_725 = vector.broadcast %add3A_724 : i32 to vector<16xi32>
      %gt3A_726 = arith.cmpf ogt, %select_n3A_723, %scan3A_648 : vector<16xf32>
      %select_n3A_727 = arith.select %gt3A_726, %select_n3A_723, %scan3A_648 : vector<16xi1>, vector<16xf32>
      %select_n3A_728 = arith.select %gt3A_726, %broadcast_in_dim3A_725, %scan3A_649 : vector<16xi1>, vector<16xi32>
      %add3A_729 = arith.constant 150 : i32
      %add3A_730 = arith.addi %scan3A_643, %add3A_729 : i32
      %get3A_731 = arith.constant 1 : i32
      %get3A_732 = arith.index_cast %get3A_731 : i32 to index
      %get3A_733 = arith.index_cast %add3A_730 : i32 to index
      %get3A_734 = arith.constant 16 : index
      %get3A_735 = tpu.vector_load %arg7[%get3A_732, %get3A_733, %get3A_734] {strides = array<i32>} : memref<2x200x128xf32, #tpu.memory_space<vmem>>, vector<1x1x16xf32>,
      %get3A_736 = vector.shape_cast %get3A_735 : vector<1x1x16xf32> to vector<16xf32>
      %get3A_737 = arith.constant 1 : i32
      %get3A_738 = arith.index_cast %get3A_737 : i32 to index
      %get3A_739 = arith.index_cast %add3A_730 : i32 to index
      %get3A_740 = arith.constant 16 : index
      %get3A_741 = tpu.vector_load %arg8[%get3A_738, %get3A_739, %get3A_740] {strides = array<i32>} : memref<2x200x128xi32, #tpu.memory_space<vmem>>, vector<1x1x16xi32>,
      %get3A_742 = vector.shape_cast %get3A_741 : vector<1x1x16xi32> to vector<16xi32>
      %gt3A_743 = arith.constant 0 : i32
      %gt3A_744 = vector.broadcast %gt3A_743 : i32 to vector<16xi32>
      %gt3A_745 = arith.cmpi sgt, %get3A_742, %gt3A_744 : vector<16xi32>
      %mul3A_746 = arith.mulf %get3A_736, %div3A_51 : vector<16xf32>
      %mul3A_747 = arith.mulf %get3A_736, %get3A_27 : vector<16xf32>
      %min3A_748 = arith.minimumf %mul3A_746, %mul3A_747 : vector<16xf32>
      %select_n3A_749 = arith.select %gt3A_745, %min3A_748, %get3A_736 : vector<16xi1>, vector<16xf32>
      %add3A_750 = arith.addi %add3A_361, %add3A_730 : i32
      %broadcast_in_dim3A_751 = vector.broadcast %add3A_750 : i32 to vector<16xi32>
      %gt3A_752 = arith.cmpf ogt, %select_n3A_749, %scan3A_650 : vector<16xf32>
      %select_n3A_753 = arith.select %gt3A_752, %select_n3A_749, %scan3A_650 : vector<16xi1>, vector<16xf32>
      %select_n3A_754 = arith.select %gt3A_752, %broadcast_in_dim3A_751, %scan3A_651 : vector<16xi1>, vector<16xi32>
      scf.yield %select_n3A_675, %select_n3A_676, %select_n3A_701, %select_n3A_702, %select_n3A_727, %select_n3A_728, %select_n3A_753, %select_n3A_754 : vector<16xf32>, vector<16xi32>, vector<16xf32>, vector<16xi32>, vector<16xf32>, vector<16xi32>, vector<16xf32>, vector<16xi32>
    }
    %scan3A_373 = arith.constant 50 : i32
    %scan3A_374 = arith.constant 0 : i32
    %scan3A_375 = arith.constant 50 : i32
    %scan3A_376 = arith.addi %scan3A_374, %scan3A_375 : i32
    %scan3A_377 = arith.constant 1 : i32
    %scan3A_378:8 = scf.for %scan3A_643 = %scan3A_374 to %scan3A_376 step %scan3A_377 iter_args(%scan3A_644 = %scan3A_284#0, %scan3A_645 = %scan3A_284#1, %scan3A_646 = %scan3A_284#2, %scan3A_647 = %scan3A_284#3, %scan3A_648 = %scan3A_284#4, %scan3A_649 = %scan3A_284#5, %scan3A_650 = %scan3A_284#6, %scan3A_651 = %scan3A_284#7) -> (vector<16xf32>, vector<16xi32>, vector<16xf32>, vector<16xi32>, vector<16xf32>, vector<16xi32>, vector<16xf32>, vector<16xi32>)  : i32 {
      %add3A_652 = arith.constant 0 : i32
      %add3A_653 = arith.addi %scan3A_643, %add3A_652 : i32
      %get3A_654 = arith.constant 1 : i32
      %get3A_655 = arith.index_cast %get3A_654 : i32 to index
      %get3A_656 = arith.index_cast %add3A_653 : i32 to index
      %get3A_657 = arith.constant 32 : index
      %get3A_658 = tpu.vector_load %arg7[%get3A_655, %get3A_656, %get3A_657] {strides = array<i32>} : memref<2x200x128xf32, #tpu.memory_space<vmem>>, vector<1x1x16xf32>,
      %get3A_659 = vector.shape_cast %get3A_658 : vector<1x1x16xf32> to vector<16xf32>
      %get3A_660 = arith.constant 1 : i32
      %get3A_661 = arith.index_cast %get3A_660 : i32 to index
      %get3A_662 = arith.index_cast %add3A_653 : i32 to index
      %get3A_663 = arith.constant 32 : index
      %get3A_664 = tpu.vector_load %arg8[%get3A_661, %get3A_662, %get3A_663] {strides = array<i32>} : memref<2x200x128xi32, #tpu.memory_space<vmem>>, vector<1x1x16xi32>,
      %get3A_665 = vector.shape_cast %get3A_664 : vector<1x1x16xi32> to vector<16xi32>
      %gt3A_666 = arith.constant 0 : i32
      %gt3A_667 = vector.broadcast %gt3A_666 : i32 to vector<16xi32>
      %gt3A_668 = arith.cmpi sgt, %get3A_665, %gt3A_667 : vector<16xi32>
      %mul3A_669 = arith.mulf %get3A_659, %div3A_54 : vector<16xf32>
      %mul3A_670 = arith.mulf %get3A_659, %get3A_30 : vector<16xf32>
      %min3A = arith.minimumf %mul3A_669, %mul3A_670 : vector<16xf32>
      %select_n3A_671 = arith.select %gt3A_668, %min3A, %get3A_659 : vector<16xi1>, vector<16xf32>
      %add3A_672 = arith.addi %add3A_361, %add3A_653 : i32
      %broadcast_in_dim3A_673 = vector.broadcast %add3A_672 : i32 to vector<16xi32>
      %gt3A_674 = arith.cmpf ogt, %select_n3A_671, %scan3A_644 : vector<16xf32>
      %select_n3A_675 = arith.select %gt3A_674, %select_n3A_671, %scan3A_644 : vector<16xi1>, vector<16xf32>
      %select_n3A_676 = arith.select %gt3A_674, %broadcast_in_dim3A_673, %scan3A_645 : vector<16xi1>, vector<16xi32>
      %add3A_677 = arith.constant 50 : i32
      %add3A_678 = arith.addi %scan3A_643, %add3A_677 : i32
      %get3A_679 = arith.constant 1 : i32
      %get3A_680 = arith.index_cast %get3A_679 : i32 to index
      %get3A_681 = arith.index_cast %add3A_678 : i32 to index
      %get3A_682 = arith.constant 32 : index
      %get3A_683 = tpu.vector_load %arg7[%get3A_680, %get3A_681, %get3A_682] {strides = array<i32>} : memref<2x200x128xf32, #tpu.memory_space<vmem>>, vector<1x1x16xf32>,
      %get3A_684 = vector.shape_cast %get3A_683 : vector<1x1x16xf32> to vector<16xf32>
      %get3A_685 = arith.constant 1 : i32
      %get3A_686 = arith.index_cast %get3A_685 : i32 to index
      %get3A_687 = arith.index_cast %add3A_678 : i32 to index
      %get3A_688 = arith.constant 32 : index
      %get3A_689 = tpu.vector_load %arg8[%get3A_686, %get3A_687, %get3A_688] {strides = array<i32>} : memref<2x200x128xi32, #tpu.memory_space<vmem>>, vector<1x1x16xi32>,
      %get3A_690 = vector.shape_cast %get3A_689 : vector<1x1x16xi32> to vector<16xi32>
      %gt3A_691 = arith.constant 0 : i32
      %gt3A_692 = vector.broadcast %gt3A_691 : i32 to vector<16xi32>
      %gt3A_693 = arith.cmpi sgt, %get3A_690, %gt3A_692 : vector<16xi32>
      %mul3A_694 = arith.mulf %get3A_684, %div3A_54 : vector<16xf32>
      %mul3A_695 = arith.mulf %get3A_684, %get3A_30 : vector<16xf32>
      %min3A_696 = arith.minimumf %mul3A_694, %mul3A_695 : vector<16xf32>
      %select_n3A_697 = arith.select %gt3A_693, %min3A_696, %get3A_684 : vector<16xi1>, vector<16xf32>
      %add3A_698 = arith.addi %add3A_361, %add3A_678 : i32
      %broadcast_in_dim3A_699 = vector.broadcast %add3A_698 : i32 to vector<16xi32>
      %gt3A_700 = arith.cmpf ogt, %select_n3A_697, %scan3A_646 : vector<16xf32>
      %select_n3A_701 = arith.select %gt3A_700, %select_n3A_697, %scan3A_646 : vector<16xi1>, vector<16xf32>
      %select_n3A_702 = arith.select %gt3A_700, %broadcast_in_dim3A_699, %scan3A_647 : vector<16xi1>, vector<16xi32>
      %add3A_703 = arith.constant 100 : i32
      %add3A_704 = arith.addi %scan3A_643, %add3A_703 : i32
      %get3A_705 = arith.constant 1 : i32
      %get3A_706 = arith.index_cast %get3A_705 : i32 to index
      %get3A_707 = arith.index_cast %add3A_704 : i32 to index
      %get3A_708 = arith.constant 32 : index
      %get3A_709 = tpu.vector_load %arg7[%get3A_706, %get3A_707, %get3A_708] {strides = array<i32>} : memref<2x200x128xf32, #tpu.memory_space<vmem>>, vector<1x1x16xf32>,
      %get3A_710 = vector.shape_cast %get3A_709 : vector<1x1x16xf32> to vector<16xf32>
      %get3A_711 = arith.constant 1 : i32
      %get3A_712 = arith.index_cast %get3A_711 : i32 to index
      %get3A_713 = arith.index_cast %add3A_704 : i32 to index
      %get3A_714 = arith.constant 32 : index
      %get3A_715 = tpu.vector_load %arg8[%get3A_712, %get3A_713, %get3A_714] {strides = array<i32>} : memref<2x200x128xi32, #tpu.memory_space<vmem>>, vector<1x1x16xi32>,
      %get3A_716 = vector.shape_cast %get3A_715 : vector<1x1x16xi32> to vector<16xi32>
      %gt3A_717 = arith.constant 0 : i32
      %gt3A_718 = vector.broadcast %gt3A_717 : i32 to vector<16xi32>
      %gt3A_719 = arith.cmpi sgt, %get3A_716, %gt3A_718 : vector<16xi32>
      %mul3A_720 = arith.mulf %get3A_710, %div3A_54 : vector<16xf32>
      %mul3A_721 = arith.mulf %get3A_710, %get3A_30 : vector<16xf32>
      %min3A_722 = arith.minimumf %mul3A_720, %mul3A_721 : vector<16xf32>
      %select_n3A_723 = arith.select %gt3A_719, %min3A_722, %get3A_710 : vector<16xi1>, vector<16xf32>
      %add3A_724 = arith.addi %add3A_361, %add3A_704 : i32
      %broadcast_in_dim3A_725 = vector.broadcast %add3A_724 : i32 to vector<16xi32>
      %gt3A_726 = arith.cmpf ogt, %select_n3A_723, %scan3A_648 : vector<16xf32>
      %select_n3A_727 = arith.select %gt3A_726, %select_n3A_723, %scan3A_648 : vector<16xi1>, vector<16xf32>
      %select_n3A_728 = arith.select %gt3A_726, %broadcast_in_dim3A_725, %scan3A_649 : vector<16xi1>, vector<16xi32>
      %add3A_729 = arith.constant 150 : i32
      %add3A_730 = arith.addi %scan3A_643, %add3A_729 : i32
      %get3A_731 = arith.constant 1 : i32
      %get3A_732 = arith.index_cast %get3A_731 : i32 to index
      %get3A_733 = arith.index_cast %add3A_730 : i32 to index
      %get3A_734 = arith.constant 32 : index
      %get3A_735 = tpu.vector_load %arg7[%get3A_732, %get3A_733, %get3A_734] {strides = array<i32>} : memref<2x200x128xf32, #tpu.memory_space<vmem>>, vector<1x1x16xf32>,
      %get3A_736 = vector.shape_cast %get3A_735 : vector<1x1x16xf32> to vector<16xf32>
      %get3A_737 = arith.constant 1 : i32
      %get3A_738 = arith.index_cast %get3A_737 : i32 to index
      %get3A_739 = arith.index_cast %add3A_730 : i32 to index
      %get3A_740 = arith.constant 32 : index
      %get3A_741 = tpu.vector_load %arg8[%get3A_738, %get3A_739, %get3A_740] {strides = array<i32>} : memref<2x200x128xi32, #tpu.memory_space<vmem>>, vector<1x1x16xi32>,
      %get3A_742 = vector.shape_cast %get3A_741 : vector<1x1x16xi32> to vector<16xi32>
      %gt3A_743 = arith.constant 0 : i32
      %gt3A_744 = vector.broadcast %gt3A_743 : i32 to vector<16xi32>
      %gt3A_745 = arith.cmpi sgt, %get3A_742, %gt3A_744 : vector<16xi32>
      %mul3A_746 = arith.mulf %get3A_736, %div3A_54 : vector<16xf32>
      %mul3A_747 = arith.mulf %get3A_736, %get3A_30 : vector<16xf32>
      %min3A_748 = arith.minimumf %mul3A_746, %mul3A_747 : vector<16xf32>
      %select_n3A_749 = arith.select %gt3A_745, %min3A_748, %get3A_736 : vector<16xi1>, vector<16xf32>
      %add3A_750 = arith.addi %add3A_361, %add3A_730 : i32
      %broadcast_in_dim3A_751 = vector.broadcast %add3A_750 : i32 to vector<16xi32>
      %gt3A_752 = arith.cmpf ogt, %select_n3A_749, %scan3A_650 : vector<16xf32>
      %select_n3A_753 = arith.select %gt3A_752, %select_n3A_749, %scan3A_650 : vector<16xi1>, vector<16xf32>
      %select_n3A_754 = arith.select %gt3A_752, %broadcast_in_dim3A_751, %scan3A_651 : vector<16xi1>, vector<16xi32>
      scf.yield %select_n3A_675, %select_n3A_676, %select_n3A_701, %select_n3A_702, %select_n3A_727, %select_n3A_728, %select_n3A_753, %select_n3A_754 : vector<16xf32>, vector<16xi32>, vector<16xf32>, vector<16xi32>, vector<16xf32>, vector<16xi32>, vector<16xf32>, vector<16xi32>
    }
    %scan3A_379 = arith.constant 50 : i32
    %scan3A_380 = arith.constant 0 : i32
    %scan3A_381 = arith.constant 50 : i32
    %scan3A_382 = arith.addi %scan3A_380, %scan3A_381 : i32
    %scan3A_383 = arith.constant 1 : i32
    %scan3A_384:8 = scf.for %scan3A_643 = %scan3A_380 to %scan3A_382 step %scan3A_383 iter_args(%scan3A_644 = %scan3A_290#0, %scan3A_645 = %scan3A_290#1, %scan3A_646 = %scan3A_290#2, %scan3A_647 = %scan3A_290#3, %scan3A_648 = %scan3A_290#4, %scan3A_649 = %scan3A_290#5, %scan3A_650 = %scan3A_290#6, %scan3A_651 = %scan3A_290#7) -> (vector<16xf32>, vector<16xi32>, vector<16xf32>, vector<16xi32>, vector<16xf32>, vector<16xi32>, vector<16xf32>, vector<16xi32>)  : i32 {
      %add3A_652 = arith.constant 0 : i32
      %add3A_653 = arith.addi %scan3A_643, %add3A_652 : i32
      %get3A_654 = arith.constant 1 : i32
      %get3A_655 = arith.index_cast %get3A_654 : i32 to index
      %get3A_656 = arith.index_cast %add3A_653 : i32 to index
      %get3A_657 = arith.constant 48 : index
      %get3A_658 = tpu.vector_load %arg7[%get3A_655, %get3A_656, %get3A_657] {strides = array<i32>} : memref<2x200x128xf32, #tpu.memory_space<vmem>>, vector<1x1x16xf32>,
      %get3A_659 = vector.shape_cast %get3A_658 : vector<1x1x16xf32> to vector<16xf32>
      %get3A_660 = arith.constant 1 : i32
      %get3A_661 = arith.index_cast %get3A_660 : i32 to index
      %get3A_662 = arith.index_cast %add3A_653 : i32 to index
      %get3A_663 = arith.constant 48 : index
      %get3A_664 = tpu.vector_load %arg8[%get3A_661, %get3A_662, %get3A_663] {strides = array<i32>} : memref<2x200x128xi32, #tpu.memory_space<vmem>>, vector<1x1x16xi32>,
      %get3A_665 = vector.shape_cast %get3A_664 : vector<1x1x16xi32> to vector<16xi32>
      %gt3A_666 = arith.constant 0 : i32
      %gt3A_667 = vector.broadcast %gt3A_666 : i32 to vector<16xi32>
      %gt3A_668 = arith.cmpi sgt, %get3A_665, %gt3A_667 : vector<16xi32>
      %mul3A_669 = arith.mulf %get3A_659, %div3A_57 : vector<16xf32>
      %mul3A_670 = arith.mulf %get3A_659, %get3A_33 : vector<16xf32>
      %min3A = arith.minimumf %mul3A_669, %mul3A_670 : vector<16xf32>
      %select_n3A_671 = arith.select %gt3A_668, %min3A, %get3A_659 : vector<16xi1>, vector<16xf32>
      %add3A_672 = arith.addi %add3A_361, %add3A_653 : i32
      %broadcast_in_dim3A_673 = vector.broadcast %add3A_672 : i32 to vector<16xi32>
      %gt3A_674 = arith.cmpf ogt, %select_n3A_671, %scan3A_644 : vector<16xf32>
      %select_n3A_675 = arith.select %gt3A_674, %select_n3A_671, %scan3A_644 : vector<16xi1>, vector<16xf32>
      %select_n3A_676 = arith.select %gt3A_674, %broadcast_in_dim3A_673, %scan3A_645 : vector<16xi1>, vector<16xi32>
      %add3A_677 = arith.constant 50 : i32
      %add3A_678 = arith.addi %scan3A_643, %add3A_677 : i32
      %get3A_679 = arith.constant 1 : i32
      %get3A_680 = arith.index_cast %get3A_679 : i32 to index
      %get3A_681 = arith.index_cast %add3A_678 : i32 to index
      %get3A_682 = arith.constant 48 : index
      %get3A_683 = tpu.vector_load %arg7[%get3A_680, %get3A_681, %get3A_682] {strides = array<i32>} : memref<2x200x128xf32, #tpu.memory_space<vmem>>, vector<1x1x16xf32>,
      %get3A_684 = vector.shape_cast %get3A_683 : vector<1x1x16xf32> to vector<16xf32>
      %get3A_685 = arith.constant 1 : i32
      %get3A_686 = arith.index_cast %get3A_685 : i32 to index
      %get3A_687 = arith.index_cast %add3A_678 : i32 to index
      %get3A_688 = arith.constant 48 : index
      %get3A_689 = tpu.vector_load %arg8[%get3A_686, %get3A_687, %get3A_688] {strides = array<i32>} : memref<2x200x128xi32, #tpu.memory_space<vmem>>, vector<1x1x16xi32>,
      %get3A_690 = vector.shape_cast %get3A_689 : vector<1x1x16xi32> to vector<16xi32>
      %gt3A_691 = arith.constant 0 : i32
      %gt3A_692 = vector.broadcast %gt3A_691 : i32 to vector<16xi32>
      %gt3A_693 = arith.cmpi sgt, %get3A_690, %gt3A_692 : vector<16xi32>
      %mul3A_694 = arith.mulf %get3A_684, %div3A_57 : vector<16xf32>
      %mul3A_695 = arith.mulf %get3A_684, %get3A_33 : vector<16xf32>
      %min3A_696 = arith.minimumf %mul3A_694, %mul3A_695 : vector<16xf32>
      %select_n3A_697 = arith.select %gt3A_693, %min3A_696, %get3A_684 : vector<16xi1>, vector<16xf32>
      %add3A_698 = arith.addi %add3A_361, %add3A_678 : i32
      %broadcast_in_dim3A_699 = vector.broadcast %add3A_698 : i32 to vector<16xi32>
      %gt3A_700 = arith.cmpf ogt, %select_n3A_697, %scan3A_646 : vector<16xf32>
      %select_n3A_701 = arith.select %gt3A_700, %select_n3A_697, %scan3A_646 : vector<16xi1>, vector<16xf32>
      %select_n3A_702 = arith.select %gt3A_700, %broadcast_in_dim3A_699, %scan3A_647 : vector<16xi1>, vector<16xi32>
      %add3A_703 = arith.constant 100 : i32
      %add3A_704 = arith.addi %scan3A_643, %add3A_703 : i32
      %get3A_705 = arith.constant 1 : i32
      %get3A_706 = arith.index_cast %get3A_705 : i32 to index
      %get3A_707 = arith.index_cast %add3A_704 : i32 to index
      %get3A_708 = arith.constant 48 : index
      %get3A_709 = tpu.vector_load %arg7[%get3A_706, %get3A_707, %get3A_708] {strides = array<i32>} : memref<2x200x128xf32, #tpu.memory_space<vmem>>, vector<1x1x16xf32>,
      %get3A_710 = vector.shape_cast %get3A_709 : vector<1x1x16xf32> to vector<16xf32>
      %get3A_711 = arith.constant 1 : i32
      %get3A_712 = arith.index_cast %get3A_711 : i32 to index
      %get3A_713 = arith.index_cast %add3A_704 : i32 to index
      %get3A_714 = arith.constant 48 : index
      %get3A_715 = tpu.vector_load %arg8[%get3A_712, %get3A_713, %get3A_714] {strides = array<i32>} : memref<2x200x128xi32, #tpu.memory_space<vmem>>, vector<1x1x16xi32>,
      %get3A_716 = vector.shape_cast %get3A_715 : vector<1x1x16xi32> to vector<16xi32>
      %gt3A_717 = arith.constant 0 : i32
      %gt3A_718 = vector.broadcast %gt3A_717 : i32 to vector<16xi32>
      %gt3A_719 = arith.cmpi sgt, %get3A_716, %gt3A_718 : vector<16xi32>
      %mul3A_720 = arith.mulf %get3A_710, %div3A_57 : vector<16xf32>
      %mul3A_721 = arith.mulf %get3A_710, %get3A_33 : vector<16xf32>
      %min3A_722 = arith.minimumf %mul3A_720, %mul3A_721 : vector<16xf32>
      %select_n3A_723 = arith.select %gt3A_719, %min3A_722, %get3A_710 : vector<16xi1>, vector<16xf32>
      %add3A_724 = arith.addi %add3A_361, %add3A_704 : i32
      %broadcast_in_dim3A_725 = vector.broadcast %add3A_724 : i32 to vector<16xi32>
      %gt3A_726 = arith.cmpf ogt, %select_n3A_723, %scan3A_648 : vector<16xf32>
      %select_n3A_727 = arith.select %gt3A_726, %select_n3A_723, %scan3A_648 : vector<16xi1>, vector<16xf32>
      %select_n3A_728 = arith.select %gt3A_726, %broadcast_in_dim3A_725, %scan3A_649 : vector<16xi1>, vector<16xi32>
      %add3A_729 = arith.constant 150 : i32
      %add3A_730 = arith.addi %scan3A_643, %add3A_729 : i32
      %get3A_731 = arith.constant 1 : i32
      %get3A_732 = arith.index_cast %get3A_731 : i32 to index
      %get3A_733 = arith.index_cast %add3A_730 : i32 to index
      %get3A_734 = arith.constant 48 : index
      %get3A_735 = tpu.vector_load %arg7[%get3A_732, %get3A_733, %get3A_734] {strides = array<i32>} : memref<2x200x128xf32, #tpu.memory_space<vmem>>, vector<1x1x16xf32>,
      %get3A_736 = vector.shape_cast %get3A_735 : vector<1x1x16xf32> to vector<16xf32>
      %get3A_737 = arith.constant 1 : i32
      %get3A_738 = arith.index_cast %get3A_737 : i32 to index
      %get3A_739 = arith.index_cast %add3A_730 : i32 to index
      %get3A_740 = arith.constant 48 : index
      %get3A_741 = tpu.vector_load %arg8[%get3A_738, %get3A_739, %get3A_740] {strides = array<i32>} : memref<2x200x128xi32, #tpu.memory_space<vmem>>, vector<1x1x16xi32>,
      %get3A_742 = vector.shape_cast %get3A_741 : vector<1x1x16xi32> to vector<16xi32>
      %gt3A_743 = arith.constant 0 : i32
      %gt3A_744 = vector.broadcast %gt3A_743 : i32 to vector<16xi32>
      %gt3A_745 = arith.cmpi sgt, %get3A_742, %gt3A_744 : vector<16xi32>
      %mul3A_746 = arith.mulf %get3A_736, %div3A_57 : vector<16xf32>
      %mul3A_747 = arith.mulf %get3A_736, %get3A_33 : vector<16xf32>
      %min3A_748 = arith.minimumf %mul3A_746, %mul3A_747 : vector<16xf32>
      %select_n3A_749 = arith.select %gt3A_745, %min3A_748, %get3A_736 : vector<16xi1>, vector<16xf32>
      %add3A_750 = arith.addi %add3A_361, %add3A_730 : i32
      %broadcast_in_dim3A_751 = vector.broadcast %add3A_750 : i32 to vector<16xi32>
      %gt3A_752 = arith.cmpf ogt, %select_n3A_749, %scan3A_650 : vector<16xf32>
      %select_n3A_753 = arith.select %gt3A_752, %select_n3A_749, %scan3A_650 : vector<16xi1>, vector<16xf32>
      %select_n3A_754 = arith.select %gt3A_752, %broadcast_in_dim3A_751, %scan3A_651 : vector<16xi1>, vector<16xi32>
      scf.yield %select_n3A_675, %select_n3A_676, %select_n3A_701, %select_n3A_702, %select_n3A_727, %select_n3A_728, %select_n3A_753, %select_n3A_754 : vector<16xf32>, vector<16xi32>, vector<16xf32>, vector<16xi32>, vector<16xf32>, vector<16xi32>, vector<16xf32>, vector<16xi32>
    }
    %scan3A_385 = arith.constant 50 : i32
    %scan3A_386 = arith.constant 0 : i32
    %scan3A_387 = arith.constant 50 : i32
    %scan3A_388 = arith.addi %scan3A_386, %scan3A_387 : i32
    %scan3A_389 = arith.constant 1 : i32
    %scan3A_390:8 = scf.for %scan3A_643 = %scan3A_386 to %scan3A_388 step %scan3A_389 iter_args(%scan3A_644 = %scan3A_296#0, %scan3A_645 = %scan3A_296#1, %scan3A_646 = %scan3A_296#2, %scan3A_647 = %scan3A_296#3, %scan3A_648 = %scan3A_296#4, %scan3A_649 = %scan3A_296#5, %scan3A_650 = %scan3A_296#6, %scan3A_651 = %scan3A_296#7) -> (vector<16xf32>, vector<16xi32>, vector<16xf32>, vector<16xi32>, vector<16xf32>, vector<16xi32>, vector<16xf32>, vector<16xi32>)  : i32 {
      %add3A_652 = arith.constant 0 : i32
      %add3A_653 = arith.addi %scan3A_643, %add3A_652 : i32
      %get3A_654 = arith.constant 1 : i32
      %get3A_655 = arith.index_cast %get3A_654 : i32 to index
      %get3A_656 = arith.index_cast %add3A_653 : i32 to index
      %get3A_657 = arith.constant 64 : index
      %get3A_658 = tpu.vector_load %arg7[%get3A_655, %get3A_656, %get3A_657] {strides = array<i32>} : memref<2x200x128xf32, #tpu.memory_space<vmem>>, vector<1x1x16xf32>,
      %get3A_659 = vector.shape_cast %get3A_658 : vector<1x1x16xf32> to vector<16xf32>
      %get3A_660 = arith.constant 1 : i32
      %get3A_661 = arith.index_cast %get3A_660 : i32 to index
      %get3A_662 = arith.index_cast %add3A_653 : i32 to index
      %get3A_663 = arith.constant 64 : index
      %get3A_664 = tpu.vector_load %arg8[%get3A_661, %get3A_662, %get3A_663] {strides = array<i32>} : memref<2x200x128xi32, #tpu.memory_space<vmem>>, vector<1x1x16xi32>,
      %get3A_665 = vector.shape_cast %get3A_664 : vector<1x1x16xi32> to vector<16xi32>
      %gt3A_666 = arith.constant 0 : i32
      %gt3A_667 = vector.broadcast %gt3A_666 : i32 to vector<16xi32>
      %gt3A_668 = arith.cmpi sgt, %get3A_665, %gt3A_667 : vector<16xi32>
      %mul3A_669 = arith.mulf %get3A_659, %div3A_60 : vector<16xf32>
      %mul3A_670 = arith.mulf %get3A_659, %get3A_36 : vector<16xf32>
      %min3A = arith.minimumf %mul3A_669, %mul3A_670 : vector<16xf32>
      %select_n3A_671 = arith.select %gt3A_668, %min3A, %get3A_659 : vector<16xi1>, vector<16xf32>
      %add3A_672 = arith.addi %add3A_361, %add3A_653 : i32
      %broadcast_in_dim3A_673 = vector.broadcast %add3A_672 : i32 to vector<16xi32>
      %gt3A_674 = arith.cmpf ogt, %select_n3A_671, %scan3A_644 : vector<16xf32>
      %select_n3A_675 = arith.select %gt3A_674, %select_n3A_671, %scan3A_644 : vector<16xi1>, vector<16xf32>
      %select_n3A_676 = arith.select %gt3A_674, %broadcast_in_dim3A_673, %scan3A_645 : vector<16xi1>, vector<16xi32>
      %add3A_677 = arith.constant 50 : i32
      %add3A_678 = arith.addi %scan3A_643, %add3A_677 : i32
      %get3A_679 = arith.constant 1 : i32
      %get3A_680 = arith.index_cast %get3A_679 : i32 to index
      %get3A_681 = arith.index_cast %add3A_678 : i32 to index
      %get3A_682 = arith.constant 64 : index
      %get3A_683 = tpu.vector_load %arg7[%get3A_680, %get3A_681, %get3A_682] {strides = array<i32>} : memref<2x200x128xf32, #tpu.memory_space<vmem>>, vector<1x1x16xf32>,
      %get3A_684 = vector.shape_cast %get3A_683 : vector<1x1x16xf32> to vector<16xf32>
      %get3A_685 = arith.constant 1 : i32
      %get3A_686 = arith.index_cast %get3A_685 : i32 to index
      %get3A_687 = arith.index_cast %add3A_678 : i32 to index
      %get3A_688 = arith.constant 64 : index
      %get3A_689 = tpu.vector_load %arg8[%get3A_686, %get3A_687, %get3A_688] {strides = array<i32>} : memref<2x200x128xi32, #tpu.memory_space<vmem>>, vector<1x1x16xi32>,
      %get3A_690 = vector.shape_cast %get3A_689 : vector<1x1x16xi32> to vector<16xi32>
      %gt3A_691 = arith.constant 0 : i32
      %gt3A_692 = vector.broadcast %gt3A_691 : i32 to vector<16xi32>
      %gt3A_693 = arith.cmpi sgt, %get3A_690, %gt3A_692 : vector<16xi32>
      %mul3A_694 = arith.mulf %get3A_684, %div3A_60 : vector<16xf32>
      %mul3A_695 = arith.mulf %get3A_684, %get3A_36 : vector<16xf32>
      %min3A_696 = arith.minimumf %mul3A_694, %mul3A_695 : vector<16xf32>
      %select_n3A_697 = arith.select %gt3A_693, %min3A_696, %get3A_684 : vector<16xi1>, vector<16xf32>
      %add3A_698 = arith.addi %add3A_361, %add3A_678 : i32
      %broadcast_in_dim3A_699 = vector.broadcast %add3A_698 : i32 to vector<16xi32>
      %gt3A_700 = arith.cmpf ogt, %select_n3A_697, %scan3A_646 : vector<16xf32>
      %select_n3A_701 = arith.select %gt3A_700, %select_n3A_697, %scan3A_646 : vector<16xi1>, vector<16xf32>
      %select_n3A_702 = arith.select %gt3A_700, %broadcast_in_dim3A_699, %scan3A_647 : vector<16xi1>, vector<16xi32>
      %add3A_703 = arith.constant 100 : i32
      %add3A_704 = arith.addi %scan3A_643, %add3A_703 : i32
      %get3A_705 = arith.constant 1 : i32
      %get3A_706 = arith.index_cast %get3A_705 : i32 to index
      %get3A_707 = arith.index_cast %add3A_704 : i32 to index
      %get3A_708 = arith.constant 64 : index
      %get3A_709 = tpu.vector_load %arg7[%get3A_706, %get3A_707, %get3A_708] {strides = array<i32>} : memref<2x200x128xf32, #tpu.memory_space<vmem>>, vector<1x1x16xf32>,
      %get3A_710 = vector.shape_cast %get3A_709 : vector<1x1x16xf32> to vector<16xf32>
      %get3A_711 = arith.constant 1 : i32
      %get3A_712 = arith.index_cast %get3A_711 : i32 to index
      %get3A_713 = arith.index_cast %add3A_704 : i32 to index
      %get3A_714 = arith.constant 64 : index
      %get3A_715 = tpu.vector_load %arg8[%get3A_712, %get3A_713, %get3A_714] {strides = array<i32>} : memref<2x200x128xi32, #tpu.memory_space<vmem>>, vector<1x1x16xi32>,
      %get3A_716 = vector.shape_cast %get3A_715 : vector<1x1x16xi32> to vector<16xi32>
      %gt3A_717 = arith.constant 0 : i32
      %gt3A_718 = vector.broadcast %gt3A_717 : i32 to vector<16xi32>
      %gt3A_719 = arith.cmpi sgt, %get3A_716, %gt3A_718 : vector<16xi32>
      %mul3A_720 = arith.mulf %get3A_710, %div3A_60 : vector<16xf32>
      %mul3A_721 = arith.mulf %get3A_710, %get3A_36 : vector<16xf32>
      %min3A_722 = arith.minimumf %mul3A_720, %mul3A_721 : vector<16xf32>
      %select_n3A_723 = arith.select %gt3A_719, %min3A_722, %get3A_710 : vector<16xi1>, vector<16xf32>
      %add3A_724 = arith.addi %add3A_361, %add3A_704 : i32
      %broadcast_in_dim3A_725 = vector.broadcast %add3A_724 : i32 to vector<16xi32>
      %gt3A_726 = arith.cmpf ogt, %select_n3A_723, %scan3A_648 : vector<16xf32>
      %select_n3A_727 = arith.select %gt3A_726, %select_n3A_723, %scan3A_648 : vector<16xi1>, vector<16xf32>
      %select_n3A_728 = arith.select %gt3A_726, %broadcast_in_dim3A_725, %scan3A_649 : vector<16xi1>, vector<16xi32>
      %add3A_729 = arith.constant 150 : i32
      %add3A_730 = arith.addi %scan3A_643, %add3A_729 : i32
      %get3A_731 = arith.constant 1 : i32
      %get3A_732 = arith.index_cast %get3A_731 : i32 to index
      %get3A_733 = arith.index_cast %add3A_730 : i32 to index
      %get3A_734 = arith.constant 64 : index
      %get3A_735 = tpu.vector_load %arg7[%get3A_732, %get3A_733, %get3A_734] {strides = array<i32>} : memref<2x200x128xf32, #tpu.memory_space<vmem>>, vector<1x1x16xf32>,
      %get3A_736 = vector.shape_cast %get3A_735 : vector<1x1x16xf32> to vector<16xf32>
      %get3A_737 = arith.constant 1 : i32
      %get3A_738 = arith.index_cast %get3A_737 : i32 to index
      %get3A_739 = arith.index_cast %add3A_730 : i32 to index
      %get3A_740 = arith.constant 64 : index
      %get3A_741 = tpu.vector_load %arg8[%get3A_738, %get3A_739, %get3A_740] {strides = array<i32>} : memref<2x200x128xi32, #tpu.memory_space<vmem>>, vector<1x1x16xi32>,
      %get3A_742 = vector.shape_cast %get3A_741 : vector<1x1x16xi32> to vector<16xi32>
      %gt3A_743 = arith.constant 0 : i32
      %gt3A_744 = vector.broadcast %gt3A_743 : i32 to vector<16xi32>
      %gt3A_745 = arith.cmpi sgt, %get3A_742, %gt3A_744 : vector<16xi32>
      %mul3A_746 = arith.mulf %get3A_736, %div3A_60 : vector<16xf32>
      %mul3A_747 = arith.mulf %get3A_736, %get3A_36 : vector<16xf32>
      %min3A_748 = arith.minimumf %mul3A_746, %mul3A_747 : vector<16xf32>
      %select_n3A_749 = arith.select %gt3A_745, %min3A_748, %get3A_736 : vector<16xi1>, vector<16xf32>
      %add3A_750 = arith.addi %add3A_361, %add3A_730 : i32
      %broadcast_in_dim3A_751 = vector.broadcast %add3A_750 : i32 to vector<16xi32>
      %gt3A_752 = arith.cmpf ogt, %select_n3A_749, %scan3A_650 : vector<16xf32>
      %select_n3A_753 = arith.select %gt3A_752, %select_n3A_749, %scan3A_650 : vector<16xi1>, vector<16xf32>
      %select_n3A_754 = arith.select %gt3A_752, %broadcast_in_dim3A_751, %scan3A_651 : vector<16xi1>, vector<16xi32>
      scf.yield %select_n3A_675, %select_n3A_676, %select_n3A_701, %select_n3A_702, %select_n3A_727, %select_n3A_728, %select_n3A_753, %select_n3A_754 : vector<16xf32>, vector<16xi32>, vector<16xf32>, vector<16xi32>, vector<16xf32>, vector<16xi32>, vector<16xf32>, vector<16xi32>
    }
    %scan3A_391 = arith.constant 50 : i32
    %scan3A_392 = arith.constant 0 : i32
    %scan3A_393 = arith.constant 50 : i32
    %scan3A_394 = arith.addi %scan3A_392, %scan3A_393 : i32
    %scan3A_395 = arith.constant 1 : i32
    %scan3A_396:8 = scf.for %scan3A_643 = %scan3A_392 to %scan3A_394 step %scan3A_395 iter_args(%scan3A_644 = %scan3A_302#0, %scan3A_645 = %scan3A_302#1, %scan3A_646 = %scan3A_302#2, %scan3A_647 = %scan3A_302#3, %scan3A_648 = %scan3A_302#4, %scan3A_649 = %scan3A_302#5, %scan3A_650 = %scan3A_302#6, %scan3A_651 = %scan3A_302#7) -> (vector<16xf32>, vector<16xi32>, vector<16xf32>, vector<16xi32>, vector<16xf32>, vector<16xi32>, vector<16xf32>, vector<16xi32>)  : i32 {
      %add3A_652 = arith.constant 0 : i32
      %add3A_653 = arith.addi %scan3A_643, %add3A_652 : i32
      %get3A_654 = arith.constant 1 : i32
      %get3A_655 = arith.index_cast %get3A_654 : i32 to index
      %get3A_656 = arith.index_cast %add3A_653 : i32 to index
      %get3A_657 = arith.constant 80 : index
      %get3A_658 = tpu.vector_load %arg7[%get3A_655, %get3A_656, %get3A_657] {strides = array<i32>} : memref<2x200x128xf32, #tpu.memory_space<vmem>>, vector<1x1x16xf32>,
      %get3A_659 = vector.shape_cast %get3A_658 : vector<1x1x16xf32> to vector<16xf32>
      %get3A_660 = arith.constant 1 : i32
      %get3A_661 = arith.index_cast %get3A_660 : i32 to index
      %get3A_662 = arith.index_cast %add3A_653 : i32 to index
      %get3A_663 = arith.constant 80 : index
      %get3A_664 = tpu.vector_load %arg8[%get3A_661, %get3A_662, %get3A_663] {strides = array<i32>} : memref<2x200x128xi32, #tpu.memory_space<vmem>>, vector<1x1x16xi32>,
      %get3A_665 = vector.shape_cast %get3A_664 : vector<1x1x16xi32> to vector<16xi32>
      %gt3A_666 = arith.constant 0 : i32
      %gt3A_667 = vector.broadcast %gt3A_666 : i32 to vector<16xi32>
      %gt3A_668 = arith.cmpi sgt, %get3A_665, %gt3A_667 : vector<16xi32>
      %mul3A_669 = arith.mulf %get3A_659, %div3A_63 : vector<16xf32>
      %mul3A_670 = arith.mulf %get3A_659, %get3A_39 : vector<16xf32>
      %min3A = arith.minimumf %mul3A_669, %mul3A_670 : vector<16xf32>
      %select_n3A_671 = arith.select %gt3A_668, %min3A, %get3A_659 : vector<16xi1>, vector<16xf32>
      %add3A_672 = arith.addi %add3A_361, %add3A_653 : i32
      %broadcast_in_dim3A_673 = vector.broadcast %add3A_672 : i32 to vector<16xi32>
      %gt3A_674 = arith.cmpf ogt, %select_n3A_671, %scan3A_644 : vector<16xf32>
      %select_n3A_675 = arith.select %gt3A_674, %select_n3A_671, %scan3A_644 : vector<16xi1>, vector<16xf32>
      %select_n3A_676 = arith.select %gt3A_674, %broadcast_in_dim3A_673, %scan3A_645 : vector<16xi1>, vector<16xi32>
      %add3A_677 = arith.constant 50 : i32
      %add3A_678 = arith.addi %scan3A_643, %add3A_677 : i32
      %get3A_679 = arith.constant 1 : i32
      %get3A_680 = arith.index_cast %get3A_679 : i32 to index
      %get3A_681 = arith.index_cast %add3A_678 : i32 to index
      %get3A_682 = arith.constant 80 : index
      %get3A_683 = tpu.vector_load %arg7[%get3A_680, %get3A_681, %get3A_682] {strides = array<i32>} : memref<2x200x128xf32, #tpu.memory_space<vmem>>, vector<1x1x16xf32>,
      %get3A_684 = vector.shape_cast %get3A_683 : vector<1x1x16xf32> to vector<16xf32>
      %get3A_685 = arith.constant 1 : i32
      %get3A_686 = arith.index_cast %get3A_685 : i32 to index
      %get3A_687 = arith.index_cast %add3A_678 : i32 to index
      %get3A_688 = arith.constant 80 : index
      %get3A_689 = tpu.vector_load %arg8[%get3A_686, %get3A_687, %get3A_688] {strides = array<i32>} : memref<2x200x128xi32, #tpu.memory_space<vmem>>, vector<1x1x16xi32>,
      %get3A_690 = vector.shape_cast %get3A_689 : vector<1x1x16xi32> to vector<16xi32>
      %gt3A_691 = arith.constant 0 : i32
      %gt3A_692 = vector.broadcast %gt3A_691 : i32 to vector<16xi32>
      %gt3A_693 = arith.cmpi sgt, %get3A_690, %gt3A_692 : vector<16xi32>
      %mul3A_694 = arith.mulf %get3A_684, %div3A_63 : vector<16xf32>
      %mul3A_695 = arith.mulf %get3A_684, %get3A_39 : vector<16xf32>
      %min3A_696 = arith.minimumf %mul3A_694, %mul3A_695 : vector<16xf32>
      %select_n3A_697 = arith.select %gt3A_693, %min3A_696, %get3A_684 : vector<16xi1>, vector<16xf32>
      %add3A_698 = arith.addi %add3A_361, %add3A_678 : i32
      %broadcast_in_dim3A_699 = vector.broadcast %add3A_698 : i32 to vector<16xi32>
      %gt3A_700 = arith.cmpf ogt, %select_n3A_697, %scan3A_646 : vector<16xf32>
      %select_n3A_701 = arith.select %gt3A_700, %select_n3A_697, %scan3A_646 : vector<16xi1>, vector<16xf32>
      %select_n3A_702 = arith.select %gt3A_700, %broadcast_in_dim3A_699, %scan3A_647 : vector<16xi1>, vector<16xi32>
      %add3A_703 = arith.constant 100 : i32
      %add3A_704 = arith.addi %scan3A_643, %add3A_703 : i32
      %get3A_705 = arith.constant 1 : i32
      %get3A_706 = arith.index_cast %get3A_705 : i32 to index
      %get3A_707 = arith.index_cast %add3A_704 : i32 to index
      %get3A_708 = arith.constant 80 : index
      %get3A_709 = tpu.vector_load %arg7[%get3A_706, %get3A_707, %get3A_708] {strides = array<i32>} : memref<2x200x128xf32, #tpu.memory_space<vmem>>, vector<1x1x16xf32>,
      %get3A_710 = vector.shape_cast %get3A_709 : vector<1x1x16xf32> to vector<16xf32>
      %get3A_711 = arith.constant 1 : i32
      %get3A_712 = arith.index_cast %get3A_711 : i32 to index
      %get3A_713 = arith.index_cast %add3A_704 : i32 to index
      %get3A_714 = arith.constant 80 : index
      %get3A_715 = tpu.vector_load %arg8[%get3A_712, %get3A_713, %get3A_714] {strides = array<i32>} : memref<2x200x128xi32, #tpu.memory_space<vmem>>, vector<1x1x16xi32>,
      %get3A_716 = vector.shape_cast %get3A_715 : vector<1x1x16xi32> to vector<16xi32>
      %gt3A_717 = arith.constant 0 : i32
      %gt3A_718 = vector.broadcast %gt3A_717 : i32 to vector<16xi32>
      %gt3A_719 = arith.cmpi sgt, %get3A_716, %gt3A_718 : vector<16xi32>
      %mul3A_720 = arith.mulf %get3A_710, %div3A_63 : vector<16xf32>
      %mul3A_721 = arith.mulf %get3A_710, %get3A_39 : vector<16xf32>
      %min3A_722 = arith.minimumf %mul3A_720, %mul3A_721 : vector<16xf32>
      %select_n3A_723 = arith.select %gt3A_719, %min3A_722, %get3A_710 : vector<16xi1>, vector<16xf32>
      %add3A_724 = arith.addi %add3A_361, %add3A_704 : i32
      %broadcast_in_dim3A_725 = vector.broadcast %add3A_724 : i32 to vector<16xi32>
      %gt3A_726 = arith.cmpf ogt, %select_n3A_723, %scan3A_648 : vector<16xf32>
      %select_n3A_727 = arith.select %gt3A_726, %select_n3A_723, %scan3A_648 : vector<16xi1>, vector<16xf32>
      %select_n3A_728 = arith.select %gt3A_726, %broadcast_in_dim3A_725, %scan3A_649 : vector<16xi1>, vector<16xi32>
      %add3A_729 = arith.constant 150 : i32
      %add3A_730 = arith.addi %scan3A_643, %add3A_729 : i32
      %get3A_731 = arith.constant 1 : i32
      %get3A_732 = arith.index_cast %get3A_731 : i32 to index
      %get3A_733 = arith.index_cast %add3A_730 : i32 to index
      %get3A_734 = arith.constant 80 : index
      %get3A_735 = tpu.vector_load %arg7[%get3A_732, %get3A_733, %get3A_734] {strides = array<i32>} : memref<2x200x128xf32, #tpu.memory_space<vmem>>, vector<1x1x16xf32>,
      %get3A_736 = vector.shape_cast %get3A_735 : vector<1x1x16xf32> to vector<16xf32>
      %get3A_737 = arith.constant 1 : i32
      %get3A_738 = arith.index_cast %get3A_737 : i32 to index
      %get3A_739 = arith.index_cast %add3A_730 : i32 to index
      %get3A_740 = arith.constant 80 : index
      %get3A_741 = tpu.vector_load %arg8[%get3A_738, %get3A_739, %get3A_740] {strides = array<i32>} : memref<2x200x128xi32, #tpu.memory_space<vmem>>, vector<1x1x16xi32>,
      %get3A_742 = vector.shape_cast %get3A_741 : vector<1x1x16xi32> to vector<16xi32>
      %gt3A_743 = arith.constant 0 : i32
      %gt3A_744 = vector.broadcast %gt3A_743 : i32 to vector<16xi32>
      %gt3A_745 = arith.cmpi sgt, %get3A_742, %gt3A_744 : vector<16xi32>
      %mul3A_746 = arith.mulf %get3A_736, %div3A_63 : vector<16xf32>
      %mul3A_747 = arith.mulf %get3A_736, %get3A_39 : vector<16xf32>
      %min3A_748 = arith.minimumf %mul3A_746, %mul3A_747 : vector<16xf32>
      %select_n3A_749 = arith.select %gt3A_745, %min3A_748, %get3A_736 : vector<16xi1>, vector<16xf32>
      %add3A_750 = arith.addi %add3A_361, %add3A_730 : i32
      %broadcast_in_dim3A_751 = vector.broadcast %add3A_750 : i32 to vector<16xi32>
      %gt3A_752 = arith.cmpf ogt, %select_n3A_749, %scan3A_650 : vector<16xf32>
      %select_n3A_753 = arith.select %gt3A_752, %select_n3A_749, %scan3A_650 : vector<16xi1>, vector<16xf32>
      %select_n3A_754 = arith.select %gt3A_752, %broadcast_in_dim3A_751, %scan3A_651 : vector<16xi1>, vector<16xi32>
      scf.yield %select_n3A_675, %select_n3A_676, %select_n3A_701, %select_n3A_702, %select_n3A_727, %select_n3A_728, %select_n3A_753, %select_n3A_754 : vector<16xf32>, vector<16xi32>, vector<16xf32>, vector<16xi32>, vector<16xf32>, vector<16xi32>, vector<16xf32>, vector<16xi32>
    }
    %scan3A_397 = arith.constant 50 : i32
    %scan3A_398 = arith.constant 0 : i32
    %scan3A_399 = arith.constant 50 : i32
    %scan3A_400 = arith.addi %scan3A_398, %scan3A_399 : i32
    %scan3A_401 = arith.constant 1 : i32
    %scan3A_402:8 = scf.for %scan3A_643 = %scan3A_398 to %scan3A_400 step %scan3A_401 iter_args(%scan3A_644 = %scan3A_308#0, %scan3A_645 = %scan3A_308#1, %scan3A_646 = %scan3A_308#2, %scan3A_647 = %scan3A_308#3, %scan3A_648 = %scan3A_308#4, %scan3A_649 = %scan3A_308#5, %scan3A_650 = %scan3A_308#6, %scan3A_651 = %scan3A_308#7) -> (vector<16xf32>, vector<16xi32>, vector<16xf32>, vector<16xi32>, vector<16xf32>, vector<16xi32>, vector<16xf32>, vector<16xi32>)  : i32 {
      %add3A_652 = arith.constant 0 : i32
      %add3A_653 = arith.addi %scan3A_643, %add3A_652 : i32
      %get3A_654 = arith.constant 1 : i32
      %get3A_655 = arith.index_cast %get3A_654 : i32 to index
      %get3A_656 = arith.index_cast %add3A_653 : i32 to index
      %get3A_657 = arith.constant 96 : index
      %get3A_658 = tpu.vector_load %arg7[%get3A_655, %get3A_656, %get3A_657] {strides = array<i32>} : memref<2x200x128xf32, #tpu.memory_space<vmem>>, vector<1x1x16xf32>,
      %get3A_659 = vector.shape_cast %get3A_658 : vector<1x1x16xf32> to vector<16xf32>
      %get3A_660 = arith.constant 1 : i32
      %get3A_661 = arith.index_cast %get3A_660 : i32 to index
      %get3A_662 = arith.index_cast %add3A_653 : i32 to index
      %get3A_663 = arith.constant 96 : index
      %get3A_664 = tpu.vector_load %arg8[%get3A_661, %get3A_662, %get3A_663] {strides = array<i32>} : memref<2x200x128xi32, #tpu.memory_space<vmem>>, vector<1x1x16xi32>,
      %get3A_665 = vector.shape_cast %get3A_664 : vector<1x1x16xi32> to vector<16xi32>
      %gt3A_666 = arith.constant 0 : i32
      %gt3A_667 = vector.broadcast %gt3A_666 : i32 to vector<16xi32>
      %gt3A_668 = arith.cmpi sgt, %get3A_665, %gt3A_667 : vector<16xi32>
      %mul3A_669 = arith.mulf %get3A_659, %div3A_66 : vector<16xf32>
      %mul3A_670 = arith.mulf %get3A_659, %get3A_42 : vector<16xf32>
      %min3A = arith.minimumf %mul3A_669, %mul3A_670 : vector<16xf32>
      %select_n3A_671 = arith.select %gt3A_668, %min3A, %get3A_659 : vector<16xi1>, vector<16xf32>
      %add3A_672 = arith.addi %add3A_361, %add3A_653 : i32
      %broadcast_in_dim3A_673 = vector.broadcast %add3A_672 : i32 to vector<16xi32>
      %gt3A_674 = arith.cmpf ogt, %select_n3A_671, %scan3A_644 : vector<16xf32>
      %select_n3A_675 = arith.select %gt3A_674, %select_n3A_671, %scan3A_644 : vector<16xi1>, vector<16xf32>
      %select_n3A_676 = arith.select %gt3A_674, %broadcast_in_dim3A_673, %scan3A_645 : vector<16xi1>, vector<16xi32>
      %add3A_677 = arith.constant 50 : i32
      %add3A_678 = arith.addi %scan3A_643, %add3A_677 : i32
      %get3A_679 = arith.constant 1 : i32
      %get3A_680 = arith.index_cast %get3A_679 : i32 to index
      %get3A_681 = arith.index_cast %add3A_678 : i32 to index
      %get3A_682 = arith.constant 96 : index
      %get3A_683 = tpu.vector_load %arg7[%get3A_680, %get3A_681, %get3A_682] {strides = array<i32>} : memref<2x200x128xf32, #tpu.memory_space<vmem>>, vector<1x1x16xf32>,
      %get3A_684 = vector.shape_cast %get3A_683 : vector<1x1x16xf32> to vector<16xf32>
      %get3A_685 = arith.constant 1 : i32
      %get3A_686 = arith.index_cast %get3A_685 : i32 to index
      %get3A_687 = arith.index_cast %add3A_678 : i32 to index
      %get3A_688 = arith.constant 96 : index
      %get3A_689 = tpu.vector_load %arg8[%get3A_686, %get3A_687, %get3A_688] {strides = array<i32>} : memref<2x200x128xi32, #tpu.memory_space<vmem>>, vector<1x1x16xi32>,
      %get3A_690 = vector.shape_cast %get3A_689 : vector<1x1x16xi32> to vector<16xi32>
      %gt3A_691 = arith.constant 0 : i32
      %gt3A_692 = vector.broadcast %gt3A_691 : i32 to vector<16xi32>
      %gt3A_693 = arith.cmpi sgt, %get3A_690, %gt3A_692 : vector<16xi32>
      %mul3A_694 = arith.mulf %get3A_684, %div3A_66 : vector<16xf32>
      %mul3A_695 = arith.mulf %get3A_684, %get3A_42 : vector<16xf32>
      %min3A_696 = arith.minimumf %mul3A_694, %mul3A_695 : vector<16xf32>
      %select_n3A_697 = arith.select %gt3A_693, %min3A_696, %get3A_684 : vector<16xi1>, vector<16xf32>
      %add3A_698 = arith.addi %add3A_361, %add3A_678 : i32
      %broadcast_in_dim3A_699 = vector.broadcast %add3A_698 : i32 to vector<16xi32>
      %gt3A_700 = arith.cmpf ogt, %select_n3A_697, %scan3A_646 : vector<16xf32>
      %select_n3A_701 = arith.select %gt3A_700, %select_n3A_697, %scan3A_646 : vector<16xi1>, vector<16xf32>
      %select_n3A_702 = arith.select %gt3A_700, %broadcast_in_dim3A_699, %scan3A_647 : vector<16xi1>, vector<16xi32>
      %add3A_703 = arith.constant 100 : i32
      %add3A_704 = arith.addi %scan3A_643, %add3A_703 : i32
      %get3A_705 = arith.constant 1 : i32
      %get3A_706 = arith.index_cast %get3A_705 : i32 to index
      %get3A_707 = arith.index_cast %add3A_704 : i32 to index
      %get3A_708 = arith.constant 96 : index
      %get3A_709 = tpu.vector_load %arg7[%get3A_706, %get3A_707, %get3A_708] {strides = array<i32>} : memref<2x200x128xf32, #tpu.memory_space<vmem>>, vector<1x1x16xf32>,
      %get3A_710 = vector.shape_cast %get3A_709 : vector<1x1x16xf32> to vector<16xf32>
      %get3A_711 = arith.constant 1 : i32
      %get3A_712 = arith.index_cast %get3A_711 : i32 to index
      %get3A_713 = arith.index_cast %add3A_704 : i32 to index
      %get3A_714 = arith.constant 96 : index
      %get3A_715 = tpu.vector_load %arg8[%get3A_712, %get3A_713, %get3A_714] {strides = array<i32>} : memref<2x200x128xi32, #tpu.memory_space<vmem>>, vector<1x1x16xi32>,
      %get3A_716 = vector.shape_cast %get3A_715 : vector<1x1x16xi32> to vector<16xi32>
      %gt3A_717 = arith.constant 0 : i32
      %gt3A_718 = vector.broadcast %gt3A_717 : i32 to vector<16xi32>
      %gt3A_719 = arith.cmpi sgt, %get3A_716, %gt3A_718 : vector<16xi32>
      %mul3A_720 = arith.mulf %get3A_710, %div3A_66 : vector<16xf32>
      %mul3A_721 = arith.mulf %get3A_710, %get3A_42 : vector<16xf32>
      %min3A_722 = arith.minimumf %mul3A_720, %mul3A_721 : vector<16xf32>
      %select_n3A_723 = arith.select %gt3A_719, %min3A_722, %get3A_710 : vector<16xi1>, vector<16xf32>
      %add3A_724 = arith.addi %add3A_361, %add3A_704 : i32
      %broadcast_in_dim3A_725 = vector.broadcast %add3A_724 : i32 to vector<16xi32>
      %gt3A_726 = arith.cmpf ogt, %select_n3A_723, %scan3A_648 : vector<16xf32>
      %select_n3A_727 = arith.select %gt3A_726, %select_n3A_723, %scan3A_648 : vector<16xi1>, vector<16xf32>
      %select_n3A_728 = arith.select %gt3A_726, %broadcast_in_dim3A_725, %scan3A_649 : vector<16xi1>, vector<16xi32>
      %add3A_729 = arith.constant 150 : i32
      %add3A_730 = arith.addi %scan3A_643, %add3A_729 : i32
      %get3A_731 = arith.constant 1 : i32
      %get3A_732 = arith.index_cast %get3A_731 : i32 to index
      %get3A_733 = arith.index_cast %add3A_730 : i32 to index
      %get3A_734 = arith.constant 96 : index
      %get3A_735 = tpu.vector_load %arg7[%get3A_732, %get3A_733, %get3A_734] {strides = array<i32>} : memref<2x200x128xf32, #tpu.memory_space<vmem>>, vector<1x1x16xf32>,
      %get3A_736 = vector.shape_cast %get3A_735 : vector<1x1x16xf32> to vector<16xf32>
      %get3A_737 = arith.constant 1 : i32
      %get3A_738 = arith.index_cast %get3A_737 : i32 to index
      %get3A_739 = arith.index_cast %add3A_730 : i32 to index
      %get3A_740 = arith.constant 96 : index
      %get3A_741 = tpu.vector_load %arg8[%get3A_738, %get3A_739, %get3A_740] {strides = array<i32>} : memref<2x200x128xi32, #tpu.memory_space<vmem>>, vector<1x1x16xi32>,
      %get3A_742 = vector.shape_cast %get3A_741 : vector<1x1x16xi32> to vector<16xi32>
      %gt3A_743 = arith.constant 0 : i32
      %gt3A_744 = vector.broadcast %gt3A_743 : i32 to vector<16xi32>
      %gt3A_745 = arith.cmpi sgt, %get3A_742, %gt3A_744 : vector<16xi32>
      %mul3A_746 = arith.mulf %get3A_736, %div3A_66 : vector<16xf32>
      %mul3A_747 = arith.mulf %get3A_736, %get3A_42 : vector<16xf32>
      %min3A_748 = arith.minimumf %mul3A_746, %mul3A_747 : vector<16xf32>
      %select_n3A_749 = arith.select %gt3A_745, %min3A_748, %get3A_736 : vector<16xi1>, vector<16xf32>
      %add3A_750 = arith.addi %add3A_361, %add3A_730 : i32
      %broadcast_in_dim3A_751 = vector.broadcast %add3A_750 : i32 to vector<16xi32>
      %gt3A_752 = arith.cmpf ogt, %select_n3A_749, %scan3A_650 : vector<16xf32>
      %select_n3A_753 = arith.select %gt3A_752, %select_n3A_749, %scan3A_650 : vector<16xi1>, vector<16xf32>
      %select_n3A_754 = arith.select %gt3A_752, %broadcast_in_dim3A_751, %scan3A_651 : vector<16xi1>, vector<16xi32>
      scf.yield %select_n3A_675, %select_n3A_676, %select_n3A_701, %select_n3A_702, %select_n3A_727, %select_n3A_728, %select_n3A_753, %select_n3A_754 : vector<16xf32>, vector<16xi32>, vector<16xf32>, vector<16xi32>, vector<16xf32>, vector<16xi32>, vector<16xf32>, vector<16xi32>
    }
    %scan3A_403 = arith.constant 50 : i32
    %scan3A_404 = arith.constant 0 : i32
    %scan3A_405 = arith.constant 50 : i32
    %scan3A_406 = arith.addi %scan3A_404, %scan3A_405 : i32
    %scan3A_407 = arith.constant 1 : i32
    %scan3A_408:8 = scf.for %scan3A_643 = %scan3A_404 to %scan3A_406 step %scan3A_407 iter_args(%scan3A_644 = %scan3A_314#0, %scan3A_645 = %scan3A_314#1, %scan3A_646 = %scan3A_314#2, %scan3A_647 = %scan3A_314#3, %scan3A_648 = %scan3A_314#4, %scan3A_649 = %scan3A_314#5, %scan3A_650 = %scan3A_314#6, %scan3A_651 = %scan3A_314#7) -> (vector<16xf32>, vector<16xi32>, vector<16xf32>, vector<16xi32>, vector<16xf32>, vector<16xi32>, vector<16xf32>, vector<16xi32>)  : i32 {
      %add3A_652 = arith.constant 0 : i32
      %add3A_653 = arith.addi %scan3A_643, %add3A_652 : i32
      %get3A_654 = arith.constant 1 : i32
      %get3A_655 = arith.index_cast %get3A_654 : i32 to index
      %get3A_656 = arith.index_cast %add3A_653 : i32 to index
      %get3A_657 = arith.constant 112 : index
      %get3A_658 = tpu.vector_load %arg7[%get3A_655, %get3A_656, %get3A_657] {strides = array<i32>} : memref<2x200x128xf32, #tpu.memory_space<vmem>>, vector<1x1x16xf32>,
      %get3A_659 = vector.shape_cast %get3A_658 : vector<1x1x16xf32> to vector<16xf32>
      %get3A_660 = arith.constant 1 : i32
      %get3A_661 = arith.index_cast %get3A_660 : i32 to index
      %get3A_662 = arith.index_cast %add3A_653 : i32 to index
      %get3A_663 = arith.constant 112 : index
      %get3A_664 = tpu.vector_load %arg8[%get3A_661, %get3A_662, %get3A_663] {strides = array<i32>} : memref<2x200x128xi32, #tpu.memory_space<vmem>>, vector<1x1x16xi32>,
      %get3A_665 = vector.shape_cast %get3A_664 : vector<1x1x16xi32> to vector<16xi32>
      %gt3A_666 = arith.constant 0 : i32
      %gt3A_667 = vector.broadcast %gt3A_666 : i32 to vector<16xi32>
      %gt3A_668 = arith.cmpi sgt, %get3A_665, %gt3A_667 : vector<16xi32>
      %mul3A_669 = arith.mulf %get3A_659, %div3A_69 : vector<16xf32>
      %mul3A_670 = arith.mulf %get3A_659, %get3A_45 : vector<16xf32>
      %min3A = arith.minimumf %mul3A_669, %mul3A_670 : vector<16xf32>
      %select_n3A_671 = arith.select %gt3A_668, %min3A, %get3A_659 : vector<16xi1>, vector<16xf32>
      %add3A_672 = arith.addi %add3A_361, %add3A_653 : i32
      %broadcast_in_dim3A_673 = vector.broadcast %add3A_672 : i32 to vector<16xi32>
      %gt3A_674 = arith.cmpf ogt, %select_n3A_671, %scan3A_644 : vector<16xf32>
      %select_n3A_675 = arith.select %gt3A_674, %select_n3A_671, %scan3A_644 : vector<16xi1>, vector<16xf32>
      %select_n3A_676 = arith.select %gt3A_674, %broadcast_in_dim3A_673, %scan3A_645 : vector<16xi1>, vector<16xi32>
      %add3A_677 = arith.constant 50 : i32
      %add3A_678 = arith.addi %scan3A_643, %add3A_677 : i32
      %get3A_679 = arith.constant 1 : i32
      %get3A_680 = arith.index_cast %get3A_679 : i32 to index
      %get3A_681 = arith.index_cast %add3A_678 : i32 to index
      %get3A_682 = arith.constant 112 : index
      %get3A_683 = tpu.vector_load %arg7[%get3A_680, %get3A_681, %get3A_682] {strides = array<i32>} : memref<2x200x128xf32, #tpu.memory_space<vmem>>, vector<1x1x16xf32>,
      %get3A_684 = vector.shape_cast %get3A_683 : vector<1x1x16xf32> to vector<16xf32>
      %get3A_685 = arith.constant 1 : i32
      %get3A_686 = arith.index_cast %get3A_685 : i32 to index
      %get3A_687 = arith.index_cast %add3A_678 : i32 to index
      %get3A_688 = arith.constant 112 : index
      %get3A_689 = tpu.vector_load %arg8[%get3A_686, %get3A_687, %get3A_688] {strides = array<i32>} : memref<2x200x128xi32, #tpu.memory_space<vmem>>, vector<1x1x16xi32>,
      %get3A_690 = vector.shape_cast %get3A_689 : vector<1x1x16xi32> to vector<16xi32>
      %gt3A_691 = arith.constant 0 : i32
      %gt3A_692 = vector.broadcast %gt3A_691 : i32 to vector<16xi32>
      %gt3A_693 = arith.cmpi sgt, %get3A_690, %gt3A_692 : vector<16xi32>
      %mul3A_694 = arith.mulf %get3A_684, %div3A_69 : vector<16xf32>
      %mul3A_695 = arith.mulf %get3A_684, %get3A_45 : vector<16xf32>
      %min3A_696 = arith.minimumf %mul3A_694, %mul3A_695 : vector<16xf32>
      %select_n3A_697 = arith.select %gt3A_693, %min3A_696, %get3A_684 : vector<16xi1>, vector<16xf32>
      %add3A_698 = arith.addi %add3A_361, %add3A_678 : i32
      %broadcast_in_dim3A_699 = vector.broadcast %add3A_698 : i32 to vector<16xi32>
      %gt3A_700 = arith.cmpf ogt, %select_n3A_697, %scan3A_646 : vector<16xf32>
      %select_n3A_701 = arith.select %gt3A_700, %select_n3A_697, %scan3A_646 : vector<16xi1>, vector<16xf32>
      %select_n3A_702 = arith.select %gt3A_700, %broadcast_in_dim3A_699, %scan3A_647 : vector<16xi1>, vector<16xi32>
      %add3A_703 = arith.constant 100 : i32
      %add3A_704 = arith.addi %scan3A_643, %add3A_703 : i32
      %get3A_705 = arith.constant 1 : i32
      %get3A_706 = arith.index_cast %get3A_705 : i32 to index
      %get3A_707 = arith.index_cast %add3A_704 : i32 to index
      %get3A_708 = arith.constant 112 : index
      %get3A_709 = tpu.vector_load %arg7[%get3A_706, %get3A_707, %get3A_708] {strides = array<i32>} : memref<2x200x128xf32, #tpu.memory_space<vmem>>, vector<1x1x16xf32>,
      %get3A_710 = vector.shape_cast %get3A_709 : vector<1x1x16xf32> to vector<16xf32>
      %get3A_711 = arith.constant 1 : i32
      %get3A_712 = arith.index_cast %get3A_711 : i32 to index
      %get3A_713 = arith.index_cast %add3A_704 : i32 to index
      %get3A_714 = arith.constant 112 : index
      %get3A_715 = tpu.vector_load %arg8[%get3A_712, %get3A_713, %get3A_714] {strides = array<i32>} : memref<2x200x128xi32, #tpu.memory_space<vmem>>, vector<1x1x16xi32>,
      %get3A_716 = vector.shape_cast %get3A_715 : vector<1x1x16xi32> to vector<16xi32>
      %gt3A_717 = arith.constant 0 : i32
      %gt3A_718 = vector.broadcast %gt3A_717 : i32 to vector<16xi32>
      %gt3A_719 = arith.cmpi sgt, %get3A_716, %gt3A_718 : vector<16xi32>
      %mul3A_720 = arith.mulf %get3A_710, %div3A_69 : vector<16xf32>
      %mul3A_721 = arith.mulf %get3A_710, %get3A_45 : vector<16xf32>
      %min3A_722 = arith.minimumf %mul3A_720, %mul3A_721 : vector<16xf32>
      %select_n3A_723 = arith.select %gt3A_719, %min3A_722, %get3A_710 : vector<16xi1>, vector<16xf32>
      %add3A_724 = arith.addi %add3A_361, %add3A_704 : i32
      %broadcast_in_dim3A_725 = vector.broadcast %add3A_724 : i32 to vector<16xi32>
      %gt3A_726 = arith.cmpf ogt, %select_n3A_723, %scan3A_648 : vector<16xf32>
      %select_n3A_727 = arith.select %gt3A_726, %select_n3A_723, %scan3A_648 : vector<16xi1>, vector<16xf32>
      %select_n3A_728 = arith.select %gt3A_726, %broadcast_in_dim3A_725, %scan3A_649 : vector<16xi1>, vector<16xi32>
      %add3A_729 = arith.constant 150 : i32
      %add3A_730 = arith.addi %scan3A_643, %add3A_729 : i32
      %get3A_731 = arith.constant 1 : i32
      %get3A_732 = arith.index_cast %get3A_731 : i32 to index
      %get3A_733 = arith.index_cast %add3A_730 : i32 to index
      %get3A_734 = arith.constant 112 : index
      %get3A_735 = tpu.vector_load %arg7[%get3A_732, %get3A_733, %get3A_734] {strides = array<i32>} : memref<2x200x128xf32, #tpu.memory_space<vmem>>, vector<1x1x16xf32>,
      %get3A_736 = vector.shape_cast %get3A_735 : vector<1x1x16xf32> to vector<16xf32>
      %get3A_737 = arith.constant 1 : i32
      %get3A_738 = arith.index_cast %get3A_737 : i32 to index
      %get3A_739 = arith.index_cast %add3A_730 : i32 to index
      %get3A_740 = arith.constant 112 : index
      %get3A_741 = tpu.vector_load %arg8[%get3A_738, %get3A_739, %get3A_740] {strides = array<i32>} : memref<2x200x128xi32, #tpu.memory_space<vmem>>, vector<1x1x16xi32>,
      %get3A_742 = vector.shape_cast %get3A_741 : vector<1x1x16xi32> to vector<16xi32>
      %gt3A_743 = arith.constant 0 : i32
      %gt3A_744 = vector.broadcast %gt3A_743 : i32 to vector<16xi32>
      %gt3A_745 = arith.cmpi sgt, %get3A_742, %gt3A_744 : vector<16xi32>
      %mul3A_746 = arith.mulf %get3A_736, %div3A_69 : vector<16xf32>
      %mul3A_747 = arith.mulf %get3A_736, %get3A_45 : vector<16xf32>
      %min3A_748 = arith.minimumf %mul3A_746, %mul3A_747 : vector<16xf32>
      %select_n3A_749 = arith.select %gt3A_745, %min3A_748, %get3A_736 : vector<16xi1>, vector<16xf32>
      %add3A_750 = arith.addi %add3A_361, %add3A_730 : i32
      %broadcast_in_dim3A_751 = vector.broadcast %add3A_750 : i32 to vector<16xi32>
      %gt3A_752 = arith.cmpf ogt, %select_n3A_749, %scan3A_650 : vector<16xf32>
      %select_n3A_753 = arith.select %gt3A_752, %select_n3A_749, %scan3A_650 : vector<16xi1>, vector<16xf32>
      %select_n3A_754 = arith.select %gt3A_752, %broadcast_in_dim3A_751, %scan3A_651 : vector<16xi1>, vector<16xi32>
      scf.yield %select_n3A_675, %select_n3A_676, %select_n3A_701, %select_n3A_702, %select_n3A_727, %select_n3A_728, %select_n3A_753, %select_n3A_754 : vector<16xf32>, vector<16xi32>, vector<16xf32>, vector<16xi32>, vector<16xf32>, vector<16xi32>, vector<16xf32>, vector<16xi32>
    }
    %scan3A_409 = arith.constant 50 : i32
    %scan3A_410 = arith.constant 1 : i32
    %gt3A = arith.cmpf ogt, %scan3A_366#2, %scan3A_366#0 : vector<16xf32>
    %eq3A = arith.cmpf oeq, %scan3A_366#2, %scan3A_366#0 : vector<16xf32>
    %lt3A_411 = arith.cmpi slt, %scan3A_366#3, %scan3A_366#1 : vector<16xi32>
    %and3A_412 = arith.andi %eq3A, %lt3A_411 : vector<16xi1>
    %or3A = arith.ori %gt3A, %and3A_412 : vector<16xi1>
    %select_n3A_413 = arith.select %or3A, %scan3A_366#2, %scan3A_366#0 : vector<16xi1>, vector<16xf32>
    %select_n3A_414 = arith.select %or3A, %scan3A_366#3, %scan3A_366#1 : vector<16xi1>, vector<16xi32>
    %gt3A_415 = arith.cmpf ogt, %scan3A_366#4, %select_n3A_413 : vector<16xf32>
    %eq3A_416 = arith.cmpf oeq, %scan3A_366#4, %select_n3A_413 : vector<16xf32>
    %lt3A_417 = arith.cmpi slt, %scan3A_366#5, %select_n3A_414 : vector<16xi32>
    %and3A_418 = arith.andi %eq3A_416, %lt3A_417 : vector<16xi1>
    %or3A_419 = arith.ori %gt3A_415, %and3A_418 : vector<16xi1>
    %select_n3A_420 = arith.select %or3A_419, %scan3A_366#4, %select_n3A_413 : vector<16xi1>, vector<16xf32>
    %select_n3A_421 = arith.select %or3A_419, %scan3A_366#5, %select_n3A_414 : vector<16xi1>, vector<16xi32>
    %gt3A_422 = arith.cmpf ogt, %scan3A_366#6, %select_n3A_420 : vector<16xf32>
    %eq3A_423 = arith.cmpf oeq, %scan3A_366#6, %select_n3A_420 : vector<16xf32>
    %lt3A_424 = arith.cmpi slt, %scan3A_366#7, %select_n3A_421 : vector<16xi32>
    %and3A_425 = arith.andi %eq3A_423, %lt3A_424 : vector<16xi1>
    %or3A_426 = arith.ori %gt3A_422, %and3A_425 : vector<16xi1>
    %select_n3A_427 = arith.select %or3A_426, %scan3A_366#6, %select_n3A_420 : vector<16xi1>, vector<16xf32>
    %select_n3A_428 = arith.select %or3A_426, %scan3A_366#7, %select_n3A_421 : vector<16xi1>, vector<16xi32>
    %swap3A = arith.constant 0 : index
    %swap3A_429 = tpu.vector_load %arg10[%swap3A] {strides = array<i32>} : memref<128xf32, #tpu.memory_space<vmem>>, vector<16xf32>,
    %swap3A_430 = vector.shape_cast %swap3A_429 : vector<16xf32> to vector<16xf32>
    %swap3A_431 = vector.shape_cast %select_n3A_427 : vector<16xf32> to vector<16xf32>
    tpu.vector_store %arg10[%swap3A], %swap3A_431 {strides = array<i32>} : memref<128xf32, #tpu.memory_space<vmem>>, vector<16xf32>,
    %swap3A_432 = arith.constant 0 : index
    %swap3A_433 = tpu.vector_load %arg11[%swap3A_432] {strides = array<i32>} : memref<128xi32, #tpu.memory_space<vmem>>, vector<16xi32>,
    %swap3A_434 = vector.shape_cast %swap3A_433 : vector<16xi32> to vector<16xi32>
    %swap3A_435 = vector.shape_cast %select_n3A_428 : vector<16xi32> to vector<16xi32>
    tpu.vector_store %arg11[%swap3A_432], %swap3A_435 {strides = array<i32>} : memref<128xi32, #tpu.memory_space<vmem>>, vector<16xi32>,
    %gt3A_436 = arith.cmpf ogt, %scan3A_372#2, %scan3A_372#0 : vector<16xf32>
    %eq3A_437 = arith.cmpf oeq, %scan3A_372#2, %scan3A_372#0 : vector<16xf32>
    %lt3A_438 = arith.cmpi slt, %scan3A_372#3, %scan3A_372#1 : vector<16xi32>
    %and3A_439 = arith.andi %eq3A_437, %lt3A_438 : vector<16xi1>
    %or3A_440 = arith.ori %gt3A_436, %and3A_439 : vector<16xi1>
    %select_n3A_441 = arith.select %or3A_440, %scan3A_372#2, %scan3A_372#0 : vector<16xi1>, vector<16xf32>
    %select_n3A_442 = arith.select %or3A_440, %scan3A_372#3, %scan3A_372#1 : vector<16xi1>, vector<16xi32>
    %gt3A_443 = arith.cmpf ogt, %scan3A_372#4, %select_n3A_441 : vector<16xf32>
    %eq3A_444 = arith.cmpf oeq, %scan3A_372#4, %select_n3A_441 : vector<16xf32>
    %lt3A_445 = arith.cmpi slt, %scan3A_372#5, %select_n3A_442 : vector<16xi32>
    %and3A_446 = arith.andi %eq3A_444, %lt3A_445 : vector<16xi1>
    %or3A_447 = arith.ori %gt3A_443, %and3A_446 : vector<16xi1>
    %select_n3A_448 = arith.select %or3A_447, %scan3A_372#4, %select_n3A_441 : vector<16xi1>, vector<16xf32>
    %select_n3A_449 = arith.select %or3A_447, %scan3A_372#5, %select_n3A_442 : vector<16xi1>, vector<16xi32>
    %gt3A_450 = arith.cmpf ogt, %scan3A_372#6, %select_n3A_448 : vector<16xf32>
    %eq3A_451 = arith.cmpf oeq, %scan3A_372#6, %select_n3A_448 : vector<16xf32>
    %lt3A_452 = arith.cmpi slt, %scan3A_372#7, %select_n3A_449 : vector<16xi32>
    %and3A_453 = arith.andi %eq3A_451, %lt3A_452 : vector<16xi1>
    %or3A_454 = arith.ori %gt3A_450, %and3A_453 : vector<16xi1>
    %select_n3A_455 = arith.select %or3A_454, %scan3A_372#6, %select_n3A_448 : vector<16xi1>, vector<16xf32>
    %select_n3A_456 = arith.select %or3A_454, %scan3A_372#7, %select_n3A_449 : vector<16xi1>, vector<16xi32>
    %swap3A_457 = arith.constant 16 : index
    %swap3A_458 = tpu.vector_load %arg10[%swap3A_457] {strides = array<i32>} : memref<128xf32, #tpu.memory_space<vmem>>, vector<16xf32>,
    %swap3A_459 = vector.shape_cast %swap3A_458 : vector<16xf32> to vector<16xf32>
    %swap3A_460 = vector.shape_cast %select_n3A_455 : vector<16xf32> to vector<16xf32>
    tpu.vector_store %arg10[%swap3A_457], %swap3A_460 {strides = array<i32>} : memref<128xf32, #tpu.memory_space<vmem>>, vector<16xf32>,
    %swap3A_461 = arith.constant 16 : index
    %swap3A_462 = tpu.vector_load %arg11[%swap3A_461] {strides = array<i32>} : memref<128xi32, #tpu.memory_space<vmem>>, vector<16xi32>,
    %swap3A_463 = vector.shape_cast %swap3A_462 : vector<16xi32> to vector<16xi32>
    %swap3A_464 = vector.shape_cast %select_n3A_456 : vector<16xi32> to vector<16xi32>
    tpu.vector_store %arg11[%swap3A_461], %swap3A_464 {strides = array<i32>} : memref<128xi32, #tpu.memory_space<vmem>>, vector<16xi32>,
    %gt3A_465 = arith.cmpf ogt, %scan3A_378#2, %scan3A_378#0 : vector<16xf32>
    %eq3A_466 = arith.cmpf oeq, %scan3A_378#2, %scan3A_378#0 : vector<16xf32>
    %lt3A_467 = arith.cmpi slt, %scan3A_378#3, %scan3A_378#1 : vector<16xi32>
    %and3A_468 = arith.andi %eq3A_466, %lt3A_467 : vector<16xi1>
    %or3A_469 = arith.ori %gt3A_465, %and3A_468 : vector<16xi1>
    %select_n3A_470 = arith.select %or3A_469, %scan3A_378#2, %scan3A_378#0 : vector<16xi1>, vector<16xf32>
    %select_n3A_471 = arith.select %or3A_469, %scan3A_378#3, %scan3A_378#1 : vector<16xi1>, vector<16xi32>
    %gt3A_472 = arith.cmpf ogt, %scan3A_378#4, %select_n3A_470 : vector<16xf32>
    %eq3A_473 = arith.cmpf oeq, %scan3A_378#4, %select_n3A_470 : vector<16xf32>
    %lt3A_474 = arith.cmpi slt, %scan3A_378#5, %select_n3A_471 : vector<16xi32>
    %and3A_475 = arith.andi %eq3A_473, %lt3A_474 : vector<16xi1>
    %or3A_476 = arith.ori %gt3A_472, %and3A_475 : vector<16xi1>
    %select_n3A_477 = arith.select %or3A_476, %scan3A_378#4, %select_n3A_470 : vector<16xi1>, vector<16xf32>
    %select_n3A_478 = arith.select %or3A_476, %scan3A_378#5, %select_n3A_471 : vector<16xi1>, vector<16xi32>
    %gt3A_479 = arith.cmpf ogt, %scan3A_378#6, %select_n3A_477 : vector<16xf32>
    %eq3A_480 = arith.cmpf oeq, %scan3A_378#6, %select_n3A_477 : vector<16xf32>
    %lt3A_481 = arith.cmpi slt, %scan3A_378#7, %select_n3A_478 : vector<16xi32>
    %and3A_482 = arith.andi %eq3A_480, %lt3A_481 : vector<16xi1>
    %or3A_483 = arith.ori %gt3A_479, %and3A_482 : vector<16xi1>
    %select_n3A_484 = arith.select %or3A_483, %scan3A_378#6, %select_n3A_477 : vector<16xi1>, vector<16xf32>
    %select_n3A_485 = arith.select %or3A_483, %scan3A_378#7, %select_n3A_478 : vector<16xi1>, vector<16xi32>
    %swap3A_486 = arith.constant 32 : index
    %swap3A_487 = tpu.vector_load %arg10[%swap3A_486] {strides = array<i32>} : memref<128xf32, #tpu.memory_space<vmem>>, vector<16xf32>,
    %swap3A_488 = vector.shape_cast %swap3A_487 : vector<16xf32> to vector<16xf32>
    %swap3A_489 = vector.shape_cast %select_n3A_484 : vector<16xf32> to vector<16xf32>
    tpu.vector_store %arg10[%swap3A_486], %swap3A_489 {strides = array<i32>} : memref<128xf32, #tpu.memory_space<vmem>>, vector<16xf32>,
    %swap3A_490 = arith.constant 32 : index
    %swap3A_491 = tpu.vector_load %arg11[%swap3A_490] {strides = array<i32>} : memref<128xi32, #tpu.memory_space<vmem>>, vector<16xi32>,
    %swap3A_492 = vector.shape_cast %swap3A_491 : vector<16xi32> to vector<16xi32>
    %swap3A_493 = vector.shape_cast %select_n3A_485 : vector<16xi32> to vector<16xi32>
    tpu.vector_store %arg11[%swap3A_490], %swap3A_493 {strides = array<i32>} : memref<128xi32, #tpu.memory_space<vmem>>, vector<16xi32>,
    %gt3A_494 = arith.cmpf ogt, %scan3A_384#2, %scan3A_384#0 : vector<16xf32>
    %eq3A_495 = arith.cmpf oeq, %scan3A_384#2, %scan3A_384#0 : vector<16xf32>
    %lt3A_496 = arith.cmpi slt, %scan3A_384#3, %scan3A_384#1 : vector<16xi32>
    %and3A_497 = arith.andi %eq3A_495, %lt3A_496 : vector<16xi1>
    %or3A_498 = arith.ori %gt3A_494, %and3A_497 : vector<16xi1>
    %select_n3A_499 = arith.select %or3A_498, %scan3A_384#2, %scan3A_384#0 : vector<16xi1>, vector<16xf32>
    %select_n3A_500 = arith.select %or3A_498, %scan3A_384#3, %scan3A_384#1 : vector<16xi1>, vector<16xi32>
    %gt3A_501 = arith.cmpf ogt, %scan3A_384#4, %select_n3A_499 : vector<16xf32>
    %eq3A_502 = arith.cmpf oeq, %scan3A_384#4, %select_n3A_499 : vector<16xf32>
    %lt3A_503 = arith.cmpi slt, %scan3A_384#5, %select_n3A_500 : vector<16xi32>
    %and3A_504 = arith.andi %eq3A_502, %lt3A_503 : vector<16xi1>
    %or3A_505 = arith.ori %gt3A_501, %and3A_504 : vector<16xi1>
    %select_n3A_506 = arith.select %or3A_505, %scan3A_384#4, %select_n3A_499 : vector<16xi1>, vector<16xf32>
    %select_n3A_507 = arith.select %or3A_505, %scan3A_384#5, %select_n3A_500 : vector<16xi1>, vector<16xi32>
    %gt3A_508 = arith.cmpf ogt, %scan3A_384#6, %select_n3A_506 : vector<16xf32>
    %eq3A_509 = arith.cmpf oeq, %scan3A_384#6, %select_n3A_506 : vector<16xf32>
    %lt3A_510 = arith.cmpi slt, %scan3A_384#7, %select_n3A_507 : vector<16xi32>
    %and3A_511 = arith.andi %eq3A_509, %lt3A_510 : vector<16xi1>
    %or3A_512 = arith.ori %gt3A_508, %and3A_511 : vector<16xi1>
    %select_n3A_513 = arith.select %or3A_512, %scan3A_384#6, %select_n3A_506 : vector<16xi1>, vector<16xf32>
    %select_n3A_514 = arith.select %or3A_512, %scan3A_384#7, %select_n3A_507 : vector<16xi1>, vector<16xi32>
    %swap3A_515 = arith.constant 48 : index
    %swap3A_516 = tpu.vector_load %arg10[%swap3A_515] {strides = array<i32>} : memref<128xf32, #tpu.memory_space<vmem>>, vector<16xf32>,
    %swap3A_517 = vector.shape_cast %swap3A_516 : vector<16xf32> to vector<16xf32>
    %swap3A_518 = vector.shape_cast %select_n3A_513 : vector<16xf32> to vector<16xf32>
    tpu.vector_store %arg10[%swap3A_515], %swap3A_518 {strides = array<i32>} : memref<128xf32, #tpu.memory_space<vmem>>, vector<16xf32>,
    %swap3A_519 = arith.constant 48 : index
    %swap3A_520 = tpu.vector_load %arg11[%swap3A_519] {strides = array<i32>} : memref<128xi32, #tpu.memory_space<vmem>>, vector<16xi32>,
    %swap3A_521 = vector.shape_cast %swap3A_520 : vector<16xi32> to vector<16xi32>
    %swap3A_522 = vector.shape_cast %select_n3A_514 : vector<16xi32> to vector<16xi32>
    tpu.vector_store %arg11[%swap3A_519], %swap3A_522 {strides = array<i32>} : memref<128xi32, #tpu.memory_space<vmem>>, vector<16xi32>,
    %gt3A_523 = arith.cmpf ogt, %scan3A_390#2, %scan3A_390#0 : vector<16xf32>
    %eq3A_524 = arith.cmpf oeq, %scan3A_390#2, %scan3A_390#0 : vector<16xf32>
    %lt3A_525 = arith.cmpi slt, %scan3A_390#3, %scan3A_390#1 : vector<16xi32>
    %and3A_526 = arith.andi %eq3A_524, %lt3A_525 : vector<16xi1>
    %or3A_527 = arith.ori %gt3A_523, %and3A_526 : vector<16xi1>
    %select_n3A_528 = arith.select %or3A_527, %scan3A_390#2, %scan3A_390#0 : vector<16xi1>, vector<16xf32>
    %select_n3A_529 = arith.select %or3A_527, %scan3A_390#3, %scan3A_390#1 : vector<16xi1>, vector<16xi32>
    %gt3A_530 = arith.cmpf ogt, %scan3A_390#4, %select_n3A_528 : vector<16xf32>
    %eq3A_531 = arith.cmpf oeq, %scan3A_390#4, %select_n3A_528 : vector<16xf32>
    %lt3A_532 = arith.cmpi slt, %scan3A_390#5, %select_n3A_529 : vector<16xi32>
    %and3A_533 = arith.andi %eq3A_531, %lt3A_532 : vector<16xi1>
    %or3A_534 = arith.ori %gt3A_530, %and3A_533 : vector<16xi1>
    %select_n3A_535 = arith.select %or3A_534, %scan3A_390#4, %select_n3A_528 : vector<16xi1>, vector<16xf32>
    %select_n3A_536 = arith.select %or3A_534, %scan3A_390#5, %select_n3A_529 : vector<16xi1>, vector<16xi32>
    %gt3A_537 = arith.cmpf ogt, %scan3A_390#6, %select_n3A_535 : vector<16xf32>
    %eq3A_538 = arith.cmpf oeq, %scan3A_390#6, %select_n3A_535 : vector<16xf32>
    %lt3A_539 = arith.cmpi slt, %scan3A_390#7, %select_n3A_536 : vector<16xi32>
    %and3A_540 = arith.andi %eq3A_538, %lt3A_539 : vector<16xi1>
    %or3A_541 = arith.ori %gt3A_537, %and3A_540 : vector<16xi1>
    %select_n3A_542 = arith.select %or3A_541, %scan3A_390#6, %select_n3A_535 : vector<16xi1>, vector<16xf32>
    %select_n3A_543 = arith.select %or3A_541, %scan3A_390#7, %select_n3A_536 : vector<16xi1>, vector<16xi32>
    %swap3A_544 = arith.constant 64 : index
    %swap3A_545 = tpu.vector_load %arg10[%swap3A_544] {strides = array<i32>} : memref<128xf32, #tpu.memory_space<vmem>>, vector<16xf32>,
    %swap3A_546 = vector.shape_cast %swap3A_545 : vector<16xf32> to vector<16xf32>
    %swap3A_547 = vector.shape_cast %select_n3A_542 : vector<16xf32> to vector<16xf32>
    tpu.vector_store %arg10[%swap3A_544], %swap3A_547 {strides = array<i32>} : memref<128xf32, #tpu.memory_space<vmem>>, vector<16xf32>,
    %swap3A_548 = arith.constant 64 : index
    %swap3A_549 = tpu.vector_load %arg11[%swap3A_548] {strides = array<i32>} : memref<128xi32, #tpu.memory_space<vmem>>, vector<16xi32>,
    %swap3A_550 = vector.shape_cast %swap3A_549 : vector<16xi32> to vector<16xi32>
    %swap3A_551 = vector.shape_cast %select_n3A_543 : vector<16xi32> to vector<16xi32>
    tpu.vector_store %arg11[%swap3A_548], %swap3A_551 {strides = array<i32>} : memref<128xi32, #tpu.memory_space<vmem>>, vector<16xi32>,
    %gt3A_552 = arith.cmpf ogt, %scan3A_396#2, %scan3A_396#0 : vector<16xf32>
    %eq3A_553 = arith.cmpf oeq, %scan3A_396#2, %scan3A_396#0 : vector<16xf32>
    %lt3A_554 = arith.cmpi slt, %scan3A_396#3, %scan3A_396#1 : vector<16xi32>
    %and3A_555 = arith.andi %eq3A_553, %lt3A_554 : vector<16xi1>
    %or3A_556 = arith.ori %gt3A_552, %and3A_555 : vector<16xi1>
    %select_n3A_557 = arith.select %or3A_556, %scan3A_396#2, %scan3A_396#0 : vector<16xi1>, vector<16xf32>
    %select_n3A_558 = arith.select %or3A_556, %scan3A_396#3, %scan3A_396#1 : vector<16xi1>, vector<16xi32>
    %gt3A_559 = arith.cmpf ogt, %scan3A_396#4, %select_n3A_557 : vector<16xf32>
    %eq3A_560 = arith.cmpf oeq, %scan3A_396#4, %select_n3A_557 : vector<16xf32>
    %lt3A_561 = arith.cmpi slt, %scan3A_396#5, %select_n3A_558 : vector<16xi32>
    %and3A_562 = arith.andi %eq3A_560, %lt3A_561 : vector<16xi1>
    %or3A_563 = arith.ori %gt3A_559, %and3A_562 : vector<16xi1>
    %select_n3A_564 = arith.select %or3A_563, %scan3A_396#4, %select_n3A_557 : vector<16xi1>, vector<16xf32>
    %select_n3A_565 = arith.select %or3A_563, %scan3A_396#5, %select_n3A_558 : vector<16xi1>, vector<16xi32>
    %gt3A_566 = arith.cmpf ogt, %scan3A_396#6, %select_n3A_564 : vector<16xf32>
    %eq3A_567 = arith.cmpf oeq, %scan3A_396#6, %select_n3A_564 : vector<16xf32>
    %lt3A_568 = arith.cmpi slt, %scan3A_396#7, %select_n3A_565 : vector<16xi32>
    %and3A_569 = arith.andi %eq3A_567, %lt3A_568 : vector<16xi1>
    %or3A_570 = arith.ori %gt3A_566, %and3A_569 : vector<16xi1>
    %select_n3A_571 = arith.select %or3A_570, %scan3A_396#6, %select_n3A_564 : vector<16xi1>, vector<16xf32>
    %select_n3A_572 = arith.select %or3A_570, %scan3A_396#7, %select_n3A_565 : vector<16xi1>, vector<16xi32>
    %swap3A_573 = arith.constant 80 : index
    %swap3A_574 = tpu.vector_load %arg10[%swap3A_573] {strides = array<i32>} : memref<128xf32, #tpu.memory_space<vmem>>, vector<16xf32>,
    %swap3A_575 = vector.shape_cast %swap3A_574 : vector<16xf32> to vector<16xf32>
    %swap3A_576 = vector.shape_cast %select_n3A_571 : vector<16xf32> to vector<16xf32>
    tpu.vector_store %arg10[%swap3A_573], %swap3A_576 {strides = array<i32>} : memref<128xf32, #tpu.memory_space<vmem>>, vector<16xf32>,
    %swap3A_577 = arith.constant 80 : index
    %swap3A_578 = tpu.vector_load %arg11[%swap3A_577] {strides = array<i32>} : memref<128xi32, #tpu.memory_space<vmem>>, vector<16xi32>,
    %swap3A_579 = vector.shape_cast %swap3A_578 : vector<16xi32> to vector<16xi32>
    %swap3A_580 = vector.shape_cast %select_n3A_572 : vector<16xi32> to vector<16xi32>
    tpu.vector_store %arg11[%swap3A_577], %swap3A_580 {strides = array<i32>} : memref<128xi32, #tpu.memory_space<vmem>>, vector<16xi32>,
    %gt3A_581 = arith.cmpf ogt, %scan3A_402#2, %scan3A_402#0 : vector<16xf32>
    %eq3A_582 = arith.cmpf oeq, %scan3A_402#2, %scan3A_402#0 : vector<16xf32>
    %lt3A_583 = arith.cmpi slt, %scan3A_402#3, %scan3A_402#1 : vector<16xi32>
    %and3A_584 = arith.andi %eq3A_582, %lt3A_583 : vector<16xi1>
    %or3A_585 = arith.ori %gt3A_581, %and3A_584 : vector<16xi1>
    %select_n3A_586 = arith.select %or3A_585, %scan3A_402#2, %scan3A_402#0 : vector<16xi1>, vector<16xf32>
    %select_n3A_587 = arith.select %or3A_585, %scan3A_402#3, %scan3A_402#1 : vector<16xi1>, vector<16xi32>
    %gt3A_588 = arith.cmpf ogt, %scan3A_402#4, %select_n3A_586 : vector<16xf32>
    %eq3A_589 = arith.cmpf oeq, %scan3A_402#4, %select_n3A_586 : vector<16xf32>
    %lt3A_590 = arith.cmpi slt, %scan3A_402#5, %select_n3A_587 : vector<16xi32>
    %and3A_591 = arith.andi %eq3A_589, %lt3A_590 : vector<16xi1>
    %or3A_592 = arith.ori %gt3A_588, %and3A_591 : vector<16xi1>
    %select_n3A_593 = arith.select %or3A_592, %scan3A_402#4, %select_n3A_586 : vector<16xi1>, vector<16xf32>
    %select_n3A_594 = arith.select %or3A_592, %scan3A_402#5, %select_n3A_587 : vector<16xi1>, vector<16xi32>
    %gt3A_595 = arith.cmpf ogt, %scan3A_402#6, %select_n3A_593 : vector<16xf32>
    %eq3A_596 = arith.cmpf oeq, %scan3A_402#6, %select_n3A_593 : vector<16xf32>
    %lt3A_597 = arith.cmpi slt, %scan3A_402#7, %select_n3A_594 : vector<16xi32>
    %and3A_598 = arith.andi %eq3A_596, %lt3A_597 : vector<16xi1>
    %or3A_599 = arith.ori %gt3A_595, %and3A_598 : vector<16xi1>
    %select_n3A_600 = arith.select %or3A_599, %scan3A_402#6, %select_n3A_593 : vector<16xi1>, vector<16xf32>
    %select_n3A_601 = arith.select %or3A_599, %scan3A_402#7, %select_n3A_594 : vector<16xi1>, vector<16xi32>
    %swap3A_602 = arith.constant 96 : index
    %swap3A_603 = tpu.vector_load %arg10[%swap3A_602] {strides = array<i32>} : memref<128xf32, #tpu.memory_space<vmem>>, vector<16xf32>,
    %swap3A_604 = vector.shape_cast %swap3A_603 : vector<16xf32> to vector<16xf32>
    %swap3A_605 = vector.shape_cast %select_n3A_600 : vector<16xf32> to vector<16xf32>
    tpu.vector_store %arg10[%swap3A_602], %swap3A_605 {strides = array<i32>} : memref<128xf32, #tpu.memory_space<vmem>>, vector<16xf32>,
    %swap3A_606 = arith.constant 96 : index
    %swap3A_607 = tpu.vector_load %arg11[%swap3A_606] {strides = array<i32>} : memref<128xi32, #tpu.memory_space<vmem>>, vector<16xi32>,
    %swap3A_608 = vector.shape_cast %swap3A_607 : vector<16xi32> to vector<16xi32>
    %swap3A_609 = vector.shape_cast %select_n3A_601 : vector<16xi32> to vector<16xi32>
    tpu.vector_store %arg11[%swap3A_606], %swap3A_609 {strides = array<i32>} : memref<128xi32, #tpu.memory_space<vmem>>, vector<16xi32>,
    %gt3A_610 = arith.cmpf ogt, %scan3A_408#2, %scan3A_408#0 : vector<16xf32>
    %eq3A_611 = arith.cmpf oeq, %scan3A_408#2, %scan3A_408#0 : vector<16xf32>
    %lt3A_612 = arith.cmpi slt, %scan3A_408#3, %scan3A_408#1 : vector<16xi32>
    %and3A_613 = arith.andi %eq3A_611, %lt3A_612 : vector<16xi1>
    %or3A_614 = arith.ori %gt3A_610, %and3A_613 : vector<16xi1>
    %select_n3A_615 = arith.select %or3A_614, %scan3A_408#2, %scan3A_408#0 : vector<16xi1>, vector<16xf32>
    %select_n3A_616 = arith.select %or3A_614, %scan3A_408#3, %scan3A_408#1 : vector<16xi1>, vector<16xi32>
    %gt3A_617 = arith.cmpf ogt, %scan3A_408#4, %select_n3A_615 : vector<16xf32>
    %eq3A_618 = arith.cmpf oeq, %scan3A_408#4, %select_n3A_615 : vector<16xf32>
    %lt3A_619 = arith.cmpi slt, %scan3A_408#5, %select_n3A_616 : vector<16xi32>
    %and3A_620 = arith.andi %eq3A_618, %lt3A_619 : vector<16xi1>
    %or3A_621 = arith.ori %gt3A_617, %and3A_620 : vector<16xi1>
    %select_n3A_622 = arith.select %or3A_621, %scan3A_408#4, %select_n3A_615 : vector<16xi1>, vector<16xf32>
    %select_n3A_623 = arith.select %or3A_621, %scan3A_408#5, %select_n3A_616 : vector<16xi1>, vector<16xi32>
    %gt3A_624 = arith.cmpf ogt, %scan3A_408#6, %select_n3A_622 : vector<16xf32>
    %eq3A_625 = arith.cmpf oeq, %scan3A_408#6, %select_n3A_622 : vector<16xf32>
    %lt3A_626 = arith.cmpi slt, %scan3A_408#7, %select_n3A_623 : vector<16xi32>
    %and3A_627 = arith.andi %eq3A_625, %lt3A_626 : vector<16xi1>
    %or3A_628 = arith.ori %gt3A_624, %and3A_627 : vector<16xi1>
    %select_n3A_629 = arith.select %or3A_628, %scan3A_408#6, %select_n3A_622 : vector<16xi1>, vector<16xf32>
    %select_n3A_630 = arith.select %or3A_628, %scan3A_408#7, %select_n3A_623 : vector<16xi1>, vector<16xi32>
    %swap3A_631 = arith.constant 112 : index
    %swap3A_632 = tpu.vector_load %arg10[%swap3A_631] {strides = array<i32>} : memref<128xf32, #tpu.memory_space<vmem>>, vector<16xf32>,
    %swap3A_633 = vector.shape_cast %swap3A_632 : vector<16xf32> to vector<16xf32>
    %swap3A_634 = vector.shape_cast %select_n3A_629 : vector<16xf32> to vector<16xf32>
    tpu.vector_store %arg10[%swap3A_631], %swap3A_634 {strides = array<i32>} : memref<128xf32, #tpu.memory_space<vmem>>, vector<16xf32>,
    %swap3A_635 = arith.constant 112 : index
    %swap3A_636 = tpu.vector_load %arg11[%swap3A_635] {strides = array<i32>} : memref<128xi32, #tpu.memory_space<vmem>>, vector<16xi32>,
    %swap3A_637 = vector.shape_cast %swap3A_636 : vector<16xi32> to vector<16xi32>
    %swap3A_638 = vector.shape_cast %select_n3A_630 : vector<16xi32> to vector<16xi32>
    tpu.vector_store %arg11[%swap3A_635], %swap3A_638 {strides = array<i32>} : memref<128xi32, #tpu.memory_space<vmem>>, vector<16xi32>,
    %mul3A_639 = arith.constant 128 : i32
    %mul3A_640 = arith.muli %add3A, %mul3A_639 : i32
    "tpu.region"() ({
      %run_scoped3A = tpu.sem_alloc : memref<!tpu.dma_semaphore, #tpu.memory_space<semaphore_mem>>
      %dma_start3A_643 = tpu.memref_slice %arg5[%mul3A_640] : memref<4096xf32, #tpu.memory_space<hbm>> -> memref<128xf32, #tpu.memory_space<hbm>>
      %dma_start3A_644 = tpu.memref_slice %arg5[%mul3A_640] : memref<4096xf32, #tpu.memory_space<hbm>> -> memref<128xf32, #tpu.memory_space<hbm>>
      tpu.enqueue_dma source(%arg10 : memref<128xf32, #tpu.memory_space<vmem>>) target(%dma_start3A_644 : memref<128xf32, #tpu.memory_space<hbm>>) target_semaphore(%run_scoped3A : memref<!tpu.dma_semaphore, #tpu.memory_space<semaphore_mem>>)
      %dma_wait3A_645 = tpu.memref_slice %arg5[%mul3A_640] : memref<4096xf32, #tpu.memory_space<hbm>> -> memref<128xf32, #tpu.memory_space<hbm>>
      %dma_wait3A_646 = tpu.memref_slice %arg5[%mul3A_640] : memref<4096xf32, #tpu.memory_space<hbm>> -> memref<128xf32, #tpu.memory_space<hbm>>
      tpu.wait_dma2 semaphore(%run_scoped3A : memref<!tpu.dma_semaphore, #tpu.memory_space<semaphore_mem>>) src(%arg10 : memref<128xf32, #tpu.memory_space<vmem>>) dst(%dma_wait3A_646 : memref<128xf32, #tpu.memory_space<hbm>>)
      tpu.yield
    }) : () -> ()
    %mul3A_641 = arith.constant 128 : i32
    %mul3A_642 = arith.muli %add3A, %mul3A_641 : i32
    "tpu.region"() ({
      %run_scoped3A = tpu.sem_alloc : memref<!tpu.dma_semaphore, #tpu.memory_space<semaphore_mem>>
      %dma_start3A_643 = tpu.memref_slice %arg6[%mul3A_642] : memref<4096xi32, #tpu.memory_space<hbm>> -> memref<128xi32, #tpu.memory_space<hbm>>
      %dma_start3A_644 = tpu.memref_slice %arg6[%mul3A_642] : memref<4096xi32, #tpu.memory_space<hbm>> -> memref<128xi32, #tpu.memory_space<hbm>>
      tpu.enqueue_dma source(%arg11 : memref<128xi32, #tpu.memory_space<vmem>>) target(%dma_start3A_644 : memref<128xi32, #tpu.memory_space<hbm>>) target_semaphore(%run_scoped3A : memref<!tpu.dma_semaphore, #tpu.memory_space<semaphore_mem>>)
      %dma_wait3A_645 = tpu.memref_slice %arg6[%mul3A_642] : memref<4096xi32, #tpu.memory_space<hbm>> -> memref<128xi32, #tpu.memory_space<hbm>>
      %dma_wait3A_646 = tpu.memref_slice %arg6[%mul3A_642] : memref<4096xi32, #tpu.memory_space<hbm>> -> memref<128xi32, #tpu.memory_space<hbm>>
      tpu.wait_dma2 semaphore(%run_scoped3A : memref<!tpu.dma_semaphore, #tpu.memory_space<semaphore_mem>>) src(%arg11 : memref<128xi32, #tpu.memory_space<vmem>>) dst(%dma_wait3A_646 : memref<128xi32, #tpu.memory_space<hbm>>)
      tpu.yield
    }) : () -> ()
    return
  }
}

module attributes {stable_mosaic.version = 14 : i64} {
  func.func @_merge_body(%arg0: memref<32x128xf32, #tpu.memory_space<vmem>>, %arg1: memref<32x128xi32, #tpu.memory_space<vmem>>, %arg2: memref<1x128xf32, #tpu.memory_space<vmem>>, %arg3: memref<1x128xi32, #tpu.memory_space<vmem>>, %arg4: memref<1x128xi32, #tpu.memory_space<vmem>>) attributes {dimension_semantics = [], scalar_prefetch = 0 : i64, scratch_operands = 0 : i64, tpu.core_type = #tpu.core_type<tc>} {
    %get3A = arith.constant 0 : index
    %get3A_0 = arith.constant 0 : index
    %get3A_1 = vector.load %arg0[%get3A, %get3A_0] : memref<32x128xf32, #tpu.memory_space<vmem>>, vector<32x128xf32>
    %get3A_2 = arith.constant 0 : index
    %get3A_3 = arith.constant 0 : index
    %get3A_4 = vector.load %arg1[%get3A_2, %get3A_3] : memref<32x128xi32, #tpu.memory_space<vmem>>, vector<32x128xi32>
    %get3A_5 = arith.constant 0 : index
    %get3A_6 = arith.constant 0 : index
    %get3A_7 = vector.load %arg2[%get3A_5, %get3A_6] : memref<1x128xf32, #tpu.memory_space<vmem>>, vector<1x128xf32>
    %get3A_8 = arith.constant 0 : index
    %get3A_9 = arith.constant 0 : index
    %get3A_10 = vector.load %arg3[%get3A_8, %get3A_9] : memref<1x128xi32, #tpu.memory_space<vmem>>, vector<1x128xi32>
    %reduce_max3A = arith.constant dense<0xFF800000> : vector<128xf32>
    %reduce_max3A_11 = vector.multi_reduction <maximumf>, %get3A_1, %reduce_max3A [0] : vector<32x128xf32> to vector<128xf32>
    %broadcast_in_dim3A = vector.shape_cast %reduce_max3A_11 : vector<128xf32> to vector<1x128xf32>
    %max3A = arith.maximumf %broadcast_in_dim3A, %get3A_7 : vector<1x128xf32>
    %eq3A = vector.broadcast %max3A : vector<1x128xf32> to vector<32x128xf32>
    %eq3A_12 = arith.cmpf oeq, %get3A_1, %eq3A : vector<32x128xf32>
    %jit3A = arith.constant 1073741824 : i32
    %broadcast_in_dim3A_13 = vector.broadcast %jit3A : i32 to vector<32x128xi32>
    %select_n3A = arith.select %eq3A_12, %get3A_4, %broadcast_in_dim3A_13 : vector<32x128xi1>, vector<32x128xi32>
    %reduce_min3A = arith.constant dense<2147483647> : vector<128xi32>
    %reduce_min3A_14 = vector.multi_reduction <minsi>, %select_n3A, %reduce_min3A [0] : vector<32x128xi32> to vector<128xi32>
    %broadcast_in_dim3A_15 = vector.shape_cast %reduce_min3A_14 : vector<128xi32> to vector<1x128xi32>
    %eq3A_16 = arith.cmpf oeq, %get3A_7, %max3A : vector<1x128xf32>
    %jit3A_17 = arith.constant 1073741824 : i32
    %broadcast_in_dim3A_18 = vector.broadcast %jit3A_17 : i32 to vector<1x128xi32>
    %select_n3A_19 = arith.select %eq3A_16, %get3A_10, %broadcast_in_dim3A_18 : vector<1x128xi1>, vector<1x128xi32>
    %min3A = arith.minsi %broadcast_in_dim3A_15, %select_n3A_19 : vector<1x128xi32>
    %swap3A = arith.constant 0 : index
    %swap3A_20 = arith.constant 0 : index
    %swap3A_21 = vector.load %arg4[%swap3A, %swap3A_20] : memref<1x128xi32, #tpu.memory_space<vmem>>, vector<1x128xi32>
    tpu.vector_store %arg4[%swap3A, %swap3A_20], %min3A {strides = array<i32>} : memref<1x128xi32, #tpu.memory_space<vmem>>, vector<1x128xi32>,
    return
  }
}

module attributes {stable_mosaic.version = 14 : i64} {
  func.func @_tc_body(%arg0: i32, %arg1: memref<4000x128xf32, #tpu.memory_space<vmem>>, %arg2: memref<4000x128xi32, #tpu.memory_space<vmem>>, %arg3: memref<1x128xf32, #tpu.memory_space<vmem>>, %arg4: memref<1x128xf32, #tpu.memory_space<vmem>>, %arg5: memref<1x128xi32, #tpu.memory_space<vmem>>, %arg6: memref<8x128xf32, #tpu.memory_space<vmem>>, %arg7: memref<8x128xi32, #tpu.memory_space<vmem>>) attributes {dimension_semantics = [#tpu.dimension_semantics<arbitrary>], iteration_bounds = array<i64: 24>, scalar_prefetch = 0 : i64, scratch_operands = 2 : i64, tpu.core_type = #tpu.core_type<tc>, window_params = [{transform_indices = @transform_0, window_bounds = array<i64: 4000, 128>}, {transform_indices = @transform_1, window_bounds = array<i64: 4000, 128>}, {pipeline_mode = #tpu.pipeline_mode<synchronous>, transform_indices = @transform_2, window_bounds = array<i64: 1, 128>}, {pipeline_mode = #tpu.pipeline_mode<synchronous>, transform_indices = @transform_3, window_bounds = array<i64: 1, 128>}, {pipeline_mode = #tpu.pipeline_mode<synchronous>, transform_indices = @transform_4, window_bounds = array<i64: 1, 128>}]} {
    %get3A = arith.constant 0 : index
    %get3A_0 = arith.constant 0 : index
    %get3A_1 = vector.load %arg3[%get3A, %get3A_0] : memref<1x128xf32, #tpu.memory_space<vmem>>, vector<1x128xf32>
    %div3A = arith.constant 1.000000e+00 : f32
    %div3A_2 = vector.broadcast %div3A : f32 to vector<1x128xf32>
    %div3A_3 = arith.divf %div3A_2, %get3A_1 : vector<1x128xf32>
    %get3A_4 = arith.constant 0 : index
    %get3A_5 = arith.constant 0 : index
    %get3A_6 = vector.load %arg1[%get3A_4, %get3A_5] : memref<4000x128xf32, #tpu.memory_space<vmem>>, vector<4000x128xf32>
    %get3A_7 = arith.constant 0 : index
    %get3A_8 = arith.constant 0 : index
    %get3A_9 = vector.load %arg2[%get3A_7, %get3A_8] : memref<4000x128xi32, #tpu.memory_space<vmem>>, vector<4000x128xi32>
    %gt3A = arith.constant 0 : i32
    %gt3A_10 = vector.broadcast %gt3A : i32 to vector<4000x128xi32>
    %gt3A_11 = arith.cmpi sgt, %get3A_9, %gt3A_10 : vector<4000x128xi32>
    %mul3A = vector.broadcast %div3A_3 : vector<1x128xf32> to vector<4000x128xf32>
    %mul3A_12 = arith.mulf %get3A_6, %mul3A : vector<4000x128xf32>
    %mul3A_13 = vector.broadcast %get3A_1 : vector<1x128xf32> to vector<4000x128xf32>
    %mul3A_14 = arith.mulf %get3A_6, %mul3A_13 : vector<4000x128xf32>
    %min3A = arith.minimumf %mul3A_12, %mul3A_14 : vector<4000x128xf32>
    %select_n3A = arith.select %gt3A_11, %min3A, %get3A_6 : vector<4000x128xi1>, vector<4000x128xf32>
    %reshape3A = vector.shape_cast %select_n3A : vector<4000x128xf32> to vector<500x8x128xf32>
    %mul3A_15 = arith.constant 4000 : i32
    %mul3A_16 = arith.muli %arg0, %mul3A_15 : i32
    %iota3A = tpu.iota {dimensions = array<i32: 0>} : vector<500x8x128xi32>
    %mul3A_17 = arith.constant 8 : i32
    %mul3A_18 = vector.broadcast %mul3A_17 : i32 to vector<500x8x128xi32>
    %mul3A_19 = arith.muli %iota3A, %mul3A_18 : vector<500x8x128xi32>
    %add3A = vector.broadcast %mul3A_16 : i32 to vector<500x8x128xi32>
    %add3A_20 = arith.addi %add3A, %mul3A_19 : vector<500x8x128xi32>
    %iota3A_21 = tpu.iota {dimensions = array<i32: 1>} : vector<500x8x128xi32>
    %add3A_22 = arith.addi %add3A_20, %iota3A_21 : vector<500x8x128xi32>
    %reduce_max3A = arith.constant dense<0xFF800000> : vector<8x128xf32>
    %reduce_max3A_23 = vector.multi_reduction <maximumf>, %reshape3A, %reduce_max3A [0] : vector<500x8x128xf32> to vector<8x128xf32>
    %broadcast_in_dim3A = vector.shape_cast %reduce_max3A_23 : vector<8x128xf32> to vector<1x8x128xf32>
    %eq3A = vector.broadcast %broadcast_in_dim3A : vector<1x8x128xf32> to vector<500x8x128xf32>
    %eq3A_24 = arith.cmpf oeq, %reshape3A, %eq3A : vector<500x8x128xf32>
    %jit3A = arith.constant 1073741824 : i32
    %broadcast_in_dim3A_25 = vector.broadcast %jit3A : i32 to vector<500x8x128xi32>
    %select_n3A_26 = arith.select %eq3A_24, %add3A_22, %broadcast_in_dim3A_25 : vector<500x8x128xi1>, vector<500x8x128xi32>
    %reduce_min3A = arith.constant dense<2147483647> : vector<8x128xi32>
    %reduce_min3A_27 = vector.multi_reduction <minsi>, %select_n3A_26, %reduce_min3A [0] : vector<500x8x128xi32> to vector<8x128xi32>
    %eq3A_28 = arith.constant 0 : i32
    %eq3A_29 = arith.cmpi eq, %arg0, %eq3A_28 : i32
    %convert_element_type3A = arith.extui %eq3A_29 : i1 to i32
    %cond3A = arith.constant 0 : i32
    %cond3A_30 = arith.cmpi ne, %convert_element_type3A, %cond3A : i32
    scf.if %cond3A_30 {
      %swap3A = arith.constant 0 : index
      %swap3A_41 = arith.constant 0 : index
      %swap3A_42 = vector.load %arg6[%swap3A, %swap3A_41] : memref<8x128xf32, #tpu.memory_space<vmem>>, vector<8x128xf32>
      tpu.vector_store %arg6[%swap3A, %swap3A_41], %reduce_max3A_23 {strides = array<i32>} : memref<8x128xf32, #tpu.memory_space<vmem>>, vector<8x128xf32>,
      %swap3A_43 = arith.constant 0 : index
      %swap3A_44 = arith.constant 0 : index
      %swap3A_45 = vector.load %arg7[%swap3A_43, %swap3A_44] : memref<8x128xi32, #tpu.memory_space<vmem>>, vector<8x128xi32>
      tpu.vector_store %arg7[%swap3A_43, %swap3A_44], %reduce_min3A_27 {strides = array<i32>} : memref<8x128xi32, #tpu.memory_space<vmem>>, vector<8x128xi32>,
    } else {
    }
    %gt3A_31 = arith.constant 0 : i32
    %gt3A_32 = arith.cmpi sgt, %arg0, %gt3A_31 : i32
    %convert_element_type3A_33 = arith.extui %gt3A_32 : i1 to i32
    %cond3A_34 = arith.constant 0 : i32
    %cond3A_35 = arith.cmpi ne, %convert_element_type3A_33, %cond3A_34 : i32
    scf.if %cond3A_35 {
      %get3A_41 = arith.constant 0 : index
      %get3A_42 = arith.constant 0 : index
      %get3A_43 = vector.load %arg6[%get3A_41, %get3A_42] : memref<8x128xf32, #tpu.memory_space<vmem>>, vector<8x128xf32>
      %gt3A_44 = arith.cmpf ogt, %reduce_max3A_23, %get3A_43 : vector<8x128xf32>
      %select_n3A_45 = arith.select %gt3A_44, %reduce_max3A_23, %get3A_43 : vector<8x128xi1>, vector<8x128xf32>
      %swap3A = arith.constant 0 : index
      %swap3A_46 = arith.constant 0 : index
      %swap3A_47 = vector.load %arg6[%swap3A, %swap3A_46] : memref<8x128xf32, #tpu.memory_space<vmem>>, vector<8x128xf32>
      tpu.vector_store %arg6[%swap3A, %swap3A_46], %select_n3A_45 {strides = array<i32>} : memref<8x128xf32, #tpu.memory_space<vmem>>, vector<8x128xf32>,
      %get3A_48 = arith.constant 0 : index
      %get3A_49 = arith.constant 0 : index
      %get3A_50 = vector.load %arg7[%get3A_48, %get3A_49] : memref<8x128xi32, #tpu.memory_space<vmem>>, vector<8x128xi32>
      %select_n3A_51 = arith.select %gt3A_44, %reduce_min3A_27, %get3A_50 : vector<8x128xi1>, vector<8x128xi32>
      %swap3A_52 = arith.constant 0 : index
      %swap3A_53 = arith.constant 0 : index
      %swap3A_54 = vector.load %arg7[%swap3A_52, %swap3A_53] : memref<8x128xi32, #tpu.memory_space<vmem>>, vector<8x128xi32>
      tpu.vector_store %arg7[%swap3A_52, %swap3A_53], %select_n3A_51 {strides = array<i32>} : memref<8x128xi32, #tpu.memory_space<vmem>>, vector<8x128xi32>,
    } else {
    }
    %eq3A_36 = arith.constant 23 : i32
    %eq3A_37 = arith.cmpi eq, %arg0, %eq3A_36 : i32
    %convert_element_type3A_38 = arith.extui %eq3A_37 : i1 to i32
    %cond3A_39 = arith.constant 0 : i32
    %cond3A_40 = arith.cmpi ne, %convert_element_type3A_38, %cond3A_39 : i32
    scf.if %cond3A_40 {
      %get3A_41 = arith.constant 0 : index
      %get3A_42 = arith.constant 0 : index
      %get3A_43 = vector.load %arg6[%get3A_41, %get3A_42] : memref<8x128xf32, #tpu.memory_space<vmem>>, vector<8x128xf32>
      %get3A_44 = arith.constant 0 : index
      %get3A_45 = arith.constant 0 : index
      %get3A_46 = vector.load %arg7[%get3A_44, %get3A_45] : memref<8x128xi32, #tpu.memory_space<vmem>>, vector<8x128xi32>
      %reduce_max3A_47 = arith.constant dense<0xFF800000> : vector<128xf32>
      %reduce_max3A_48 = vector.multi_reduction <maximumf>, %get3A_43, %reduce_max3A_47 [0] : vector<8x128xf32> to vector<128xf32>
      %broadcast_in_dim3A_49 = vector.shape_cast %reduce_max3A_48 : vector<128xf32> to vector<1x128xf32>
      %eq3A_50 = vector.broadcast %broadcast_in_dim3A_49 : vector<1x128xf32> to vector<8x128xf32>
      %eq3A_51 = arith.cmpf oeq, %get3A_43, %eq3A_50 : vector<8x128xf32>
      %jit3A_52 = arith.constant 1073741824 : i32
      %broadcast_in_dim3A_53 = vector.broadcast %jit3A_52 : i32 to vector<8x128xi32>
      %select_n3A_54 = arith.select %eq3A_51, %get3A_46, %broadcast_in_dim3A_53 : vector<8x128xi1>, vector<8x128xi32>
      %swap3A = arith.constant 0 : index
      %swap3A_55 = arith.constant 0 : index
      %swap3A_56 = vector.load %arg4[%swap3A, %swap3A_55] : memref<1x128xf32, #tpu.memory_space<vmem>>, vector<1x128xf32>
      tpu.vector_store %arg4[%swap3A, %swap3A_55], %broadcast_in_dim3A_49 {strides = array<i32>} : memref<1x128xf32, #tpu.memory_space<vmem>>, vector<1x128xf32>,
      %reduce_min3A_57 = arith.constant dense<2147483647> : vector<128xi32>
      %reduce_min3A_58 = vector.multi_reduction <minsi>, %select_n3A_54, %reduce_min3A_57 [0] : vector<8x128xi32> to vector<128xi32>
      %broadcast_in_dim3A_59 = vector.shape_cast %reduce_min3A_58 : vector<128xi32> to vector<1x128xi32>
      %swap3A_60 = arith.constant 0 : index
      %swap3A_61 = arith.constant 0 : index
      %swap3A_62 = vector.load %arg5[%swap3A_60, %swap3A_61] : memref<1x128xi32, #tpu.memory_space<vmem>>, vector<1x128xi32>
      tpu.vector_store %arg5[%swap3A_60, %swap3A_61], %broadcast_in_dim3A_59 {strides = array<i32>} : memref<1x128xi32, #tpu.memory_space<vmem>>, vector<1x128xi32>,
    } else {
    }
    return
  }
  func.func @transform_0(%arg0: i32) -> (i32, i32) {
    %c0_i32 = arith.constant 0 : i32
    %c0_i32_0 = arith.constant 0 : i32
    return %arg0, %c0_i32 : i32, i32
  }
  func.func @transform_1(%arg0: i32) -> (i32, i32) {
    %c0_i32 = arith.constant 0 : i32
    %c0_i32_0 = arith.constant 0 : i32
    return %arg0, %c0_i32 : i32, i32
  }
  func.func @transform_2(%arg0: i32) -> (i32, i32) {
    %c0_i32 = arith.constant 0 : i32
    %c0_i32_0 = arith.constant 0 : i32
    %c0_i32_1 = arith.constant 0 : i32
    return %c0_i32, %c0_i32_0 : i32, i32
  }
  func.func @transform_3(%arg0: i32) -> (i32, i32) {
    %c0_i32 = arith.constant 0 : i32
    %c0_i32_0 = arith.constant 0 : i32
    %c0_i32_1 = arith.constant 0 : i32
    return %c0_i32, %c0_i32_0 : i32, i32
  }
  func.func @transform_4(%arg0: i32) -> (i32, i32) {
    %c0_i32 = arith.constant 0 : i32
    %c0_i32_0 = arith.constant 0 : i32
    %c0_i32_1 = arith.constant 0 : i32
    return %c0_i32, %c0_i32_0 : i32, i32
  }
}

</mosaic_0001>

<sc_bundles>
// kernel: kernel.5.cloned.1.call-start
scs
__scs_entry_jumppad:
0x0: {  	(pc) =	sbr.rel $0x88, $3  }
0x1: {  	(tag) =	ssettag $0x0;
	lr =	simm.s32 $0x1  }
0x2: {  	[smem:$0x3F9E] =	sst lr;
	_ =	strace $0xD0000000  }
0x3: {  	_ = 	snop  }
0x4: {  	_ = 	snop  }
0x5: {  	_ = 	snop  }
0x6: {  	_ = 	snop  }
0x7: {  	_ = 	snop  }
__scs_overlays_trampoline_lowered:
0x8: {  	[smem:$0x3FAD] =	sst s0  }
0x9: {  	[smem:$0x3FAE] =	sst s1  }
0xa: {  	[smem:$0x3FAF] =	sst s2  }
0xb: {  	[smem:$0x3FB0] =	sst s3  }
0xc: {  	[smem:$0x3FB1] =	sst s4  }
0xd: {  	[smem:$0x3FB2] =	sst s5  }
0xe: {  	[smem:$0x3FB3] =	sst s6  }
0xf: {  	[smem:$0x3FB4] =	sst s7  }
0x10: {  	[smem:$0x3FB5] =	sst s8  }
0x11: {  	[smem:$0x3FB6] =	sst s9;
	s0 =	simm.s32 @!p0 $0x0  }
0x12: {  	s1 =	sld [smem:$0x3F9C];
	s0 =	simm.s32 @p0 $0x1  }
0x13: {  	[smem:$0x3FB7] =	sst s0;
	s0 =	simm.s32 @!p1 $0x0  }
0x14: {  	s2 =	sld [smem:$0x3F9B];
	s0 =	simm.s32 @p1 $0x1  }
0x15: {  	[smem:$0x3FB8] =	sst s0;
	s0 =	simm.s32 @!p2 $0x0  }
0x16: {  	s3 =	sld [smem:$0x3FDB];
	s0 =	simm.s32 @p2 $0x1  }
0x17: {  	s4 =	simm.s32 $0x1BF5;
	[smem:$0x3FBA] =	sst s0  }
0x18: {  	s0 =	sld [smem:$0x3F9D];
	_ =	swait.ge [sflag:s4], $0x0  }
0x19: {  	s7 =	sld [smem:$0x3F9E]  }
0x1a: {  	s8 =	sadd.s32 $0xFFFFE003, lr  }
0x1b: {  	s9 =	sadd.s32 $0xFFFFFEF7, lr;
	s5 =	simm.s32 $0xFFFFFFFF;
	p2 =	slt.u32 s8, $0xFFFFF086  }
0x1c: {  	p1 =	slt.u32 s9, $0xF7A;
	s5 =	simm.s32 @!p2 $0x0  }
0x1d: {  	s5 =	simm.s32 @p1 $0x1;
	p0 =	seq.s32 s7, s2  }
0x1e: {  	s7 =	smul.u32 @!p0 $0xF7A, s2;
	p2 =	seq.s32 @!p0 s5, $0x0  }
0x1f: {  	s9 =	smul.u32 $0xF7A, s1;
	s8 =	simm.s32 @!p0 $0x1BF5;
	p2 =	por !p2, p0  }
0x20: {  	[sflag:s8] =	ssyncset.s32 @!p0 $0xFFFFF086;
	s6 =	sadd.s32 @!p0 s3, s7;
	s7 =	simm.s32 @!p0 $0x108  }
0x21: {  	s3 =	sadd.s32 s3, s9;
	s6 =	sadd.s32 @!p0 $0x88, s6;
	s7 =	simm.s32 @p2 $0x1082  }
0x22: {  	[simem:s7], [sflag:s8] =	dma.local @!p0 [hbm:s6], $0xF7A  }
0x23: {  	s9 =	sor.u32 $0xD0000000, s2;
	s6 =	simm.s32 $0x108;
	_ =	swait.ge @!p0 [sflag:s8], $0x0  }
0x24: {  	s3 =	sadd.s32 $0x88, s3;
	s6 =	simm.s32 @!p1 $0x1082;
	[sflag:s4] =	ssyncset.s32 $0xFFFFF086  }
0x25: {  	[simem:s6], [sflag:s4] =	dma.local [hbm:s3], $0xF7A  }
0x26: {  	[smem:$0x3F9E] =	sst s1;
	(tag) =	ssettag s2;
	_ =	strace s9  }
0x27: {  	s1 =	sld [smem:$0x3FAE]  }
0x28: {  	s2 =	sld [smem:$0x3FAF]  }
0x29: {  	s4 =	sld [smem:$0x3FB1]  }
0x2a: {  	p0 =	seq.s32 s5, $0x0;
	s5 =	sld [smem:$0x3FB2]  }
0x2b: {  	s6 =	sld [smem:$0x3FB3]  }
0x2c: {  	s7 =	sld [smem:$0x3FB4]  }
0x2d: {  	s3 =	simm.s32 $0x108;
	s8 =	sld [smem:$0x3FB5]  }
0x2e: {  	s3 =	simm.s32 @!p0 $0x1082;
	s9 =	sld [smem:$0x3FB6]  }
0x2f: {  	lr =	sadd.s32 s0, s3;
	s0 =	sld [smem:$0x3FAD]  }
0x30: {  	s3 =	sld [smem:$0x3FB0]  }
0x31: {  	[smem:$0x3FB9] =	sst s10  }
0x32: {  	s10 =	sld [smem:$0x3FB7];
	_ =	sdelay $0x3  }
0x33: {  	p0 =	seq.s32 s10, $0x1;
	s10 =	sld [smem:$0x3FB9];
	_ =	sdelay $0x3  }
0x34: {  	[smem:$0x3FB9] =	sst s10  }
0x35: {  	s10 =	sld [smem:$0x3FB8];
	_ =	sdelay $0x3  }
0x36: {  	p1 =	seq.s32 s10, $0x1;
	s10 =	sld [smem:$0x3FB9];
	_ =	sdelay $0x3  }
0x37: {  	[smem:$0x3FB9] =	sst s10  }
0x38: {  	s10 =	sld [smem:$0x3FBA]  }
0x39: {  	_ = 	snop;
	(pc) =	sbr.ind lr, $3  }
0x3a: {  	_ = 	snop  }
0x3b: {  	_ = 	snop  }
0x3c: {  	p2 =	seq.s32 s10, $0x1;
	s10 =	sld [smem:$0x3FB9]  }
0x3d: {  	_ =	shalt  }
0x3e: {  	_ =	shalt  }
0x3f: {  	_ =	shalt  }
0x40: {  	_ =	shalt  }
0x41: {  	_ =	shalt  }
0x42: {  	_ =	shalt  }
0x43: {  	_ =	shalt  }
0x44: {  	_ =	shalt  }
0x45: {  	_ =	shalt  }
0x46: {  	_ =	shalt  }
0x47: {  	_ =	shalt  }
0x48: {  	_ =	shalt  }
0x49: {  	_ =	shalt  }
0x4a: {  	_ =	shalt  }
0x4b: {  	_ =	shalt  }
0x4c: {  	_ =	shalt  }
0x4d: {  	_ =	shalt  }
0x4e: {  	_ =	shalt  }
0x4f: {  	_ =	shalt  }
0x50: {  	_ =	shalt  }
0x51: {  	_ =	shalt  }
0x52: {  	_ =	shalt  }
0x53: {  	_ =	shalt  }
0x54: {  	_ =	shalt  }
0x55: {  	_ =	shalt  }
0x56: {  	_ =	shalt  }
0x57: {  	_ =	shalt  }
0x58: {  	_ =	shalt  }
0x59: {  	_ =	shalt  }
0x5a: {  	_ =	shalt  }
0x5b: {  	_ =	shalt  }
0x5c: {  	_ =	shalt  }
0x5d: {  	_ =	shalt  }
0x5e: {  	_ =	shalt  }
0x5f: {  	_ =	shalt  }
0x60: {  	_ =	shalt  }
0x61: {  	_ =	shalt  }
0x62: {  	_ =	shalt  }
0x63: {  	_ =	shalt  }
0x64: {  	_ =	shalt  }
0x65: {  	_ =	shalt  }
0x66: {  	_ =	shalt  }
0x67: {  	_ =	shalt  }
0x68: {  	_ =	shalt  }
0x69: {  	_ =	shalt  }
0x6a: {  	_ =	shalt  }
0x6b: {  	_ =	shalt  }
0x6c: {  	_ =	shalt  }
0x6d: {  	_ =	shalt  }
0x6e: {  	_ =	shalt  }
0x6f: {  	_ =	shalt  }
0x70: {  	_ =	shalt  }
0x71: {  	_ =	shalt  }
0x72: {  	_ =	shalt  }
0x73: {  	_ =	shalt  }
0x74: {  	_ =	shalt  }
0x75: {  	_ =	shalt  }
0x76: {  	_ =	shalt  }
0x77: {  	_ =	shalt  }
0x78: {  	_ =	shalt  }
0x79: {  	_ =	shalt  }
0x7a: {  	_ =	shalt  }
0x7b: {  	_ =	shalt  }
0x7c: {  	_ =	shalt  }
0x7d: {  	_ =	shalt  }
0x7e: {  	_ =	shalt  }
0x7f: {  	_ =	shalt  }
0x80: {  	_ =	shalt  }
0x81: {  	_ =	shalt  }
0x82: {  	_ =	shalt  }
0x83: {  	_ =	shalt  }
0x84: {  	_ =	shalt  }
0x85: {  	_ =	shalt  }
0x86: {  	_ =	shalt  }
0x87: {  	_ =	shalt  }
.Lfunc_end0:
.L_simem_size_0:
called_computation_lowered:
.L_overlay_start_0:
0x88: {  	s2 =	sld [smem:$0x3FD9]  }
0x89: {  	s3 =	sld [smem:$0x3FFE];
	_ =	sdelay $0x1  }
0x8a: {  	s1 =	srdreg.scid  }
0x8b: {  	s0 =	sand.u32 $0x1, s1  }
0x8c: {  	s17 =	sshll.u32 s0, $0xA;
	s2 =	sadd.s32 s3, s2  }
0x8d: {  	s2 =	sadd.s32 s2, s17  }
0x8e: {  	[smem:$0x3FC5] =	sst s2  }
0x8f: {  	_ = 	snop  }
0x90: {  	s2 =	sld [smem:$0x3FC9]  }
0x91: {  	s18 =	sld [smem:$0x3FC8]  }
0x92: {  	s4 =	sld [smem:$0x3FC7];
	(tm) =	ssettm $0x1  }
0x93: {  	s5 =	sld [smem:$0x3FFB];
	_ =	sdelay $0x3  }
0x94: {  	_ =	strace s5  }
0x95: {  	s5 =	sld [smem:$0x3FFC];
	_ =	sdelay $0x3  }
0x96: {  	_ =	strace s5  }
0x97: {  	s5 =	sld [smem:$0x3FFD];
	_ =	sdelay $0x3  }
0x98: {  	_ =	strace s5  }
0x99: {  	_ =	strace $0x8FFFFFFF  }
0x9a: {  	s19 =	sld [smem:$0x3FDB];
	_ =	sdelay $0x1  }
0x9b: {  	s6 =	simm.s32 $_scs_section_size  }
0x9c: {  	s7 =	simm.s32 $_size__tile_overlayer_lowered;
	s8 =	simm.s32 $_tile_overlayer_lowered  }
0x9d: {  	s22 =	simm.s32 $0x1BFF;
	s21 =	sshll.u32 s8, $0x1;
	s5 =	sadd.s32 s6, s19  }
0x9e: {  	s9 =	simm.s32 $0x0;
	s20 =	sshll.u32 s7, $0x1;
	s7 =	sadd.s32 s21, s5  }
0x9f: {  	[timem:s9], [sflag:s22] =	dma.local [hbm:s7], s20  }
0xa0: {  	_ =	swait.ge [sflag:s22], s20  }
0xa1: {  	s6 =	ssub.s32 $0x0, s20;
	[sflag:s22] =	ssyncset.done $0x0  }
0xa2: {  	[sflag:s22] =	ssyncadd.s32 s6;
	_ =	sdelay $0x1  }
0xa3: {  	s23 =	simm.s32 $0x1B8B  }
0xa4: {  	_ =	swait.ge [sflag:s23], $0x1  }
0xa5: {  	[sflag:s23] =	ssyncset.done $0x0  }
0xa6: {  	s25 =	simm.s32 $0x1B8E;
	s24 =	sld [smem:$0x3FFE];
	[sflag:s23] =	ssyncadd.s32 $0xFFFFFFFF  }
0xa7: {  	s26 =	simm.s32 $execute0_lowered;
	[smem:$0x3FD2] =	sst s25  }
0xa8: {  	s7 =	sshll.u32 s26, $0x1;
	_ =	strace $0x80000046;
	[dreg:$0x1] =	wrdreg $0xFFFFFFFF  }
0xa9: {  	s28 =	simm.s32 $_size_execute0_lowered;
	s5 =	sadd.s32 s5, s7;
	[dreg:$0x0] =	wrdreg $0x0  }
0xaa: {  	s7 =	sshll.u32 s28, $0x1;
	[dreg:$0x2] =	wrdreg s5  }
0xab: {  	[dreg:$0x3] =	wrdreg s7  }
0xac: {  	[dreg:$0x4] =	wrdreg $0xC0  }
0xad: {  	_ =	task [dreg:s9], $0x5FFFF  }
0xae: {  	[dreg:$0x1] =	wrdreg $0xFFFFFFFF  }
0xaf: {  	[dreg:$0x0] =	wrdreg $0x60  }
0xb0: {  	[dreg:$0x2] =	wrdreg s2  }
0xb1: {  	[dreg:$0x3] =	wrdreg s4  }
0xb2: {  	[dreg:$0x4] =	wrdreg s18  }
0xb3: {  	[dreg:$0x5] =	wrdreg s24  }
0xb4: {  	[dreg:$0x6] =	wrdreg $0x9  }
0xb5: {  	_ =	task.clear_ibuf [dreg:s9], $0x7FFFF;
	_ =	strace $0x90000046  }
0xb6: {  	s29 =	simm.s32 $0x9;
	_ =	strace $0x80000048  }
0xb7: {  	_ =	swait.ge [sflag:s29], $0x1  }
0xb8: {  	[sflag:s29] =	ssyncadd.s32 $0xFFFFFFFF  }
0xb9: {  	_ =	strace $0x90000048  }
0xba: {  	_ =	sfence  }
0xbb: {  	s30 =	sld [smem:$0x0];
	_ =	sdelay $0x2  }
0xbc: {  	s31 =	sshll.u32 s1, $0xD;
	s1 =	sshrl.u32 s1, $0x2  }
0xbd: {  	s3 =	sand.u32 $0x4000, s31;
	s1 =	sadd.s32 s1, s30  }
0xbe: {  	s0 =	sor.u32 s3, s0;
	s1 =	sshll.u32 s1, $0x11  }
0xbf: {  	s0 =	sor.u32 s1, s0  }
0xc0: {  	s0 =	sadd.s32 $0x8F2B, s0  }
0xc1: {  	[sflag:s0] =	ssyncadd.remote.s32 $0x1  }
0xc2: {  	_ =	sfence.sel $0xFFFF  }
0xc3: {  	[dreg:$0x0] =	wrdreg $0xFFFFFFFF;
	(pc) =	sbr.abs _section_cstart, $3  }
0xc4: {  	[dreg:$0x1] =	wrdreg $0xFFFFFFFF  }
0xc5: {  	_ =	task.clear_ibuf [dreg:s9], $0x2FFFF;
	_ =	strace $0x9FFFFFFF  }
0xc6: {  	(tm) =	ssettm $0x7FFFFFFF  }
0xc7: {  	_ =	shalt  }
tec
execute0_lowered:
.L_overlay_start_1:
0x0: {  	(tag) =	ssettag $0x1  }
0x1: {  	s1 =	rddreg [dreg:$0x0]  }
0x2: {  	s7 =	rddreg [dreg:$0x1]  }
0x3: {  	s2 =	rddreg [dreg:$0x2];
	s3 =	srdreg.scid  }
0x4: {  	s0 =	stileid.u32;
	s4 =	rddreg [dreg:$0x3]  }
0x5: {  	s13 =	simm.s32 $0x19000;
	s14 =	simm.s32 $0x5;
	s15 =	simm.s32 $0xC800  }
0x6: {  	s16 =	simm.s32 $0x1;
	s17 =	simm.s32 $0x3;
	s18 =	simm.s32 $0x6400  }
0x7: {  	s19 =	simm.s32 $0x12C00;
	s20 =	simm.s32 $0x2;
	s21 =	simm.s32 $0x4  }
0x8: {  	s22 =	simm.s32 $0x19080;
	s23 =	simm.s32 $0x19100;
	s5 =	sand.u32 $0x1, s3  }
0x9: {  	s6 =	sshll.u32 s0, $0x1;
	s3 =	simm.s32 $0x0;
	s9 =	smul.u32 $0x384, s0  }
0xa: {  	s6 =	sor.u32 s5, s6;
	s10 =	ssub.s32 $0x2, s5;
	s5 =	smul.u32 $0x1C2, s5  }
0xb: {  	s24 =	simm.s32 $0x0;
	[smem:$0x7FF] =	sst s3;
	s8 =	smul.u32 $0x7421E2, s6  }
0xc: {  	_ =	strace $0x80000047;
	s6 =	sshll.u32 s6, $0x4;
	s28 =	sshrl.u32 s10, $0x1  }
0xd: {  	s11 =	sadd.s32 s6, s4;
	s5 =	sadd.s32 s5, s9;
	s8 =	sshrl.u32 s8, $0xC  }
0xe: {  	s10 =	ssub.s32 s10, s28;
	s12 =	smulhi.u32 $0x8421085, s5;
	s29 =	sand.u32 $0xFF80, s8  }
0xf: {  	s9 =	sadd.s32 $0x1200, s11;
	s10 =	smax.u32 s10, $0x1;
	s8 =	sadd.s32 $0x177000, s29  }
0x10: {  	s30 =	sadd.s32 $0x177C80, s29;
	s31 =	sshll.u32 s12, $0x3;
	s4 =	sadd.s32 s1, s8  }
0x11: {  	s5 =	sadd.s32 s7, s8;
	s6 =	sadd.s32 s1, s30;
	s7 =	sadd.s32 s7, s30  }
0x12: {  	s8 =	sadd.s32 $0x1000, s11;
	s11 =	sadd.s32 $0x17796, s31;
	s12 =	sadd.s32 $0x1785E, s31  }
.LBB2_1:
0x13: {  	[tilespmem:s13], [sflag:$0x5] =	stream.linear.gather [hbm4b:s2+s3], $0x80, $0x38;
	[tilespmem:$0x19180] =	vst v63  }
0x14: {  	_ =	swait.ge [sflag:s14], $0x80  }
0x15: {  	[sflag:s14] =	ssyncset.done $0x0  }
0x16: {  	[sflag:s14] =	ssyncadd.s32 $0xFFFFFF80  }
0x17: {  	v20 =	vld [tilespmem:$0x19000];
	_ =	sdelay $0x4  }
0x18: {  	(erf) = vrcp.f32 v20  }
0x19: {  	v6 =	vld [tilespmem:$0x19010]  }
0x1a: {  	v5 =	vld [tilespmem:$0x19020]  }
0x1b: {  	v4 =	vld [tilespmem:$0x19030]  }
0x1c: {  	v3 =	vld [tilespmem:$0x19040]  }
0x1d: {  	v2 =	vld [tilespmem:$0x19050]  }
0x1e: {  	v1 =	vld [tilespmem:$0x19060]  }
0x1f: {  	v0 =	vld [tilespmem:$0x19070];
	[tilespmem:s3], [sflag:$0x1] =	stream.linear.gather [hbm4b:s4+s3], $0x6400, $0x38  }
0x20: {  	_ = 	snop  }
0x21: {  	[tilespmem:s15], [sflag:$0x3] =	stream.linear.gather [hbm4b:s5+s3], $0x6400, $0x38;
	v22 =	vpop (erf);
	[tilespmem:$0x19180] =	vst v63  }
0x22: {  	_ =	swait.ge [sflag:s16], $0x6400  }
0x23: {  	[sflag:s16] =	ssyncset.done $0x0  }
0x24: {  	[sflag:s16] =	ssyncadd.s32 $0xFFFF9C00  }
0x25: {  	_ =	swait.ge [sflag:s17], $0x6400  }
0x26: {  	[sflag:s17] =	ssyncset.done $0x0  }
0x27: {  	[sflag:s17] =	ssyncadd.s32 $0xFFFF9C00  }
0x28: {  	[tilespmem:s18], [sflag:$0x2] =	stream.linear.gather [hbm4b:s6+s3], $0x6400, $0x38;
	[tilespmem:$0x19180] =	vst v63  }
0x29: {  	s1 =	simm.s32 $0x0  }
0x2a: {  	[tilespmem:s19], [sflag:$0x4] =	stream.linear.gather [hbm4b:s7+s3], $0x6400, $0x38;
	[tilespmem:$0x19180] =	vst v63  }
0x2b: {  	v8 =	vld [tilespmem:s1+$0xC800]  }
0x2c: {  	v10 =	vld [tilespmem:s1+$0xE100]  }
0x2d: {  	v11 =	vld [tilespmem:s1+$0xFA00]  }
0x2e: {  	v12 =	vld [tilespmem:s1+$0x11300]  }
0x2f: {  	v13 =	vld [tilespmem:s1+$0x0]  }
0x30: {  	v17 =	vld [tilespmem:s1+$0x1900]  }
0x31: {  	v19 =	vld [tilespmem:s1+$0x3200]  }
0x32: {  	v21 =	vld [tilespmem:s1+$0x4B00]  }
0x33: {  	v9 =	vimm.f32 $-3.000000010e+38;
	v7 =	vimm.s32 $0x0;
	vm0 =	vgt.s32 v8, $0x0  }
0x34: {  	v8 =	vmul.f32 v13, v22;
	v15 =	vmul.f32 v13, v20;
	vm1 =	vgt.s32 v10, $0x0  }
0x35: {  	v10 =	vmul.f32 v17, v22;
	v16 =	vmul.f32 v17, v20;
	vm2 =	vgt.s32 v11, $0x0  }
0x36: {  	s26 =	simm.s32 $0x80;
	v11 =	vmul.f32 v19, v22;
	v18 =	vmul.f32 v19, v20;
	vm3 =	vgt.s32 v12, $0x0  }
0x37: {  	v14 =	vld [tilespmem:s26+$0xC800];
	v12 =	vmul.f32 v21, v22;
	v23 =	vmul.f32 v21, v20;
	v8 =	vmin.f32 v8, v15  }
0x38: {  	v15 =	vld [tilespmem:s26+$0xE100];
	v10 =	vmin.f32 v10, v16;
	v11 =	vmin.f32 v11, v18;
	v8 =	vsel vm0, v8, v13  }
0x39: {  	v16 =	vld [tilespmem:s26+$0xFA00];
	v12 =	vmin.f32 v12, v23;
	v23 =	vimm.s32 $0x0;
	vm0 =	vgt.f32 v8, v9  }
0x3a: {  	v18 =	vld [tilespmem:s26+$0x11300];
	v17 =	vsel vm1, v10, v17;
	v10 =	vsel vm0, v8, v9;
	v8 =	vsel vm2, v11, v19  }
0x3b: {  	v19 =	vsel vm3, v12, v21;
	v12 =	vld [tilespmem:s26+$0x0];
	vm2 =	vgt.f32 v17, v9;
	v21 =	vimm.s32 $0x0  }
0x3c: {  	s28 =	simm.s32 $0x400;
	s29 =	sadd.s32 $0xFFFFFF9C, s11;
	v13 =	vld [tilespmem:s26+$0x1900];
	vm3 =	vgt.f32 v8, v9;
	vm1 =	vgt.f32 v19, v9;
	v11 =	vsel vm2, v17, v9  }
0x3d: {  	s30 =	sadd.s32 $0xFFFFFFCE, s11;
	s25 =	smov.u32 s11;
	s1 =	sadd.s32 $0xFFFFFF6A, s11;
	v17 =	vld [tilespmem:s26+$0x3200];
	v8 =	vsel vm3, v8, v9;
	v9 =	vsel vm1, v19, v9;
	v19 =	vimm.s32 $0x0  }
.LBB2_2:
0x3e: {  	p0 =	seq.s32 s28, $0x6200;
	v24 =	vld [tilespmem:s26+$0x4B00];
	v7 =	vsel vm0, s1, v7;
	v19 =	vsel vm2, s29, v19;
	v21 =	vsel vm3, s30, v21  }
0x3f: {  	vm0 =	vgt.s32 v14, $0x0;
	v23 =	vsel vm1, s25, v23  }
0x40: {  	vm1 =	vgt.s32 v15, $0x0;
	v25 =	vmul.f32 v12, v22;
	v26 =	vmul.f32 v12, v20  }
0x41: {  	s26 =	sshra.s32 s28, $0x2;
	vm2 =	vgt.s32 v16, $0x0;
	v27 =	vmul.f32 v13, v22;
	v28 =	vmul.f32 v13, v20  }
0x42: {  	vm3 =	vgt.s32 v18, $0x0;
	v14 =	vld [tilespmem:s26+$0xC800];
	v29 =	vmul.f32 v17, v22;
	v30 =	vmul.f32 v17, v20  }
0x43: {  	v18 =	vmin.f32 v25, v26;
	v15 =	vld [tilespmem:s26+$0xE100];
	v25 =	vmul.f32 v24, v22;
	v26 =	vmul.f32 v24, v20  }
.Ltmp0:
0x44: {  	v31 =	vsel vm0, v18, v12;
	v12 =	vmin.f32 v27, v28;
	v16 =	vld [tilespmem:s26+$0xFA00];
	v27 =	vmin.f32 v29, v30;
	(pc) =	sbr.rel @!p0 .LBB2_2-.Ltmp0, $4  }
0x45: {  	vm0 =	vgt.f32 v31, v10;
	v28 =	vsel vm1, v12, v13;
	v18 =	vld [tilespmem:s26+$0x11300];
	v13 =	vmin.f32 v25, v26  }
0x46: {  	s25 =	sadd.s32 $0x1, s25;
	v10 =	vsel vm0, v31, v10;
	v25 =	vsel vm2, v27, v17;
	v12 =	vld [tilespmem:s26+$0x0];
	v24 =	vsel vm3, v13, v24  }
0x47: {  	s1 =	sadd.s32 $0xFFFFFF6A, s25;
	vm2 =	vgt.f32 v28, v11;
	vm3 =	vgt.f32 v25, v8;
	v13 =	vld [tilespmem:s26+$0x1900];
	vm1 =	vgt.f32 v24, v9  }
0x48: {  	s28 =	sadd.s32 $0x200, s28;
	s29 =	sadd.s32 $0xFFFFFF9C, s25;
	s30 =	sadd.s32 $0xFFFFFFCE, s25;
	v11 =	vsel vm2, v28, v11;
	v8 =	vsel vm3, v25, v8;
	v17 =	vld [tilespmem:s26+$0x3200];
	v9 =	vsel vm1, v24, v9  }
0x49: {  	v24 =	vld [tilespmem:s26+$0x4B00]  }
0x4a: {  	v7 =	vsel vm0, s1, v7;
	v19 =	vsel vm2, s29, v19;
	v21 =	vsel vm3, s30, v21  }
0x4b: {  	vm0 =	vgt.s32 v14, $0x0;
	v23 =	vsel vm1, s25, v23;
	(erf) = vrcp.f32 v6  }
0x4c: {  	vm1 =	vgt.s32 v15, $0x0;
	v14 =	vmul.f32 v12, v22;
	v25 =	vmul.f32 v12, v20  }
0x4d: {  	vm2 =	vgt.s32 v16, $0x0;
	v15 =	vmul.f32 v13, v22;
	v26 =	vmul.f32 v13, v20  }
0x4e: {  	vm3 =	vgt.s32 v18, $0x0;
	v14 =	vmin.f32 v14, v25;
	v18 =	vmul.f32 v24, v22  }
0x4f: {  	v25 =	vmul.f32 v24, v20;
	v12 =	vsel vm0, v14, v12;
	v14 =	vmin.f32 v15, v26  }
0x50: {  	s1 =	sadd.s32 $0x1, s25;
	v16 =	vmul.f32 v17, v22;
	v27 =	vmul.f32 v17, v20;
	v13 =	vsel vm1, v14, v13  }
0x51: {  	s31 =	sadd.s32 $0xFFFFFF9C, s1;
	vm0 =	vgt.f32 v12, v10;
	v14 =	vmin.f32 v18, v25;
	vm1 =	vgt.f32 v13, v11  }
0x52: {  	v10 =	vsel vm0, v12, v10;
	v12 =	vsel vm3, v14, v24;
	v14 =	vsel vm1, s31, v19;
	s31 =	simm.s32 $0x0  }
0x53: {  	v11 =	vsel vm1, v13, v11;
	v13 =	vld [tilespmem:s31+$0xFA10]  }
0x54: {  	v15 =	vmin.f32 v16, v27;
	v16 =	vld [tilespmem:s31+$0x11310]  }
0x55: {  	[tilespmem:$0x1FFC0] =	vst v10;
	v10 =	vsel vm2, v15, v17;
	v17 =	vld [tilespmem:s31+$0x10]  }
0x56: {  	vm2 =	vgt.f32 v10, v8;
	v24 =	vld [tilespmem:s31+$0x1910]  }
0x57: {  	vm3 =	vgt.f32 v12, v9;
	v25 =	vld [tilespmem:s31+$0x3210];
	v8 =	vsel vm2, v10, v8  }
0x58: {  	[tilespmem:$0x1FFE0] =	vst v8;
	v8 =	vsel vm3, v12, v9;
	v9 =	vld [tilespmem:s31+$0xC810]  }
0x59: {  	s25 =	sadd.s32 $0xFFFFFF6A, s1;
	s28 =	sadd.s32 $0xFFFFFFCE, s1;
	v26 =	vld [tilespmem:s31+$0x4B10]  }
0x5a: {  	[tilespmem:$0x1FFD0] =	vst v11;
	v11 =	vimm.f32 $-3.000000010e+38;
	v10 =	vsel vm0, s25, v7;
	v15 =	vsel vm2, s28, v21;
	v12 =	vld [tilespmem:s31+$0xE110]  }
0x5b: {  	v7 =	vsel vm3, s1, v23;
	v23 =	vpop (erf);
	[tilespmem:$0x1FFF0] =	vst v8;
	v8 =	vimm.s32 $0x0;
	v19 =	vmul.f32 v17, v6  }
0x5c: {  	v21 =	vmul.f32 v24, v6;
	vm2 =	vgt.s32 v13, $0x0;
	v13 =	vmul.f32 v25, v23  }
0x5d: {  	v27 =	vmul.f32 v25, v6;
	vm0 =	vgt.s32 v9, $0x0;
	v9 =	vmul.f32 v17, v23  }
0x5e: {  	s26 =	simm.s32 $0x80;
	vm3 =	vgt.s32 v16, $0x0;
	v16 =	vmul.f32 v26, v23;
	v28 =	vmul.f32 v26, v6  }
0x5f: {  	v18 =	vld [tilespmem:s26+$0xC810];
	vm1 =	vgt.s32 v12, $0x0;
	v12 =	vmul.f32 v24, v23;
	v9 =	vmin.f32 v9, v19  }
0x60: {  	v13 =	vmin.f32 v13, v27;
	v16 =	vmin.f32 v16, v28;
	v27 =	vld [tilespmem:s26+$0x11310];
	v9 =	vsel vm0, v9, v17  }
0x61: {  	v28 =	vimm.s32 $0x0;
	v19 =	vld [tilespmem:s26+$0xE110];
	v12 =	vmin.f32 v12, v21;
	vm0 =	vgt.f32 v9, v11  }
0x62: {  	v21 =	vld [tilespmem:s26+$0xFA10];
	v24 =	vsel vm1, v12, v24;
	v12 =	vsel vm0, v9, v11;
	v9 =	vsel vm2, v13, v25  }
0x63: {  	v25 =	vsel vm3, v16, v26;
	v16 =	vld [tilespmem:s26+$0x10];
	vm2 =	vgt.f32 v24, v11;
	vm3 =	vgt.f32 v9, v11  }
0x64: {  	s29 =	sadd.s32 $0xFFFFFF9C, s11;
	s30 =	sadd.s32 $0xFFFFFFCE, s11;
	v17 =	vld [tilespmem:s26+$0x1910];
	vm1 =	vgt.f32 v25, v11;
	v13 =	vsel vm2, v24, v11;
	v24 =	vimm.s32 $0x0  }
0x65: {  	s1 =	sadd.s32 $0xFFFFFF6A, s11;
	s28 =	simm.s32 $0x400;
	s25 =	smov.u32 s11;
	v26 =	vld [tilespmem:s26+$0x3210];
	v9 =	vsel vm3, v9, v11;
	v11 =	vsel vm1, v25, v11;
	v25 =	vimm.s32 $0x0  }
.LBB2_4:
0x66: {  	p0 =	seq.s32 s28, $0x6200;
	v29 =	vld [tilespmem:s26+$0x4B10];
	v8 =	vsel vm0, s1, v8;
	v24 =	vsel vm2, s29, v24;
	v25 =	vsel vm3, s30, v25  }
0x67: {  	vm0 =	vgt.s32 v18, $0x0;
	v28 =	vsel vm1, s25, v28  }
0x68: {  	vm1 =	vgt.s32 v19, $0x0;
	v30 =	vmul.f32 v16, v23;
	v31 =	vmul.f32 v16, v6  }
0x69: {  	s26 =	sshra.s32 s28, $0x2;
	vm2 =	vgt.s32 v21, $0x0;
	v32 =	vmul.f32 v17, v23;
	v33 =	vmul.f32 v17, v6  }
0x6a: {  	vm3 =	vgt.s32 v27, $0x0;
	v18 =	vld [tilespmem:s26+$0xC810];
	v34 =	vmul.f32 v26, v23;
	v36 =	vmul.f32 v26, v6  }
0x6b: {  	v27 =	vmin.f32 v30, v31;
	v19 =	vld [tilespmem:s26+$0xE110];
	v30 =	vmul.f32 v29, v23;
	v31 =	vmul.f32 v29, v6  }
.Ltmp1:
0x6c: {  	v37 =	vsel vm0, v27, v16;
	v16 =	vmin.f32 v32, v33;
	v21 =	vld [tilespmem:s26+$0xFA10];
	v32 =	vmin.f32 v34, v36;
	(pc) =	sbr.rel @!p0 .LBB2_4-.Ltmp1, $4  }
0x6d: {  	vm0 =	vgt.f32 v37, v12;
	v33 =	vsel vm1, v16, v17;
	v27 =	vld [tilespmem:s26+$0x11310];
	v17 =	vmin.f32 v30, v31  }
0x6e: {  	s25 =	sadd.s32 $0x1, s25;
	v12 =	vsel vm0, v37, v12;
	v30 =	vsel vm2, v32, v26;
	v16 =	vld [tilespmem:s26+$0x10];
	v29 =	vsel vm3, v17, v29  }
0x6f: {  	s1 =	sadd.s32 $0xFFFFFF6A, s25;
	vm2 =	vgt.f32 v33, v13;
	vm3 =	vgt.f32 v30, v9;
	v17 =	vld [tilespmem:s26+$0x1910];
	vm1 =	vgt.f32 v29, v11  }
0x70: {  	s28 =	sadd.s32 $0x200, s28;
	s29 =	sadd.s32 $0xFFFFFF9C, s25;
	s30 =	sadd.s32 $0xFFFFFFCE, s25;
	v13 =	vsel vm2, v33, v13;
	v9 =	vsel vm3, v30, v9;
	v26 =	vld [tilespmem:s26+$0x3210];
	v11 =	vsel vm1, v29, v11  }
0x71: {  	v8 =	vsel vm0, s1, v8  }
0x72: {  	v29 =	vld [tilespmem:s26+$0x4B10];
	v24 =	vsel vm2, s29, v24;
	v25 =	vsel vm3, s30, v25;
	vm0 =	vgt.s32 v18, $0x0  }
0x73: {  	v18 =	vsel vm1, s25, v28;
	v28 =	vmul.f32 v16, v23;
	v30 =	vmul.f32 v16, v6  }
0x74: {  	vm1 =	vgt.s32 v19, $0x0;
	v19 =	vmul.f32 v17, v23;
	v31 =	vmul.f32 v17, v6  }
0x75: {  	vm2 =	vgt.s32 v21, $0x0;
	vm3 =	vgt.s32 v27, $0x0;
	v21 =	vmul.f32 v26, v23  }
0x76: {  	v32 =	vmul.f32 v26, v6;
	v27 =	vmin.f32 v28, v30;
	v19 =	vmin.f32 v19, v31  }
0x77: {  	s1 =	sadd.s32 $0x1, s25;
	v28 =	vmul.f32 v29, v23;
	v30 =	vmul.f32 v29, v6;
	v17 =	vsel vm1, v19, v17  }
0x78: {  	s31 =	sadd.s32 $0xFFFFFF9C, s1;
	v16 =	vsel vm0, v27, v16;
	v21 =	vmin.f32 v21, v32;
	vm1 =	vgt.f32 v17, v13  }
0x79: {  	vm0 =	vgt.f32 v16, v12;
	v13 =	vsel vm1, v17, v13;
	v32 =	vsel vm1, s31, v24;
	s31 =	simm.s32 $0x0  }
0x7a: {  	(erf) = vrcp.f32 v5;
	v12 =	vsel vm0, v16, v12;
	[tilespmem:$0x1FF90] =	vst v13;
	v13 =	vld [tilespmem:s31+$0xFA20]  }
0x7b: {  	v19 =	vmin.f32 v28, v30;
	[tilespmem:$0x1FF80] =	vst v12;
	v12 =	vsel vm2, v21, v26;
	v17 =	vld [tilespmem:s31+$0x20]  }
0x7c: {  	v16 =	vsel vm3, v19, v29;
	vm2 =	vgt.f32 v12, v9;
	v24 =	vld [tilespmem:s31+$0x1920]  }
0x7d: {  	vm3 =	vgt.f32 v16, v11;
	v29 =	vld [tilespmem:s31+$0x4B20];
	v9 =	vsel vm2, v12, v9  }
0x7e: {  	v12 =	vld [tilespmem:s31+$0xE120];
	[tilespmem:$0x1FFA0] =	vst v9;
	v9 =	vsel vm3, v16, v11  }
0x7f: {  	s28 =	sadd.s32 $0xFFFFFFCE, s1;
	[tilespmem:$0x1FFB0] =	vst v9;
	v9 =	vld [tilespmem:s31+$0xC820]  }
0x80: {  	s25 =	sadd.s32 $0xFFFFFF6A, s1;
	v33 =	vsel vm2, s28, v25;
	v25 =	vld [tilespmem:s31+$0x3220]  }
0x81: {  	v27 =	vsel vm0, s25, v8;
	v8 =	vimm.s32 $0x0;
	v16 =	vld [tilespmem:s31+$0x11320]  }
0x82: {  	v26 =	vsel vm3, s1, v18;
	v11 =	vimm.f32 $-3.000000010e+38;
	v19 =	vmul.f32 v17, v5  }
0x83: {  	v21 =	vpop (erf);
	v28 =	vmul.f32 v24, v5;
	v31 =	vmul.f32 v29, v5;
	vm1 =	vgt.s32 v12, $0x0  }
0x84: {  	v12 =	vmul.f32 v24, v21;
	vm0 =	vgt.s32 v9, $0x0;
	v9 =	vmul.f32 v17, v21  }
0x85: {  	s26 =	simm.s32 $0x80;
	vm2 =	vgt.s32 v13, $0x0;
	v13 =	vmul.f32 v25, v21;
	v30 =	vmul.f32 v25, v5  }
0x86: {  	v18 =	vld [tilespmem:s26+$0xC820];
	vm3 =	vgt.s32 v16, $0x0;
	v16 =	vmul.f32 v29, v21;
	v9 =	vmin.f32 v9, v19  }
0x87: {  	v12 =	vmin.f32 v12, v28;
	v13 =	vmin.f32 v13, v30;
	v28 =	vld [tilespmem:s26+$0xFA20];
	v9 =	vsel vm0, v9, v17  }
0x88: {  	v30 =	vld [tilespmem:s26+$0x11320];
	v24 =	vsel vm1, v12, v24;
	v16 =	vmin.f32 v16, v31;
	vm0 =	vgt.f32 v9, v11  }
0x89: {  	v31 =	vimm.s32 $0x0;
	v19 =	vld [tilespmem:s26+$0xE120];
	v12 =	vsel vm0, v9, v11;
	v9 =	vsel vm2, v13, v25  }
0x8a: {  	v25 =	vsel vm3, v16, v29;
	v16 =	vld [tilespmem:s26+$0x20];
	vm2 =	vgt.f32 v24, v11;
	vm3 =	vgt.f32 v9, v11  }
0x8b: {  	s29 =	sadd.s32 $0xFFFFFF9C, s11;
	s30 =	sadd.s32 $0xFFFFFFCE, s11;
	v17 =	vld [tilespmem:s26+$0x1920];
	vm1 =	vgt.f32 v25, v11;
	v13 =	vsel vm2, v24, v11;
	v24 =	vimm.s32 $0x0  }
0x8c: {  	s25 =	smov.u32 s11;
	s1 =	sadd.s32 $0xFFFFFF6A, s11;
	s28 =	simm.s32 $0x400;
	v29 =	vld [tilespmem:s26+$0x3220];
	v9 =	vsel vm3, v9, v11;
	v11 =	vsel vm1, v25, v11;
	v25 =	vimm.s32 $0x0  }
.LBB2_6:
0x8d: {  	p0 =	seq.s32 s28, $0x6200;
	v34 =	vld [tilespmem:s26+$0x4B20];
	v8 =	vsel vm0, s1, v8;
	v24 =	vsel vm2, s29, v24;
	v25 =	vsel vm3, s30, v25  }
0x8e: {  	vm0 =	vgt.s32 v18, $0x0;
	v31 =	vsel vm1, s25, v31  }
0x8f: {  	vm1 =	vgt.s32 v19, $0x0;
	v36 =	vmul.f32 v16, v21;
	v37 =	vmul.f32 v16, v5  }
0x90: {  	s26 =	sshra.s32 s28, $0x2;
	vm2 =	vgt.s32 v28, $0x0;
	v38 =	vmul.f32 v17, v21;
	v39 =	vmul.f32 v17, v5  }
0x91: {  	vm3 =	vgt.s32 v30, $0x0;
	v18 =	vld [tilespmem:s26+$0xC820];
	v44 =	vmul.f32 v29, v21;
	v45 =	vmul.f32 v29, v5  }
0x92: {  	v30 =	vmin.f32 v36, v37;
	v19 =	vld [tilespmem:s26+$0xE120];
	v36 =	vmul.f32 v34, v21;
	v37 =	vmul.f32 v34, v5  }
.Ltmp2:
0x93: {  	v46 =	vsel vm0, v30, v16;
	v16 =	vmin.f32 v38, v39;
	v28 =	vld [tilespmem:s26+$0xFA20];
	v38 =	vmin.f32 v44, v45;
	(pc) =	sbr.rel @!p0 .LBB2_6-.Ltmp2, $4  }
0x94: {  	vm0 =	vgt.f32 v46, v12;
	v39 =	vsel vm1, v16, v17;
	v30 =	vld [tilespmem:s26+$0x11320];
	v17 =	vmin.f32 v36, v37  }
0x95: {  	s25 =	sadd.s32 $0x1, s25;
	v12 =	vsel vm0, v46, v12;
	v36 =	vsel vm2, v38, v29;
	v16 =	vld [tilespmem:s26+$0x20];
	v34 =	vsel vm3, v17, v34  }
0x96: {  	s1 =	sadd.s32 $0xFFFFFF6A, s25;
	vm2 =	vgt.f32 v39, v13;
	vm3 =	vgt.f32 v36, v9;
	v17 =	vld [tilespmem:s26+$0x1920];
	vm1 =	vgt.f32 v34, v11  }
0x97: {  	s28 =	sadd.s32 $0x200, s28;
	s29 =	sadd.s32 $0xFFFFFF9C, s25;
	s30 =	sadd.s32 $0xFFFFFFCE, s25;
	v13 =	vsel vm2, v39, v13;
	v9 =	vsel vm3, v36, v9;
	v29 =	vld [tilespmem:s26+$0x3220];
	v11 =	vsel vm1, v34, v11  }
0x98: {  	v8 =	vsel vm0, s1, v8;
	v24 =	vsel vm2, s29, v24;
	v25 =	vsel vm3, s30, v25  }
0x99: {  	vm0 =	vgt.s32 v18, $0x0;
	v18 =	vsel vm1, s25, v31;
	vm1 =	vgt.s32 v19, $0x0  }
0x9a: {  	vm2 =	vgt.s32 v28, $0x0;
	v31 =	vmul.f32 v16, v21;
	v36 =	vmul.f32 v16, v5  }
0x9b: {  	vm3 =	vgt.s32 v30, $0x0;
	v19 =	vmul.f32 v17, v21;
	v37 =	vmul.f32 v17, v5  }
0x9c: {  	v28 =	vmul.f32 v29, v21;
	v38 =	vmul.f32 v29, v5;
	v30 =	vmin.f32 v31, v36  }
0x9d: {  	v16 =	vsel vm0, v30, v16;
	v19 =	vmin.f32 v19, v37  }
0x9e: {  	v34 =	vld [tilespmem:s26+$0x4B20];
	s1 =	sadd.s32 $0x1, s25;
	v28 =	vmin.f32 v28, v38;
	vm0 =	vgt.f32 v16, v12;
	v17 =	vsel vm1, v19, v17  }
0x9f: {  	s31 =	sadd.s32 $0xFFFFFF9C, s1;
	v63 =	vsel vm0, v16, v12;
	v12 =	vsel vm2, v28, v29;
	vm1 =	vgt.f32 v17, v13  }
0xa0: {  	(erf) = vrcp.f32 v4;
	vm2 =	vgt.f32 v12, v9;
	v40 =	vsel vm1, s31, v24;
	s31 =	simm.s32 $0x0  }
0xa1: {  	v62 =	vsel vm2, v12, v9;
	v9 =	vld [tilespmem:s31+$0xC830]  }
0xa2: {  	v12 =	vld [tilespmem:s31+$0xE130]  }
0xa3: {  	v31 =	vmul.f32 v34, v21;
	v58 =	vmul.f32 v34, v5;
	v60 =	vsel vm1, v17, v13;
	v13 =	vld [tilespmem:s31+$0xFA30]  }
0xa4: {  	v17 =	vld [tilespmem:s31+$0x30]  }
0xa5: {  	s25 =	sadd.s32 $0xFFFFFF6A, s1;
	s28 =	sadd.s32 $0xFFFFFFCE, s1;
	v19 =	vmin.f32 v31, v58;
	v24 =	vld [tilespmem:s31+$0x1930]  }
0xa6: {  	v35 =	vsel vm0, s25, v8;
	v16 =	vsel vm3, v19, v34;
	v8 =	vsel vm2, s28, v25;
	v25 =	vld [tilespmem:s31+$0x3230]  }
0xa7: {  	vm3 =	vgt.f32 v16, v11;
	v30 =	vld [tilespmem:s31+$0x4B30]  }
0xa8: {  	v61 =	vsel vm3, v16, v11;
	[tilespmem:$0x1FF60] =	vst v8;
	v8 =	vsel vm3, s1, v18;
	v16 =	vld [tilespmem:s31+$0x11330]  }
0xa9: {  	v34 =	vimm.s32 $0x0;
	v19 =	vpop (erf);
	v11 =	vimm.f32 $-3.000000010e+38;
	[tilespmem:$0x1FF70] =	vst v8;
	v8 =	vimm.s32 $0x0  }
0xaa: {  	vm0 =	vgt.s32 v9, $0x0;
	v9 =	vmul.f32 v17, v19;
	v28 =	vmul.f32 v17, v4  }
0xab: {  	vm1 =	vgt.s32 v12, $0x0;
	v12 =	vmul.f32 v24, v19;
	v29 =	vmul.f32 v24, v4  }
0xac: {  	s26 =	simm.s32 $0x80;
	vm2 =	vgt.s32 v13, $0x0;
	v13 =	vmul.f32 v25, v19;
	v31 =	vmul.f32 v25, v4  }
0xad: {  	v18 =	vld [tilespmem:s26+$0xC830];
	v59 =	vmul.f32 v30, v4;
	vm3 =	vgt.s32 v16, $0x0;
	v9 =	vmin.f32 v9, v28  }
0xae: {  	v16 =	vmul.f32 v30, v19;
	v28 =	vld [tilespmem:s26+$0xE130];
	v12 =	vmin.f32 v12, v29;
	v9 =	vsel vm0, v9, v17  }
0xaf: {  	v13 =	vmin.f32 v13, v31;
	v29 =	vld [tilespmem:s26+$0xFA30];
	v24 =	vsel vm1, v12, v24;
	vm0 =	vgt.f32 v9, v11  }
0xb0: {  	v31 =	vld [tilespmem:s26+$0x11330];
	v16 =	vmin.f32 v16, v59;
	v12 =	vsel vm0, v9, v11;
	v9 =	vsel vm2, v13, v25  }
0xb1: {  	v25 =	vsel vm3, v16, v30;
	v16 =	vld [tilespmem:s26+$0x30];
	vm2 =	vgt.f32 v24, v11;
	vm3 =	vgt.f32 v9, v11  }
0xb2: {  	s29 =	sadd.s32 $0xFFFFFF9C, s11;
	s30 =	sadd.s32 $0xFFFFFFCE, s11;
	v17 =	vld [tilespmem:s26+$0x1930];
	vm1 =	vgt.f32 v25, v11;
	v13 =	vsel vm2, v24, v11;
	v24 =	vimm.s32 $0x0  }
0xb3: {  	s25 =	smov.u32 s11;
	s28 =	simm.s32 $0x400;
	s1 =	sadd.s32 $0xFFFFFF6A, s11;
	v30 =	vld [tilespmem:s26+$0x3230];
	v9 =	vsel vm3, v9, v11;
	v11 =	vsel vm1, v25, v11;
	v25 =	vimm.s32 $0x0  }
.LBB2_8:
0xb4: {  	p0 =	seq.s32 s28, $0x6200;
	v36 =	vld [tilespmem:s26+$0x4B30];
	v8 =	vsel vm0, s1, v8;
	v24 =	vsel vm2, s29, v24;
	v25 =	vsel vm3, s30, v25  }
0xb5: {  	vm0 =	vgt.s32 v18, $0x0;
	v34 =	vsel vm1, s25, v34  }
0xb6: {  	vm1 =	vgt.s32 v28, $0x0;
	v37 =	vmul.f32 v16, v19;
	v38 =	vmul.f32 v16, v4  }
0xb7: {  	s26 =	sshra.s32 s28, $0x2;
	vm2 =	vgt.s32 v29, $0x0;
	v39 =	vmul.f32 v17, v19;
	v44 =	vmul.f32 v17, v4  }
0xb8: {  	vm3 =	vgt.s32 v31, $0x0;
	v18 =	vld [tilespmem:s26+$0xC830];
	v45 =	vmul.f32 v30, v19;
	v46 =	vmul.f32 v30, v4  }
0xb9: {  	v31 =	vmin.f32 v37, v38;
	v28 =	vld [tilespmem:s26+$0xE130];
	v37 =	vmul.f32 v36, v19;
	v38 =	vmul.f32 v36, v4  }
.Ltmp3:
0xba: {  	v47 =	vsel vm0, v31, v16;
	v16 =	vmin.f32 v39, v44;
	v29 =	vld [tilespmem:s26+$0xFA30];
	v39 =	vmin.f32 v45, v46;
	(pc) =	sbr.rel @!p0 .LBB2_8-.Ltmp3, $4  }
0xbb: {  	vm0 =	vgt.f32 v47, v12;
	v44 =	vsel vm1, v16, v17;
	v31 =	vld [tilespmem:s26+$0x11330];
	v17 =	vmin.f32 v37, v38  }
0xbc: {  	s25 =	sadd.s32 $0x1, s25;
	v12 =	vsel vm0, v47, v12;
	v37 =	vsel vm2, v39, v30;
	v16 =	vld [tilespmem:s26+$0x30];
	v36 =	vsel vm3, v17, v36  }
0xbd: {  	s1 =	sadd.s32 $0xFFFFFF6A, s25;
	vm2 =	vgt.f32 v44, v13;
	vm3 =	vgt.f32 v37, v9;
	v17 =	vld [tilespmem:s26+$0x1930];
	vm1 =	vgt.f32 v36, v11  }
0xbe: {  	s28 =	sadd.s32 $0x200, s28;
	s29 =	sadd.s32 $0xFFFFFF9C, s25;
	s30 =	sadd.s32 $0xFFFFFFCE, s25;
	v13 =	vsel vm2, v44, v13;
	v9 =	vsel vm3, v37, v9;
	v30 =	vld [tilespmem:s26+$0x3230];
	v11 =	vsel vm1, v36, v11  }
0xbf: {  	v8 =	vsel vm0, s1, v8  }
0xc0: {  	v24 =	vsel vm2, s29, v24;
	v25 =	vsel vm3, s30, v25;
	vm0 =	vgt.s32 v18, $0x0  }
0xc1: {  	v18 =	vsel vm1, s25, v34;
	v55 =	vmul.f32 v16, v19;
	v37 =	vmul.f32 v16, v4  }
0xc2: {  	vm1 =	vgt.s32 v28, $0x0;
	vm2 =	vgt.s32 v29, $0x0;
	vm3 =	vgt.s32 v31, $0x0  }
0xc3: {  	v28 =	vmul.f32 v17, v19;
	v38 =	vmul.f32 v17, v4;
	v31 =	vmin.f32 v55, v37  }
0xc4: {  	v29 =	vmul.f32 v30, v19;
	v39 =	vmul.f32 v30, v4;
	v16 =	vsel vm0, v31, v16  }
0xc5: {  	s1 =	sadd.s32 $0x1, s25;
	v28 =	vmin.f32 v28, v38;
	vm0 =	vgt.f32 v16, v12  }
0xc6: {  	v36 =	vld [tilespmem:s26+$0x4B30];
	s25 =	sadd.s32 $0xFFFFFF6A, s1;
	v29 =	vmin.f32 v29, v39;
	v17 =	vsel vm1, v28, v17;
	v55 =	vsel vm0, v16, v12  }
0xc7: {  	s31 =	sadd.s32 $0xFFFFFF9C, s1;
	v12 =	vsel vm2, v29, v30;
	vm1 =	vgt.f32 v17, v13;
	v8 =	vsel vm0, s25, v8  }
0xc8: {  	(erf) = vrcp.f32 v3;
	vm2 =	vgt.f32 v12, v9;
	[tilespmem:$0x1FF20] =	vst v8;
	v8 =	vsel vm1, s31, v24;
	s31 =	simm.s32 $0x0  }
0xc9: {  	v54 =	vsel vm2, v12, v9;
	v9 =	vld [tilespmem:s31+$0xC840]  }
0xca: {  	v12 =	vld [tilespmem:s31+$0xE140]  }
0xcb: {  	v56 =	vmul.f32 v36, v19;
	v57 =	vmul.f32 v36, v4;
	v52 =	vsel vm1, v17, v13;
	v13 =	vld [tilespmem:s31+$0xFA40]  }
0xcc: {  	v17 =	vld [tilespmem:s31+$0x40]  }
0xcd: {  	s28 =	sadd.s32 $0xFFFFFFCE, s1;
	v28 =	vmin.f32 v56, v57;
	v24 =	vld [tilespmem:s31+$0x1940]  }
0xce: {  	v16 =	vsel vm3, v28, v36;
	[tilespmem:$0x1FF30] =	vst v8;
	v8 =	vsel vm2, s28, v25;
	v25 =	vld [tilespmem:s31+$0x3240]  }
0xcf: {  	vm3 =	vgt.f32 v16, v11;
	v31 =	vld [tilespmem:s31+$0x4B40]  }
0xd0: {  	v53 =	vsel vm3, v16, v11;
	[tilespmem:$0x1FF40] =	vst v8;
	v8 =	vsel vm3, s1, v18;
	v16 =	vld [tilespmem:s31+$0x11340]  }
0xd1: {  	v34 =	vimm.s32 $0x0;
	v18 =	vpop (erf);
	v11 =	vimm.f32 $-3.000000010e+38;
	[tilespmem:$0x1FF50] =	vst v8;
	v8 =	vimm.s32 $0x0  }
0xd2: {  	vm0 =	vgt.s32 v9, $0x0;
	v9 =	vmul.f32 v17, v18;
	v29 =	vmul.f32 v17, v3  }
0xd3: {  	vm1 =	vgt.s32 v12, $0x0;
	v12 =	vmul.f32 v24, v18;
	v30 =	vmul.f32 v24, v3  }
0xd4: {  	s26 =	simm.s32 $0x80;
	vm2 =	vgt.s32 v13, $0x0;
	v13 =	vmul.f32 v25, v18;
	v58 =	vmul.f32 v25, v3  }
0xd5: {  	v28 =	vld [tilespmem:s26+$0xC840];
	v59 =	vmul.f32 v31, v3;
	vm3 =	vgt.s32 v16, $0x0;
	v9 =	vmin.f32 v9, v29  }
0xd6: {  	v36 =	vld [tilespmem:s26+$0x11340];
	v16 =	vmul.f32 v31, v18;
	v12 =	vmin.f32 v12, v30;
	v9 =	vsel vm0, v9, v17  }
0xd7: {  	v29 =	vld [tilespmem:s26+$0xE140];
	v13 =	vmin.f32 v13, v58;
	v24 =	vsel vm1, v12, v24;
	vm0 =	vgt.f32 v9, v11  }
0xd8: {  	v30 =	vld [tilespmem:s26+$0xFA40];
	v16 =	vmin.f32 v16, v59;
	v12 =	vsel vm0, v9, v11;
	v9 =	vsel vm2, v13, v25  }
0xd9: {  	v25 =	vsel vm3, v16, v31;
	v16 =	vld [tilespmem:s26+$0x40];
	vm2 =	vgt.f32 v24, v11;
	vm3 =	vgt.f32 v9, v11  }
0xda: {  	s29 =	sadd.s32 $0xFFFFFF9C, s11;
	s30 =	sadd.s32 $0xFFFFFFCE, s11;
	v17 =	vld [tilespmem:s26+$0x1940];
	vm1 =	vgt.f32 v25, v11;
	v13 =	vsel vm2, v24, v11;
	v24 =	vimm.s32 $0x0  }
0xdb: {  	s25 =	smov.u32 s11;
	s28 =	simm.s32 $0x400;
	s1 =	sadd.s32 $0xFFFFFF6A, s11;
	v31 =	vld [tilespmem:s26+$0x3240];
	v9 =	vsel vm3, v9, v11;
	v11 =	vsel vm1, v25, v11;
	v25 =	vimm.s32 $0x0  }
.LBB2_10:
0xdc: {  	p0 =	seq.s32 s28, $0x6200;
	v37 =	vld [tilespmem:s26+$0x4B40];
	v8 =	vsel vm0, s1, v8;
	v24 =	vsel vm2, s29, v24;
	v25 =	vsel vm3, s30, v25  }
0xdd: {  	vm0 =	vgt.s32 v28, $0x0;
	v34 =	vsel vm1, s25, v34  }
0xde: {  	vm1 =	vgt.s32 v29, $0x0;
	v38 =	vmul.f32 v16, v18;
	v39 =	vmul.f32 v16, v3  }
0xdf: {  	s26 =	sshra.s32 s28, $0x2;
	vm2 =	vgt.s32 v30, $0x0;
	v44 =	vmul.f32 v17, v18;
	v45 =	vmul.f32 v17, v3  }
0xe0: {  	vm3 =	vgt.s32 v36, $0x0;
	v28 =	vld [tilespmem:s26+$0xC840];
	v46 =	vmul.f32 v31, v18;
	v47 =	vmul.f32 v31, v3  }
0xe1: {  	v36 =	vmin.f32 v38, v39;
	v29 =	vld [tilespmem:s26+$0xE140];
	v38 =	vmul.f32 v37, v18;
	v39 =	vmul.f32 v37, v3  }
.Ltmp4:
0xe2: {  	v48 =	vsel vm0, v36, v16;
	v16 =	vmin.f32 v44, v45;
	v30 =	vld [tilespmem:s26+$0xFA40];
	v44 =	vmin.f32 v46, v47;
	(pc) =	sbr.rel @!p0 .LBB2_10-.Ltmp4, $4  }
0xe3: {  	vm0 =	vgt.f32 v48, v12;
	v45 =	vsel vm1, v16, v17;
	v36 =	vld [tilespmem:s26+$0x11340];
	v17 =	vmin.f32 v38, v39  }
0xe4: {  	s25 =	sadd.s32 $0x1, s25;
	v12 =	vsel vm0, v48, v12;
	v38 =	vsel vm2, v44, v31;
	v16 =	vld [tilespmem:s26+$0x40];
	v37 =	vsel vm3, v17, v37  }
0xe5: {  	s1 =	sadd.s32 $0xFFFFFF6A, s25;
	vm2 =	vgt.f32 v45, v13;
	vm3 =	vgt.f32 v38, v9;
	v17 =	vld [tilespmem:s26+$0x1940];
	vm1 =	vgt.f32 v37, v11  }
0xe6: {  	s28 =	sadd.s32 $0x200, s28;
	s29 =	sadd.s32 $0xFFFFFF9C, s25;
	s30 =	sadd.s32 $0xFFFFFFCE, s25;
	v13 =	vsel vm2, v45, v13;
	v9 =	vsel vm3, v38, v9;
	v31 =	vld [tilespmem:s26+$0x3240];
	v11 =	vsel vm1, v37, v11  }
0xe7: {  	_ = 	snop  }
0xe8: {  	v8 =	vsel vm0, s1, v8;
	v24 =	vsel vm2, s29, v24  }
0xe9: {  	vm0 =	vgt.s32 v28, $0x0;
	v50 =	vmul.f32 v16, v18;
	v38 =	vmul.f32 v16, v3  }
0xea: {  	v28 =	vsel vm1, s25, v34;
	vm1 =	vgt.s32 v29, $0x0;
	vm2 =	vgt.s32 v30, $0x0  }
0xeb: {  	v29 =	vmul.f32 v17, v18;
	v39 =	vmul.f32 v17, v3;
	v34 =	vmin.f32 v50, v38  }
0xec: {  	v30 =	vmul.f32 v31, v18;
	v44 =	vmul.f32 v31, v3;
	v16 =	vsel vm0, v34, v16  }
0xed: {  	v37 =	vld [tilespmem:s26+$0x4B40];
	s1 =	sadd.s32 $0x1, s25;
	(erf) = vrcp.f32 v2;
	v29 =	vmin.f32 v29, v39;
	vm0 =	vgt.f32 v16, v12  }
0xee: {  	s25 =	sadd.s32 $0xFFFFFF6A, s1;
	v30 =	vmin.f32 v30, v44;
	v17 =	vsel vm1, v29, v17;
	v47 =	vsel vm0, v16, v12  }
0xef: {  	s31 =	sadd.s32 $0xFFFFFF9C, s1;
	v12 =	vsel vm2, v30, v31;
	vm1 =	vgt.f32 v17, v13;
	v8 =	vsel vm0, s25, v8  }
0xf0: {  	vm2 =	vgt.f32 v12, v9;
	[tilespmem:$0x1FEF0] =	vst v8;
	v8 =	vsel vm1, s31, v24;
	s31 =	simm.s32 $0x0  }
0xf1: {  	v46 =	vsel vm2, v12, v9;
	v9 =	vld [tilespmem:s31+$0xC850]  }
0xf2: {  	v51 =	vmul.f32 v37, v18;
	v56 =	vmul.f32 v37, v3;
	v12 =	vld [tilespmem:s31+$0xE150]  }
0xf3: {  	v44 =	vsel vm1, v17, v13;
	v13 =	vld [tilespmem:s31+$0xFA50]  }
0xf4: {  	v25 =	vsel vm3, s30, v25;
	vm3 =	vgt.s32 v36, $0x0;
	s28 =	sadd.s32 $0xFFFFFFCE, s1;
	v29 =	vmin.f32 v51, v56;
	v24 =	vld [tilespmem:s31+$0x50]  }
0xf5: {  	v16 =	vsel vm3, v29, v37;
	v42 =	vsel vm2, s28, v25;
	v25 =	vld [tilespmem:s31+$0x1950]  }
0xf6: {  	vm3 =	vgt.f32 v16, v11;
	v57 =	vld [tilespmem:s31+$0x4B50]  }
0xf7: {  	[tilespmem:$0x1FF00] =	vst v8;
	v8 =	vsel vm3, s1, v28;
	v28 =	vld [tilespmem:s31+$0x3250]  }
0xf8: {  	v17 =	vpop (erf);
	v45 =	vsel vm3, v16, v11;
	v16 =	vld [tilespmem:s31+$0x11350]  }
0xf9: {  	v34 =	vimm.s32 $0x0;
	vm0 =	vgt.s32 v9, $0x0;
	v9 =	vmul.f32 v24, v17  }
0xfa: {  	v30 =	vmul.f32 v24, v2;
	vm1 =	vgt.s32 v12, $0x0;
	v12 =	vmul.f32 v25, v17  }
0xfb: {  	v11 =	vimm.f32 $-3.000000010e+38;
	v31 =	vmul.f32 v25, v2;
	v59 =	vmul.f32 v57, v2  }
0xfc: {  	s26 =	simm.s32 $0x80;
	vm2 =	vgt.s32 v13, $0x0;
	v13 =	vmul.f32 v28, v17;
	v58 =	vmul.f32 v28, v2  }
0xfd: {  	v36 =	vld [tilespmem:s26+$0x3250];
	vm3 =	vgt.s32 v16, $0x0;
	v16 =	vmul.f32 v57, v17;
	v9 =	vmin.f32 v9, v30  }
0xfe: {  	v29 =	vld [tilespmem:s26+$0xC850];
	[tilespmem:$0x1FF10] =	vst v8;
	v8 =	vimm.s32 $0x0;
	v12 =	vmin.f32 v12, v31;
	v9 =	vsel vm0, v9, v24  }
0xff: {  	v30 =	vld [tilespmem:s26+$0xE150];
	v13 =	vmin.f32 v13, v58;
	v16 =	vmin.f32 v16, v59;
	vm0 =	vgt.f32 v9, v11  }
0x100: {  	v31 =	vld [tilespmem:s26+$0xFA50];
	v24 =	vsel vm1, v12, v25;
	v25 =	vsel vm3, v16, v57;
	v12 =	vsel vm0, v9, v11  }
0x101: {  	v16 =	vld [tilespmem:s26+$0x50];
	v9 =	vsel vm2, v13, v28;
	vm2 =	vgt.f32 v24, v11;
	vm1 =	vgt.f32 v25, v11  }
0x102: {  	s29 =	sadd.s32 $0xFFFFFF9C, s11;
	s30 =	sadd.s32 $0xFFFFFFCE, s11;
	v28 =	vld [tilespmem:s26+$0x1950];
	vm3 =	vgt.f32 v9, v11;
	v13 =	vsel vm2, v24, v11;
	v24 =	vimm.s32 $0x0  }
0x103: {  	s25 =	smov.u32 s11;
	v37 =	vld [tilespmem:s26+$0x11350];
	s28 =	simm.s32 $0x400;
	s1 =	sadd.s32 $0xFFFFFF6A, s11;
	v9 =	vsel vm3, v9, v11;
	v11 =	vsel vm1, v25, v11;
	v25 =	vimm.s32 $0x0  }
.LBB2_12:
0x104: {  	p0 =	seq.s32 s28, $0x6200;
	v38 =	vld [tilespmem:s26+$0x4B50];
	v8 =	vsel vm0, s1, v8;
	v24 =	vsel vm2, s29, v24;
	v25 =	vsel vm3, s30, v25  }
0x105: {  	vm0 =	vgt.s32 v29, $0x0;
	v34 =	vsel vm1, s25, v34  }
0x106: {  	vm1 =	vgt.s32 v30, $0x0;
	v39 =	vmul.f32 v16, v17;
	v48 =	vmul.f32 v16, v2  }
0x107: {  	s26 =	sshra.s32 s28, $0x2;
	vm2 =	vgt.s32 v31, $0x0;
	v49 =	vmul.f32 v28, v17;
	v50 =	vmul.f32 v28, v2  }
0x108: {  	vm3 =	vgt.s32 v37, $0x0;
	v29 =	vld [tilespmem:s26+$0xC850];
	v51 =	vmul.f32 v36, v17;
	v56 =	vmul.f32 v36, v2  }
0x109: {  	v37 =	vmin.f32 v39, v48;
	v30 =	vld [tilespmem:s26+$0xE150];
	v39 =	vmul.f32 v38, v17;
	v48 =	vmul.f32 v38, v2  }
.Ltmp5:
0x10a: {  	v57 =	vsel vm0, v37, v16;
	v16 =	vmin.f32 v49, v50;
	v31 =	vld [tilespmem:s26+$0xFA50];
	v49 =	vmin.f32 v51, v56;
	(pc) =	sbr.rel @!p0 .LBB2_12-.Ltmp5, $4  }
0x10b: {  	vm0 =	vgt.f32 v57, v12;
	v50 =	vsel vm1, v16, v28;
	v37 =	vld [tilespmem:s26+$0x11350];
	v28 =	vmin.f32 v39, v48  }
0x10c: {  	s25 =	sadd.s32 $0x1, s25;
	v12 =	vsel vm0, v57, v12;
	v39 =	vsel vm2, v49, v36;
	v16 =	vld [tilespmem:s26+$0x50];
	v38 =	vsel vm3, v28, v38  }
0x10d: {  	s1 =	sadd.s32 $0xFFFFFF6A, s25;
	vm2 =	vgt.f32 v50, v13;
	vm3 =	vgt.f32 v39, v9;
	v28 =	vld [tilespmem:s26+$0x1950];
	vm1 =	vgt.f32 v38, v11  }
0x10e: {  	s28 =	sadd.s32 $0x200, s28;
	s29 =	sadd.s32 $0xFFFFFF9C, s25;
	s30 =	sadd.s32 $0xFFFFFFCE, s25;
	v13 =	vsel vm2, v50, v13;
	v9 =	vsel vm3, v39, v9;
	v36 =	vld [tilespmem:s26+$0x3250];
	v11 =	vsel vm1, v38, v11  }
0x10f: {  	v38 =	vld [tilespmem:s26+$0x4B50];
	v8 =	vsel vm0, s1, v8;
	v24 =	vsel vm2, s29, v24  }
0x110: {  	v25 =	vsel vm3, s30, v25;
	vm0 =	vgt.s32 v29, $0x0;
	v29 =	vsel vm1, s25, v34  }
0x111: {  	vm1 =	vgt.s32 v30, $0x0;
	v43 =	vmul.f32 v16, v17;
	v39 =	vmul.f32 v16, v2  }
0x112: {  	vm2 =	vgt.s32 v31, $0x0;
	v30 =	vmul.f32 v28, v17;
	v48 =	vmul.f32 v28, v2  }
0x113: {  	vm3 =	vgt.s32 v37, $0x0;
	v31 =	vmul.f32 v36, v17;
	v49 =	vmul.f32 v36, v2  }
0x114: {  	v34 =	vmin.f32 v43, v39;
	v51 =	vmul.f32 v38, v17;
	v56 =	vmul.f32 v38, v2  }
0x115: {  	v16 =	vsel vm0, v34, v16;
	v30 =	vmin.f32 v30, v48;
	v31 =	vmin.f32 v31, v49  }
0x116: {  	vm0 =	vgt.f32 v16, v12;
	v28 =	vsel vm1, v30, v28;
	v30 =	vmin.f32 v51, v56  }
0x117: {  	v39 =	vsel vm0, v16, v12;
	v12 =	vsel vm2, v31, v36;
	v16 =	vsel vm3, v30, v38  }
0x118: {  	s1 =	sadd.s32 $0x1, s25;
	(erf) = vrcp.f32 v1;
	vm2 =	vgt.f32 v12, v9;
	vm3 =	vgt.f32 v16, v11  }
0x119: {  	s25 =	sadd.s32 $0xFFFFFF6A, s1;
	s31 =	sadd.s32 $0xFFFFFF9C, s1;
	vm1 =	vgt.f32 v28, v13;
	v38 =	vsel vm2, v12, v9;
	v37 =	vsel vm3, v16, v11  }
0x11a: {  	v11 =	vsel vm0, s25, v8;
	v8 =	vsel vm1, s31, v24;
	v9 =	vsel vm3, s1, v29;
	s31 =	simm.s32 $0x0  }
0x11b: {  	[tilespmem:$0x1FED0] =	vst v9;
	v9 =	vld [tilespmem:s31+$0xC860]  }
0x11c: {  	v36 =	vsel vm1, v28, v13;
	v13 =	vld [tilespmem:s31+$0xE160]  }
0x11d: {  	v16 =	vld [tilespmem:s31+$0xFA60]  }
0x11e: {  	s28 =	sadd.s32 $0xFFFFFFCE, s1;
	v24 =	vld [tilespmem:s31+$0x11360]  }
0x11f: {  	[tilespmem:$0x1FE90] =	vst v8;
	v8 =	vsel vm2, s28, v25;
	v25 =	vld [tilespmem:s31+$0x60]  }
0x120: {  	v28 =	vld [tilespmem:s31+$0x1960]  }
0x121: {  	v57 =	vld [tilespmem:s31+$0x4B60]  }
0x122: {  	[tilespmem:$0x1FEC0] =	vst v11;
	v29 =	vld [tilespmem:s31+$0x3260]  }
0x123: {  	v34 =	vimm.s32 $0x0;
	v12 =	vpop (erf);
	v11 =	vimm.f32 $-3.000000010e+38;
	[tilespmem:$0x1FEE0] =	vst v8;
	v8 =	vimm.s32 $0x0  }
0x124: {  	vm0 =	vgt.s32 v9, $0x0;
	v9 =	vmul.f32 v25, v12;
	v31 =	vmul.f32 v25, v1  }
0x125: {  	vm1 =	vgt.s32 v13, $0x0;
	v13 =	vmul.f32 v28, v12;
	v58 =	vmul.f32 v28, v1  }
0x126: {  	s26 =	simm.s32 $0x80;
	vm3 =	vgt.s32 v24, $0x0;
	v24 =	vmul.f32 v57, v12;
	v50 =	vmul.f32 v57, v1  }
0x127: {  	v48 =	vld [tilespmem:s26+$0xFA60];
	vm2 =	vgt.s32 v16, $0x0;
	v16 =	vmul.f32 v29, v12;
	v59 =	vmul.f32 v29, v1  }
0x128: {  	v49 =	vld [tilespmem:s26+$0x3260];
	v9 =	vmin.f32 v9, v31;
	v13 =	vmin.f32 v13, v58;
	v24 =	vmin.f32 v24, v50  }
0x129: {  	v30 =	vld [tilespmem:s26+$0xC860];
	v16 =	vmin.f32 v16, v59;
	v9 =	vsel vm0, v9, v25;
	v24 =	vsel vm3, v24, v57  }
0x12a: {  	v31 =	vld [tilespmem:s26+$0xE160];
	v25 =	vsel vm1, v13, v28;
	vm0 =	vgt.f32 v9, v11;
	vm1 =	vgt.f32 v24, v11  }
0x12b: {  	v28 =	vld [tilespmem:s26+$0x60];
	v13 =	vsel vm0, v9, v11;
	v9 =	vsel vm2, v16, v29;
	vm2 =	vgt.f32 v25, v11  }
0x12c: {  	[tilespmem:$0x1FEA0] =	vst v40;
	s29 =	sadd.s32 $0xFFFFFF9C, s11;
	s30 =	sadd.s32 $0xFFFFFFCE, s11;
	v29 =	vld [tilespmem:s26+$0x1960];
	vm3 =	vgt.f32 v9, v11;
	v16 =	vsel vm2, v25, v11;
	v25 =	vimm.s32 $0x0  }
0x12d: {  	[tilespmem:$0x1FEB0] =	vst v35;
	s1 =	sadd.s32 $0xFFFFFF6A, s11;
	s25 =	smov.u32 s11;
	s28 =	simm.s32 $0x400;
	v50 =	vld [tilespmem:s26+$0x11360];
	v9 =	vsel vm3, v9, v11;
	v11 =	vsel vm1, v24, v11;
	v24 =	vimm.s32 $0x0  }
.LBB2_14:
0x12e: {  	p0 =	seq.s32 s28, $0x6200;
	v51 =	vld [tilespmem:s26+$0x4B60];
	v8 =	vsel vm0, s1, v8;
	v24 =	vsel vm2, s29, v24;
	v25 =	vsel vm3, s30, v25  }
0x12f: {  	vm0 =	vgt.s32 v30, $0x0;
	v34 =	vsel vm1, s25, v34  }
0x130: {  	vm1 =	vgt.s32 v31, $0x0;
	v56 =	vmul.f32 v28, v12;
	v57 =	vmul.f32 v28, v1  }
0x131: {  	s26 =	sshra.s32 s28, $0x2;
	vm2 =	vgt.s32 v48, $0x0;
	v58 =	vmul.f32 v29, v12;
	v59 =	vmul.f32 v29, v1  }
0x132: {  	vm3 =	vgt.s32 v50, $0x0;
	v30 =	vld [tilespmem:s26+$0xC860];
	v35 =	vmul.f32 v49, v12;
	v40 =	vmul.f32 v49, v1  }
0x133: {  	v50 =	vmin.f32 v56, v57;
	v31 =	vld [tilespmem:s26+$0xE160];
	v56 =	vmul.f32 v51, v12;
	v57 =	vmul.f32 v51, v1  }
.Ltmp6:
0x134: {  	v41 =	vsel vm0, v50, v28;
	v28 =	vmin.f32 v58, v59;
	v48 =	vld [tilespmem:s26+$0xFA60];
	v35 =	vmin.f32 v35, v40;
	(pc) =	sbr.rel @!p0 .LBB2_14-.Ltmp6, $4  }
0x135: {  	vm0 =	vgt.f32 v41, v13;
	v40 =	vsel vm1, v28, v29;
	v50 =	vld [tilespmem:s26+$0x11360];
	v29 =	vmin.f32 v56, v57  }
0x136: {  	s25 =	sadd.s32 $0x1, s25;
	v13 =	vsel vm0, v41, v13;
	v35 =	vsel vm2, v35, v49;
	v28 =	vld [tilespmem:s26+$0x60];
	v41 =	vsel vm3, v29, v51  }
0x137: {  	s1 =	sadd.s32 $0xFFFFFF6A, s25;
	vm2 =	vgt.f32 v40, v16;
	vm3 =	vgt.f32 v35, v9;
	v29 =	vld [tilespmem:s26+$0x1960];
	vm1 =	vgt.f32 v41, v11  }
0x138: {  	s28 =	sadd.s32 $0x200, s28;
	s29 =	sadd.s32 $0xFFFFFF9C, s25;
	s30 =	sadd.s32 $0xFFFFFFCE, s25;
	v16 =	vsel vm2, v40, v16;
	v9 =	vsel vm3, v35, v9;
	v49 =	vld [tilespmem:s26+$0x3260];
	v11 =	vsel vm1, v41, v11  }
0x139: {  	v35 =	vld [tilespmem:s26+$0x4B60];
	v8 =	vsel vm0, s1, v8;
	v24 =	vsel vm2, s29, v24;
	v25 =	vsel vm3, s30, v25  }
0x13a: {  	vm0 =	vgt.s32 v30, $0x0;
	v34 =	vsel vm1, s25, v34;
	vm1 =	vgt.s32 v31, $0x0  }
0x13b: {  	vm2 =	vgt.s32 v48, $0x0;
	v30 =	vmul.f32 v28, v12;
	v40 =	vmul.f32 v28, v1  }
0x13c: {  	(erf) = vrcp.f32 v0;
	vm3 =	vgt.s32 v50, $0x0;
	v31 =	vmul.f32 v29, v12  }
0x13d: {  	v41 =	vmul.f32 v29, v1;
	v56 =	vmul.f32 v49, v12;
	v30 =	vmin.f32 v30, v40  }
0x13e: {  	v51 =	vmul.f32 v49, v1;
	v57 =	vmul.f32 v35, v12;
	v28 =	vsel vm0, v30, v28  }
0x13f: {  	s1 =	sadd.s32 $0x1, s25;
	v58 =	vmul.f32 v35, v1;
	v30 =	vmin.f32 v31, v41;
	vm0 =	vgt.f32 v28, v13  }
0x140: {  	s25 =	sadd.s32 $0xFFFFFF6A, s1;
	v59 =	vmin.f32 v56, v51;
	v29 =	vsel vm1, v30, v29;
	v31 =	vsel vm0, v28, v13  }
0x141: {  	s31 =	sadd.s32 $0xFFFFFF9C, s1;
	v13 =	vsel vm2, v59, v49;
	vm1 =	vgt.f32 v29, v16;
	v8 =	vsel vm0, s25, v8  }
0x142: {  	v30 =	vmin.f32 v57, v58;
	vm2 =	vgt.f32 v13, v9;
	[tilespmem:$0x1FE10] =	vst v8;
	v8 =	vsel vm1, s31, v24;
	s31 =	simm.s32 $0x0  }
0x143: {  	v35 =	vsel vm3, v30, v35;
	v30 =	vsel vm2, v13, v9;
	v13 =	vld [tilespmem:s31+$0xE170]  }
0x144: {  	s28 =	sadd.s32 $0xFFFFFFCE, s1;
	v28 =	vsel vm1, v29, v16;
	v16 =	vld [tilespmem:s31+$0xFA70]  }
0x145: {  	[tilespmem:$0x1FE20] =	vst v8;
	v8 =	vsel vm2, s28, v25;
	v25 =	vld [tilespmem:s31+$0x11370]  }
0x146: {  	vm3 =	vgt.f32 v35, v11;
	v40 =	vld [tilespmem:s31+$0x3270]  }
0x147: {  	v29 =	vsel vm3, v35, v11;
	v11 =	vld [tilespmem:s31+$0xC870]  }
0x148: {  	[tilespmem:$0x1FE30] =	vst v8;
	v8 =	vsel vm3, s1, v34;
	v34 =	vld [tilespmem:s31+$0x70]  }
0x149: {  	v35 =	vld [tilespmem:s31+$0x1970]  }
0x14a: {  	v41 =	vld [tilespmem:s31+$0x4B70]  }
0x14b: {  	v24 =	vimm.f32 $-3.000000010e+38;
	v9 =	vimm.s32 $0x0;
	[tilespmem:$0x1FE40] =	vst v8;
	v8 =	vpop (erf);
	vm1 =	vgt.s32 v13, $0x0  }
0x14c: {  	[tilespmem:$0x1FE50] =	vst v42;
	vm2 =	vgt.s32 v16, $0x0;
	v16 =	vmul.f32 v40, v8;
	v42 =	vmul.f32 v40, v0  }
0x14d: {  	vm0 =	vgt.s32 v11, $0x0;
	v11 =	vmul.f32 v34, v8;
	v43 =	vmul.f32 v34, v0  }
0x14e: {  	s25 =	simm.s32 $0x80;
	vm3 =	vgt.s32 v25, $0x0;
	v13 =	vmul.f32 v35, v8;
	v49 =	vmul.f32 v35, v0  }
0x14f: {  	v59 =	vld [tilespmem:s25+$0xC870];
	v25 =	vmul.f32 v41, v8;
	v16 =	vmin.f32 v16, v42;
	v11 =	vmin.f32 v11, v43  }
0x150: {  	v58 =	vld [tilespmem:s25+$0xE170];
	v43 =	vmul.f32 v41, v0;
	v13 =	vmin.f32 v13, v49;
	v11 =	vsel vm0, v11, v34  }
0x151: {  	v56 =	vld [tilespmem:s25+$0xFA70];
	v42 =	vsel vm1, v13, v35;
	v34 =	vimm.s32 $0x0;
	vm0 =	vgt.f32 v11, v24  }
0x152: {  	v57 =	vld [tilespmem:s25+$0x11370];
	v25 =	vmin.f32 v25, v43;
	v43 =	vsel vm2, v16, v40;
	vm2 =	vgt.f32 v42, v24  }
0x153: {  	[tilespmem:$0x1FE60] =	vst v3;
	v50 =	vld [tilespmem:s25+$0x70];
	v13 =	vsel vm0, v11, v24;
	v25 =	vsel vm3, v25, v41;
	vm3 =	vgt.f32 v43, v24  }
0x154: {  	[tilespmem:$0x1FE70] =	vst v2;
	s29 =	sadd.s32 $0xFFFFFF9C, s11;
	s30 =	sadd.s32 $0xFFFFFFCE, s11;
	v16 =	vld [tilespmem:s25+$0x1970];
	v11 =	vsel vm2, v42, v24;
	vm1 =	vgt.f32 v25, v24;
	v49 =	vsel vm3, v43, v24  }
0x155: {  	[tilespmem:$0x1FE80] =	vst v1;
	s26 =	smov.u32 s11;
	v3 =	vmovc v0;
	v51 =	vld [tilespmem:s25+$0x3270];
	s28 =	simm.s32 $0x400;
	s1 =	sadd.s32 $0xFFFFFF6A, s11;
	v48 =	vsel vm1, v25, v24;
	v25 =	vimm.s32 $0x0;
	v24 =	vimm.s32 $0x0  }
.LBB2_16:
0x156: {  	p0 =	sne.s32 s28, $0x6200;
	v35 =	vld [tilespmem:s25+$0x4B70];
	v9 =	vsel vm0, s1, v9;
	v25 =	vsel vm2, s29, v25;
	v34 =	vsel vm3, s30, v34  }
0x157: {  	vm0 =	vgt.s32 v59, $0x0;
	v24 =	vsel vm1, s26, v24  }
0x158: {  	vm1 =	vgt.s32 v58, $0x0;
	v40 =	vmul.f32 v50, v8;
	v41 =	vmul.f32 v50, v3  }
0x159: {  	s25 =	sshra.s32 s28, $0x2;
	vm2 =	vgt.s32 v56, $0x0;
	v42 =	vmul.f32 v16, v8;
	v43 =	vmul.f32 v16, v3  }
0x15a: {  	vm3 =	vgt.s32 v57, $0x0;
	v59 =	vld [tilespmem:s25+$0xC870];
	v0 =	vmul.f32 v51, v8;
	v1 =	vmul.f32 v51, v3  }
0x15b: {  	v40 =	vmin.f32 v40, v41;
	v58 =	vld [tilespmem:s25+$0xE170];
	v41 =	vmul.f32 v35, v8;
	v2 =	vmul.f32 v35, v3  }
.Ltmp7:
0x15c: {  	v40 =	vsel vm0, v40, v50;
	v42 =	vmin.f32 v42, v43;
	v56 =	vld [tilespmem:s25+$0xFA70];
	v0 =	vmin.f32 v0, v1;
	(pc) =	sbr.rel @p0 .LBB2_16-.Ltmp7, $4  }
0x15d: {  	vm0 =	vgt.f32 v40, v13;
	v1 =	vsel vm1, v42, v16;
	v57 =	vld [tilespmem:s25+$0x11370];
	v2 =	vmin.f32 v41, v2  }
0x15e: {  	s26 =	sadd.s32 $0x1, s26;
	v13 =	vsel vm0, v40, v13;
	v0 =	vsel vm2, v0, v51;
	v50 =	vld [tilespmem:s25+$0x70];
	v2 =	vsel vm3, v2, v35  }
0x15f: {  	s1 =	sadd.s32 $0xFFFFFF6A, s26;
	vm2 =	vgt.f32 v1, v11;
	vm3 =	vgt.f32 v0, v49;
	v16 =	vld [tilespmem:s25+$0x1970];
	vm1 =	vgt.f32 v2, v48  }
0x160: {  	s28 =	sadd.s32 $0x200, s28;
	s29 =	sadd.s32 $0xFFFFFF9C, s26;
	s30 =	sadd.s32 $0xFFFFFFCE, s26;
	v11 =	vsel vm2, v1, v11;
	v49 =	vsel vm3, v0, v49;
	v51 =	vld [tilespmem:s25+$0x3270];
	v48 =	vsel vm1, v2, v48  }
0x161: {  	v0 =	vld [tilespmem:s25+$0x4B70];
	_ =	swait.ge [sflag:s20], $0x6400;
	v1 =	vsel vm0, s1, v9;
	v2 =	vsel vm2, s29, v25;
	v25 =	vsel vm3, s30, v34  }
0x162: {  	vm0 =	vgt.s32 v59, $0x0;
	v24 =	vsel vm1, s26, v24;
	vm1 =	vgt.s32 v58, $0x0;
	[sflag:s20] =	ssyncset.done $0x0  }
0x163: {  	vm2 =	vgt.s32 v56, $0x0;
	[sflag:s20] =	ssyncadd.s32 $0xFFFF9C00;
	v9 =	vmul.f32 v50, v8;
	v59 =	vmul.f32 v50, v3  }
0x164: {  	vm3 =	vgt.s32 v57, $0x0;
	_ =	swait.ge [sflag:s21], $0x6400;
	v35 =	vmul.f32 v16, v8;
	v40 =	vmul.f32 v16, v3  }
0x165: {  	[sflag:s21] =	ssyncset.done $0x0;
	v41 =	vmul.f32 v51, v8;
	v42 =	vmul.f32 v51, v3;
	v9 =	vmin.f32 v9, v59  }
0x166: {  	s25 =	simm.s32 $0x0;
	[sflag:s21] =	ssyncadd.s32 $0xFFFF9C00;
	v34 =	vmul.f32 v0, v8;
	v57 =	vmul.f32 v0, v3;
	v9 =	vsel vm0, v9, v50  }
0x167: {  	v35 =	vmin.f32 v35, v40;
	v43 =	vld [tilespmem:s25+$0x12C00];
	v41 =	vmin.f32 v41, v42;
	vm0 =	vgt.f32 v9, v13  }
0x168: {  	v16 =	vsel vm1, v35, v16;
	v42 =	vld [tilespmem:s25+$0x9600];
	v34 =	vmin.f32 v34, v57;
	v13 =	vsel vm0, v9, v13  }
0x169: {  	s1 =	sadd.s32 $0x1, s26;
	v9 =	vsel vm2, v41, v51;
	v41 =	vld [tilespmem:s25+$0x6400];
	vm1 =	vgt.f32 v16, v11;
	v0 =	vsel vm3, v34, v0  }
0x16a: {  	s29 =	sadd.s32 $0xFFFFFFCE, s1;
	vm2 =	vgt.f32 v9, v49;
	v34 =	vld [tilespmem:s25+$0x7D00];
	v16 =	vsel vm1, v16, v11;
	vm3 =	vgt.f32 v0, v48  }
0x16b: {  	[tilespmem:$0x1FDC0] =	vst v3;
	v40 =	vld [tilespmem:s25+$0x15E00];
	v11 =	vsel vm2, v9, v49;
	v9 =	vsel vm3, v0, v48;
	v48 =	vsel vm2, s29, v25  }
0x16c: {  	v3 =	vld [tilespmem:$0x1FFC0];
	v49 =	vsel vm3, s1, v24;
	[tilespmem:$0x1FDF0] =	vst v48  }
0x16d: {  	s26 =	sadd.s32 $0xFFFFFF6A, s1;
	v56 =	vld [tilespmem:s25+$0x14500];
	[tilespmem:$0x1FE00] =	vst v49;
	v48 =	vmul.f32 v42, v22;
	v49 =	vmul.f32 v42, v20  }
0x16e: {  	s28 =	sadd.s32 $0xFFFFFF9C, s1;
	v35 =	vld [tilespmem:s25+$0x17700];
	v58 =	vsel vm0, s26, v1;
	v50 =	vmul.f32 v41, v22;
	v51 =	vmul.f32 v41, v20  }
0x16f: {  	v59 =	vsel vm1, s28, v2;
	s28 =	simm.s32 $0x80;
	v0 =	vld [tilespmem:s25+$0xAF00];
	v24 =	vmul.f32 v34, v22;
	v25 =	vmul.f32 v34, v20  }
0x170: {  	v57 =	vld [tilespmem:s28+$0x14500];
	vm0 =	vgt.s32 v43, $0x0;
	vm2 =	vgt.s32 v40, $0x0;
	v1 =	vmin.f32 v50, v51  }
0x171: {  	v43 =	vld [tilespmem:$0x1FFF0];
	v1 =	vsel vm0, v1, v41;
	v24 =	vmin.f32 v24, v25;
	v25 =	vmin.f32 v48, v49  }
0x172: {  	vm0 =	vgt.f32 v1, v3;
	v41 =	vsel vm2, v25, v42;
	v42 =	vld [tilespmem:$0x1FFD0]  }
0x173: {  	vm3 =	vgt.s32 v35, $0x0;
	v35 =	vsel vm0, v1, v3;
	v3 =	vld [tilespmem:$0x1FFE0]  }
0x174: {  	[tilespmem:$0x1FDD0] =	vst v58;
	v58 =	vld [tilespmem:s28+$0x15E00];
	v50 =	vmul.f32 v0, v22;
	v51 =	vmul.f32 v0, v20  }
0x175: {  	[tilespmem:$0x1FDE0] =	vst v59;
	v59 =	vld [tilespmem:s28+$0x17700]  }
0x176: {  	vm1 =	vgt.s32 v56, $0x0;
	v56 =	vld [tilespmem:s28+$0x12C00];
	v2 =	vmin.f32 v50, v51  }
0x177: {  	v24 =	vsel vm1, v24, v34;
	v50 =	vld [tilespmem:s28+$0x6400];
	v0 =	vsel vm3, v2, v0  }
0x178: {  	s30 =	sadd.s32 $0xFFFFFF9C, s12;
	s31 =	sadd.s32 $0xFFFFFFCE, s12;
	v49 =	vld [tilespmem:s28+$0x7D00];
	vm1 =	vgt.f32 v0, v43;
	vm2 =	vgt.f32 v24, v42;
	vm3 =	vgt.f32 v41, v3  }
0x179: {  	s26 =	smov.u32 s12;
	s1 =	sadd.s32 $0xFFFFFF6A, s12;
	s29 =	simm.s32 $0x400;
	v51 =	vld [tilespmem:s28+$0x9600];
	v48 =	vsel vm2, v24, v42;
	v24 =	vsel vm1, v0, v43;
	v25 =	vsel vm3, v41, v3  }
.LBB2_18:
0x17a: {  	p0 =	sne.s32 s29, $0x6200;
	v0 =	vld [tilespmem:s28+$0xAF00];
	v10 =	vsel vm0, s1, v10;
	v14 =	vsel vm2, s30, v14;
	v15 =	vsel vm3, s31, v15  }
0x17b: {  	vm0 =	vgt.s32 v56, $0x0;
	v7 =	vsel vm1, s26, v7  }
0x17c: {  	vm1 =	vgt.s32 v57, $0x0;
	v1 =	vmul.f32 v50, v22;
	v2 =	vmul.f32 v50, v20  }
0x17d: {  	s28 =	sshra.s32 s29, $0x2;
	vm2 =	vgt.s32 v58, $0x0;
	v34 =	vmul.f32 v49, v22;
	v40 =	vmul.f32 v49, v20  }
0x17e: {  	vm3 =	vgt.s32 v59, $0x0;
	v56 =	vld [tilespmem:s28+$0x12C00];
	v41 =	vmul.f32 v51, v22;
	v42 =	vmul.f32 v51, v20  }
0x17f: {  	v1 =	vmin.f32 v1, v2;
	v57 =	vld [tilespmem:s28+$0x14500];
	v2 =	vmul.f32 v0, v22;
	v43 =	vmul.f32 v0, v20  }
.Ltmp8:
0x180: {  	v1 =	vsel vm0, v1, v50;
	v34 =	vmin.f32 v34, v40;
	v58 =	vld [tilespmem:s28+$0x15E00];
	v40 =	vmin.f32 v41, v42;
	(pc) =	sbr.rel @p0 .LBB2_18-.Ltmp8, $4  }
0x181: {  	vm0 =	vgt.f32 v1, v35;
	v34 =	vsel vm1, v34, v49;
	v59 =	vld [tilespmem:s28+$0x17700];
	v2 =	vmin.f32 v2, v43  }
0x182: {  	s26 =	sadd.s32 $0x1, s26;
	v35 =	vsel vm0, v1, v35;
	v1 =	vsel vm2, v40, v51;
	v50 =	vld [tilespmem:s28+$0x6400];
	v0 =	vsel vm3, v2, v0  }
0x183: {  	s1 =	sadd.s32 $0xFFFFFF6A, s26;
	vm2 =	vgt.f32 v34, v48;
	vm3 =	vgt.f32 v1, v25;
	v49 =	vld [tilespmem:s28+$0x7D00];
	vm1 =	vgt.f32 v0, v24  }
0x184: {  	s29 =	sadd.s32 $0x200, s29;
	s30 =	sadd.s32 $0xFFFFFF9C, s26;
	s31 =	sadd.s32 $0xFFFFFFCE, s26;
	v48 =	vsel vm2, v34, v48;
	v25 =	vsel vm3, v1, v25;
	v51 =	vld [tilespmem:s28+$0x9600];
	v24 =	vsel vm1, v0, v24  }
0x185: {  	v0 =	vld [tilespmem:s28+$0xAF00];
	v1 =	vsel vm0, s1, v10;
	v2 =	vsel vm2, s30, v14  }
0x186: {  	v14 =	vsel vm3, s31, v15;
	vm0 =	vgt.s32 v56, $0x0;
	v34 =	vsel vm1, s26, v7  }
0x187: {  	vm1 =	vgt.s32 v57, $0x0;
	v7 =	vmul.f32 v50, v22;
	v10 =	vmul.f32 v50, v20  }
0x188: {  	vm2 =	vgt.s32 v58, $0x0;
	v15 =	vmul.f32 v49, v22;
	v40 =	vmul.f32 v49, v20  }
0x189: {  	vm3 =	vgt.s32 v59, $0x0;
	v41 =	vmul.f32 v51, v22;
	v42 =	vmul.f32 v51, v20  }
0x18a: {  	v7 =	vmin.f32 v7, v10;
	v10 =	vmul.f32 v0, v22;
	v20 =	vmul.f32 v0, v20  }
0x18b: {  	v7 =	vsel vm0, v7, v50;
	v15 =	vmin.f32 v15, v40;
	v22 =	vmin.f32 v41, v42  }
0x18c: {  	vm0 =	vgt.f32 v7, v35;
	v15 =	vsel vm1, v15, v49;
	v10 =	vmin.f32 v10, v20  }
0x18d: {  	v3 =	vsel vm0, v7, v35;
	v20 =	vsel vm2, v22, v51;
	vm1 =	vgt.f32 v15, v48  }
0x18e: {  	v43 =	vld [tilespmem:s25+$0x12C10];
	[tilespmem:$0x1FD40] =	vst v3;
	v0 =	vsel vm3, v10, v0;
	vm2 =	vgt.f32 v20, v25;
	v3 =	vsel vm1, v15, v48  }
0x18f: {  	v56 =	vld [tilespmem:s25+$0x14510];
	s31 =	sadd.s32 $0x1, s26;
	vm3 =	vgt.f32 v0, v24;
	[tilespmem:$0x1FD50] =	vst v3;
	v3 =	vsel vm2, v20, v25  }
0x190: {  	s26 =	sadd.s32 $0xFFFFFF6A, s31;
	v35 =	vld [tilespmem:s25+$0x6410];
	[tilespmem:$0x1FD60] =	vst v3;
	v0 =	vsel vm3, v0, v24  }
0x191: {  	v59 =	vld [tilespmem:s25+$0x7D10];
	s28 =	sadd.s32 $0xFFFFFF9C, s31;
	[tilespmem:$0x1FD70] =	vst v0;
	v0 =	vsel vm0, s26, v1  }
0x192: {  	v58 =	vld [tilespmem:s25+$0x17710];
	s29 =	sadd.s32 $0xFFFFFFCE, s31;
	[tilespmem:$0x1FD80] =	vst v0;
	v0 =	vsel vm1, s28, v2  }
0x193: {  	v1 =	vsel vm2, s29, v14;
	[tilespmem:$0x1FD90] =	vst v0;
	v0 =	vld [tilespmem:s25+$0xAF10]  }
0x194: {  	v3 =	vld [tilespmem:$0x1FF80];
	[tilespmem:$0x1FDA0] =	vst v1;
	v1 =	vsel vm3, s31, v34  }
0x195: {  	v57 =	vld [tilespmem:s25+$0x15E10];
	v2 =	vmul.f32 v35, v6;
	[tilespmem:$0x1FDB0] =	vst v1;
	v1 =	vmul.f32 v35, v23  }
0x196: {  	v7 =	vld [tilespmem:$0x1FFB0];
	v20 =	vmul.f32 v59, v6;
	vm0 =	vgt.s32 v43, $0x0  }
0x197: {  	v25 =	vld [tilespmem:s25+$0x9610];
	v14 =	vmul.f32 v59, v23;
	vm3 =	vgt.s32 v58, $0x0;
	s25 =	simm.s32 $0x80;
	v1 =	vmin.f32 v1, v2  }
0x198: {  	v48 =	vld [tilespmem:s25+$0x12C10];
	v1 =	vsel vm0, v1, v35;
	v2 =	vmul.f32 v0, v23;
	v58 =	vmul.f32 v0, v6  }
0x199: {  	v49 =	vld [tilespmem:s25+$0x14510];
	vm0 =	vgt.f32 v1, v3  }
0x19a: {  	v14 =	vmin.f32 v14, v20;
	v20 =	vsel vm0, v1, v3;
	v3 =	vld [tilespmem:$0x1FFA0];
	v2 =	vmin.f32 v2, v58  }
0x19b: {  	v0 =	vsel vm3, v2, v0;
	v2 =	vld [tilespmem:$0x1FF90]  }
0x19c: {  	vm2 =	vgt.s32 v57, $0x0;
	v24 =	vmul.f32 v25, v23;
	v57 =	vmul.f32 v25, v6;
	v50 =	vld [tilespmem:s25+$0x15E10]  }
0x19d: {  	vm1 =	vgt.s32 v56, $0x0;
	v51 =	vld [tilespmem:s25+$0x17710]  }
0x19e: {  	v59 =	vsel vm1, v14, v59;
	v14 =	vld [tilespmem:s25+$0x6410];
	v24 =	vmin.f32 v24, v57  }
0x19f: {  	v43 =	vld [tilespmem:s25+$0x9610];
	v1 =	vsel vm2, v24, v25  }
0x1a0: {  	s1 =	sadd.s32 $0xFFFFFF6A, s12;
	s30 =	sadd.s32 $0xFFFFFFCE, s12;
	v24 =	vld [tilespmem:s25+$0x7D10];
	vm1 =	vgt.f32 v0, v7;
	vm3 =	vgt.f32 v1, v3;
	vm2 =	vgt.f32 v59, v2  }
0x1a1: {  	s29 =	sadd.s32 $0xFFFFFF9C, s12;
	s26 =	smov.u32 s12;
	s28 =	simm.s32 $0x400;
	v34 =	vsel vm1, v0, v7;
	v25 =	vsel vm3, v1, v3;
	v3 =	vld [tilespmem:$0x1FF60];
	v35 =	vsel vm2, v59, v2  }
.LBB2_20:
0x1a2: {  	p0 =	sne.s32 s28, $0x6200;
	v0 =	vld [tilespmem:s25+$0xAF10];
	v27 =	vsel vm0, s1, v27;
	v32 =	vsel vm2, s29, v32;
	v33 =	vsel vm3, s30, v33  }
0x1a3: {  	vm0 =	vgt.s32 v48, $0x0;
	v26 =	vsel vm1, s26, v26  }
0x1a4: {  	vm1 =	vgt.s32 v49, $0x0;
	v1 =	vmul.f32 v14, v23;
	v2 =	vmul.f32 v14, v6  }
0x1a5: {  	s25 =	sshra.s32 s28, $0x2;
	vm2 =	vgt.s32 v50, $0x0;
	v40 =	vmul.f32 v24, v23;
	v41 =	vmul.f32 v24, v6  }
0x1a6: {  	vm3 =	vgt.s32 v51, $0x0;
	v48 =	vld [tilespmem:s25+$0x12C10];
	v42 =	vmul.f32 v43, v23;
	v56 =	vmul.f32 v43, v6  }
0x1a7: {  	v1 =	vmin.f32 v1, v2;
	v49 =	vld [tilespmem:s25+$0x14510];
	v2 =	vmul.f32 v0, v23;
	v57 =	vmul.f32 v0, v6  }
.Ltmp9:
0x1a8: {  	v1 =	vsel vm0, v1, v14;
	v14 =	vmin.f32 v40, v41;
	v50 =	vld [tilespmem:s25+$0x15E10];
	v40 =	vmin.f32 v42, v56;
	(pc) =	sbr.rel @p0 .LBB2_20-.Ltmp9, $4  }
0x1a9: {  	vm0 =	vgt.f32 v1, v20;
	v41 =	vsel vm1, v14, v24;
	v51 =	vld [tilespmem:s25+$0x17710];
	v2 =	vmin.f32 v2, v57  }
0x1aa: {  	s26 =	sadd.s32 $0x1, s26;
	v20 =	vsel vm0, v1, v20;
	v1 =	vsel vm2, v40, v43;
	v14 =	vld [tilespmem:s25+$0x6410];
	v0 =	vsel vm3, v2, v0  }
0x1ab: {  	s1 =	sadd.s32 $0xFFFFFF6A, s26;
	vm2 =	vgt.f32 v41, v35;
	vm3 =	vgt.f32 v1, v25;
	v24 =	vld [tilespmem:s25+$0x7D10];
	vm1 =	vgt.f32 v0, v34  }
0x1ac: {  	s28 =	sadd.s32 $0x200, s28;
	s29 =	sadd.s32 $0xFFFFFF9C, s26;
	s30 =	sadd.s32 $0xFFFFFFCE, s26;
	v35 =	vsel vm2, v41, v35;
	v25 =	vsel vm3, v1, v25;
	v43 =	vld [tilespmem:s25+$0x9610];
	v34 =	vsel vm1, v0, v34  }
0x1ad: {  	v0 =	vld [tilespmem:s25+$0xAF10]  }
0x1ae: {  	v1 =	vsel vm0, s1, v27  }
0x1af: {  	v56 =	vsel vm1, s26, v26;
	v26 =	vmul.f32 v14, v23;
	v27 =	vmul.f32 v14, v6  }
0x1b0: {  	v57 =	vmul.f32 v24, v23;
	v40 =	vmul.f32 v24, v6  }
0x1b1: {  	v41 =	vmul.f32 v43, v23;
	v42 =	vmul.f32 v43, v6  }
0x1b2: {  	v2 =	vsel vm2, s29, v32;
	v23 =	vmul.f32 v0, v23;
	v6 =	vmul.f32 v0, v6  }
0x1b3: {  	v32 =	vsel vm3, s30, v33;
	vm12 =	vgt.s32 v48, $0x0;
	s25 =	simm.s32 $0x0;
	v7 =	vld [tilespmem:$0x1FF70];
	v26 =	vmin.f32 v26, v27  }
0x1b4: {  	vm15 =	vgt.s32 v51, $0x0;
	v26 =	vsel vm12, v26, v14;
	v14 =	vld [tilespmem:s25+$0x12C20];
	v6 =	vmin.f32 v23, v6  }
0x1b5: {  	vm13 =	vgt.s32 v49, $0x0;
	v27 =	vmin.f32 v57, v40;
	v40 =	vld [tilespmem:s25+$0x14520];
	v0 =	vsel vm15, v6, v0  }
0x1b6: {  	vm14 =	vgt.s32 v50, $0x0;
	s30 =	sadd.s32 $0x1, s26;
	v58 =	vmin.f32 v41, v42;
	v41 =	vld [tilespmem:s25+$0x15E20];
	vm3 =	vgt.f32 v0, v34  }
0x1b7: {  	p1 =	por $0x1, $0x1;
	s26 =	sadd.s32 $0xFFFFFF6A, s30;
	vm0 =	vgt.f32 v26, v20;
	v59 =	vsel vm13, v27, v24;
	v24 =	vld [tilespmem:s25+$0x17720];
	v0 =	vsel vm3, v0, v34  }
.Ltmp10:
0x1b8: {  	s28 =	sadd.s32 $0xFFFFFF9C, s30;
	v42 =	vld [tilespmem:s25+$0x7D20];
	v23 =	vsel vm14, v58, v43;
	vm1 =	vgt.f32 v59, v35;
	[tilespmem:$0x1FCF0] =	vst v0;
	v0 =	vsel vm0, s26, v1;
	(pc) =	sbr.rel @!p1 .LBB2_22-.Ltmp10, $4  }
0x1b9: {  	s31 =	sadd.s32 $0xFFFFFFCE, s30;
	v27 =	vsel vm0, v26, v20;
	v20 =	vld [tilespmem:s25+$0x6420];
	vm2 =	vgt.f32 v23, v25;
	[tilespmem:$0x1FD00] =	vst v0;
	v0 =	vsel vm1, s28, v2  }
0x1ba: {  	v58 =	vld [tilespmem:$0x1FEB0];
	[tilespmem:$0x1FD10] =	vst v0;
	v0 =	vsel vm2, s31, v32  }
0x1bb: {  	v33 =	vsel vm1, v59, v35;
	v59 =	vld [tilespmem:$0x1FEA0];
	[tilespmem:$0x1FD20] =	vst v0;
	v0 =	vsel vm3, s30, v56  }
0x1bc: {  	p0 =	por $0x0, $0x0;
	v26 =	vsel vm2, v23, v25;
	v25 =	vld [tilespmem:s25+$0x9620];
	[tilespmem:$0x1FD30] =	vst v0  }
0x1bd: {  	v0 =	vld [tilespmem:s25+$0xAF20]  }
0x1be: {  	v10 =	vld [tilespmem:$0x1FE30]  }
0x1bf: {  	v15 =	vld [tilespmem:$0x1FE40]  }
0x1c0: {  	v23 =	vld [tilespmem:$0x1FE10]  }
0x1c1: {  	v6 =	vmul.f32 v42, v21;
	v32 =	vmul.f32 v42, v5;
	v22 =	vld [tilespmem:$0x1FEE0]  }
0x1c2: {  	vm0 =	vgt.s32 v14, $0x0;
	s26 =	simm.s32 $0x80;
	v56 =	vld [tilespmem:$0x1FED0];
	v1 =	vmul.f32 v20, v21;
	v2 =	vmul.f32 v20, v5  }
0x1c3: {  	vm1 =	vgt.s32 v40, $0x0;
	vm2 =	vgt.s32 v41, $0x0;
	v14 =	vld [tilespmem:s26+$0x12C20];
	v6 =	vmin.f32 v6, v32  }
0x1c4: {  	v40 =	vld [tilespmem:s26+$0x14520];
	v1 =	vmin.f32 v1, v2;
	v34 =	vmul.f32 v25, v21;
	v35 =	vmul.f32 v25, v5  }
0x1c5: {  	p3 =	por $0x1, $0x1;
	v41 =	vld [tilespmem:s26+$0x15E20];
	v6 =	vsel vm1, v6, v42;
	v2 =	vmul.f32 v0, v21;
	v43 =	vmul.f32 v0, v5  }
.Ltmp11:
0x1c6: {  	vm3 =	vgt.s32 v24, $0x0;
	v24 =	vld [tilespmem:s26+$0x17720];
	v1 =	vsel vm0, v1, v20;
	vm1 =	vgt.f32 v6, v60;
	(pc) =	sbr.rel @!p3 .LBB2_24-.Ltmp11, $4  }
0x1c7: {  	v42 =	vld [tilespmem:s26+$0x7D20];
	vm0 =	vgt.f32 v1, v63;
	v57 =	vmin.f32 v34, v35;
	v2 =	vmin.f32 v2, v43  }
0x1c8: {  	v20 =	vld [tilespmem:s26+$0x6420];
	v63 =	vsel vm0, v1, v63;
	v1 =	vsel vm2, v57, v25;
	v0 =	vsel vm3, v2, v0  }
0x1c9: {  	s30 =	sadd.s32 $0xFFFFFF6A, s12;
	s29 =	simm.s32 $0x400;
	s31 =	sadd.s32 $0xFFFFFF9C, s12;
	v32 =	vmovc v59;
	v60 =	vsel vm1, v6, v60;
	v25 =	vld [tilespmem:s26+$0x9620];
	vm2 =	vgt.f32 v1, v62;
	vm3 =	vgt.f32 v0, v61  }
0x1ca: {  	s1 =	sadd.s32 $0xFFFFFFCE, s12;
	p2 =	por $0x1, $0x1;
	s28 =	smov.u32 s12;
	v6 =	vmovc v58;
	v57 =	vld [tilespmem:$0x1FEC0];
	v34 =	vmovc v3;
	v35 =	vmov v7;
	v62 =	vsel vm2, v1, v62;
	v61 =	vsel vm3, v0, v61  }
.LBB2_25:
0x1cb: {  	p3 =	sne.s32 s29, $0x6200;
	v0 =	vld [tilespmem:s26+$0xAF20];
	v6 =	vsel vm0, s30, v6;
	v32 =	vsel vm1, s31, v32;
	v34 =	vsel vm2, s1, v34  }
0x1cc: {  	vm0 =	vgt.s32 v14, $0x0;
	v35 =	vsel vm3, s28, v35  }
0x1cd: {  	vm1 =	vgt.s32 v40, $0x0;
	v1 =	vmul.f32 v20, v21;
	v2 =	vmul.f32 v20, v5  }
0x1ce: {  	s26 =	sshra.s32 s29, $0x2;
	vm2 =	vgt.s32 v41, $0x0;
	v43 =	vmul.f32 v42, v21;
	v48 =	vmul.f32 v42, v5  }
0x1cf: {  	vm3 =	vgt.s32 v24, $0x0;
	v14 =	vld [tilespmem:s26+$0x12C20];
	v49 =	vmul.f32 v25, v21;
	v50 =	vmul.f32 v25, v5  }
0x1d0: {  	v1 =	vmin.f32 v1, v2;
	v40 =	vld [tilespmem:s26+$0x14520];
	v2 =	vmul.f32 v0, v21;
	v51 =	vmul.f32 v0, v5  }
.Ltmp12:
0x1d1: {  	v1 =	vsel vm0, v1, v20;
	v20 =	vmin.f32 v43, v48;
	v41 =	vld [tilespmem:s26+$0x15E20];
	v43 =	vmin.f32 v49, v50;
	(pc) =	sbr.rel @p3 .LBB2_25-.Ltmp12, $4  }
0x1d2: {  	vm0 =	vgt.f32 v1, v63;
	v48 =	vsel vm1, v20, v42;
	v24 =	vld [tilespmem:s26+$0x17720];
	v2 =	vmin.f32 v2, v51  }
0x1d3: {  	s28 =	sadd.s32 $0x1, s28;
	v63 =	vsel vm0, v1, v63;
	v1 =	vsel vm2, v43, v25;
	v20 =	vld [tilespmem:s26+$0x6420];
	v0 =	vsel vm3, v2, v0  }
0x1d4: {  	s30 =	sadd.s32 $0xFFFFFF6A, s28;
	vm1 =	vgt.f32 v48, v60;
	vm2 =	vgt.f32 v1, v62;
	v42 =	vld [tilespmem:s26+$0x7D20];
	vm3 =	vgt.f32 v0, v61  }
0x1d5: {  	s29 =	sadd.s32 $0x200, s29;
	s31 =	sadd.s32 $0xFFFFFF9C, s28;
	s1 =	sadd.s32 $0xFFFFFFCE, s28;
	v60 =	vsel vm1, v48, v60;
	v62 =	vsel vm2, v1, v62;
	v25 =	vld [tilespmem:s26+$0x9620];
	v61 =	vsel vm3, v0, v61  }
.LBB2_26:
0x1d6: {  	v0 =	vld [tilespmem:s26+$0xAF20];
	v1 =	vsel @p2 vm0, s30, v6;
	v2 =	vsel @p2 vm1, s31, v32  }
0x1d7: {  	v6 =	vsel @p2 vm2, s1, v34;
	vm12 =	vgt.s32 v14, $0x0;
	v32 =	vsel @p2 vm3, s28, v35  }
0x1d8: {  	vm13 =	vgt.s32 v40, $0x0;
	v14 =	vmul.f32 v20, v21;
	v49 =	vmul.f32 v20, v5  }
0x1d9: {  	vm14 =	vgt.s32 v41, $0x0;
	v50 =	vmul.f32 v42, v21;
	v51 =	vmul.f32 v42, v5  }
0x1da: {  	vm15 =	vgt.s32 v24, $0x0;
	v48 =	vmul.f32 v25, v21;
	v43 =	vmul.f32 v25, v5  }
0x1db: {  	v14 =	vmin.f32 v14, v49;
	v21 =	vmul.f32 v0, v21;
	v5 =	vmul.f32 v0, v5  }
0x1dc: {  	v20 =	vsel vm12, v14, v20;
	v14 =	vmin.f32 v50, v51;
	v50 =	vpsel p2, v1, v58  }
0x1dd: {  	s1 =	sadd.s32 @p2 $0x1, s28;
	s26 =	smov.u32 s12;
	v51 =	vpsel p2, v2, v59;
	v58 =	vpsel p2, v6, v3;
	v24 =	vmin.f32 v48, v43  }
0x1de: {  	s26 =	smov.u32 @p2 s1;
	vm0 =	vgt.f32 v20, v63;
	v49 =	vsel vm13, v14, v42;
	v14 =	vld [tilespmem:s25+$0x12C30];
	v5 =	vmin.f32 v21, v5  }
0x1df: {  	s31 =	sadd.s32 $0xFFFFFF9C, s26;
	v41 =	vsel vm0, v20, v63;
	v20 =	vld [tilespmem:s25+$0x14530];
	vm1 =	vgt.f32 v49, v60;
	v0 =	vsel vm15, v5, v0  }
.Ltmp13:
0x1e0: {  	s1 =	sadd.s32 $0xFFFFFF6A, s26;
	v21 =	vsel vm14, v24, v25;
	v63 =	vld [tilespmem:s25+$0x15E30];
	v59 =	vsel vm1, s31, v51;
	vm3 =	vgt.f32 v0, v61;
	(pc) =	sbr.rel @!p1 .LBB2_27-.Ltmp13, $4  }
0x1e1: {  	s29 =	sadd.s32 $0xFFFFFFCE, s26;
	v24 =	vld [tilespmem:s25+$0x6430];
	vm2 =	vgt.f32 v21, v62;
	[tilespmem:$0x1FCC0] =	vst v59;
	v5 =	vsel vm3, v0, v61;
	v0 =	vsel vm0, s1, v50  }
0x1e2: {  	v6 =	vpsel p2, v32, v7;
	v25 =	vld [tilespmem:s25+$0x7D30];
	v61 =	vsel vm2, s29, v58;
	[tilespmem:$0x1FCB0] =	vst v0  }
0x1e3: {  	v43 =	vsel vm1, v49, v60;
	v60 =	vld [tilespmem:s25+$0x17730];
	v21 =	vsel vm2, v21, v62;
	v62 =	vsel vm3, s26, v6;
	[tilespmem:$0x1FCD0] =	vst v61  }
0x1e4: {  	v58 =	vld [tilespmem:s25+$0x9630];
	[tilespmem:$0x1FCE0] =	vst v62  }
0x1e5: {  	v0 =	vld [tilespmem:s25+$0xAF30]  }
0x1e6: {  	v61 =	vld [tilespmem:$0x1FF40]  }
0x1e7: {  	v62 =	vld [tilespmem:$0x1FF50]  }
0x1e8: {  	v7 =	vld [tilespmem:$0x1FE70]  }
0x1e9: {  	v3 =	vld [tilespmem:$0x1FE60];
	v1 =	vmul.f32 v24, v19;
	v2 =	vmul.f32 v24, v4  }
0x1ea: {  	s25 =	simm.s32 $0x80;
	v42 =	vld [tilespmem:$0x1FE50];
	v6 =	vmul.f32 v25, v19;
	v32 =	vmul.f32 v25, v4  }
0x1eb: {  	vm0 =	vgt.s32 v14, $0x0;
	vm1 =	vgt.s32 v20, $0x0;
	v14 =	vld [tilespmem:s25+$0x12C30]  }
0x1ec: {  	vm2 =	vgt.s32 v63, $0x0;
	v20 =	vld [tilespmem:s25+$0x14530];
	v1 =	vmin.f32 v1, v2;
	v6 =	vmin.f32 v6, v32  }
0x1ed: {  	v63 =	vld [tilespmem:s25+$0x15E30];
	v34 =	vmul.f32 v58, v19;
	v35 =	vmul.f32 v58, v4;
	v6 =	vsel vm1, v6, v25  }
0x1ee: {  	p1 =	por $0x1, $0x1;
	v32 =	vld [tilespmem:$0x1FF30];
	v2 =	vmul.f32 v0, v19;
	v40 =	vmul.f32 v0, v4;
	vm1 =	vgt.f32 v6, v52  }
.Ltmp14:
0x1ef: {  	vm3 =	vgt.s32 v60, $0x0;
	v1 =	vsel vm0, v1, v24;
	v52 =	vsel vm1, v6, v52;
	v6 =	vld [tilespmem:$0x1FF20];
	(pc) =	sbr.rel @!p1 .LBB2_29-.Ltmp14, $4  }
0x1f0: {  	v60 =	vld [tilespmem:s25+$0x17730];
	vm0 =	vgt.f32 v1, v55;
	v59 =	vmin.f32 v34, v35;
	v2 =	vmin.f32 v2, v40  }
0x1f1: {  	v24 =	vld [tilespmem:s25+$0x6430];
	v55 =	vsel vm0, v1, v55;
	v1 =	vsel vm2, v59, v58;
	v0 =	vsel vm3, v2, v0  }
0x1f2: {  	s29 =	sadd.s32 $0xFFFFFF6A, s12;
	s28 =	simm.s32 $0x400;
	s30 =	sadd.s32 $0xFFFFFF9C, s12;
	v25 =	vld [tilespmem:s25+$0x7D30];
	vm2 =	vgt.f32 v1, v54;
	vm3 =	vgt.f32 v0, v53  }
0x1f3: {  	s1 =	sadd.s32 $0xFFFFFFCE, s12;
	p0 =	por $0x1, $0x1;
	s26 =	smov.u32 s12;
	v58 =	vld [tilespmem:s25+$0x9630];
	v34 =	vmovc v61;
	v35 =	vmov v62;
	v54 =	vsel vm2, v1, v54;
	v53 =	vsel vm3, v0, v53  }
.LBB2_30:
0x1f4: {  	p1 =	sne.s32 s28, $0x6200;
	v0 =	vld [tilespmem:s25+$0xAF30];
	v6 =	vsel vm0, s29, v6;
	v32 =	vsel vm1, s30, v32;
	v34 =	vsel vm2, s1, v34  }
0x1f5: {  	vm0 =	vgt.s32 v14, $0x0;
	v35 =	vsel vm3, s26, v35  }
0x1f6: {  	vm1 =	vgt.s32 v20, $0x0;
	v1 =	vmul.f32 v24, v19;
	v2 =	vmul.f32 v24, v4  }
0x1f7: {  	s25 =	sshra.s32 s28, $0x2;
	vm2 =	vgt.s32 v63, $0x0;
	v40 =	vmul.f32 v25, v19;
	v48 =	vmul.f32 v25, v4  }
0x1f8: {  	vm3 =	vgt.s32 v60, $0x0;
	v14 =	vld [tilespmem:s25+$0x12C30];
	v49 =	vmul.f32 v58, v19;
	v50 =	vmul.f32 v58, v4  }
0x1f9: {  	v1 =	vmin.f32 v1, v2;
	v20 =	vld [tilespmem:s25+$0x14530];
	v2 =	vmul.f32 v0, v19;
	v51 =	vmul.f32 v0, v4  }
.Ltmp15:
0x1fa: {  	v1 =	vsel vm0, v1, v24;
	v24 =	vmin.f32 v40, v48;
	v63 =	vld [tilespmem:s25+$0x15E30];
	v40 =	vmin.f32 v49, v50;
	(pc) =	sbr.rel @p1 .LBB2_30-.Ltmp15, $4  }
0x1fb: {  	vm0 =	vgt.f32 v1, v55;
	v48 =	vsel vm1, v24, v25;
	v60 =	vld [tilespmem:s25+$0x17730];
	v2 =	vmin.f32 v2, v51  }
0x1fc: {  	s26 =	sadd.s32 $0x1, s26;
	v55 =	vsel vm0, v1, v55;
	v1 =	vsel vm2, v40, v58;
	v24 =	vld [tilespmem:s25+$0x6430];
	v0 =	vsel vm3, v2, v0  }
0x1fd: {  	s29 =	sadd.s32 $0xFFFFFF6A, s26;
	vm1 =	vgt.f32 v48, v52;
	vm2 =	vgt.f32 v1, v54;
	v25 =	vld [tilespmem:s25+$0x7D30];
	vm3 =	vgt.f32 v0, v53  }
0x1fe: {  	s28 =	sadd.s32 $0x200, s28;
	s30 =	sadd.s32 $0xFFFFFF9C, s26;
	s1 =	sadd.s32 $0xFFFFFFCE, s26;
	v52 =	vsel vm1, v48, v52;
	v54 =	vsel vm2, v1, v54;
	v58 =	vld [tilespmem:s25+$0x9630];
	v53 =	vsel vm3, v0, v53  }
.LBB2_31:
0x1ff: {  	v0 =	vld [tilespmem:s25+$0xAF30]  }
0x200: {  	v1 =	vsel @p0 vm0, s29, v6;
	v2 =	vsel @p0 vm1, s30, v32;
	v6 =	vsel @p0 vm2, s1, v34  }
0x201: {  	vm12 =	vgt.s32 v14, $0x0;
	v14 =	vmul.f32 v24, v19;
	v34 =	vmul.f32 v24, v4  }
0x202: {  	vm13 =	vgt.s32 v20, $0x0;
	v20 =	vmul.f32 v25, v19;
	v59 =	vmul.f32 v25, v4  }
0x203: {  	v32 =	vsel @p0 vm3, s26, v35;
	v40 =	vmul.f32 v58, v19;
	v48 =	vmul.f32 v58, v4  }
0x204: {  	v14 =	vmin.f32 v14, v34;
	v19 =	vmul.f32 v0, v19;
	v4 =	vmul.f32 v0, v4  }
0x205: {  	vm14 =	vgt.s32 v63, $0x0;
	vm15 =	vgt.s32 v60, $0x0;
	v24 =	vsel vm12, v14, v24  }
0x206: {  	v14 =	vmin.f32 v20, v59;
	v20 =	vmin.f32 v40, v48;
	v4 =	vmin.f32 v19, v4  }
0x207: {  	v25 =	vsel vm13, v14, v25;
	v19 =	vsel vm14, v20, v58;
	v0 =	vsel vm15, v4, v0  }
0x208: {  	vm1 =	vgt.f32 v25, v52;
	vm2 =	vgt.f32 v19, v54;
	vm3 =	vgt.f32 v0, v53  }
0x209: {  	v58 =	vsel vm1, v25, v52;
	v52 =	vsel vm2, v19, v54;
	v19 =	vsel vm3, v0, v53;
	v0 =	vld [tilespmem:$0x1FF20];
	_ =	sdelay $0x2  }
0x20a: {  	s25 =	simm.s32 $0x0  }
0x20b: {  	v51 =	vld [tilespmem:s25+$0x6440]  }
0x20c: {  	v0 =	vpsel p0, v1, v0;
	v1 =	vld [tilespmem:$0x1FF30]  }
0x20d: {  	p1 =	por $0x1, $0x1;
	v59 =	vld [tilespmem:s25+$0x15E40]  }
.Ltmp16:
0x20e: {  	v14 =	vld [tilespmem:s25+$0x12C40];
	(pc) =	sbr.rel @!p1 .LBB2_32-.Ltmp16, $4  }
0x20f: {  	s1 =	sadd.s32 @p0 $0x1, s26;
	s26 =	smov.u32 s12;
	vm0 =	vgt.f32 v24, v55;
	v20 =	vld [tilespmem:s25+$0x14540]  }
0x210: {  	s26 =	smov.u32 @p0 s1;
	v55 =	vsel vm0, v24, v55;
	v24 =	vld [tilespmem:s25+$0x17740];
	v4 =	vpsel p0, v32, v62  }
0x211: {  	s1 =	sadd.s32 $0xFFFFFF6A, s26;
	s28 =	sadd.s32 $0xFFFFFF9C, s26;
	s31 =	sadd.s32 $0xFFFFFFCE, s26;
	v25 =	vld [tilespmem:s25+$0x9640];
	v4 =	vsel vm3, s26, v4;
	v1 =	vpsel p0, v2, v1;
	v2 =	vpsel p0, v6, v61  }
0x212: {  	v53 =	vld [tilespmem:s25+$0x7D40];
	v49 =	vsel vm0, s1, v0;
	p0 =	por $0x0, $0x0;
	v50 =	vsel vm1, s28, v1;
	v48 =	vsel vm2, s31, v2  }
0x213: {  	_ = 	snop  }
0x214: {  	v0 =	vld [tilespmem:s25+$0xAF40]  }
0x215: {  	v1 =	vmul.f32 v51, v18;
	v2 =	vmul.f32 v51, v3  }
0x216: {  	vm0 =	vgt.s32 v14, $0x0;
	s26 =	simm.s32 $0x80;
	vm2 =	vgt.s32 v59, $0x0;
	vm1 =	vgt.s32 v20, $0x0  }
0x217: {  	v14 =	vld [tilespmem:s26+$0x12C40];
	v1 =	vmin.f32 v1, v2;
	v6 =	vmul.f32 v53, v18;
	v32 =	vmul.f32 v53, v3  }
0x218: {  	v20 =	vld [tilespmem:s26+$0x14540];
	v34 =	vmul.f32 v25, v18;
	v35 =	vmul.f32 v25, v3;
	v1 =	vsel vm0, v1, v51  }
0x219: {  	v59 =	vld [tilespmem:s26+$0x15E40];
	vm0 =	vgt.f32 v1, v47;
	v2 =	vmul.f32 v0, v18;
	v6 =	vmin.f32 v6, v32  }
0x21a: {  	v40 =	vmul.f32 v0, v3;
	v63 =	vmin.f32 v34, v35;
	v32 =	vld [tilespmem:$0x1FF00];
	v6 =	vsel vm1, v6, v53  }
0x21b: {  	p3 =	por $0x1, $0x1;
	v47 =	vsel vm0, v1, v47;
	v1 =	vsel vm2, v63, v25;
	v63 =	vld [tilespmem:$0x1FF10];
	vm1 =	vgt.f32 v6, v44  }
.Ltmp17:
0x21c: {  	v44 =	vsel vm1, v6, v44;
	v6 =	vld [tilespmem:$0x1FEF0];
	(pc) =	sbr.rel @!p3 .LBB2_34-.Ltmp17, $4  }
0x21d: {  	vm3 =	vgt.s32 v24, $0x0;
	v24 =	vld [tilespmem:s26+$0x17740];
	v2 =	vmin.f32 v2, v40  }
0x21e: {  	v51 =	vld [tilespmem:s26+$0x6440];
	v0 =	vsel vm3, v2, v0  }
0x21f: {  	s30 =	sadd.s32 $0xFFFFFF6A, s12;
	s29 =	simm.s32 $0x400;
	s31 =	sadd.s32 $0xFFFFFF9C, s12;
	v53 =	vld [tilespmem:s26+$0x7D40];
	vm2 =	vgt.f32 v1, v46;
	vm3 =	vgt.f32 v0, v45  }
0x220: {  	s1 =	sadd.s32 $0xFFFFFFCE, s12;
	p2 =	por $0x1, $0x1;
	s28 =	smov.u32 s12;
	v25 =	vld [tilespmem:s26+$0x9640];
	v34 =	vmovc v42;
	v46 =	vsel vm2, v1, v46;
	v45 =	vsel vm3, v0, v45;
	v35 =	vmov v63  }
.LBB2_35:
0x221: {  	p3 =	sne.s32 s29, $0x6200;
	v0 =	vld [tilespmem:s26+$0xAF40];
	v6 =	vsel vm0, s30, v6;
	v32 =	vsel vm1, s31, v32;
	v34 =	vsel vm2, s1, v34  }
0x222: {  	vm0 =	vgt.s32 v14, $0x0;
	v35 =	vsel vm3, s28, v35  }
0x223: {  	vm1 =	vgt.s32 v20, $0x0;
	v1 =	vmul.f32 v51, v18;
	v2 =	vmul.f32 v51, v3  }
0x224: {  	s26 =	sshra.s32 s29, $0x2;
	vm2 =	vgt.s32 v59, $0x0;
	v40 =	vmul.f32 v53, v18;
	v54 =	vmul.f32 v53, v3  }
0x225: {  	vm3 =	vgt.s32 v24, $0x0;
	v14 =	vld [tilespmem:s26+$0x12C40];
	v60 =	vmul.f32 v25, v18;
	v61 =	vmul.f32 v25, v3  }
0x226: {  	v1 =	vmin.f32 v1, v2;
	v20 =	vld [tilespmem:s26+$0x14540];
	v2 =	vmul.f32 v0, v18;
	v62 =	vmul.f32 v0, v3  }
.Ltmp18:
0x227: {  	v1 =	vsel vm0, v1, v51;
	v40 =	vmin.f32 v40, v54;
	v59 =	vld [tilespmem:s26+$0x15E40];
	v54 =	vmin.f32 v60, v61;
	(pc) =	sbr.rel @p3 .LBB2_35-.Ltmp18, $4  }
0x228: {  	vm0 =	vgt.f32 v1, v47;
	v40 =	vsel vm1, v40, v53;
	v24 =	vld [tilespmem:s26+$0x17740];
	v2 =	vmin.f32 v2, v62  }
0x229: {  	s28 =	sadd.s32 $0x1, s28;
	v47 =	vsel vm0, v1, v47;
	v1 =	vsel vm2, v54, v25;
	v51 =	vld [tilespmem:s26+$0x6440];
	v0 =	vsel vm3, v2, v0  }
0x22a: {  	s30 =	sadd.s32 $0xFFFFFF6A, s28;
	vm1 =	vgt.f32 v40, v44;
	vm2 =	vgt.f32 v1, v46;
	v53 =	vld [tilespmem:s26+$0x7D40];
	vm3 =	vgt.f32 v0, v45  }
0x22b: {  	s29 =	sadd.s32 $0x200, s29;
	s31 =	sadd.s32 $0xFFFFFF9C, s28;
	s1 =	sadd.s32 $0xFFFFFFCE, s28;
	v44 =	vsel vm1, v40, v44;
	v46 =	vsel vm2, v1, v46;
	v25 =	vld [tilespmem:s26+$0x9640];
	v45 =	vsel vm3, v0, v45  }
.LBB2_36:
0x22c: {  	v0 =	vld [tilespmem:s26+$0xAF40];
	_ =	sdelay $0x1  }
0x22d: {  	vm12 =	vgt.s32 v14, $0x0;
	v14 =	vmul.f32 v51, v18;
	v60 =	vmul.f32 v51, v3  }
0x22e: {  	vm13 =	vgt.s32 v20, $0x0;
	v20 =	vmul.f32 v53, v18;
	v61 =	vmul.f32 v53, v3  }
0x22f: {  	v40 =	vmul.f32 v25, v18;
	v54 =	vmul.f32 v25, v3  }
0x230: {  	v18 =	vmul.f32 v0, v18;
	v3 =	vmul.f32 v0, v3;
	_ =	sdelay $0x1  }
0x231: {  	vm15 =	vgt.s32 v24, $0x0;
	v3 =	vmin.f32 v18, v3  }
0x232: {  	v0 =	vsel vm15, v3, v0  }
0x233: {  	v2 =	vsel @p2 vm1, s31, v32;
	v32 =	vsel @p2 vm3, s28, v35;
	vm3 =	vgt.f32 v0, v45  }
0x234: {  	v3 =	vsel vm3, v0, v45;
	v0 =	vld [tilespmem:$0x1FEF0];
	_ =	sdelay $0x3  }
0x235: {  	v1 =	vsel @p2 vm0, s30, v6;
	vm14 =	vgt.s32 v59, $0x0;
	v59 =	vld [tilespmem:s25+$0x9650]  }
0x236: {  	v6 =	vsel @p2 vm2, s1, v34;
	v14 =	vmin.f32 v14, v60;
	v0 =	vpsel p2, v1, v0;
	v1 =	vld [tilespmem:$0x1FF00]  }
0x237: {  	s1 =	sadd.s32 @p2 $0x1, s28;
	s26 =	smov.u32 s12;
	v60 =	vld [tilespmem:s25+$0x17750];
	v24 =	vsel vm12, v14, v51;
	v14 =	vmin.f32 v20, v61;
	v20 =	vmin.f32 v40, v54  }
.Ltmp19:
0x238: {  	s26 =	smov.u32 @p2 s1;
	vm0 =	vgt.f32 v24, v47;
	v62 =	vsel vm13, v14, v53;
	v14 =	vld [tilespmem:s25+$0x12C50];
	v18 =	vsel vm14, v20, v25;
	(pc) =	sbr.rel @!p1 .LBB2_37-.Ltmp19, $4  }
0x239: {  	s1 =	sadd.s32 $0xFFFFFF6A, s26;
	v54 =	vld [tilespmem:s25+$0x15E50];
	v47 =	vsel vm0, v24, v47;
	vm1 =	vgt.f32 v62, v44;
	vm2 =	vgt.f32 v18, v46  }
0x23a: {  	v20 =	vld [tilespmem:s25+$0x14550];
	v51 =	vsel vm1, v62, v44;
	v44 =	vsel vm2, v18, v46;
	v46 =	vsel vm0, s1, v0  }
0x23b: {  	s31 =	sadd.s32 $0xFFFFFF9C, s26;
	s29 =	sadd.s32 $0xFFFFFFCE, s26;
	v24 =	vld [tilespmem:s25+$0x6450];
	v1 =	vpsel p2, v2, v1;
	v2 =	vpsel p2, v6, v42;
	v6 =	vpsel p2, v32, v63  }
0x23c: {  	v25 =	vld [tilespmem:s25+$0x7D50];
	v53 =	vsel vm1, s31, v1;
	v45 =	vsel vm2, s29, v2;
	v18 =	vsel vm3, s26, v6  }
0x23d: {  	v0 =	vld [tilespmem:s25+$0xAF50]  }
0x23e: {  	vm0 =	vgt.s32 v14, $0x0  }
0x23f: {  	s25 =	simm.s32 $0x80;
	v34 =	vmul.f32 v59, v17;
	v35 =	vmul.f32 v59, v7;
	vm3 =	vgt.s32 v60, $0x0  }
0x240: {  	vm2 =	vgt.s32 v54, $0x0;
	v14 =	vld [tilespmem:s25+$0x12C50];
	v1 =	vmul.f32 v24, v17;
	v2 =	vmul.f32 v24, v7  }
0x241: {  	v54 =	vld [tilespmem:s25+$0x15E50];
	vm1 =	vgt.s32 v20, $0x0;
	v6 =	vmul.f32 v25, v17;
	v32 =	vmul.f32 v25, v7  }
0x242: {  	p1 =	por $0x1, $0x1;
	v60 =	vld [tilespmem:s25+$0x17750];
	v1 =	vmin.f32 v1, v2;
	v2 =	vmul.f32 v0, v17;
	v40 =	vmul.f32 v0, v7  }
.Ltmp20:
0x243: {  	v20 =	vld [tilespmem:s25+$0x14550];
	v42 =	vmin.f32 v34, v35;
	v1 =	vsel vm0, v1, v24;
	v6 =	vmin.f32 v6, v32;
	(pc) =	sbr.rel @!p1 .LBB2_39-.Ltmp20, $4  }
0x244: {  	v24 =	vld [tilespmem:s25+$0x6450];
	vm0 =	vgt.f32 v1, v39;
	v6 =	vsel vm1, v6, v25;
	v2 =	vmin.f32 v2, v40  }
0x245: {  	v34 =	vmovc v22;
	v32 =	vld [tilespmem:$0x1FE90];
	v39 =	vsel vm0, v1, v39;
	v1 =	vsel vm2, v42, v59;
	v0 =	vsel vm3, v2, v0  }
0x246: {  	s29 =	sadd.s32 $0xFFFFFF6A, s12;
	s28 =	simm.s32 $0x400;
	s30 =	sadd.s32 $0xFFFFFF9C, s12;
	v35 =	vmovc v56;
	v25 =	vld [tilespmem:s25+$0x7D50];
	vm1 =	vgt.f32 v6, v36;
	vm2 =	vgt.f32 v1, v38;
	vm3 =	vgt.f32 v0, v37  }
0x247: {  	s1 =	sadd.s32 $0xFFFFFFCE, s12;
	p0 =	por $0x1, $0x1;
	s26 =	smov.u32 s12;
	v59 =	vld [tilespmem:s25+$0x9650];
	v36 =	vsel vm1, v6, v36;
	v38 =	vsel vm2, v1, v38;
	v37 =	vsel vm3, v0, v37;
	v6 =	vmovc v57  }
.LBB2_40:
0x248: {  	_ =	sdelay $0x2  }
0x249: {  	v0 =	vld [tilespmem:s25+$0xAF50];
	v2 =	vmul.f32 v24, v7  }
0x24a: {  	v61 =	vmul.f32 v25, v7;
	v63 =	vmul.f32 v59, v7;
	v7 =	vld [tilespmem:$0x1FE70]  }
0x24b: {  	v6 =	vsel vm0, s29, v6;
	v32 =	vsel vm1, s30, v32  }
0x24c: {  	v34 =	vsel vm2, s1, v34;
	v35 =	vsel vm3, s26, v35;
	s25 =	sshra.s32 s28, $0x2;
	vm0 =	vgt.s32 v14, $0x0  }
0x24d: {  	v1 =	vmul.f32 v24, v17;
	vm1 =	vgt.s32 v20, $0x0;
	v40 =	vmul.f32 v25, v17;
	v14 =	vld [tilespmem:s25+$0x12C50]  }
0x24e: {  	vm2 =	vgt.s32 v54, $0x0;
	v62 =	vmul.f32 v59, v17;
	vm3 =	vgt.s32 v60, $0x0;
	v20 =	vld [tilespmem:s25+$0x14550]  }
0x24f: {  	p1 =	sne.s32 s28, $0x6200;
	v54 =	vld [tilespmem:s25+$0x15E50];
	v1 =	vmin.f32 v1, v2;
	v2 =	vmul.f32 v0, v17;
	v42 =	vmul.f32 v0, v7  }
.Ltmp21:
0x250: {  	v60 =	vld [tilespmem:s25+$0x17750];
	v1 =	vsel vm0, v1, v24;
	v24 =	vmin.f32 v40, v61;
	v40 =	vmin.f32 v62, v63;
	(pc) =	sbr.rel @p1 .LBB2_40-.Ltmp21, $4  }
0x251: {  	vm0 =	vgt.f32 v1, v39;
	v61 =	vsel vm1, v24, v25;
	v24 =	vld [tilespmem:s25+$0x6450];
	v2 =	vmin.f32 v2, v42  }
0x252: {  	v25 =	vld [tilespmem:s25+$0x7D50];
	v39 =	vsel vm0, v1, v39;
	v1 =	vsel vm2, v40, v59;
	v0 =	vsel vm3, v2, v0  }
0x253: {  	s26 =	sadd.s32 $0x1, s26;
	s28 =	sadd.s32 $0x200, s28;
	v7 =	vld [tilespmem:$0x1FE70];
	vm1 =	vgt.f32 v61, v36;
	vm2 =	vgt.f32 v1, v38;
	vm3 =	vgt.f32 v0, v37  }
0x254: {  	s29 =	sadd.s32 $0xFFFFFF6A, s26;
	s30 =	sadd.s32 $0xFFFFFF9C, s26;
	s1 =	sadd.s32 $0xFFFFFFCE, s26;
	v59 =	vld [tilespmem:s25+$0x9650];
	v36 =	vsel vm1, v61, v36;
	v38 =	vsel vm2, v1, v38;
	v37 =	vsel vm3, v0, v37  }
.LBB2_41:
0x255: {  	v0 =	vld [tilespmem:s25+$0xAF50]  }
0x256: {  	v1 =	vsel @p0 vm0, s29, v6;
	v6 =	vsel @p0 vm1, s30, v32;
	v32 =	vsel @p0 vm2, s1, v34  }
0x257: {  	vm13 =	vgt.s32 v20, $0x0;
	v2 =	vmul.f32 v24, v17;
	v20 =	vmul.f32 v25, v17  }
0x258: {  	vm12 =	vgt.s32 v14, $0x0;
	v14 =	vmul.f32 v24, v7;
	v62 =	vmul.f32 v25, v7  }
0x259: {  	vm14 =	vgt.s32 v54, $0x0;
	v40 =	vmul.f32 v59, v17;
	v42 =	vmul.f32 v59, v7  }
0x25a: {  	v2 =	vmin.f32 v2, v14;
	v17 =	vmul.f32 v0, v17;
	v63 =	vmul.f32 v0, v7  }
0x25b: {  	vm15 =	vgt.s32 v60, $0x0;
	v14 =	vmin.f32 v20, v62;
	v2 =	vsel vm12, v2, v24  }
0x25c: {  	v20 =	vmin.f32 v40, v42;
	vm0 =	vgt.f32 v2, v39;
	v17 =	vmin.f32 v17, v63  }
0x25d: {  	s25 =	simm.s32 $0x0;
	v39 =	vsel vm0, v2, v39;
	v2 =	vsel vm14, v20, v59;
	v0 =	vsel vm15, v17, v0  }
0x25e: {  	v34 =	vsel @p0 vm3, s26, v35;
	v61 =	vld [tilespmem:s25+$0x15E60];
	vm2 =	vgt.f32 v2, v38;
	vm3 =	vgt.f32 v0, v37  }
0x25f: {  	v17 =	vsel vm2, v2, v38;
	v2 =	vsel vm3, v0, v37;
	v0 =	vpsel p0, v1, v57;
	v1 =	vld [tilespmem:$0x1FE90]  }
0x260: {  	p1 =	por $0x1, $0x1;
	v60 =	vld [tilespmem:s25+$0x6460]  }
.Ltmp22:
0x261: {  	v62 =	vld [tilespmem:s25+$0x7D60];
	v24 =	vsel vm13, v14, v25;
	(pc) =	sbr.rel @!p1 .LBB2_42-.Ltmp22, $4  }
0x262: {  	s1 =	sadd.s32 @p0 $0x1, s26;
	s26 =	smov.u32 s12;
	v14 =	vld [tilespmem:s25+$0x12C60];
	vm1 =	vgt.f32 v24, v36  }
0x263: {  	s26 =	smov.u32 @p0 s1;
	v25 =	vpsel p0, v34, v56;
	v20 =	vld [tilespmem:s25+$0x14560];
	v54 =	vsel vm1, v24, v36  }
0x264: {  	s1 =	sadd.s32 $0xFFFFFF6A, s26;
	s28 =	sadd.s32 $0xFFFFFF9C, s26;
	s31 =	sadd.s32 $0xFFFFFFCE, s26;
	v24 =	vld [tilespmem:s25+$0x17760];
	v36 =	vsel vm3, s26, v25;
	v1 =	vpsel p0, v6, v1;
	v6 =	vpsel p0, v32, v22  }
0x265: {  	v25 =	vld [tilespmem:s25+$0x9660];
	v38 =	vsel vm0, s1, v0;
	p0 =	por $0x0, $0x0;
	v59 =	vsel vm1, s28, v1;
	v37 =	vsel vm2, s31, v6  }
0x266: {  	v7 =	vld [tilespmem:$0x1FE80];
	_ =	sdelay $0x2  }
0x267: {  	v0 =	vld [tilespmem:s25+$0xAF60]  }
0x268: {  	v1 =	vmul.f32 v60, v12  }
0x269: {  	v32 =	vmul.f32 v62, v12;
	v34 =	vmul.f32 v62, v7  }
0x26a: {  	s26 =	simm.s32 $0x80;
	vm2 =	vgt.s32 v61, $0x0;
	vm0 =	vgt.s32 v14, $0x0;
	vm1 =	vgt.s32 v20, $0x0  }
0x26b: {  	v14 =	vld [tilespmem:s26+$0x12C60];
	v35 =	vmul.f32 v25, v12;
	v6 =	vmul.f32 v60, v7;
	v32 =	vmin.f32 v32, v34  }
0x26c: {  	v61 =	vld [tilespmem:s26+$0x15E60];
	v40 =	vmul.f32 v25, v7;
	v42 =	vmul.f32 v0, v7;
	v32 =	vsel vm1, v32, v62  }
0x26d: {  	p3 =	por $0x1, $0x1;
	v20 =	vld [tilespmem:s26+$0x14560];
	v1 =	vmin.f32 v1, v6;
	v6 =	vmul.f32 v0, v12;
	vm1 =	vgt.f32 v32, v28  }
.Ltmp23:
0x26e: {  	vm3 =	vgt.s32 v24, $0x0;
	v1 =	vsel vm0, v1, v60;
	v28 =	vsel vm1, v32, v28;
	v32 =	vld [tilespmem:$0x1FE20];
	(pc) =	sbr.rel @!p3 .LBB2_44-.Ltmp23, $4  }
0x26f: {  	v24 =	vld [tilespmem:s26+$0x17760];
	v57 =	vmin.f32 v35, v40;
	vm0 =	vgt.f32 v1, v31;
	v6 =	vmin.f32 v6, v42  }
0x270: {  	v60 =	vld [tilespmem:s26+$0x6460];
	v31 =	vsel vm0, v1, v31;
	v1 =	vsel vm2, v57, v25;
	v0 =	vsel vm3, v6, v0  }
0x271: {  	s30 =	sadd.s32 $0xFFFFFF6A, s12;
	s29 =	simm.s32 $0x400;
	s31 =	sadd.s32 $0xFFFFFF9C, s12;
	v62 =	vld [tilespmem:s26+$0x7D60];
	vm2 =	vgt.f32 v1, v30;
	vm3 =	vgt.f32 v0, v29  }
0x272: {  	s1 =	sadd.s32 $0xFFFFFFCE, s12;
	p2 =	por $0x1, $0x1;
	s28 =	smov.u32 s12;
	v35 =	vmovc v15;
	v34 =	vmovc v10;
	v25 =	vld [tilespmem:s26+$0x9660];
	v30 =	vsel vm2, v1, v30;
	v29 =	vsel vm3, v0, v29;
	v6 =	vmov v23  }
.LBB2_45:
0x273: {  	p3 =	sne.s32 s29, $0x6200;
	v0 =	vld [tilespmem:s26+$0xAF60];
	v6 =	vsel vm0, s30, v6;
	v32 =	vsel vm1, s31, v32;
	v34 =	vsel vm2, s1, v34  }
0x274: {  	vm0 =	vgt.s32 v14, $0x0;
	v35 =	vsel vm3, s28, v35  }
0x275: {  	vm1 =	vgt.s32 v20, $0x0;
	v1 =	vmul.f32 v60, v12;
	v40 =	vmul.f32 v60, v7  }
0x276: {  	s26 =	sshra.s32 s29, $0x2;
	vm2 =	vgt.s32 v61, $0x0;
	v42 =	vmul.f32 v62, v12;
	v63 =	vmul.f32 v62, v7  }
0x277: {  	vm3 =	vgt.s32 v24, $0x0;
	v14 =	vld [tilespmem:s26+$0x12C60];
	v22 =	vmul.f32 v25, v12;
	v56 =	vmul.f32 v25, v7  }
0x278: {  	v1 =	vmin.f32 v1, v40;
	v20 =	vld [tilespmem:s26+$0x14560];
	v40 =	vmul.f32 v0, v12;
	v57 =	vmul.f32 v0, v7  }
.Ltmp24:
0x279: {  	v1 =	vsel vm0, v1, v60;
	v42 =	vmin.f32 v42, v63;
	v61 =	vld [tilespmem:s26+$0x15E60];
	v22 =	vmin.f32 v22, v56;
	(pc) =	sbr.rel @p3 .LBB2_45-.Ltmp24, $4  }
0x27a: {  	vm0 =	vgt.f32 v1, v31;
	v42 =	vsel vm1, v42, v62;
	v24 =	vld [tilespmem:s26+$0x17760];
	v40 =	vmin.f32 v40, v57  }
0x27b: {  	s28 =	sadd.s32 $0x1, s28;
	v31 =	vsel vm0, v1, v31;
	v1 =	vsel vm2, v22, v25;
	v60 =	vld [tilespmem:s26+$0x6460];
	v0 =	vsel vm3, v40, v0  }
0x27c: {  	s30 =	sadd.s32 $0xFFFFFF6A, s28;
	vm1 =	vgt.f32 v42, v28;
	vm2 =	vgt.f32 v1, v30;
	v62 =	vld [tilespmem:s26+$0x7D60];
	vm3 =	vgt.f32 v0, v29  }
0x27d: {  	s29 =	sadd.s32 $0x200, s29;
	s31 =	sadd.s32 $0xFFFFFF9C, s28;
	s1 =	sadd.s32 $0xFFFFFFCE, s28;
	v28 =	vsel vm1, v42, v28;
	v30 =	vsel vm2, v1, v30;
	v25 =	vld [tilespmem:s26+$0x9660];
	v29 =	vsel vm3, v0, v29  }
.LBB2_46:
0x27e: {  	v7 =	vld [tilespmem:$0x1FE80];
	_ =	sdelay $0x1  }
0x27f: {  	v22 =	vsel @p2 vm0, s30, v6  }
0x280: {  	v0 =	vld [tilespmem:s26+$0xAF60];
	v32 =	vsel @p2 vm1, s31, v32;
	v40 =	vsel @p2 vm2, s1, v34;
	vm12 =	vgt.s32 v14, $0x0  }
0x281: {  	v14 =	vsel @p2 vm3, s28, v35;
	vm13 =	vgt.s32 v20, $0x0;
	vm14 =	vgt.s32 v61, $0x0  }
0x282: {  	vm15 =	vgt.s32 v24, $0x0;
	v1 =	vmul.f32 v60, v12;
	v6 =	vmul.f32 v60, v7  }
0x283: {  	v14 =	vpsel p2, v14, v15;
	v20 =	vmul.f32 v62, v12;
	v57 =	vmul.f32 v62, v7  }
0x284: {  	v61 =	vmul.f32 v25, v12;
	v42 =	vmul.f32 v25, v7;
	v1 =	vmin.f32 v1, v6  }
0x285: {  	v34 =	vld [tilespmem:s25+$0x17770];
	v6 =	vmul.f32 v0, v12;
	v12 =	vmul.f32 v0, v7;
	v20 =	vmin.f32 v20, v57  }
0x286: {  	v63 =	vmin.f32 v61, v42;
	v7 =	vld [tilespmem:$0x1FE20];
	v1 =	vsel vm12, v1, v60;
	v20 =	vsel vm13, v20, v62  }
0x287: {  	v35 =	vld [tilespmem:s25+$0x6470];
	vm0 =	vgt.f32 v1, v31;
	v6 =	vmin.f32 v6, v12;
	vm1 =	vgt.f32 v20, v28  }
.Ltmp25:
0x288: {  	s1 =	sadd.s32 @p2 $0x1, s28;
	s26 =	smov.u32 s12;
	v24 =	vld [tilespmem:s25+$0x12C70];
	v31 =	vsel vm0, v1, v31;
	v1 =	vsel vm14, v63, v25;
	v0 =	vsel vm15, v6, v0;
	(pc) =	sbr.rel @!p1 .LBB2_47-.Ltmp25, $4  }
0x289: {  	s26 =	smov.u32 @p2 s1;
	v25 =	vld [tilespmem:s25+$0x14570];
	v60 =	vsel vm1, v20, v28;
	vm2 =	vgt.f32 v1, v30;
	vm3 =	vgt.f32 v0, v29  }
0x28a: {  	s29 =	sadd.s32 $0xFFFFFFCE, s26;
	v6 =	vld [tilespmem:s25+$0x15E70];
	v20 =	vpsel p2, v40, v10;
	v28 =	vsel vm2, v1, v30;
	v1 =	vsel vm3, v0, v29  }
0x28b: {  	s1 =	sadd.s32 $0xFFFFFF6A, s26;
	s31 =	sadd.s32 $0xFFFFFF9C, s26;
	v40 =	vld [tilespmem:s25+$0x7D70];
	v0 =	vpsel p2, v22, v23;
	v12 =	vpsel p2, v32, v7;
	v29 =	vsel vm2, s29, v20  }
0x28c: {  	v32 =	vld [tilespmem:s25+$0x9670];
	v30 =	vsel vm0, s1, v0;
	v61 =	vsel vm1, s31, v12;
	v12 =	vsel vm3, s26, v14  }
0x28d: {  	v23 =	vld [tilespmem:$0x1FDC0];
	_ =	sdelay $0x1  }
0x28e: {  	v0 =	vld [tilespmem:s25+$0xAF70];
	_ =	sdelay $0x1  }
0x28f: {  	vm0 =	vgt.s32 v24, $0x0;
	v14 =	vmul.f32 v35, v8;
	v22 =	vmul.f32 v40, v8  }
0x290: {  	s25 =	simm.s32 $0x80;
	vm4 =	vgt.s32 v34, $0x0;
	v56 =	vmul.f32 v32, v8;
	v20 =	vmul.f32 v35, v23  }
0x291: {  	vm2 =	vgt.s32 v25, $0x0;
	v24 =	vld [tilespmem:s25+$0x12C70];
	v42 =	vmul.f32 v40, v23;
	v57 =	vmul.f32 v32, v23  }
0x292: {  	v25 =	vld [tilespmem:s25+$0x14570];
	v62 =	vmul.f32 v0, v23;
	v14 =	vmin.f32 v14, v20;
	v20 =	vmul.f32 v0, v8  }
0x293: {  	v34 =	vld [tilespmem:s25+$0x17770];
	vm3 =	vgt.s32 v6, $0x0;
	v22 =	vmin.f32 v22, v42;
	v14 =	vsel vm0, v14, v35  }
0x294: {  	v6 =	vld [tilespmem:s25+$0x15E70];
	v63 =	vmin.f32 v56, v57;
	vm1 =	vgt.f32 v14, v13;
	v20 =	vmin.f32 v20, v62  }
0x295: {  	v13 =	vsel vm1, v14, v13;
	v14 =	vsel vm3, v63, v32;
	v0 =	vsel vm4, v20, v0;
	v20 =	vld [tilespmem:$0x1FDD0]  }
0x296: {  	p1 =	por $0x1, $0x1;
	v22 =	vsel vm2, v22, v40;
	v63 =	vld [tilespmem:$0x1FDF0];
	vm2 =	vgt.f32 v14, v11  }
.Ltmp26:
0x297: {  	v11 =	vsel vm2, v14, v11;
	v14 =	vld [tilespmem:$0x1FDE0];
	(pc) =	sbr.rel @!p1 .LBB2_49-.Ltmp26, $4  }
0x298: {  	v62 =	vld [tilespmem:$0x1FE00]  }
0x299: {  	v35 =	vld [tilespmem:s25+$0x6470]  }
0x29a: {  	s28 =	sadd.s32 $0xFFFFFF6A, s12;
	s31 =	simm.s32 $0x400;
	s30 =	sadd.s32 $0xFFFFFF9C, s12;
	v40 =	vld [tilespmem:s25+$0x7D70];
	vm3 =	vgt.f32 v22, v16;
	vm0 =	vgt.f32 v0, v9  }
0x29b: {  	s29 =	sadd.s32 $0xFFFFFFCE, s12;
	p0 =	por $0x1, $0x1;
	s26 =	smov.u32 s12;
	v32 =	vld [tilespmem:s25+$0x9670];
	v16 =	vsel vm3, v22, v16;
	v9 =	vsel vm0, v0, v9  }
.LBB2_50:
0x29c: {  	p1 =	sne.s32 s31, $0x6200;
	v0 =	vld [tilespmem:s25+$0xAF70];
	v20 =	vsel vm1, s28, v20;
	v14 =	vsel vm3, s30, v14;
	v63 =	vsel vm2, s29, v63  }
0x29d: {  	vm1 =	vgt.s32 v24, $0x0;
	v62 =	vsel vm0, s26, v62  }
0x29e: {  	vm0 =	vgt.s32 v25, $0x0;
	v22 =	vmul.f32 v35, v8;
	v42 =	vmul.f32 v35, v23  }
0x29f: {  	s25 =	sshra.s32 s31, $0x2;
	vm2 =	vgt.s32 v6, $0x0;
	v56 =	vmul.f32 v40, v8;
	v57 =	vmul.f32 v40, v23  }
0x2a0: {  	vm3 =	vgt.s32 v34, $0x0;
	v24 =	vld [tilespmem:s25+$0x12C70];
	v7 =	vmul.f32 v32, v8;
	v10 =	vmul.f32 v32, v23  }
0x2a1: {  	v22 =	vmin.f32 v22, v42;
	v25 =	vld [tilespmem:s25+$0x14570];
	v42 =	vmul.f32 v0, v8;
	v15 =	vmul.f32 v0, v23  }
.Ltmp27:
0x2a2: {  	v22 =	vsel vm1, v22, v35;
	v35 =	vmin.f32 v56, v57;
	v6 =	vld [tilespmem:s25+$0x15E70];
	v7 =	vmin.f32 v7, v10;
	(pc) =	sbr.rel @p1 .LBB2_50-.Ltmp27, $4  }
0x2a3: {  	vm1 =	vgt.f32 v22, v13;
	v10 =	vsel vm0, v35, v40;
	v34 =	vld [tilespmem:s25+$0x17770];
	v15 =	vmin.f32 v42, v15  }
0x2a4: {  	s26 =	sadd.s32 $0x1, s26;
	v13 =	vsel vm1, v22, v13;
	v7 =	vsel vm2, v7, v32;
	v35 =	vld [tilespmem:s25+$0x6470];
	v0 =	vsel vm3, v15, v0  }
0x2a5: {  	s28 =	sadd.s32 $0xFFFFFF6A, s26;
	vm3 =	vgt.f32 v10, v16;
	vm2 =	vgt.f32 v7, v11;
	v40 =	vld [tilespmem:s25+$0x7D70];
	vm0 =	vgt.f32 v0, v9  }
0x2a6: {  	s31 =	sadd.s32 $0x200, s31;
	s30 =	sadd.s32 $0xFFFFFF9C, s26;
	s29 =	sadd.s32 $0xFFFFFFCE, s26;
	v16 =	vsel vm3, v10, v16;
	v11 =	vsel vm2, v7, v11;
	v32 =	vld [tilespmem:s25+$0x9670];
	v9 =	vsel vm0, v0, v9  }
.LBB2_51:
0x2a7: {  	v22 =	vld [tilespmem:$0x1FDC0];
	_ =	sdelay $0x3  }
0x2a8: {  	v0 =	vld [tilespmem:s25+$0xAF70]  }
0x2a9: {  	v42 =	vld [tilespmem:$0x1FD40];
	v7 =	vmul.f32 v35, v8;
	v10 =	vmul.f32 v35, v22  }
0x2aa: {  	v56 =	vld [tilespmem:$0x1FD80];
	v23 =	vmul.f32 v40, v8;
	v15 =	vmul.f32 v40, v22  }
0x2ab: {  	vm4 =	vgt.s32 v24, $0x0;
	v57 =	vld [tilespmem:$0x1FD90];
	v7 =	vmin.f32 v7, v10  }
0x2ac: {  	v24 =	vsel vm4, v7, v35;
	v35 =	vmin.f32 v23, v15;
	v23 =	vld [tilespmem:$0x1FD50];
	_ =	sdelay $0x2  }
0x2ad: {  	vm13 =	vgt.s32 v25, $0x0;
	vm5 =	vgt.s32 v6, $0x0  }
0x2ae: {  	vm7 =	vlt.s32 v57, v56;
	v10 =	vmul.f32 v32, v22;
	v7 =	vmul.f32 v32, v8  }
0x2af: {  	v8 =	vmul.f32 v0, v8;
	v6 =	vsel vm13, v35, v40;
	vm14 =	veq.f32 v23, v42  }
0x2b0: {  	v40 =	vmul.f32 v0, v22;
	vm8 =	vgt.f32 v23, v42;
	vm4 =	vmand vm14, vm7  }
0x2b1: {  	v7 =	vmin.f32 v7, v10;
	vm4 =	vmor vm8, vm4  }
0x2b2: {  	v15 =	vmin.f32 v8, v40;
	v8 =	vsel vm5, v7, v32;
	v7 =	vsel vm4, v23, v42;
	v42 =	vld [tilespmem:$0x1FD60]  }
0x2b3: {  	v25 =	vsel vm4, v57, v56;
	v56 =	vld [tilespmem:$0x1FDA0]  }
0x2b4: {  	v40 =	vld [tilespmem:$0x1FD10]  }
0x2b5: {  	v57 =	vld [tilespmem:$0x1FD00];
	_ =	sdelay $0x2  }
0x2b6: {  	vm11 =	veq.f32 v33, v27;
	vm9 =	veq.f32 v42, v7;
	vm10 =	vlt.s32 v56, v25  }
0x2b7: {  	vm6 =	vgt.s32 v34, $0x0;
	vm15 =	vgt.f32 v42, v7;
	vm5 =	vmand vm9, vm10  }
0x2b8: {  	vm13 =	vgt.f32 v33, v27;
	v23 =	vld [tilespmem:$0x1FDB0];
	vm12 =	vlt.s32 v40, v57;
	vm4 =	vmor vm15, vm5  }
0x2b9: {  	v0 =	vsel vm6, v15, v0;
	vm6 =	vmand vm11, vm12;
	v10 =	vsel vm4, v56, v25;
	v25 =	vld [tilespmem:$0x1FD70]  }
0x2ba: {  	vm14 =	vmor vm13, vm6;
	v56 =	vld [tilespmem:$0x1FD20]  }
0x2bb: {  	v7 =	vsel vm4, v42, v7;
	v42 =	vsel vm14, v40, v57;
	v57 =	vld [tilespmem:$0x1FCB0]  }
0x2bc: {  	v40 =	vld [tilespmem:$0x1FCC0];
	_ =	sdelay $0x2  }
0x2bd: {  	vm13 =	veq.f32 v43, v41;
	v15 =	vsel vm14, v33, v27;
	vm9 =	vlt.s32 v23, v10  }
0x2be: {  	vm11 =	veq.f32 v26, v15;
	vm15 =	veq.f32 v25, v7;
	vm10 =	vgt.f32 v25, v7  }
0x2bf: {  	vm12 =	vlt.s32 v56, v42;
	vm14 =	vlt.s32 v40, v57;
	vm5 =	vmand vm15, vm9  }
0x2c0: {  	vm6 =	vmand vm13, vm14;
	vm4 =	vmor vm10, vm5;
	vm10 =	vgt.f32 v43, v41  }
0x2c1: {  	vm15 =	vgt.f32 v26, v15;
	vm5 =	vmand vm11, vm12;
	vm6 =	vmor vm10, vm6  }
0x2c2: {  	vm5 =	vmor vm15, vm5;
	v41 =	vsel vm6, v43, v41;
	v43 =	vld [tilespmem:$0x1FCF0]  }
0x2c3: {  	v22 =	vsel vm5, v56, v42;
	v56 =	vld [tilespmem:$0x1FD30]  }
0x2c4: {  	v42 =	vsel vm6, v40, v57;
	v57 =	vld [tilespmem:$0x1FCD0];
	_ =	sdelay $0x3  }
0x2c5: {  	v15 =	vsel vm5, v26, v15;
	vm13 =	veq.f32 v21, v41  }
0x2c6: {  	vm11 =	veq.f32 v43, v15;
	vm12 =	vlt.s32 v56, v22;
	vm14 =	vlt.s32 v57, v42  }
0x2c7: {  	vm5 =	vmand vm11, vm12;
	vm6 =	vmand vm13, vm14;
	vm11 =	vgt.f32 v21, v41  }
0x2c8: {  	vm12 =	vmor vm11, vm6  }
0x2c9: {  	v40 =	vsel vm12, v21, v41;
	v41 =	vsel vm12, v57, v42;
	v42 =	vld [tilespmem:$0x1FCE0]  }
0x2ca: {  	v14 =	vsel @p0 vm3, s30, v14;
	v10 =	vsel vm4, v23, v10  }
0x2cb: {  	v7 =	vsel vm4, v25, v7;
	[tilespmem:$0x19100] =	vst v10;
	v10 =	vsel @p0 vm0, s26, v62;
	vm15 =	vgt.f32 v43, v15  }
0x2cc: {  	vm4 =	vmor vm15, vm5;
	vm15 =	veq.f32 v58, v55;
	vm11 =	veq.f32 v51, v47  }
0x2cd: {  	v15 =	vsel vm4, v43, v15;
	vm12 =	vlt.s32 v50, v49;
	v22 =	vsel vm4, v56, v22  }
0x2ce: {  	vm5 =	vgt.f32 v5, v40;
	vm13 =	veq.f32 v5, v40;
	vm14 =	vlt.s32 v42, v41  }
0x2cf: {  	vm7 =	vmand vm15, vm12;
	vm6 =	vmand vm13, vm14;
	vm13 =	vgt.f32 v58, v55  }
0x2d0: {  	vm12 =	vlt.s32 v53, v46;
	vm5 =	vmor vm5, vm6;
	vm14 =	vmor vm13, vm7  }
0x2d1: {  	vm13 =	vgt.f32 v51, v47;
	vm6 =	vmand vm11, vm12;
	vm7 =	vgt.f32 v60, v31  }
0x2d2: {  	v5 =	vsel vm5, v5, v40;
	v21 =	vsel vm5, v42, v41;
	v43 =	vsel vm14, v58, v55  }
0x2d3: {  	v55 =	vsel vm14, v50, v49;
	vm14 =	vmor vm13, vm6;
	vm13 =	veq.f32 v54, v39  }
0x2d4: {  	vm15 =	vgt.f32 v52, v43;
	vm9 =	veq.f32 v52, v43;
	vm10 =	vlt.s32 v48, v55  }
0x2d5: {  	v56 =	vsel vm14, v51, v47;
	v57 =	vsel vm14, v53, v46;
	v51 =	vld [tilespmem:$0x1FDE0];
	vm5 =	vmand vm9, vm10  }
0x2d6: {  	vm14 =	vlt.s32 v59, v38;
	vm11 =	veq.f32 v44, v56;
	vm4 =	vmor vm15, vm5  }
0x2d7: {  	vm12 =	vlt.s32 v45, v57;
	v23 =	vsel vm4, v52, v43;
	v25 =	vsel vm4, v48, v55  }
0x2d8: {  	vm6 =	vmand vm13, vm14;
	vm15 =	veq.f32 v19, v23;
	vm9 =	vlt.s32 v4, v25  }
0x2d9: {  	vm10 =	vgt.f32 v19, v23;
	vm5 =	vmand vm15, vm9;
	vm15 =	vgt.f32 v44, v56  }
0x2da: {  	vm9 =	vgt.f32 v54, v39;
	v14 =	vpsel p0, v14, v51;
	vm4 =	vmor vm10, vm5  }
0x2db: {  	vm5 =	vmand vm11, vm12;
	vm6 =	vmor vm9, vm6;
	v19 =	vsel vm4, v19, v23  }
0x2dc: {  	vm5 =	vmor vm15, vm5;
	v41 =	vsel vm6, v54, v39;
	v42 =	vsel vm6, v59, v38  }
0x2dd: {  	v43 =	vsel vm4, v4, v25;
	v58 =	vsel vm5, v44, v56;
	v40 =	vsel vm5, v45, v57  }
0x2de: {  	vm12 =	veq.f32 v17, v41;
	vm13 =	vlt.s32 v37, v42;
	vm15 =	vgt.f32 v17, v41  }
0x2df: {  	s1 =	sadd.s32 @p0 $0x1, s26;
	s25 =	smov.u32 s12;
	vm10 =	veq.f32 v3, v58;
	vm11 =	vlt.s32 v18, v40;
	vm14 =	vgt.f32 v3, v58  }
0x2e0: {  	s25 =	smov.u32 @p0 s1;
	vm6 =	vmand vm12, vm13;
	vm13 =	vgt.f32 v6, v16;
	vm5 =	vmand vm10, vm11  }
0x2e1: {  	s30 =	sadd.s32 $0xFFFFFF9C, s25;
	v50 =	vld [tilespmem:$0x1FDD0];
	vm9 =	vmor vm15, vm6;
	vm11 =	vgt.f32 v24, v13;
	v6 =	vsel vm13, v6, v16  }
0x2e2: {  	vm15 =	vlt.s32 v61, v30;
	v14 =	vsel vm13, s30, v14;
	vm8 =	vmor vm14, vm5  }
0x2e3: {  	v45 =	vsel vm9, v17, v41;
	v46 =	vsel vm9, v37, v42;
	v13 =	vsel vm11, v24, v13  }
0x2e4: {  	v57 =	vld [tilespmem:$0x1FE00];
	v17 =	vsel @p0 vm1, s28, v20;
	vm14 =	veq.f32 v60, v31;
	v44 =	vsel vm8, v3, v58  }
0x2e5: {  	v47 =	vsel vm8, v18, v40;
	vm10 =	veq.f32 v2, v45;
	vm5 =	vlt.s32 v36, v46  }
0x2e6: {  	v55 =	vld [tilespmem:$0x1FDF0];
	vm12 =	vgt.f32 v2, v45;
	vm1 =	vmand vm14, vm15;
	v17 =	vpsel p0, v17, v50  }
0x2e7: {  	s1 =	sadd.s32 $0xFFFFFF6A, s25;
	vm8 =	vgt.f32 v8, v11;
	vm9 =	veq.f32 v6, v13;
	vm4 =	vmand vm10, vm5  }
0x2e8: {  	vm1 =	vmor vm7, vm1;
	v8 =	vsel vm8, v8, v11;
	v54 =	vsel vm11, s1, v17  }
0x2e9: {  	[tilespmem:$0x190A0] =	vst v5;
	v17 =	vsel @p0 vm2, s29, v63;
	vm11 =	vgt.f32 v6, v13;
	v5 =	vpsel p0, v10, v57  }
0x2ea: {  	vm4 =	vmor vm12, vm4;
	v52 =	vsel vm1, v60, v31;
	v53 =	vsel vm1, v61, v30  }
0x2eb: {  	[tilespmem:$0x19080] =	vst v7;
	vm10 =	vlt.s32 v14, v54;
	vm1 =	vgt.f32 v0, v9;
	v7 =	vpsel p0, v17, v55  }
0x2ec: {  	s31 =	sadd.s32 $0xFFFFFFCE, s25;
	v48 =	vsel vm4, v2, v45;
	v49 =	vsel vm4, v36, v46;
	vm2 =	vmand vm9, vm10  }
0x2ed: {  	v0 =	vsel vm1, v0, v9;
	v7 =	vsel vm8, s31, v7;
	vm12 =	veq.f32 v28, v52  }
0x2ee: {  	[tilespmem:$0x19090] =	vst v15;
	vm13 =	vlt.s32 v29, v53;
	vm15 =	vgt.f32 v28, v52;
	vm2 =	vmor vm11, vm2  }
0x2ef: {  	[tilespmem:$0x19110] =	vst v22;
	v5 =	vsel vm1, s25, v5;
	vm0 =	vmand vm12, vm13;
	v6 =	vsel vm2, v6, v13  }
0x2f0: {  	[tilespmem:$0x19120] =	vst v21;
	v56 =	vsel vm2, v14, v54;
	vm0 =	vmor vm15, vm0;
	vm14 =	veq.f32 v8, v6  }
0x2f1: {  	[tilespmem:$0x190B0] =	vst v19;
	vm3 =	vlt.s32 v7, v56;
	vm8 =	vgt.f32 v8, v6;
	v58 =	vsel vm0, v28, v52  }
0x2f2: {  	[tilespmem:$0x19130] =	vst v43;
	v59 =	vsel vm0, v29, v53;
	vm2 =	vmand vm14, vm3;
	vm9 =	veq.f32 v1, v58  }
0x2f3: {  	[tilespmem:$0x190C0] =	vst v44;
	vm10 =	vlt.s32 v12, v59;
	vm11 =	vgt.f32 v1, v58;
	vm2 =	vmor vm8, vm2  }
0x2f4: {  	[tilespmem:$0x19140] =	vst v47;
	vm0 =	vmand vm9, vm10;
	v6 =	vsel vm2, v8, v6;
	v60 =	vsel vm2, v7, v56  }
0x2f5: {  	[tilespmem:$0x190D0] =	vst v48;
	vm0 =	vmor vm11, vm0;
	vm12 =	veq.f32 v0, v6;
	vm13 =	vlt.s32 v5, v60  }
0x2f6: {  	[tilespmem:$0x19150] =	vst v49;
	v61 =	vsel vm0, v1, v58;
	vm14 =	vgt.f32 v0, v6;
	vm1 =	vmand vm12, vm13  }
0x2f7: {  	v62 =	vsel vm0, v12, v59;
	[tilespmem:$0x190E0] =	vst v61;
	vm15 =	vmor vm14, vm1  }
0x2f8: {  	[tilespmem:$0x19160] =	vst v62;
	v0 =	vsel vm15, v0, v6  }
0x2f9: {  	v63 =	vsel vm15, v5, v60;
	[tilespmem:$0x190F0] =	vst v0  }
0x2fa: {  	[tilespmem:$0x19170] =	vst v63  }
0x2fb: {  	[hbm4b:s8+s3] =	stream.linear.scatter [tilespmem:s22], [sflag:$0x5], $0x80, $0x38;
	[tilespmem:$0x19180] =	vst v63  }
0x2fc: {  	_ =	swait.ge [sflag:s14], $0x80  }
0x2fd: {  	s24 =	sadd.s32 $0x1, s24;
	[sflag:s14] =	ssyncset.done $0x0  }
0x2fe: {  	p0 =	sne.s32 s24, s10;
	[sflag:s14] =	ssyncadd.s32 $0xFFFFFF80  }
0x2ff: {  	[hbm4b:s9+s3] =	stream.linear.scatter [tilespmem:s23], [sflag:$0x5], $0x80, $0x38;
	[tilespmem:$0x19180] =	vst v63  }
.Ltmp28:
0x300: {  	_ = 	snop;
	(pc) =	sbr.rel @p0 .LBB2_1-.Ltmp28, $4  }
.Ltmp29:
0x301: {  	_ = 	snop;
	(pc) =	sbr.rel @!p0 .LBB2_52-.Ltmp29, $4  }
0x302: {  	_ =	swait.ge [sflag:s14], $0x80  }
0x303: {  	[sflag:s14] =	ssyncset.done $0x0  }
0x304: {  	[sflag:s14] =	ssyncadd.s32 $0xFFFFFF80  }
0x305: {  	_ = 	snop  }
.LBB2_22:
0x306: {  	v10 =	vld [tilespmem:$0x1FE30]  }
.Ltmp30:
0x307: {  	v15 =	vld [tilespmem:$0x1FE40];
	(pc) =	sbr.rel .LBB2_26-.Ltmp30, $4  }
0x308: {  	v23 =	vld [tilespmem:$0x1FE10]  }
0x309: {  	v22 =	vld [tilespmem:$0x1FEE0]  }
0x30a: {  	v56 =	vld [tilespmem:$0x1FED0]  }
0x30b: {  	s26 =	simm.s32 $0x0;
	v34 =	vmovc v3;
	s28 =	smov.u32 s12;
	v35 =	vmov v7;
	p2 =	por $0x0, $0x0;
	v57 =	vld [tilespmem:$0x1FEC0];
	v6 =	vmov v58;
	v32 =	vmov v59  }
.LBB2_27:
0x30c: {  	v61 =	vld [tilespmem:$0x1FF40]  }
0x30d: {  	v62 =	vld [tilespmem:$0x1FF50]  }
.Ltmp31:
0x30e: {  	v6 =	vld [tilespmem:$0x1FF20];
	(pc) =	sbr.rel .LBB2_31-.Ltmp31, $4  }
0x30f: {  	v32 =	vld [tilespmem:$0x1FF30]  }
0x310: {  	v3 =	vld [tilespmem:$0x1FE60]  }
0x311: {  	v7 =	vld [tilespmem:$0x1FE70]  }
0x312: {  	s26 =	smov.u32 s12;
	v42 =	vld [tilespmem:$0x1FE50];
	v34 =	vmov v61;
	v35 =	vmov v62  }
.LBB2_32:
0x313: {  	v63 =	vld [tilespmem:$0x1FF10]  }
.Ltmp32:
0x314: {  	_ = 	snop;
	(pc) =	sbr.rel .LBB2_36-.Ltmp32, $3  }
0x315: {  	_ =	sdelay $0x1  }
0x316: {  	v6 =	vld [tilespmem:$0x1FEF0]  }
0x317: {  	s26 =	simm.s32 $0x0;
	v32 =	vld [tilespmem:$0x1FF00];
	v34 =	vmov v42;
	s28 =	smov.u32 s12;
	p2 =	por $0x0, $0x0;
	v35 =	vmov v63  }
.LBB2_37:
.Ltmp33:
0x318: {  	(pc) =	sbr.rel .LBB2_41-.Ltmp33, $2  }
0x319: {  	v32 =	vld [tilespmem:$0x1FE90];
	_ =	sdelay $0x2  }
0x31a: {  	v6 =	vmov v57;
	v34 =	vmov v22;
	s26 =	smov.u32 s12;
	v35 =	vmov v56  }
.LBB2_42:
.Ltmp34:
0x31b: {  	(pc) =	sbr.rel .LBB2_46-.Ltmp34, $3  }
0x31c: {  	_ =	sdelay $0x1  }
0x31d: {  	v32 =	vld [tilespmem:$0x1FE20]  }
0x31e: {  	s26 =	simm.s32 $0x0;
	v6 =	vmov v23;
	v34 =	vmov v10;
	s28 =	smov.u32 s12;
	v35 =	vmov v15;
	p2 =	por $0x0, $0x0  }
.LBB2_47:
.Ltmp35:
0x31f: {  	(pc) =	sbr.rel .LBB2_51-.Ltmp35, $4  }
0x320: {  	v20 =	vld [tilespmem:$0x1FDD0]  }
0x321: {  	v14 =	vld [tilespmem:$0x1FDE0]  }
0x322: {  	v63 =	vld [tilespmem:$0x1FDF0]  }
0x323: {  	s26 =	smov.u32 s12;
	v62 =	vld [tilespmem:$0x1FE00]  }
.LBB2_24:
.Ltmp36:
0x324: {  	(pc) =	sbr.rel .LBB2_26-.Ltmp36, $2  }
0x325: {  	_ =	sdelay $0x2  }
0x326: {  	v6 =	vmovc v58;
	v32 =	vmov v59;
	v34 =	vmov v3;
	s28 =	smov.u32 s12;
	v35 =	vmov v7  }
.LBB2_29:
.Ltmp37:
0x327: {  	v6 =	vld [tilespmem:$0x1FF20];
	(pc) =	sbr.rel .LBB2_31-.Ltmp37, $2  }
0x328: {  	v32 =	vld [tilespmem:$0x1FF30];
	_ =	sdelay $0x2  }
0x329: {  	v34 =	vmov v61;
	s26 =	smov.u32 s12;
	v35 =	vmov v62  }
.LBB2_34:
.Ltmp38:
0x32a: {  	(pc) =	sbr.rel .LBB2_36-.Ltmp38, $3  }
0x32b: {  	_ =	sdelay $0x1  }
0x32c: {  	v6 =	vld [tilespmem:$0x1FEF0]  }
0x32d: {  	v32 =	vld [tilespmem:$0x1FF00];
	v34 =	vmov v42;
	s28 =	smov.u32 s12;
	v35 =	vmov v63  }
.LBB2_39:
.Ltmp39:
0x32e: {  	(pc) =	sbr.rel .LBB2_41-.Ltmp39, $2  }
0x32f: {  	v32 =	vld [tilespmem:$0x1FE90];
	_ =	sdelay $0x2  }
0x330: {  	v6 =	vmov v57;
	v34 =	vmov v22;
	s26 =	smov.u32 s12;
	v35 =	vmov v56  }
.LBB2_44:
.Ltmp40:
0x331: {  	(pc) =	sbr.rel .LBB2_46-.Ltmp40, $3  }
0x332: {  	_ =	sdelay $0x1  }
0x333: {  	v32 =	vld [tilespmem:$0x1FE20]  }
0x334: {  	v6 =	vmov v23;
	v34 =	vmov v10;
	s28 =	smov.u32 s12;
	v35 =	vmov v15  }
.LBB2_49:
.Ltmp41:
0x335: {  	(pc) =	sbr.rel .LBB2_51-.Ltmp41, $4  }
0x336: {  	v20 =	vld [tilespmem:$0x1FDD0]  }
0x337: {  	v14 =	vld [tilespmem:$0x1FDE0]  }
0x338: {  	v63 =	vld [tilespmem:$0x1FDF0]  }
0x339: {  	s26 =	smov.u32 s12;
	v62 =	vld [tilespmem:$0x1FE00]  }
.LBB2_52:
0x33a: {  	_ =	sfence.sel $0x180000  }
0x33b: {  	[bflag:$0x0] =	sbarrier.arrive $0xFFFF  }
0x33c: {  	_ =	strace $0x90000047  }
0x33d: {  	[bflag:$0x2] =	sbarrier.arrive $0xFFFF  }
0x33e: {  	p0 =	sne.s32 s0, $0x0;
	s0 =	rddreg [dreg:$0x4]  }
0x33f: {  	s0 =	sadd.s32 @!p0 $0x100000, s0  }
0x340: {  	[sflag:s0] =	ssyncadd.tile.s32 @!p0 $0x1;
	_ =	shalt  }
.Lfunc_end2:
_tile_overlayer_lowered:
.L_overlay_start_2:
0x341: {  	(tag) =	ssettag $0x2  }
0x342: {  	s0 =	rddreg [dreg:$0x0];
	s2 =	stileid.u32  }
0x343: {  	s1 =	rddreg [dreg:$0x1];
	p0 =	sne.s32 s2, $0x0  }
0x344: {  	s3 =	rddreg [dreg:$0x2];
	[bflag:$0x3] =	sbarrier.arrive $0xFFFF;
	s2 =	simm.s32 @!p0 $0x1C05  }
0x345: {  	[timem:s3], [sflag:s2] =	dma.local @!p0 [hbm:s0], s1  }
0x346: {  	s0 =	simm.s32 @!p0 $0x5  }
0x347: {  	_ =	swait.ge @!p0 [sflag:s0], s1  }
0x348: {  	s1 =	ssub.s32 @!p0 $0x0, s1;
	[sflag:s0] =	ssyncset.done @!p0 $0x0  }
0x349: {  	[sflag:s0] =	ssyncadd.s32 @!p0 s1  }
0x34a: {  	[bflag:$0x3] =	sbarrier.arrive $0xFFFF  }
0x34b: {  	_ =	shalt  }

</sc_bundles>
